<compile_context>
chip_gen: v7x
topology: tpu7x:2x2x1
jax: 0.10.2.dev20260603
libtpu: 0.0.44.dev20260713+nightly
codegen_flags: <defaults>
</compile_context>

<pallas_src>
import jax
import jax.numpy as jnp
from jax import lax
from jax.experimental import pallas as pl
from jax.experimental.pallas import tpu as pltpu
from jax.experimental.pallas import tpu_sc as plsc

_N_NODES = 10000
_N_EDGES = 320000
_D_FEAT = 128
_D_EDGE = 16
_D_OUT = 16

_NC, _NS = 2, 16
_NW = _NC * _NS
_EPW = _N_EDGES // _NW
_CHUNK = 1000
_NCHUNK = _EPW // _CHUNK

_CT = _N_EDGES // 128
_CT_PAD = 2560
_N_PAD = _CT_PAD * 128
_CTB = 256
_GRID_B = 10


def _nodeproj_body(nf_ref, ws_ref, wd_ref, ps_ref, pd_ref):
    nf = nf_ref[...]
    ps_ref[...] = jnp.dot(nf, ws_ref[...], preferred_element_type=jnp.float32)
    pd_ref[...] = jnp.dot(nf, wd_ref[...], preferred_element_type=jnp.float32)


def _sc_gather_body(ps_hbm, pd_hbm, si_hbm, di_hbm, gt_hbm,
                    idx_s0, idx_s1, idx_d0, idx_d1,
                    buf_a0, buf_a1, buf_b0, buf_b1, buf_t,
                    sem_i0, sem_i1, sem_a0, sem_a1, sem_b0, sem_b1):
    wid = lax.axis_index("s") * _NC + lax.axis_index("c")
    base = wid * _EPW
    lanes = jnp.arange(16, dtype=jnp.int32)
    idx_s, idx_d = [idx_s0, idx_s1], [idx_d0, idx_d1]
    buf_a, buf_b = [buf_a0, buf_a1], [buf_b0, buf_b1]
    sem_i, sem_a, sem_b = [sem_i0, sem_i1], [sem_a0, sem_a1], [sem_b0, sem_b1]

    def start_idx(c, p):
        off = base + c * _CHUNK
        ci = pltpu.async_copy(si_hbm.at[pl.ds(off, _CHUNK)], idx_s[p], sem_i[p])
        cd = pltpu.async_copy(di_hbm.at[pl.ds(off, _CHUNK)], idx_d[p], sem_i[p])
        return ci, cd

    def start_gathers(p):
        ga = pltpu.async_copy(ps_hbm.at[idx_s[p]], buf_a[p], sem_a[p])
        gb = pltpu.async_copy(pd_hbm.at[idx_d[p]], buf_b[p], sem_b[p])
        return ga, gb

    i_cur = start_idx(0, 0)
    i_cur[0].wait()
    i_cur[1].wait()
    g = [None, None]
    g[0] = start_gathers(0)
    for c in range(_NCHUNK):
        p = c & 1
        if c + 1 < _NCHUNK:
            i_nxt = start_idx(c + 1, p ^ 1)
        g[p][0].wait()
        g[p][1].wait()
        if c + 1 < _NCHUNK:
            i_nxt[0].wait()
            i_nxt[1].wait()
            g[p ^ 1] = start_gathers(p ^ 1)
        ba, bb = buf_a[p], buf_b[p]

        def row_body(r, carry2, ba=ba, bb=bb):
            r4 = r * 4
            for k in range(4):
                v = ba[r4 + k, :] + bb[r4 + k, :]
                plsc.store_scatter(
                    buf_t, [lanes, jnp.full((16,), 0, jnp.int32) + (r4 + k)], v)
            return carry2

        lax.fori_loop(0, _CHUNK // 4, row_body, 0)
        off = base + c * _CHUNK
        pltpu.sync_copy(buf_t, gt_hbm.at[:, pl.ds(off, _CHUNK)])


def _edge_body(wet_ref, ef_ref, g_ref, b_ref, o_ref):
    wet = wet_ref[...]
    bb = b_ref[...]
    mm = jnp.dot(wet, ef_ref[...], preferred_element_type=jnp.float32) + bb
    for t in range(_CTB):
        o_ref[:, pl.ds(t * 128, 128)] = (
            mm[:, t * 128:(t + 1) * 128] + g_ref[:, t, :])


def kernel(node_feats, edge_feats, edge_indices, W, b):
    Wt = W.T
    wet = Wt[:, :_D_EDGE]
    Ws = W[_D_EDGE:_D_EDGE + _D_FEAT]
    Wd = W[_D_EDGE + _D_FEAT:]

    ps, pd = pl.pallas_call(
        _nodeproj_body,
        out_shape=[jax.ShapeDtypeStruct((_N_NODES, _D_OUT), jnp.float32)] * 2,
    )(node_feats, Ws, Wd)

    sc_gather = pl.kernel(
        _sc_gather_body,
        out_type=jax.ShapeDtypeStruct((_D_OUT, _N_PAD), jnp.float32),
        mesh=plsc.VectorSubcoreMesh(core_axis_name="c", subcore_axis_name="s"),
        scratch_types=(
            [pltpu.VMEM((_CHUNK,), jnp.int32)] * 4
            + [pltpu.VMEM((_CHUNK, _D_OUT), jnp.float32)] * 4
            + [pltpu.VMEM((_D_OUT, _CHUNK), jnp.float32)]
            + [pltpu.SemaphoreType.DMA] * 6
        ),
        compiler_params=pltpu.CompilerParams(use_tc_tiling_on_sc=False,
                                             needs_layout_passes=False),
    )
    gt = sc_gather(ps, pd, edge_indices[0], edge_indices[1])

    g3 = gt.reshape(_D_OUT, _CT_PAD, 128)
    ef_t = edge_feats.T
    b_col = b.reshape(_D_OUT, 1)
    out_t = pl.pallas_call(
        _edge_body,
        grid=(_GRID_B,),
        in_specs=[
            pl.BlockSpec((_D_OUT, _D_EDGE), lambda i: (0, 0)),
            pl.BlockSpec((_D_OUT, 128 * _CTB), lambda i: (0, i)),
            pl.BlockSpec((_D_OUT, _CTB, 128), lambda i: (0, i, 0)),
            pl.BlockSpec((_D_OUT, 1), lambda i: (0, 0)),
        ],
        out_specs=pl.BlockSpec((_D_OUT, 128 * _CTB), lambda i: (0, i)),
        out_shape=jax.ShapeDtypeStruct((_D_OUT, _N_EDGES), jnp.float32),
    )(wet, ef_t, g3, b_col)
    return out_t.T

# --- scband reference (transcript-rebuilt; emitter-appended) ---
"""Pipeline reference for scband-edge-update-52484500357662 (READ-ONLY COPY).

The authoritative reference and input builder live on the scoring server;
editing this copy changes nothing except your own understanding.
"""

import jax, jax.numpy as jnp
import numpy as np

N_NODES = 10000
N_EDGES = 320000
D_FEAT = 128
D_EDGE = 16
D_OUT = 16
D_IN = D_EDGE + 2 * D_FEAT  # 272


def setup_inputs(seed: int = 0) -> dict:
    key = jax.random.key(seed)
    k1, k2, k3, k4 = jax.random.split(key, 4)
    node_feats = jax.random.normal(k1, (N_NODES, D_FEAT), dtype=jnp.float32)
    edge_feats = jax.random.normal(k2, (N_EDGES, D_EDGE), dtype=jnp.float32)
    edge_indices = jax.random.randint(k3, (2, N_EDGES), 0, N_NODES, dtype=jnp.int32)
    W = jax.random.normal(k4, (D_IN, D_OUT), dtype=jnp.float32) * (1.0 / np.sqrt(D_IN))
    b = jnp.zeros((D_OUT,), dtype=jnp.float32)
    return {"node_feats": node_feats, "edge_feats": edge_feats, "edge_indices": edge_indices, "W": W, "b": b}


def reference(node_feats, edge_feats, edge_indices, W, b):
    # gather source/destination node features per edge (SparseCore gather)
    src = jnp.take(node_feats, edge_indices[0], axis=0)
    dst = jnp.take(node_feats, edge_indices[1], axis=0)
    cat = jnp.concatenate([edge_feats, src, dst], axis=1)
    new_edge_feats = cat @ W + b
    return new_edge_feats

if __name__ == "__main__":
    import jax
    _d = setup_inputs()
    print(jax.jit(kernel)(*tuple(_d.values())))

</pallas_src>

<mosaic_0001>
#map = affine_map<(d0, d1) -> (0, 0)>
#map1 = affine_map<(d0, d1) -> (0)>
module attributes {stable_mosaic.version = 14 : i64} {
  func.func @_sc_gather_body(%arg0: i32, %arg1: i32, %arg2: memref<10000x16xf32, #tpu.memory_space<hbm>>, %arg3: memref<10000x16xf32, #tpu.memory_space<hbm>>, %arg4: memref<320000xi32, #tpu.memory_space<hbm>>, %arg5: memref<320000xi32, #tpu.memory_space<hbm>>, %arg6: memref<16x327680xf32, #tpu.memory_space<hbm>>, %arg7: memref<1000xi32, #tpu.memory_space<vmem>>, %arg8: memref<1000xi32, #tpu.memory_space<vmem>>, %arg9: memref<1000xi32, #tpu.memory_space<vmem>>, %arg10: memref<1000xi32, #tpu.memory_space<vmem>>, %arg11: memref<1000x16xf32, #tpu.memory_space<vmem>>, %arg12: memref<1000x16xf32, #tpu.memory_space<vmem>>, %arg13: memref<1000x16xf32, #tpu.memory_space<vmem>>, %arg14: memref<1000x16xf32, #tpu.memory_space<vmem>>, %arg15: memref<16x1000xf32, #tpu.memory_space<vmem>>, %arg16: memref<!tpu.dma_semaphore, #tpu.memory_space<semaphore_mem>>, %arg17: memref<!tpu.dma_semaphore, #tpu.memory_space<semaphore_mem>>, %arg18: memref<!tpu.dma_semaphore, #tpu.memory_space<semaphore_mem>>, %arg19: memref<!tpu.dma_semaphore, #tpu.memory_space<semaphore_mem>>, %arg20: memref<!tpu.dma_semaphore, #tpu.memory_space<semaphore_mem>>, %arg21: memref<!tpu.dma_semaphore, #tpu.memory_space<semaphore_mem>>) attributes {dimension_semantics = [#tpu.dimension_semantics<core_parallel>, #tpu.dimension_semantics<subcore_parallel>], iteration_bounds = array<i64: 2, 16>, scalar_prefetch = 0 : i64, scratch_operands = 15 : i64, tpu.core_type = #tpu.core_type<sc_vector_subcore>, window_params = [{transform_indices = #map}, {transform_indices = #map}, {transform_indices = #map1}, {transform_indices = #map1}, {transform_indices = #map}]} {
    %mul3A = arith.constant 2 : i32
    %mul3A_0 = arith.muli %arg1, %mul3A : i32
    %add3A = arith.addi %mul3A_0, %arg0 : i32
    %mul3A_1 = arith.constant 10000 : i32
    %mul3A_2 = arith.muli %add3A, %mul3A_1 : i32
    %iota3A = tpu.iota {dimensions = array<i32: 0>} : vector<16xi32>
    %add3A_3 = arith.constant 0 : i32
    %add3A_4 = arith.addi %mul3A_2, %add3A_3 : i32
    %dma_start3A = tpu.memref_slice %arg4[%add3A_4] : memref<320000xi32, #tpu.memory_space<hbm>> -> memref<1000xi32, #tpu.memory_space<hbm>>
    %dma_start3A_5 = tpu.memref_slice %arg4[%add3A_4] : memref<320000xi32, #tpu.memory_space<hbm>> -> memref<1000xi32, #tpu.memory_space<hbm>>
    tpu.enqueue_dma source(%dma_start3A_5 : memref<1000xi32, #tpu.memory_space<hbm>>) target(%arg7 : memref<1000xi32, #tpu.memory_space<vmem>>) target_semaphore(%arg16 : memref<!tpu.dma_semaphore, #tpu.memory_space<semaphore_mem>>)
    %dma_start3A_6 = tpu.memref_slice %arg5[%add3A_4] : memref<320000xi32, #tpu.memory_space<hbm>> -> memref<1000xi32, #tpu.memory_space<hbm>>
    %dma_start3A_7 = tpu.memref_slice %arg5[%add3A_4] : memref<320000xi32, #tpu.memory_space<hbm>> -> memref<1000xi32, #tpu.memory_space<hbm>>
    tpu.enqueue_dma source(%dma_start3A_7 : memref<1000xi32, #tpu.memory_space<hbm>>) target(%arg9 : memref<1000xi32, #tpu.memory_space<vmem>>) target_semaphore(%arg16 : memref<!tpu.dma_semaphore, #tpu.memory_space<semaphore_mem>>)
    %dma_wait3A = tpu.memref_slice %arg4[%add3A_4] : memref<320000xi32, #tpu.memory_space<hbm>> -> memref<1000xi32, #tpu.memory_space<hbm>>
    %dma_wait3A_8 = tpu.memref_slice %arg4[%add3A_4] : memref<320000xi32, #tpu.memory_space<hbm>> -> memref<1000xi32, #tpu.memory_space<hbm>>
    tpu.wait_dma2 semaphore(%arg16 : memref<!tpu.dma_semaphore, #tpu.memory_space<semaphore_mem>>) src(%dma_wait3A_8 : memref<1000xi32, #tpu.memory_space<hbm>>) dst(%arg7 : memref<1000xi32, #tpu.memory_space<vmem>>)
    %dma_wait3A_9 = tpu.memref_slice %arg5[%add3A_4] : memref<320000xi32, #tpu.memory_space<hbm>> -> memref<1000xi32, #tpu.memory_space<hbm>>
    %dma_wait3A_10 = tpu.memref_slice %arg5[%add3A_4] : memref<320000xi32, #tpu.memory_space<hbm>> -> memref<1000xi32, #tpu.memory_space<hbm>>
    tpu.wait_dma2 semaphore(%arg16 : memref<!tpu.dma_semaphore, #tpu.memory_space<semaphore_mem>>) src(%dma_wait3A_10 : memref<1000xi32, #tpu.memory_space<hbm>>) dst(%arg9 : memref<1000xi32, #tpu.memory_space<vmem>>)
    %dma_start3A_11 = arith.constant 0 : i32
    %dma_start3A_12 = arith.constant 0 : i32
    %dma_start3A_13 = tpu.memref_slice %arg2[%dma_start3A_11, %dma_start3A_12] : memref<10000x16xf32, #tpu.memory_space<hbm>> -> memref<10000x16xf32, #tpu.memory_space<hbm>>
    tpu.enqueue_indirect_dma source(%dma_start3A_13 : memref<10000x16xf32, #tpu.memory_space<hbm>>) target(%arg11 : memref<1000x16xf32, #tpu.memory_space<vmem>>) offsets(%arg7 : memref<1000xi32, #tpu.memory_space<vmem>>) semaphore(%arg18 : memref<!tpu.dma_semaphore, #tpu.memory_space<semaphore_mem>>)
    %dma_start3A_14 = arith.constant 0 : i32
    %dma_start3A_15 = arith.constant 0 : i32
    %dma_start3A_16 = tpu.memref_slice %arg3[%dma_start3A_14, %dma_start3A_15] : memref<10000x16xf32, #tpu.memory_space<hbm>> -> memref<10000x16xf32, #tpu.memory_space<hbm>>
    tpu.enqueue_indirect_dma source(%dma_start3A_16 : memref<10000x16xf32, #tpu.memory_space<hbm>>) target(%arg13 : memref<1000x16xf32, #tpu.memory_space<vmem>>) offsets(%arg9 : memref<1000xi32, #tpu.memory_space<vmem>>) semaphore(%arg20 : memref<!tpu.dma_semaphore, #tpu.memory_space<semaphore_mem>>)
    %add3A_17 = arith.constant 1000 : i32
    %add3A_18 = arith.addi %mul3A_2, %add3A_17 : i32
    %dma_start3A_19 = tpu.memref_slice %arg4[%add3A_18] : memref<320000xi32, #tpu.memory_space<hbm>> -> memref<1000xi32, #tpu.memory_space<hbm>>
    %dma_start3A_20 = tpu.memref_slice %arg4[%add3A_18] : memref<320000xi32, #tpu.memory_space<hbm>> -> memref<1000xi32, #tpu.memory_space<hbm>>
    tpu.enqueue_dma source(%dma_start3A_20 : memref<1000xi32, #tpu.memory_space<hbm>>) target(%arg8 : memref<1000xi32, #tpu.memory_space<vmem>>) target_semaphore(%arg17 : memref<!tpu.dma_semaphore, #tpu.memory_space<semaphore_mem>>)
    %dma_start3A_21 = tpu.memref_slice %arg5[%add3A_18] : memref<320000xi32, #tpu.memory_space<hbm>> -> memref<1000xi32, #tpu.memory_space<hbm>>
    %dma_start3A_22 = tpu.memref_slice %arg5[%add3A_18] : memref<320000xi32, #tpu.memory_space<hbm>> -> memref<1000xi32, #tpu.memory_space<hbm>>
    tpu.enqueue_dma source(%dma_start3A_22 : memref<1000xi32, #tpu.memory_space<hbm>>) target(%arg10 : memref<1000xi32, #tpu.memory_space<vmem>>) target_semaphore(%arg17 : memref<!tpu.dma_semaphore, #tpu.memory_space<semaphore_mem>>)
    %dma_wait3A_23 = arith.constant 0 : i32
    %dma_wait3A_24 = arith.constant 0 : i32
    %dma_wait3A_25 = tpu.memref_slice %arg2[%dma_wait3A_23, %dma_wait3A_24] : memref<10000x16xf32, #tpu.memory_space<hbm>> -> memref<10000x16xf32, #tpu.memory_space<hbm>>
    tpu.wait_indirect_dma semaphore(%arg18 : memref<!tpu.dma_semaphore, #tpu.memory_space<semaphore_mem>>) src(%dma_wait3A_25 : memref<10000x16xf32, #tpu.memory_space<hbm>>) dst(%arg11 : memref<1000x16xf32, #tpu.memory_space<vmem>>)
    %dma_wait3A_26 = arith.constant 0 : i32
    %dma_wait3A_27 = arith.constant 0 : i32
    %dma_wait3A_28 = tpu.memref_slice %arg3[%dma_wait3A_26, %dma_wait3A_27] : memref<10000x16xf32, #tpu.memory_space<hbm>> -> memref<10000x16xf32, #tpu.memory_space<hbm>>
    tpu.wait_indirect_dma semaphore(%arg20 : memref<!tpu.dma_semaphore, #tpu.memory_space<semaphore_mem>>) src(%dma_wait3A_28 : memref<10000x16xf32, #tpu.memory_space<hbm>>) dst(%arg13 : memref<1000x16xf32, #tpu.memory_space<vmem>>)
    %dma_wait3A_29 = tpu.memref_slice %arg4[%add3A_18] : memref<320000xi32, #tpu.memory_space<hbm>> -> memref<1000xi32, #tpu.memory_space<hbm>>
    %dma_wait3A_30 = tpu.memref_slice %arg4[%add3A_18] : memref<320000xi32, #tpu.memory_space<hbm>> -> memref<1000xi32, #tpu.memory_space<hbm>>
    tpu.wait_dma2 semaphore(%arg17 : memref<!tpu.dma_semaphore, #tpu.memory_space<semaphore_mem>>) src(%dma_wait3A_30 : memref<1000xi32, #tpu.memory_space<hbm>>) dst(%arg8 : memref<1000xi32, #tpu.memory_space<vmem>>)
    %dma_wait3A_31 = tpu.memref_slice %arg5[%add3A_18] : memref<320000xi32, #tpu.memory_space<hbm>> -> memref<1000xi32, #tpu.memory_space<hbm>>
    %dma_wait3A_32 = tpu.memref_slice %arg5[%add3A_18] : memref<320000xi32, #tpu.memory_space<hbm>> -> memref<1000xi32, #tpu.memory_space<hbm>>
    tpu.wait_dma2 semaphore(%arg17 : memref<!tpu.dma_semaphore, #tpu.memory_space<semaphore_mem>>) src(%dma_wait3A_32 : memref<1000xi32, #tpu.memory_space<hbm>>) dst(%arg10 : memref<1000xi32, #tpu.memory_space<vmem>>)
    %dma_start3A_33 = arith.constant 0 : i32
    %dma_start3A_34 = arith.constant 0 : i32
    %dma_start3A_35 = tpu.memref_slice %arg2[%dma_start3A_33, %dma_start3A_34] : memref<10000x16xf32, #tpu.memory_space<hbm>> -> memref<10000x16xf32, #tpu.memory_space<hbm>>
    tpu.enqueue_indirect_dma source(%dma_start3A_35 : memref<10000x16xf32, #tpu.memory_space<hbm>>) target(%arg12 : memref<1000x16xf32, #tpu.memory_space<vmem>>) offsets(%arg8 : memref<1000xi32, #tpu.memory_space<vmem>>) semaphore(%arg19 : memref<!tpu.dma_semaphore, #tpu.memory_space<semaphore_mem>>)
    %dma_start3A_36 = arith.constant 0 : i32
    %dma_start3A_37 = arith.constant 0 : i32
    %dma_start3A_38 = tpu.memref_slice %arg3[%dma_start3A_36, %dma_start3A_37] : memref<10000x16xf32, #tpu.memory_space<hbm>> -> memref<10000x16xf32, #tpu.memory_space<hbm>>
    tpu.enqueue_indirect_dma source(%dma_start3A_38 : memref<10000x16xf32, #tpu.memory_space<hbm>>) target(%arg14 : memref<1000x16xf32, #tpu.memory_space<vmem>>) offsets(%arg10 : memref<1000xi32, #tpu.memory_space<vmem>>) semaphore(%arg21 : memref<!tpu.dma_semaphore, #tpu.memory_space<semaphore_mem>>)
    %scan3A = arith.constant 0 : i32
    %scan3A_39 = arith.constant 0 : i32
    %scan3A_40 = arith.constant 250 : i32
    %scan3A_41 = arith.addi %scan3A_39, %scan3A_40 : i32
    %scan3A_42 = arith.constant 1 : i32
    scf.for %scan3A_300 = %scan3A_39 to %scan3A_41 step %scan3A_42  : i32 {
      %mul3A_301 = arith.constant 4 : i32
      %mul3A_302 = arith.muli %scan3A_300, %mul3A_301 : i32
      %add3A_303 = arith.constant 0 : i32
      %add3A_304 = arith.addi %mul3A_302, %add3A_303 : i32
      %get3A = arith.index_cast %add3A_304 : i32 to index
      %get3A_305 = arith.constant 0 : index
      %get3A_306 = tpu.vector_load %arg11[%get3A, %get3A_305] {strides = array<i32>} : memref<1000x16xf32, #tpu.memory_space<vmem>>, vector<16xf32>,
      %add3A_307 = arith.constant 0 : i32
      %add3A_308 = arith.addi %mul3A_302, %add3A_307 : i32
      %get3A_309 = arith.index_cast %add3A_308 : i32 to index
      %get3A_310 = arith.constant 0 : index
      %get3A_311 = tpu.vector_load %arg13[%get3A_309, %get3A_310] {strides = array<i32>} : memref<1000x16xf32, #tpu.memory_space<vmem>>, vector<16xf32>,
      %add3A_312 = arith.addf %get3A_306, %get3A_311 : vector<16xf32>
      %broadcast_in_dim3A = arith.constant 0 : i32
      %broadcast_in_dim3A_313 = vector.broadcast %broadcast_in_dim3A : i32 to vector<16xi32>
      %add3A_314 = arith.constant 0 : i32
      %add3A_315 = arith.addi %mul3A_302, %add3A_314 : i32
      %add3A_316 = vector.broadcast %add3A_315 : i32 to vector<16xi32>
      %add3A_317 = arith.addi %broadcast_in_dim3A_313, %add3A_316 : vector<16xi32>
      tpu.vector_store_idx %arg15[%iota3A, %add3A_317], %add3A_312 : memref<16x1000xf32, #tpu.memory_space<vmem>>[vector<16xi32>, vector<16xi32>], vector<16xf32>,
      %add3A_318 = arith.constant 1 : i32
      %add3A_319 = arith.addi %mul3A_302, %add3A_318 : i32
      %get3A_320 = arith.index_cast %add3A_319 : i32 to index
      %get3A_321 = arith.constant 0 : index
      %get3A_322 = tpu.vector_load %arg11[%get3A_320, %get3A_321] {strides = array<i32>} : memref<1000x16xf32, #tpu.memory_space<vmem>>, vector<16xf32>,
      %add3A_323 = arith.constant 1 : i32
      %add3A_324 = arith.addi %mul3A_302, %add3A_323 : i32
      %get3A_325 = arith.index_cast %add3A_324 : i32 to index
      %get3A_326 = arith.constant 0 : index
      %get3A_327 = tpu.vector_load %arg13[%get3A_325, %get3A_326] {strides = array<i32>} : memref<1000x16xf32, #tpu.memory_space<vmem>>, vector<16xf32>,
      %add3A_328 = arith.addf %get3A_322, %get3A_327 : vector<16xf32>
      %broadcast_in_dim3A_329 = arith.constant 0 : i32
      %broadcast_in_dim3A_330 = vector.broadcast %broadcast_in_dim3A_329 : i32 to vector<16xi32>
      %add3A_331 = arith.constant 1 : i32
      %add3A_332 = arith.addi %mul3A_302, %add3A_331 : i32
      %add3A_333 = vector.broadcast %add3A_332 : i32 to vector<16xi32>
      %add3A_334 = arith.addi %broadcast_in_dim3A_330, %add3A_333 : vector<16xi32>
      tpu.vector_store_idx %arg15[%iota3A, %add3A_334], %add3A_328 : memref<16x1000xf32, #tpu.memory_space<vmem>>[vector<16xi32>, vector<16xi32>], vector<16xf32>,
      %add3A_335 = arith.constant 2 : i32
      %add3A_336 = arith.addi %mul3A_302, %add3A_335 : i32
      %get3A_337 = arith.index_cast %add3A_336 : i32 to index
      %get3A_338 = arith.constant 0 : index
      %get3A_339 = tpu.vector_load %arg11[%get3A_337, %get3A_338] {strides = array<i32>} : memref<1000x16xf32, #tpu.memory_space<vmem>>, vector<16xf32>,
      %add3A_340 = arith.constant 2 : i32
      %add3A_341 = arith.addi %mul3A_302, %add3A_340 : i32
      %get3A_342 = arith.index_cast %add3A_341 : i32 to index
      %get3A_343 = arith.constant 0 : index
      %get3A_344 = tpu.vector_load %arg13[%get3A_342, %get3A_343] {strides = array<i32>} : memref<1000x16xf32, #tpu.memory_space<vmem>>, vector<16xf32>,
      %add3A_345 = arith.addf %get3A_339, %get3A_344 : vector<16xf32>
      %broadcast_in_dim3A_346 = arith.constant 0 : i32
      %broadcast_in_dim3A_347 = vector.broadcast %broadcast_in_dim3A_346 : i32 to vector<16xi32>
      %add3A_348 = arith.constant 2 : i32
      %add3A_349 = arith.addi %mul3A_302, %add3A_348 : i32
      %add3A_350 = vector.broadcast %add3A_349 : i32 to vector<16xi32>
      %add3A_351 = arith.addi %broadcast_in_dim3A_347, %add3A_350 : vector<16xi32>
      tpu.vector_store_idx %arg15[%iota3A, %add3A_351], %add3A_345 : memref<16x1000xf32, #tpu.memory_space<vmem>>[vector<16xi32>, vector<16xi32>], vector<16xf32>,
      %add3A_352 = arith.constant 3 : i32
      %add3A_353 = arith.addi %mul3A_302, %add3A_352 : i32
      %get3A_354 = arith.index_cast %add3A_353 : i32 to index
      %get3A_355 = arith.constant 0 : index
      %get3A_356 = tpu.vector_load %arg11[%get3A_354, %get3A_355] {strides = array<i32>} : memref<1000x16xf32, #tpu.memory_space<vmem>>, vector<16xf32>,
      %add3A_357 = arith.constant 3 : i32
      %add3A_358 = arith.addi %mul3A_302, %add3A_357 : i32
      %get3A_359 = arith.index_cast %add3A_358 : i32 to index
      %get3A_360 = arith.constant 0 : index
      %get3A_361 = tpu.vector_load %arg13[%get3A_359, %get3A_360] {strides = array<i32>} : memref<1000x16xf32, #tpu.memory_space<vmem>>, vector<16xf32>,
      %add3A_362 = arith.addf %get3A_356, %get3A_361 : vector<16xf32>
      %broadcast_in_dim3A_363 = arith.constant 0 : i32
      %broadcast_in_dim3A_364 = vector.broadcast %broadcast_in_dim3A_363 : i32 to vector<16xi32>
      %add3A_365 = arith.constant 3 : i32
      %add3A_366 = arith.addi %mul3A_302, %add3A_365 : i32
      %add3A_367 = vector.broadcast %add3A_366 : i32 to vector<16xi32>
      %add3A_368 = arith.addi %broadcast_in_dim3A_364, %add3A_367 : vector<16xi32>
      tpu.vector_store_idx %arg15[%iota3A, %add3A_368], %add3A_362 : memref<16x1000xf32, #tpu.memory_space<vmem>>[vector<16xi32>, vector<16xi32>], vector<16xf32>,
    }
    %scan3A_43 = arith.constant 250 : i32
    %add3A_44 = arith.constant 0 : i32
    %add3A_45 = arith.addi %mul3A_2, %add3A_44 : i32
    "tpu.region"() ({
      %run_scoped3A = tpu.sem_alloc : memref<!tpu.dma_semaphore, #tpu.memory_space<semaphore_mem>>
      %dma_start3A_300 = arith.constant 0 : i32
      %dma_start3A_301 = tpu.memref_slice %arg6[%dma_start3A_300, %add3A_45] : memref<16x327680xf32, #tpu.memory_space<hbm>> -> memref<16x1000xf32, #tpu.memory_space<hbm>>
      %dma_start3A_302 = arith.constant 0 : i32
      %dma_start3A_303 = tpu.memref_slice %arg6[%dma_start3A_302, %add3A_45] : memref<16x327680xf32, #tpu.memory_space<hbm>> -> memref<16x1000xf32, #tpu.memory_space<hbm>>
      tpu.enqueue_dma source(%arg15 : memref<16x1000xf32, #tpu.memory_space<vmem>>) target(%dma_start3A_303 : memref<16x1000xf32, #tpu.memory_space<hbm>>) target_semaphore(%run_scoped3A : memref<!tpu.dma_semaphore, #tpu.memory_space<semaphore_mem>>)
      %dma_wait3A_304 = arith.constant 0 : i32
      %dma_wait3A_305 = tpu.memref_slice %arg6[%dma_wait3A_304, %add3A_45] : memref<16x327680xf32, #tpu.memory_space<hbm>> -> memref<16x1000xf32, #tpu.memory_space<hbm>>
      %dma_wait3A_306 = arith.constant 0 : i32
      %dma_wait3A_307 = tpu.memref_slice %arg6[%dma_wait3A_306, %add3A_45] : memref<16x327680xf32, #tpu.memory_space<hbm>> -> memref<16x1000xf32, #tpu.memory_space<hbm>>
      tpu.wait_dma2 semaphore(%run_scoped3A : memref<!tpu.dma_semaphore, #tpu.memory_space<semaphore_mem>>) src(%arg15 : memref<16x1000xf32, #tpu.memory_space<vmem>>) dst(%dma_wait3A_307 : memref<16x1000xf32, #tpu.memory_space<hbm>>)
      tpu.yield
    }) : () -> ()
    %add3A_46 = arith.constant 2000 : i32
    %add3A_47 = arith.addi %mul3A_2, %add3A_46 : i32
    %dma_start3A_48 = tpu.memref_slice %arg4[%add3A_47] : memref<320000xi32, #tpu.memory_space<hbm>> -> memref<1000xi32, #tpu.memory_space<hbm>>
    %dma_start3A_49 = tpu.memref_slice %arg4[%add3A_47] : memref<320000xi32, #tpu.memory_space<hbm>> -> memref<1000xi32, #tpu.memory_space<hbm>>
    tpu.enqueue_dma source(%dma_start3A_49 : memref<1000xi32, #tpu.memory_space<hbm>>) target(%arg7 : memref<1000xi32, #tpu.memory_space<vmem>>) target_semaphore(%arg16 : memref<!tpu.dma_semaphore, #tpu.memory_space<semaphore_mem>>)
    %dma_start3A_50 = tpu.memref_slice %arg5[%add3A_47] : memref<320000xi32, #tpu.memory_space<hbm>> -> memref<1000xi32, #tpu.memory_space<hbm>>
    %dma_start3A_51 = tpu.memref_slice %arg5[%add3A_47] : memref<320000xi32, #tpu.memory_space<hbm>> -> memref<1000xi32, #tpu.memory_space<hbm>>
    tpu.enqueue_dma source(%dma_start3A_51 : memref<1000xi32, #tpu.memory_space<hbm>>) target(%arg9 : memref<1000xi32, #tpu.memory_space<vmem>>) target_semaphore(%arg16 : memref<!tpu.dma_semaphore, #tpu.memory_space<semaphore_mem>>)
    %dma_wait3A_52 = arith.constant 0 : i32
    %dma_wait3A_53 = arith.constant 0 : i32
    %dma_wait3A_54 = tpu.memref_slice %arg2[%dma_wait3A_52, %dma_wait3A_53] : memref<10000x16xf32, #tpu.memory_space<hbm>> -> memref<10000x16xf32, #tpu.memory_space<hbm>>
    tpu.wait_indirect_dma semaphore(%arg19 : memref<!tpu.dma_semaphore, #tpu.memory_space<semaphore_mem>>) src(%dma_wait3A_54 : memref<10000x16xf32, #tpu.memory_space<hbm>>) dst(%arg12 : memref<1000x16xf32, #tpu.memory_space<vmem>>)
    %dma_wait3A_55 = arith.constant 0 : i32
    %dma_wait3A_56 = arith.constant 0 : i32
    %dma_wait3A_57 = tpu.memref_slice %arg3[%dma_wait3A_55, %dma_wait3A_56] : memref<10000x16xf32, #tpu.memory_space<hbm>> -> memref<10000x16xf32, #tpu.memory_space<hbm>>
    tpu.wait_indirect_dma semaphore(%arg21 : memref<!tpu.dma_semaphore, #tpu.memory_space<semaphore_mem>>) src(%dma_wait3A_57 : memref<10000x16xf32, #tpu.memory_space<hbm>>) dst(%arg14 : memref<1000x16xf32, #tpu.memory_space<vmem>>)
    %dma_wait3A_58 = tpu.memref_slice %arg4[%add3A_47] : memref<320000xi32, #tpu.memory_space<hbm>> -> memref<1000xi32, #tpu.memory_space<hbm>>
    %dma_wait3A_59 = tpu.memref_slice %arg4[%add3A_47] : memref<320000xi32, #tpu.memory_space<hbm>> -> memref<1000xi32, #tpu.memory_space<hbm>>
    tpu.wait_dma2 semaphore(%arg16 : memref<!tpu.dma_semaphore, #tpu.memory_space<semaphore_mem>>) src(%dma_wait3A_59 : memref<1000xi32, #tpu.memory_space<hbm>>) dst(%arg7 : memref<1000xi32, #tpu.memory_space<vmem>>)
    %dma_wait3A_60 = tpu.memref_slice %arg5[%add3A_47] : memref<320000xi32, #tpu.memory_space<hbm>> -> memref<1000xi32, #tpu.memory_space<hbm>>
    %dma_wait3A_61 = tpu.memref_slice %arg5[%add3A_47] : memref<320000xi32, #tpu.memory_space<hbm>> -> memref<1000xi32, #tpu.memory_space<hbm>>
    tpu.wait_dma2 semaphore(%arg16 : memref<!tpu.dma_semaphore, #tpu.memory_space<semaphore_mem>>) src(%dma_wait3A_61 : memref<1000xi32, #tpu.memory_space<hbm>>) dst(%arg9 : memref<1000xi32, #tpu.memory_space<vmem>>)
    %dma_start3A_62 = arith.constant 0 : i32
    %dma_start3A_63 = arith.constant 0 : i32
    %dma_start3A_64 = tpu.memref_slice %arg2[%dma_start3A_62, %dma_start3A_63] : memref<10000x16xf32, #tpu.memory_space<hbm>> -> memref<10000x16xf32, #tpu.memory_space<hbm>>
    tpu.enqueue_indirect_dma source(%dma_start3A_64 : memref<10000x16xf32, #tpu.memory_space<hbm>>) target(%arg11 : memref<1000x16xf32, #tpu.memory_space<vmem>>) offsets(%arg7 : memref<1000xi32, #tpu.memory_space<vmem>>) semaphore(%arg18 : memref<!tpu.dma_semaphore, #tpu.memory_space<semaphore_mem>>)
    %dma_start3A_65 = arith.constant 0 : i32
    %dma_start3A_66 = arith.constant 0 : i32
    %dma_start3A_67 = tpu.memref_slice %arg3[%dma_start3A_65, %dma_start3A_66] : memref<10000x16xf32, #tpu.memory_space<hbm>> -> memref<10000x16xf32, #tpu.memory_space<hbm>>
    tpu.enqueue_indirect_dma source(%dma_start3A_67 : memref<10000x16xf32, #tpu.memory_space<hbm>>) target(%arg13 : memref<1000x16xf32, #tpu.memory_space<vmem>>) offsets(%arg9 : memref<1000xi32, #tpu.memory_space<vmem>>) semaphore(%arg20 : memref<!tpu.dma_semaphore, #tpu.memory_space<semaphore_mem>>)
    %scan3A_68 = arith.constant 0 : i32
    %scan3A_69 = arith.constant 0 : i32
    %scan3A_70 = arith.constant 250 : i32
    %scan3A_71 = arith.addi %scan3A_69, %scan3A_70 : i32
    %scan3A_72 = arith.constant 1 : i32
    scf.for %scan3A_300 = %scan3A_69 to %scan3A_71 step %scan3A_72  : i32 {
      %mul3A_301 = arith.constant 4 : i32
      %mul3A_302 = arith.muli %scan3A_300, %mul3A_301 : i32
      %add3A_303 = arith.constant 0 : i32
      %add3A_304 = arith.addi %mul3A_302, %add3A_303 : i32
      %get3A = arith.index_cast %add3A_304 : i32 to index
      %get3A_305 = arith.constant 0 : index
      %get3A_306 = tpu.vector_load %arg12[%get3A, %get3A_305] {strides = array<i32>} : memref<1000x16xf32, #tpu.memory_space<vmem>>, vector<16xf32>,
      %add3A_307 = arith.constant 0 : i32
      %add3A_308 = arith.addi %mul3A_302, %add3A_307 : i32
      %get3A_309 = arith.index_cast %add3A_308 : i32 to index
      %get3A_310 = arith.constant 0 : index
      %get3A_311 = tpu.vector_load %arg14[%get3A_309, %get3A_310] {strides = array<i32>} : memref<1000x16xf32, #tpu.memory_space<vmem>>, vector<16xf32>,
      %add3A_312 = arith.addf %get3A_306, %get3A_311 : vector<16xf32>
      %broadcast_in_dim3A = arith.constant 0 : i32
      %broadcast_in_dim3A_313 = vector.broadcast %broadcast_in_dim3A : i32 to vector<16xi32>
      %add3A_314 = arith.constant 0 : i32
      %add3A_315 = arith.addi %mul3A_302, %add3A_314 : i32
      %add3A_316 = vector.broadcast %add3A_315 : i32 to vector<16xi32>
      %add3A_317 = arith.addi %broadcast_in_dim3A_313, %add3A_316 : vector<16xi32>
      tpu.vector_store_idx %arg15[%iota3A, %add3A_317], %add3A_312 : memref<16x1000xf32, #tpu.memory_space<vmem>>[vector<16xi32>, vector<16xi32>], vector<16xf32>,
      %add3A_318 = arith.constant 1 : i32
      %add3A_319 = arith.addi %mul3A_302, %add3A_318 : i32
      %get3A_320 = arith.index_cast %add3A_319 : i32 to index
      %get3A_321 = arith.constant 0 : index
      %get3A_322 = tpu.vector_load %arg12[%get3A_320, %get3A_321] {strides = array<i32>} : memref<1000x16xf32, #tpu.memory_space<vmem>>, vector<16xf32>,
      %add3A_323 = arith.constant 1 : i32
      %add3A_324 = arith.addi %mul3A_302, %add3A_323 : i32
      %get3A_325 = arith.index_cast %add3A_324 : i32 to index
      %get3A_326 = arith.constant 0 : index
      %get3A_327 = tpu.vector_load %arg14[%get3A_325, %get3A_326] {strides = array<i32>} : memref<1000x16xf32, #tpu.memory_space<vmem>>, vector<16xf32>,
      %add3A_328 = arith.addf %get3A_322, %get3A_327 : vector<16xf32>
      %broadcast_in_dim3A_329 = arith.constant 0 : i32
      %broadcast_in_dim3A_330 = vector.broadcast %broadcast_in_dim3A_329 : i32 to vector<16xi32>
      %add3A_331 = arith.constant 1 : i32
      %add3A_332 = arith.addi %mul3A_302, %add3A_331 : i32
      %add3A_333 = vector.broadcast %add3A_332 : i32 to vector<16xi32>
      %add3A_334 = arith.addi %broadcast_in_dim3A_330, %add3A_333 : vector<16xi32>
      tpu.vector_store_idx %arg15[%iota3A, %add3A_334], %add3A_328 : memref<16x1000xf32, #tpu.memory_space<vmem>>[vector<16xi32>, vector<16xi32>], vector<16xf32>,
      %add3A_335 = arith.constant 2 : i32
      %add3A_336 = arith.addi %mul3A_302, %add3A_335 : i32
      %get3A_337 = arith.index_cast %add3A_336 : i32 to index
      %get3A_338 = arith.constant 0 : index
      %get3A_339 = tpu.vector_load %arg12[%get3A_337, %get3A_338] {strides = array<i32>} : memref<1000x16xf32, #tpu.memory_space<vmem>>, vector<16xf32>,
      %add3A_340 = arith.constant 2 : i32
      %add3A_341 = arith.addi %mul3A_302, %add3A_340 : i32
      %get3A_342 = arith.index_cast %add3A_341 : i32 to index
      %get3A_343 = arith.constant 0 : index
      %get3A_344 = tpu.vector_load %arg14[%get3A_342, %get3A_343] {strides = array<i32>} : memref<1000x16xf32, #tpu.memory_space<vmem>>, vector<16xf32>,
      %add3A_345 = arith.addf %get3A_339, %get3A_344 : vector<16xf32>
      %broadcast_in_dim3A_346 = arith.constant 0 : i32
      %broadcast_in_dim3A_347 = vector.broadcast %broadcast_in_dim3A_346 : i32 to vector<16xi32>
      %add3A_348 = arith.constant 2 : i32
      %add3A_349 = arith.addi %mul3A_302, %add3A_348 : i32
      %add3A_350 = vector.broadcast %add3A_349 : i32 to vector<16xi32>
      %add3A_351 = arith.addi %broadcast_in_dim3A_347, %add3A_350 : vector<16xi32>
      tpu.vector_store_idx %arg15[%iota3A, %add3A_351], %add3A_345 : memref<16x1000xf32, #tpu.memory_space<vmem>>[vector<16xi32>, vector<16xi32>], vector<16xf32>,
      %add3A_352 = arith.constant 3 : i32
      %add3A_353 = arith.addi %mul3A_302, %add3A_352 : i32
      %get3A_354 = arith.index_cast %add3A_353 : i32 to index
      %get3A_355 = arith.constant 0 : index
      %get3A_356 = tpu.vector_load %arg12[%get3A_354, %get3A_355] {strides = array<i32>} : memref<1000x16xf32, #tpu.memory_space<vmem>>, vector<16xf32>,
      %add3A_357 = arith.constant 3 : i32
      %add3A_358 = arith.addi %mul3A_302, %add3A_357 : i32
      %get3A_359 = arith.index_cast %add3A_358 : i32 to index
      %get3A_360 = arith.constant 0 : index
      %get3A_361 = tpu.vector_load %arg14[%get3A_359, %get3A_360] {strides = array<i32>} : memref<1000x16xf32, #tpu.memory_space<vmem>>, vector<16xf32>,
      %add3A_362 = arith.addf %get3A_356, %get3A_361 : vector<16xf32>
      %broadcast_in_dim3A_363 = arith.constant 0 : i32
      %broadcast_in_dim3A_364 = vector.broadcast %broadcast_in_dim3A_363 : i32 to vector<16xi32>
      %add3A_365 = arith.constant 3 : i32
      %add3A_366 = arith.addi %mul3A_302, %add3A_365 : i32
      %add3A_367 = vector.broadcast %add3A_366 : i32 to vector<16xi32>
      %add3A_368 = arith.addi %broadcast_in_dim3A_364, %add3A_367 : vector<16xi32>
      tpu.vector_store_idx %arg15[%iota3A, %add3A_368], %add3A_362 : memref<16x1000xf32, #tpu.memory_space<vmem>>[vector<16xi32>, vector<16xi32>], vector<16xf32>,
    }
    %scan3A_73 = arith.constant 250 : i32
    %add3A_74 = arith.constant 1000 : i32
    %add3A_75 = arith.addi %mul3A_2, %add3A_74 : i32
    "tpu.region"() ({
      %run_scoped3A = tpu.sem_alloc : memref<!tpu.dma_semaphore, #tpu.memory_space<semaphore_mem>>
      %dma_start3A_300 = arith.constant 0 : i32
      %dma_start3A_301 = tpu.memref_slice %arg6[%dma_start3A_300, %add3A_75] : memref<16x327680xf32, #tpu.memory_space<hbm>> -> memref<16x1000xf32, #tpu.memory_space<hbm>>
      %dma_start3A_302 = arith.constant 0 : i32
      %dma_start3A_303 = tpu.memref_slice %arg6[%dma_start3A_302, %add3A_75] : memref<16x327680xf32, #tpu.memory_space<hbm>> -> memref<16x1000xf32, #tpu.memory_space<hbm>>
      tpu.enqueue_dma source(%arg15 : memref<16x1000xf32, #tpu.memory_space<vmem>>) target(%dma_start3A_303 : memref<16x1000xf32, #tpu.memory_space<hbm>>) target_semaphore(%run_scoped3A : memref<!tpu.dma_semaphore, #tpu.memory_space<semaphore_mem>>)
      %dma_wait3A_304 = arith.constant 0 : i32
      %dma_wait3A_305 = tpu.memref_slice %arg6[%dma_wait3A_304, %add3A_75] : memref<16x327680xf32, #tpu.memory_space<hbm>> -> memref<16x1000xf32, #tpu.memory_space<hbm>>
      %dma_wait3A_306 = arith.constant 0 : i32
      %dma_wait3A_307 = tpu.memref_slice %arg6[%dma_wait3A_306, %add3A_75] : memref<16x327680xf32, #tpu.memory_space<hbm>> -> memref<16x1000xf32, #tpu.memory_space<hbm>>
      tpu.wait_dma2 semaphore(%run_scoped3A : memref<!tpu.dma_semaphore, #tpu.memory_space<semaphore_mem>>) src(%arg15 : memref<16x1000xf32, #tpu.memory_space<vmem>>) dst(%dma_wait3A_307 : memref<16x1000xf32, #tpu.memory_space<hbm>>)
      tpu.yield
    }) : () -> ()
    %add3A_76 = arith.constant 3000 : i32
    %add3A_77 = arith.addi %mul3A_2, %add3A_76 : i32
    %dma_start3A_78 = tpu.memref_slice %arg4[%add3A_77] : memref<320000xi32, #tpu.memory_space<hbm>> -> memref<1000xi32, #tpu.memory_space<hbm>>
    %dma_start3A_79 = tpu.memref_slice %arg4[%add3A_77] : memref<320000xi32, #tpu.memory_space<hbm>> -> memref<1000xi32, #tpu.memory_space<hbm>>
    tpu.enqueue_dma source(%dma_start3A_79 : memref<1000xi32, #tpu.memory_space<hbm>>) target(%arg8 : memref<1000xi32, #tpu.memory_space<vmem>>) target_semaphore(%arg17 : memref<!tpu.dma_semaphore, #tpu.memory_space<semaphore_mem>>)
    %dma_start3A_80 = tpu.memref_slice %arg5[%add3A_77] : memref<320000xi32, #tpu.memory_space<hbm>> -> memref<1000xi32, #tpu.memory_space<hbm>>
    %dma_start3A_81 = tpu.memref_slice %arg5[%add3A_77] : memref<320000xi32, #tpu.memory_space<hbm>> -> memref<1000xi32, #tpu.memory_space<hbm>>
    tpu.enqueue_dma source(%dma_start3A_81 : memref<1000xi32, #tpu.memory_space<hbm>>) target(%arg10 : memref<1000xi32, #tpu.memory_space<vmem>>) target_semaphore(%arg17 : memref<!tpu.dma_semaphore, #tpu.memory_space<semaphore_mem>>)
    %dma_wait3A_82 = arith.constant 0 : i32
    %dma_wait3A_83 = arith.constant 0 : i32
    %dma_wait3A_84 = tpu.memref_slice %arg2[%dma_wait3A_82, %dma_wait3A_83] : memref<10000x16xf32, #tpu.memory_space<hbm>> -> memref<10000x16xf32, #tpu.memory_space<hbm>>
    tpu.wait_indirect_dma semaphore(%arg18 : memref<!tpu.dma_semaphore, #tpu.memory_space<semaphore_mem>>) src(%dma_wait3A_84 : memref<10000x16xf32, #tpu.memory_space<hbm>>) dst(%arg11 : memref<1000x16xf32, #tpu.memory_space<vmem>>)
    %dma_wait3A_85 = arith.constant 0 : i32
    %dma_wait3A_86 = arith.constant 0 : i32
    %dma_wait3A_87 = tpu.memref_slice %arg3[%dma_wait3A_85, %dma_wait3A_86] : memref<10000x16xf32, #tpu.memory_space<hbm>> -> memref<10000x16xf32, #tpu.memory_space<hbm>>
    tpu.wait_indirect_dma semaphore(%arg20 : memref<!tpu.dma_semaphore, #tpu.memory_space<semaphore_mem>>) src(%dma_wait3A_87 : memref<10000x16xf32, #tpu.memory_space<hbm>>) dst(%arg13 : memref<1000x16xf32, #tpu.memory_space<vmem>>)
    %dma_wait3A_88 = tpu.memref_slice %arg4[%add3A_77] : memref<320000xi32, #tpu.memory_space<hbm>> -> memref<1000xi32, #tpu.memory_space<hbm>>
    %dma_wait3A_89 = tpu.memref_slice %arg4[%add3A_77] : memref<320000xi32, #tpu.memory_space<hbm>> -> memref<1000xi32, #tpu.memory_space<hbm>>
    tpu.wait_dma2 semaphore(%arg17 : memref<!tpu.dma_semaphore, #tpu.memory_space<semaphore_mem>>) src(%dma_wait3A_89 : memref<1000xi32, #tpu.memory_space<hbm>>) dst(%arg8 : memref<1000xi32, #tpu.memory_space<vmem>>)
    %dma_wait3A_90 = tpu.memref_slice %arg5[%add3A_77] : memref<320000xi32, #tpu.memory_space<hbm>> -> memref<1000xi32, #tpu.memory_space<hbm>>
    %dma_wait3A_91 = tpu.memref_slice %arg5[%add3A_77] : memref<320000xi32, #tpu.memory_space<hbm>> -> memref<1000xi32, #tpu.memory_space<hbm>>
    tpu.wait_dma2 semaphore(%arg17 : memref<!tpu.dma_semaphore, #tpu.memory_space<semaphore_mem>>) src(%dma_wait3A_91 : memref<1000xi32, #tpu.memory_space<hbm>>) dst(%arg10 : memref<1000xi32, #tpu.memory_space<vmem>>)
    %dma_start3A_92 = arith.constant 0 : i32
    %dma_start3A_93 = arith.constant 0 : i32
    %dma_start3A_94 = tpu.memref_slice %arg2[%dma_start3A_92, %dma_start3A_93] : memref<10000x16xf32, #tpu.memory_space<hbm>> -> memref<10000x16xf32, #tpu.memory_space<hbm>>
    tpu.enqueue_indirect_dma source(%dma_start3A_94 : memref<10000x16xf32, #tpu.memory_space<hbm>>) target(%arg12 : memref<1000x16xf32, #tpu.memory_space<vmem>>) offsets(%arg8 : memref<1000xi32, #tpu.memory_space<vmem>>) semaphore(%arg19 : memref<!tpu.dma_semaphore, #tpu.memory_space<semaphore_mem>>)
    %dma_start3A_95 = arith.constant 0 : i32
    %dma_start3A_96 = arith.constant 0 : i32
    %dma_start3A_97 = tpu.memref_slice %arg3[%dma_start3A_95, %dma_start3A_96] : memref<10000x16xf32, #tpu.memory_space<hbm>> -> memref<10000x16xf32, #tpu.memory_space<hbm>>
    tpu.enqueue_indirect_dma source(%dma_start3A_97 : memref<10000x16xf32, #tpu.memory_space<hbm>>) target(%arg14 : memref<1000x16xf32, #tpu.memory_space<vmem>>) offsets(%arg10 : memref<1000xi32, #tpu.memory_space<vmem>>) semaphore(%arg21 : memref<!tpu.dma_semaphore, #tpu.memory_space<semaphore_mem>>)
    %scan3A_98 = arith.constant 0 : i32
    %scan3A_99 = arith.constant 0 : i32
    %scan3A_100 = arith.constant 250 : i32
    %scan3A_101 = arith.addi %scan3A_99, %scan3A_100 : i32
    %scan3A_102 = arith.constant 1 : i32
    scf.for %scan3A_300 = %scan3A_99 to %scan3A_101 step %scan3A_102  : i32 {
      %mul3A_301 = arith.constant 4 : i32
      %mul3A_302 = arith.muli %scan3A_300, %mul3A_301 : i32
      %add3A_303 = arith.constant 0 : i32
      %add3A_304 = arith.addi %mul3A_302, %add3A_303 : i32
      %get3A = arith.index_cast %add3A_304 : i32 to index
      %get3A_305 = arith.constant 0 : index
      %get3A_306 = tpu.vector_load %arg11[%get3A, %get3A_305] {strides = array<i32>} : memref<1000x16xf32, #tpu.memory_space<vmem>>, vector<16xf32>,
      %add3A_307 = arith.constant 0 : i32
      %add3A_308 = arith.addi %mul3A_302, %add3A_307 : i32
      %get3A_309 = arith.index_cast %add3A_308 : i32 to index
      %get3A_310 = arith.constant 0 : index
      %get3A_311 = tpu.vector_load %arg13[%get3A_309, %get3A_310] {strides = array<i32>} : memref<1000x16xf32, #tpu.memory_space<vmem>>, vector<16xf32>,
      %add3A_312 = arith.addf %get3A_306, %get3A_311 : vector<16xf32>
      %broadcast_in_dim3A = arith.constant 0 : i32
      %broadcast_in_dim3A_313 = vector.broadcast %broadcast_in_dim3A : i32 to vector<16xi32>
      %add3A_314 = arith.constant 0 : i32
      %add3A_315 = arith.addi %mul3A_302, %add3A_314 : i32
      %add3A_316 = vector.broadcast %add3A_315 : i32 to vector<16xi32>
      %add3A_317 = arith.addi %broadcast_in_dim3A_313, %add3A_316 : vector<16xi32>
      tpu.vector_store_idx %arg15[%iota3A, %add3A_317], %add3A_312 : memref<16x1000xf32, #tpu.memory_space<vmem>>[vector<16xi32>, vector<16xi32>], vector<16xf32>,
      %add3A_318 = arith.constant 1 : i32
      %add3A_319 = arith.addi %mul3A_302, %add3A_318 : i32
      %get3A_320 = arith.index_cast %add3A_319 : i32 to index
      %get3A_321 = arith.constant 0 : index
      %get3A_322 = tpu.vector_load %arg11[%get3A_320, %get3A_321] {strides = array<i32>} : memref<1000x16xf32, #tpu.memory_space<vmem>>, vector<16xf32>,
      %add3A_323 = arith.constant 1 : i32
      %add3A_324 = arith.addi %mul3A_302, %add3A_323 : i32
      %get3A_325 = arith.index_cast %add3A_324 : i32 to index
      %get3A_326 = arith.constant 0 : index
      %get3A_327 = tpu.vector_load %arg13[%get3A_325, %get3A_326] {strides = array<i32>} : memref<1000x16xf32, #tpu.memory_space<vmem>>, vector<16xf32>,
      %add3A_328 = arith.addf %get3A_322, %get3A_327 : vector<16xf32>
      %broadcast_in_dim3A_329 = arith.constant 0 : i32
      %broadcast_in_dim3A_330 = vector.broadcast %broadcast_in_dim3A_329 : i32 to vector<16xi32>
      %add3A_331 = arith.constant 1 : i32
      %add3A_332 = arith.addi %mul3A_302, %add3A_331 : i32
      %add3A_333 = vector.broadcast %add3A_332 : i32 to vector<16xi32>
      %add3A_334 = arith.addi %broadcast_in_dim3A_330, %add3A_333 : vector<16xi32>
      tpu.vector_store_idx %arg15[%iota3A, %add3A_334], %add3A_328 : memref<16x1000xf32, #tpu.memory_space<vmem>>[vector<16xi32>, vector<16xi32>], vector<16xf32>,
      %add3A_335 = arith.constant 2 : i32
      %add3A_336 = arith.addi %mul3A_302, %add3A_335 : i32
      %get3A_337 = arith.index_cast %add3A_336 : i32 to index
      %get3A_338 = arith.constant 0 : index
      %get3A_339 = tpu.vector_load %arg11[%get3A_337, %get3A_338] {strides = array<i32>} : memref<1000x16xf32, #tpu.memory_space<vmem>>, vector<16xf32>,
      %add3A_340 = arith.constant 2 : i32
      %add3A_341 = arith.addi %mul3A_302, %add3A_340 : i32
      %get3A_342 = arith.index_cast %add3A_341 : i32 to index
      %get3A_343 = arith.constant 0 : index
      %get3A_344 = tpu.vector_load %arg13[%get3A_342, %get3A_343] {strides = array<i32>} : memref<1000x16xf32, #tpu.memory_space<vmem>>, vector<16xf32>,
      %add3A_345 = arith.addf %get3A_339, %get3A_344 : vector<16xf32>
      %broadcast_in_dim3A_346 = arith.constant 0 : i32
      %broadcast_in_dim3A_347 = vector.broadcast %broadcast_in_dim3A_346 : i32 to vector<16xi32>
      %add3A_348 = arith.constant 2 : i32
      %add3A_349 = arith.addi %mul3A_302, %add3A_348 : i32
      %add3A_350 = vector.broadcast %add3A_349 : i32 to vector<16xi32>
      %add3A_351 = arith.addi %broadcast_in_dim3A_347, %add3A_350 : vector<16xi32>
      tpu.vector_store_idx %arg15[%iota3A, %add3A_351], %add3A_345 : memref<16x1000xf32, #tpu.memory_space<vmem>>[vector<16xi32>, vector<16xi32>], vector<16xf32>,
      %add3A_352 = arith.constant 3 : i32
      %add3A_353 = arith.addi %mul3A_302, %add3A_352 : i32
      %get3A_354 = arith.index_cast %add3A_353 : i32 to index
      %get3A_355 = arith.constant 0 : index
      %get3A_356 = tpu.vector_load %arg11[%get3A_354, %get3A_355] {strides = array<i32>} : memref<1000x16xf32, #tpu.memory_space<vmem>>, vector<16xf32>,
      %add3A_357 = arith.constant 3 : i32
      %add3A_358 = arith.addi %mul3A_302, %add3A_357 : i32
      %get3A_359 = arith.index_cast %add3A_358 : i32 to index
      %get3A_360 = arith.constant 0 : index
      %get3A_361 = tpu.vector_load %arg13[%get3A_359, %get3A_360] {strides = array<i32>} : memref<1000x16xf32, #tpu.memory_space<vmem>>, vector<16xf32>,
      %add3A_362 = arith.addf %get3A_356, %get3A_361 : vector<16xf32>
      %broadcast_in_dim3A_363 = arith.constant 0 : i32
      %broadcast_in_dim3A_364 = vector.broadcast %broadcast_in_dim3A_363 : i32 to vector<16xi32>
      %add3A_365 = arith.constant 3 : i32
      %add3A_366 = arith.addi %mul3A_302, %add3A_365 : i32
      %add3A_367 = vector.broadcast %add3A_366 : i32 to vector<16xi32>
      %add3A_368 = arith.addi %broadcast_in_dim3A_364, %add3A_367 : vector<16xi32>
      tpu.vector_store_idx %arg15[%iota3A, %add3A_368], %add3A_362 : memref<16x1000xf32, #tpu.memory_space<vmem>>[vector<16xi32>, vector<16xi32>], vector<16xf32>,
    }
    %scan3A_103 = arith.constant 250 : i32
    %add3A_104 = arith.constant 2000 : i32
    %add3A_105 = arith.addi %mul3A_2, %add3A_104 : i32
    "tpu.region"() ({
      %run_scoped3A = tpu.sem_alloc : memref<!tpu.dma_semaphore, #tpu.memory_space<semaphore_mem>>
      %dma_start3A_300 = arith.constant 0 : i32
      %dma_start3A_301 = tpu.memref_slice %arg6[%dma_start3A_300, %add3A_105] : memref<16x327680xf32, #tpu.memory_space<hbm>> -> memref<16x1000xf32, #tpu.memory_space<hbm>>
      %dma_start3A_302 = arith.constant 0 : i32
      %dma_start3A_303 = tpu.memref_slice %arg6[%dma_start3A_302, %add3A_105] : memref<16x327680xf32, #tpu.memory_space<hbm>> -> memref<16x1000xf32, #tpu.memory_space<hbm>>
      tpu.enqueue_dma source(%arg15 : memref<16x1000xf32, #tpu.memory_space<vmem>>) target(%dma_start3A_303 : memref<16x1000xf32, #tpu.memory_space<hbm>>) target_semaphore(%run_scoped3A : memref<!tpu.dma_semaphore, #tpu.memory_space<semaphore_mem>>)
      %dma_wait3A_304 = arith.constant 0 : i32
      %dma_wait3A_305 = tpu.memref_slice %arg6[%dma_wait3A_304, %add3A_105] : memref<16x327680xf32, #tpu.memory_space<hbm>> -> memref<16x1000xf32, #tpu.memory_space<hbm>>
      %dma_wait3A_306 = arith.constant 0 : i32
      %dma_wait3A_307 = tpu.memref_slice %arg6[%dma_wait3A_306, %add3A_105] : memref<16x327680xf32, #tpu.memory_space<hbm>> -> memref<16x1000xf32, #tpu.memory_space<hbm>>
      tpu.wait_dma2 semaphore(%run_scoped3A : memref<!tpu.dma_semaphore, #tpu.memory_space<semaphore_mem>>) src(%arg15 : memref<16x1000xf32, #tpu.memory_space<vmem>>) dst(%dma_wait3A_307 : memref<16x1000xf32, #tpu.memory_space<hbm>>)
      tpu.yield
    }) : () -> ()
    %add3A_106 = arith.constant 4000 : i32
    %add3A_107 = arith.addi %mul3A_2, %add3A_106 : i32
    %dma_start3A_108 = tpu.memref_slice %arg4[%add3A_107] : memref<320000xi32, #tpu.memory_space<hbm>> -> memref<1000xi32, #tpu.memory_space<hbm>>
    %dma_start3A_109 = tpu.memref_slice %arg4[%add3A_107] : memref<320000xi32, #tpu.memory_space<hbm>> -> memref<1000xi32, #tpu.memory_space<hbm>>
    tpu.enqueue_dma source(%dma_start3A_109 : memref<1000xi32, #tpu.memory_space<hbm>>) target(%arg7 : memref<1000xi32, #tpu.memory_space<vmem>>) target_semaphore(%arg16 : memref<!tpu.dma_semaphore, #tpu.memory_space<semaphore_mem>>)
    %dma_start3A_110 = tpu.memref_slice %arg5[%add3A_107] : memref<320000xi32, #tpu.memory_space<hbm>> -> memref<1000xi32, #tpu.memory_space<hbm>>
    %dma_start3A_111 = tpu.memref_slice %arg5[%add3A_107] : memref<320000xi32, #tpu.memory_space<hbm>> -> memref<1000xi32, #tpu.memory_space<hbm>>
    tpu.enqueue_dma source(%dma_start3A_111 : memref<1000xi32, #tpu.memory_space<hbm>>) target(%arg9 : memref<1000xi32, #tpu.memory_space<vmem>>) target_semaphore(%arg16 : memref<!tpu.dma_semaphore, #tpu.memory_space<semaphore_mem>>)
    %dma_wait3A_112 = arith.constant 0 : i32
    %dma_wait3A_113 = arith.constant 0 : i32
    %dma_wait3A_114 = tpu.memref_slice %arg2[%dma_wait3A_112, %dma_wait3A_113] : memref<10000x16xf32, #tpu.memory_space<hbm>> -> memref<10000x16xf32, #tpu.memory_space<hbm>>
    tpu.wait_indirect_dma semaphore(%arg19 : memref<!tpu.dma_semaphore, #tpu.memory_space<semaphore_mem>>) src(%dma_wait3A_114 : memref<10000x16xf32, #tpu.memory_space<hbm>>) dst(%arg12 : memref<1000x16xf32, #tpu.memory_space<vmem>>)
    %dma_wait3A_115 = arith.constant 0 : i32
    %dma_wait3A_116 = arith.constant 0 : i32
    %dma_wait3A_117 = tpu.memref_slice %arg3[%dma_wait3A_115, %dma_wait3A_116] : memref<10000x16xf32, #tpu.memory_space<hbm>> -> memref<10000x16xf32, #tpu.memory_space<hbm>>
    tpu.wait_indirect_dma semaphore(%arg21 : memref<!tpu.dma_semaphore, #tpu.memory_space<semaphore_mem>>) src(%dma_wait3A_117 : memref<10000x16xf32, #tpu.memory_space<hbm>>) dst(%arg14 : memref<1000x16xf32, #tpu.memory_space<vmem>>)
    %dma_wait3A_118 = tpu.memref_slice %arg4[%add3A_107] : memref<320000xi32, #tpu.memory_space<hbm>> -> memref<1000xi32, #tpu.memory_space<hbm>>
    %dma_wait3A_119 = tpu.memref_slice %arg4[%add3A_107] : memref<320000xi32, #tpu.memory_space<hbm>> -> memref<1000xi32, #tpu.memory_space<hbm>>
    tpu.wait_dma2 semaphore(%arg16 : memref<!tpu.dma_semaphore, #tpu.memory_space<semaphore_mem>>) src(%dma_wait3A_119 : memref<1000xi32, #tpu.memory_space<hbm>>) dst(%arg7 : memref<1000xi32, #tpu.memory_space<vmem>>)
    %dma_wait3A_120 = tpu.memref_slice %arg5[%add3A_107] : memref<320000xi32, #tpu.memory_space<hbm>> -> memref<1000xi32, #tpu.memory_space<hbm>>
    %dma_wait3A_121 = tpu.memref_slice %arg5[%add3A_107] : memref<320000xi32, #tpu.memory_space<hbm>> -> memref<1000xi32, #tpu.memory_space<hbm>>
    tpu.wait_dma2 semaphore(%arg16 : memref<!tpu.dma_semaphore, #tpu.memory_space<semaphore_mem>>) src(%dma_wait3A_121 : memref<1000xi32, #tpu.memory_space<hbm>>) dst(%arg9 : memref<1000xi32, #tpu.memory_space<vmem>>)
    %dma_start3A_122 = arith.constant 0 : i32
    %dma_start3A_123 = arith.constant 0 : i32
    %dma_start3A_124 = tpu.memref_slice %arg2[%dma_start3A_122, %dma_start3A_123] : memref<10000x16xf32, #tpu.memory_space<hbm>> -> memref<10000x16xf32, #tpu.memory_space<hbm>>
    tpu.enqueue_indirect_dma source(%dma_start3A_124 : memref<10000x16xf32, #tpu.memory_space<hbm>>) target(%arg11 : memref<1000x16xf32, #tpu.memory_space<vmem>>) offsets(%arg7 : memref<1000xi32, #tpu.memory_space<vmem>>) semaphore(%arg18 : memref<!tpu.dma_semaphore, #tpu.memory_space<semaphore_mem>>)
    %dma_start3A_125 = arith.constant 0 : i32
    %dma_start3A_126 = arith.constant 0 : i32
    %dma_start3A_127 = tpu.memref_slice %arg3[%dma_start3A_125, %dma_start3A_126] : memref<10000x16xf32, #tpu.memory_space<hbm>> -> memref<10000x16xf32, #tpu.memory_space<hbm>>
    tpu.enqueue_indirect_dma source(%dma_start3A_127 : memref<10000x16xf32, #tpu.memory_space<hbm>>) target(%arg13 : memref<1000x16xf32, #tpu.memory_space<vmem>>) offsets(%arg9 : memref<1000xi32, #tpu.memory_space<vmem>>) semaphore(%arg20 : memref<!tpu.dma_semaphore, #tpu.memory_space<semaphore_mem>>)
    %scan3A_128 = arith.constant 0 : i32
    %scan3A_129 = arith.constant 0 : i32
    %scan3A_130 = arith.constant 250 : i32
    %scan3A_131 = arith.addi %scan3A_129, %scan3A_130 : i32
    %scan3A_132 = arith.constant 1 : i32
    scf.for %scan3A_300 = %scan3A_129 to %scan3A_131 step %scan3A_132  : i32 {
      %mul3A_301 = arith.constant 4 : i32
      %mul3A_302 = arith.muli %scan3A_300, %mul3A_301 : i32
      %add3A_303 = arith.constant 0 : i32
      %add3A_304 = arith.addi %mul3A_302, %add3A_303 : i32
      %get3A = arith.index_cast %add3A_304 : i32 to index
      %get3A_305 = arith.constant 0 : index
      %get3A_306 = tpu.vector_load %arg12[%get3A, %get3A_305] {strides = array<i32>} : memref<1000x16xf32, #tpu.memory_space<vmem>>, vector<16xf32>,
      %add3A_307 = arith.constant 0 : i32
      %add3A_308 = arith.addi %mul3A_302, %add3A_307 : i32
      %get3A_309 = arith.index_cast %add3A_308 : i32 to index
      %get3A_310 = arith.constant 0 : index
      %get3A_311 = tpu.vector_load %arg14[%get3A_309, %get3A_310] {strides = array<i32>} : memref<1000x16xf32, #tpu.memory_space<vmem>>, vector<16xf32>,
      %add3A_312 = arith.addf %get3A_306, %get3A_311 : vector<16xf32>
      %broadcast_in_dim3A = arith.constant 0 : i32
      %broadcast_in_dim3A_313 = vector.broadcast %broadcast_in_dim3A : i32 to vector<16xi32>
      %add3A_314 = arith.constant 0 : i32
      %add3A_315 = arith.addi %mul3A_302, %add3A_314 : i32
      %add3A_316 = vector.broadcast %add3A_315 : i32 to vector<16xi32>
      %add3A_317 = arith.addi %broadcast_in_dim3A_313, %add3A_316 : vector<16xi32>
      tpu.vector_store_idx %arg15[%iota3A, %add3A_317], %add3A_312 : memref<16x1000xf32, #tpu.memory_space<vmem>>[vector<16xi32>, vector<16xi32>], vector<16xf32>,
      %add3A_318 = arith.constant 1 : i32
      %add3A_319 = arith.addi %mul3A_302, %add3A_318 : i32
      %get3A_320 = arith.index_cast %add3A_319 : i32 to index
      %get3A_321 = arith.constant 0 : index
      %get3A_322 = tpu.vector_load %arg12[%get3A_320, %get3A_321] {strides = array<i32>} : memref<1000x16xf32, #tpu.memory_space<vmem>>, vector<16xf32>,
      %add3A_323 = arith.constant 1 : i32
      %add3A_324 = arith.addi %mul3A_302, %add3A_323 : i32
      %get3A_325 = arith.index_cast %add3A_324 : i32 to index
      %get3A_326 = arith.constant 0 : index
      %get3A_327 = tpu.vector_load %arg14[%get3A_325, %get3A_326] {strides = array<i32>} : memref<1000x16xf32, #tpu.memory_space<vmem>>, vector<16xf32>,
      %add3A_328 = arith.addf %get3A_322, %get3A_327 : vector<16xf32>
      %broadcast_in_dim3A_329 = arith.constant 0 : i32
      %broadcast_in_dim3A_330 = vector.broadcast %broadcast_in_dim3A_329 : i32 to vector<16xi32>
      %add3A_331 = arith.constant 1 : i32
      %add3A_332 = arith.addi %mul3A_302, %add3A_331 : i32
      %add3A_333 = vector.broadcast %add3A_332 : i32 to vector<16xi32>
      %add3A_334 = arith.addi %broadcast_in_dim3A_330, %add3A_333 : vector<16xi32>
      tpu.vector_store_idx %arg15[%iota3A, %add3A_334], %add3A_328 : memref<16x1000xf32, #tpu.memory_space<vmem>>[vector<16xi32>, vector<16xi32>], vector<16xf32>,
      %add3A_335 = arith.constant 2 : i32
      %add3A_336 = arith.addi %mul3A_302, %add3A_335 : i32
      %get3A_337 = arith.index_cast %add3A_336 : i32 to index
      %get3A_338 = arith.constant 0 : index
      %get3A_339 = tpu.vector_load %arg12[%get3A_337, %get3A_338] {strides = array<i32>} : memref<1000x16xf32, #tpu.memory_space<vmem>>, vector<16xf32>,
      %add3A_340 = arith.constant 2 : i32
      %add3A_341 = arith.addi %mul3A_302, %add3A_340 : i32
      %get3A_342 = arith.index_cast %add3A_341 : i32 to index
      %get3A_343 = arith.constant 0 : index
      %get3A_344 = tpu.vector_load %arg14[%get3A_342, %get3A_343] {strides = array<i32>} : memref<1000x16xf32, #tpu.memory_space<vmem>>, vector<16xf32>,
      %add3A_345 = arith.addf %get3A_339, %get3A_344 : vector<16xf32>
      %broadcast_in_dim3A_346 = arith.constant 0 : i32
      %broadcast_in_dim3A_347 = vector.broadcast %broadcast_in_dim3A_346 : i32 to vector<16xi32>
      %add3A_348 = arith.constant 2 : i32
      %add3A_349 = arith.addi %mul3A_302, %add3A_348 : i32
      %add3A_350 = vector.broadcast %add3A_349 : i32 to vector<16xi32>
      %add3A_351 = arith.addi %broadcast_in_dim3A_347, %add3A_350 : vector<16xi32>
      tpu.vector_store_idx %arg15[%iota3A, %add3A_351], %add3A_345 : memref<16x1000xf32, #tpu.memory_space<vmem>>[vector<16xi32>, vector<16xi32>], vector<16xf32>,
      %add3A_352 = arith.constant 3 : i32
      %add3A_353 = arith.addi %mul3A_302, %add3A_352 : i32
      %get3A_354 = arith.index_cast %add3A_353 : i32 to index
      %get3A_355 = arith.constant 0 : index
      %get3A_356 = tpu.vector_load %arg12[%get3A_354, %get3A_355] {strides = array<i32>} : memref<1000x16xf32, #tpu.memory_space<vmem>>, vector<16xf32>,
      %add3A_357 = arith.constant 3 : i32
      %add3A_358 = arith.addi %mul3A_302, %add3A_357 : i32
      %get3A_359 = arith.index_cast %add3A_358 : i32 to index
      %get3A_360 = arith.constant 0 : index
      %get3A_361 = tpu.vector_load %arg14[%get3A_359, %get3A_360] {strides = array<i32>} : memref<1000x16xf32, #tpu.memory_space<vmem>>, vector<16xf32>,
      %add3A_362 = arith.addf %get3A_356, %get3A_361 : vector<16xf32>
      %broadcast_in_dim3A_363 = arith.constant 0 : i32
      %broadcast_in_dim3A_364 = vector.broadcast %broadcast_in_dim3A_363 : i32 to vector<16xi32>
      %add3A_365 = arith.constant 3 : i32
      %add3A_366 = arith.addi %mul3A_302, %add3A_365 : i32
      %add3A_367 = vector.broadcast %add3A_366 : i32 to vector<16xi32>
      %add3A_368 = arith.addi %broadcast_in_dim3A_364, %add3A_367 : vector<16xi32>
      tpu.vector_store_idx %arg15[%iota3A, %add3A_368], %add3A_362 : memref<16x1000xf32, #tpu.memory_space<vmem>>[vector<16xi32>, vector<16xi32>], vector<16xf32>,
    }
    %scan3A_133 = arith.constant 250 : i32
    %add3A_134 = arith.constant 3000 : i32
    %add3A_135 = arith.addi %mul3A_2, %add3A_134 : i32
    "tpu.region"() ({
      %run_scoped3A = tpu.sem_alloc : memref<!tpu.dma_semaphore, #tpu.memory_space<semaphore_mem>>
      %dma_start3A_300 = arith.constant 0 : i32
      %dma_start3A_301 = tpu.memref_slice %arg6[%dma_start3A_300, %add3A_135] : memref<16x327680xf32, #tpu.memory_space<hbm>> -> memref<16x1000xf32, #tpu.memory_space<hbm>>
      %dma_start3A_302 = arith.constant 0 : i32
      %dma_start3A_303 = tpu.memref_slice %arg6[%dma_start3A_302, %add3A_135] : memref<16x327680xf32, #tpu.memory_space<hbm>> -> memref<16x1000xf32, #tpu.memory_space<hbm>>
      tpu.enqueue_dma source(%arg15 : memref<16x1000xf32, #tpu.memory_space<vmem>>) target(%dma_start3A_303 : memref<16x1000xf32, #tpu.memory_space<hbm>>) target_semaphore(%run_scoped3A : memref<!tpu.dma_semaphore, #tpu.memory_space<semaphore_mem>>)
      %dma_wait3A_304 = arith.constant 0 : i32
      %dma_wait3A_305 = tpu.memref_slice %arg6[%dma_wait3A_304, %add3A_135] : memref<16x327680xf32, #tpu.memory_space<hbm>> -> memref<16x1000xf32, #tpu.memory_space<hbm>>
      %dma_wait3A_306 = arith.constant 0 : i32
      %dma_wait3A_307 = tpu.memref_slice %arg6[%dma_wait3A_306, %add3A_135] : memref<16x327680xf32, #tpu.memory_space<hbm>> -> memref<16x1000xf32, #tpu.memory_space<hbm>>
      tpu.wait_dma2 semaphore(%run_scoped3A : memref<!tpu.dma_semaphore, #tpu.memory_space<semaphore_mem>>) src(%arg15 : memref<16x1000xf32, #tpu.memory_space<vmem>>) dst(%dma_wait3A_307 : memref<16x1000xf32, #tpu.memory_space<hbm>>)
      tpu.yield
    }) : () -> ()
    %add3A_136 = arith.constant 5000 : i32
    %add3A_137 = arith.addi %mul3A_2, %add3A_136 : i32
    %dma_start3A_138 = tpu.memref_slice %arg4[%add3A_137] : memref<320000xi32, #tpu.memory_space<hbm>> -> memref<1000xi32, #tpu.memory_space<hbm>>
    %dma_start3A_139 = tpu.memref_slice %arg4[%add3A_137] : memref<320000xi32, #tpu.memory_space<hbm>> -> memref<1000xi32, #tpu.memory_space<hbm>>
    tpu.enqueue_dma source(%dma_start3A_139 : memref<1000xi32, #tpu.memory_space<hbm>>) target(%arg8 : memref<1000xi32, #tpu.memory_space<vmem>>) target_semaphore(%arg17 : memref<!tpu.dma_semaphore, #tpu.memory_space<semaphore_mem>>)
    %dma_start3A_140 = tpu.memref_slice %arg5[%add3A_137] : memref<320000xi32, #tpu.memory_space<hbm>> -> memref<1000xi32, #tpu.memory_space<hbm>>
    %dma_start3A_141 = tpu.memref_slice %arg5[%add3A_137] : memref<320000xi32, #tpu.memory_space<hbm>> -> memref<1000xi32, #tpu.memory_space<hbm>>
    tpu.enqueue_dma source(%dma_start3A_141 : memref<1000xi32, #tpu.memory_space<hbm>>) target(%arg10 : memref<1000xi32, #tpu.memory_space<vmem>>) target_semaphore(%arg17 : memref<!tpu.dma_semaphore, #tpu.memory_space<semaphore_mem>>)
    %dma_wait3A_142 = arith.constant 0 : i32
    %dma_wait3A_143 = arith.constant 0 : i32
    %dma_wait3A_144 = tpu.memref_slice %arg2[%dma_wait3A_142, %dma_wait3A_143] : memref<10000x16xf32, #tpu.memory_space<hbm>> -> memref<10000x16xf32, #tpu.memory_space<hbm>>
    tpu.wait_indirect_dma semaphore(%arg18 : memref<!tpu.dma_semaphore, #tpu.memory_space<semaphore_mem>>) src(%dma_wait3A_144 : memref<10000x16xf32, #tpu.memory_space<hbm>>) dst(%arg11 : memref<1000x16xf32, #tpu.memory_space<vmem>>)
    %dma_wait3A_145 = arith.constant 0 : i32
    %dma_wait3A_146 = arith.constant 0 : i32
    %dma_wait3A_147 = tpu.memref_slice %arg3[%dma_wait3A_145, %dma_wait3A_146] : memref<10000x16xf32, #tpu.memory_space<hbm>> -> memref<10000x16xf32, #tpu.memory_space<hbm>>
    tpu.wait_indirect_dma semaphore(%arg20 : memref<!tpu.dma_semaphore, #tpu.memory_space<semaphore_mem>>) src(%dma_wait3A_147 : memref<10000x16xf32, #tpu.memory_space<hbm>>) dst(%arg13 : memref<1000x16xf32, #tpu.memory_space<vmem>>)
    %dma_wait3A_148 = tpu.memref_slice %arg4[%add3A_137] : memref<320000xi32, #tpu.memory_space<hbm>> -> memref<1000xi32, #tpu.memory_space<hbm>>
    %dma_wait3A_149 = tpu.memref_slice %arg4[%add3A_137] : memref<320000xi32, #tpu.memory_space<hbm>> -> memref<1000xi32, #tpu.memory_space<hbm>>
    tpu.wait_dma2 semaphore(%arg17 : memref<!tpu.dma_semaphore, #tpu.memory_space<semaphore_mem>>) src(%dma_wait3A_149 : memref<1000xi32, #tpu.memory_space<hbm>>) dst(%arg8 : memref<1000xi32, #tpu.memory_space<vmem>>)
    %dma_wait3A_150 = tpu.memref_slice %arg5[%add3A_137] : memref<320000xi32, #tpu.memory_space<hbm>> -> memref<1000xi32, #tpu.memory_space<hbm>>
    %dma_wait3A_151 = tpu.memref_slice %arg5[%add3A_137] : memref<320000xi32, #tpu.memory_space<hbm>> -> memref<1000xi32, #tpu.memory_space<hbm>>
    tpu.wait_dma2 semaphore(%arg17 : memref<!tpu.dma_semaphore, #tpu.memory_space<semaphore_mem>>) src(%dma_wait3A_151 : memref<1000xi32, #tpu.memory_space<hbm>>) dst(%arg10 : memref<1000xi32, #tpu.memory_space<vmem>>)
    %dma_start3A_152 = arith.constant 0 : i32
    %dma_start3A_153 = arith.constant 0 : i32
    %dma_start3A_154 = tpu.memref_slice %arg2[%dma_start3A_152, %dma_start3A_153] : memref<10000x16xf32, #tpu.memory_space<hbm>> -> memref<10000x16xf32, #tpu.memory_space<hbm>>
    tpu.enqueue_indirect_dma source(%dma_start3A_154 : memref<10000x16xf32, #tpu.memory_space<hbm>>) target(%arg12 : memref<1000x16xf32, #tpu.memory_space<vmem>>) offsets(%arg8 : memref<1000xi32, #tpu.memory_space<vmem>>) semaphore(%arg19 : memref<!tpu.dma_semaphore, #tpu.memory_space<semaphore_mem>>)
    %dma_start3A_155 = arith.constant 0 : i32
    %dma_start3A_156 = arith.constant 0 : i32
    %dma_start3A_157 = tpu.memref_slice %arg3[%dma_start3A_155, %dma_start3A_156] : memref<10000x16xf32, #tpu.memory_space<hbm>> -> memref<10000x16xf32, #tpu.memory_space<hbm>>
    tpu.enqueue_indirect_dma source(%dma_start3A_157 : memref<10000x16xf32, #tpu.memory_space<hbm>>) target(%arg14 : memref<1000x16xf32, #tpu.memory_space<vmem>>) offsets(%arg10 : memref<1000xi32, #tpu.memory_space<vmem>>) semaphore(%arg21 : memref<!tpu.dma_semaphore, #tpu.memory_space<semaphore_mem>>)
    %scan3A_158 = arith.constant 0 : i32
    %scan3A_159 = arith.constant 0 : i32
    %scan3A_160 = arith.constant 250 : i32
    %scan3A_161 = arith.addi %scan3A_159, %scan3A_160 : i32
    %scan3A_162 = arith.constant 1 : i32
    scf.for %scan3A_300 = %scan3A_159 to %scan3A_161 step %scan3A_162  : i32 {
      %mul3A_301 = arith.constant 4 : i32
      %mul3A_302 = arith.muli %scan3A_300, %mul3A_301 : i32
      %add3A_303 = arith.constant 0 : i32
      %add3A_304 = arith.addi %mul3A_302, %add3A_303 : i32
      %get3A = arith.index_cast %add3A_304 : i32 to index
      %get3A_305 = arith.constant 0 : index
      %get3A_306 = tpu.vector_load %arg11[%get3A, %get3A_305] {strides = array<i32>} : memref<1000x16xf32, #tpu.memory_space<vmem>>, vector<16xf32>,
      %add3A_307 = arith.constant 0 : i32
      %add3A_308 = arith.addi %mul3A_302, %add3A_307 : i32
      %get3A_309 = arith.index_cast %add3A_308 : i32 to index
      %get3A_310 = arith.constant 0 : index
      %get3A_311 = tpu.vector_load %arg13[%get3A_309, %get3A_310] {strides = array<i32>} : memref<1000x16xf32, #tpu.memory_space<vmem>>, vector<16xf32>,
      %add3A_312 = arith.addf %get3A_306, %get3A_311 : vector<16xf32>
      %broadcast_in_dim3A = arith.constant 0 : i32
      %broadcast_in_dim3A_313 = vector.broadcast %broadcast_in_dim3A : i32 to vector<16xi32>
      %add3A_314 = arith.constant 0 : i32
      %add3A_315 = arith.addi %mul3A_302, %add3A_314 : i32
      %add3A_316 = vector.broadcast %add3A_315 : i32 to vector<16xi32>
      %add3A_317 = arith.addi %broadcast_in_dim3A_313, %add3A_316 : vector<16xi32>
      tpu.vector_store_idx %arg15[%iota3A, %add3A_317], %add3A_312 : memref<16x1000xf32, #tpu.memory_space<vmem>>[vector<16xi32>, vector<16xi32>], vector<16xf32>,
      %add3A_318 = arith.constant 1 : i32
      %add3A_319 = arith.addi %mul3A_302, %add3A_318 : i32
      %get3A_320 = arith.index_cast %add3A_319 : i32 to index
      %get3A_321 = arith.constant 0 : index
      %get3A_322 = tpu.vector_load %arg11[%get3A_320, %get3A_321] {strides = array<i32>} : memref<1000x16xf32, #tpu.memory_space<vmem>>, vector<16xf32>,
      %add3A_323 = arith.constant 1 : i32
      %add3A_324 = arith.addi %mul3A_302, %add3A_323 : i32
      %get3A_325 = arith.index_cast %add3A_324 : i32 to index
      %get3A_326 = arith.constant 0 : index
      %get3A_327 = tpu.vector_load %arg13[%get3A_325, %get3A_326] {strides = array<i32>} : memref<1000x16xf32, #tpu.memory_space<vmem>>, vector<16xf32>,
      %add3A_328 = arith.addf %get3A_322, %get3A_327 : vector<16xf32>
      %broadcast_in_dim3A_329 = arith.constant 0 : i32
      %broadcast_in_dim3A_330 = vector.broadcast %broadcast_in_dim3A_329 : i32 to vector<16xi32>
      %add3A_331 = arith.constant 1 : i32
      %add3A_332 = arith.addi %mul3A_302, %add3A_331 : i32
      %add3A_333 = vector.broadcast %add3A_332 : i32 to vector<16xi32>
      %add3A_334 = arith.addi %broadcast_in_dim3A_330, %add3A_333 : vector<16xi32>
      tpu.vector_store_idx %arg15[%iota3A, %add3A_334], %add3A_328 : memref<16x1000xf32, #tpu.memory_space<vmem>>[vector<16xi32>, vector<16xi32>], vector<16xf32>,
      %add3A_335 = arith.constant 2 : i32
      %add3A_336 = arith.addi %mul3A_302, %add3A_335 : i32
      %get3A_337 = arith.index_cast %add3A_336 : i32 to index
      %get3A_338 = arith.constant 0 : index
      %get3A_339 = tpu.vector_load %arg11[%get3A_337, %get3A_338] {strides = array<i32>} : memref<1000x16xf32, #tpu.memory_space<vmem>>, vector<16xf32>,
      %add3A_340 = arith.constant 2 : i32
      %add3A_341 = arith.addi %mul3A_302, %add3A_340 : i32
      %get3A_342 = arith.index_cast %add3A_341 : i32 to index
      %get3A_343 = arith.constant 0 : index
      %get3A_344 = tpu.vector_load %arg13[%get3A_342, %get3A_343] {strides = array<i32>} : memref<1000x16xf32, #tpu.memory_space<vmem>>, vector<16xf32>,
      %add3A_345 = arith.addf %get3A_339, %get3A_344 : vector<16xf32>
      %broadcast_in_dim3A_346 = arith.constant 0 : i32
      %broadcast_in_dim3A_347 = vector.broadcast %broadcast_in_dim3A_346 : i32 to vector<16xi32>
      %add3A_348 = arith.constant 2 : i32
      %add3A_349 = arith.addi %mul3A_302, %add3A_348 : i32
      %add3A_350 = vector.broadcast %add3A_349 : i32 to vector<16xi32>
      %add3A_351 = arith.addi %broadcast_in_dim3A_347, %add3A_350 : vector<16xi32>
      tpu.vector_store_idx %arg15[%iota3A, %add3A_351], %add3A_345 : memref<16x1000xf32, #tpu.memory_space<vmem>>[vector<16xi32>, vector<16xi32>], vector<16xf32>,
      %add3A_352 = arith.constant 3 : i32
      %add3A_353 = arith.addi %mul3A_302, %add3A_352 : i32
      %get3A_354 = arith.index_cast %add3A_353 : i32 to index
      %get3A_355 = arith.constant 0 : index
      %get3A_356 = tpu.vector_load %arg11[%get3A_354, %get3A_355] {strides = array<i32>} : memref<1000x16xf32, #tpu.memory_space<vmem>>, vector<16xf32>,
      %add3A_357 = arith.constant 3 : i32
      %add3A_358 = arith.addi %mul3A_302, %add3A_357 : i32
      %get3A_359 = arith.index_cast %add3A_358 : i32 to index
      %get3A_360 = arith.constant 0 : index
      %get3A_361 = tpu.vector_load %arg13[%get3A_359, %get3A_360] {strides = array<i32>} : memref<1000x16xf32, #tpu.memory_space<vmem>>, vector<16xf32>,
      %add3A_362 = arith.addf %get3A_356, %get3A_361 : vector<16xf32>
      %broadcast_in_dim3A_363 = arith.constant 0 : i32
      %broadcast_in_dim3A_364 = vector.broadcast %broadcast_in_dim3A_363 : i32 to vector<16xi32>
      %add3A_365 = arith.constant 3 : i32
      %add3A_366 = arith.addi %mul3A_302, %add3A_365 : i32
      %add3A_367 = vector.broadcast %add3A_366 : i32 to vector<16xi32>
      %add3A_368 = arith.addi %broadcast_in_dim3A_364, %add3A_367 : vector<16xi32>
      tpu.vector_store_idx %arg15[%iota3A, %add3A_368], %add3A_362 : memref<16x1000xf32, #tpu.memory_space<vmem>>[vector<16xi32>, vector<16xi32>], vector<16xf32>,
    }
    %scan3A_163 = arith.constant 250 : i32
    %add3A_164 = arith.constant 4000 : i32
    %add3A_165 = arith.addi %mul3A_2, %add3A_164 : i32
    "tpu.region"() ({
      %run_scoped3A = tpu.sem_alloc : memref<!tpu.dma_semaphore, #tpu.memory_space<semaphore_mem>>
      %dma_start3A_300 = arith.constant 0 : i32
      %dma_start3A_301 = tpu.memref_slice %arg6[%dma_start3A_300, %add3A_165] : memref<16x327680xf32, #tpu.memory_space<hbm>> -> memref<16x1000xf32, #tpu.memory_space<hbm>>
      %dma_start3A_302 = arith.constant 0 : i32
      %dma_start3A_303 = tpu.memref_slice %arg6[%dma_start3A_302, %add3A_165] : memref<16x327680xf32, #tpu.memory_space<hbm>> -> memref<16x1000xf32, #tpu.memory_space<hbm>>
      tpu.enqueue_dma source(%arg15 : memref<16x1000xf32, #tpu.memory_space<vmem>>) target(%dma_start3A_303 : memref<16x1000xf32, #tpu.memory_space<hbm>>) target_semaphore(%run_scoped3A : memref<!tpu.dma_semaphore, #tpu.memory_space<semaphore_mem>>)
      %dma_wait3A_304 = arith.constant 0 : i32
      %dma_wait3A_305 = tpu.memref_slice %arg6[%dma_wait3A_304, %add3A_165] : memref<16x327680xf32, #tpu.memory_space<hbm>> -> memref<16x1000xf32, #tpu.memory_space<hbm>>
      %dma_wait3A_306 = arith.constant 0 : i32
      %dma_wait3A_307 = tpu.memref_slice %arg6[%dma_wait3A_306, %add3A_165] : memref<16x327680xf32, #tpu.memory_space<hbm>> -> memref<16x1000xf32, #tpu.memory_space<hbm>>
      tpu.wait_dma2 semaphore(%run_scoped3A : memref<!tpu.dma_semaphore, #tpu.memory_space<semaphore_mem>>) src(%arg15 : memref<16x1000xf32, #tpu.memory_space<vmem>>) dst(%dma_wait3A_307 : memref<16x1000xf32, #tpu.memory_space<hbm>>)
      tpu.yield
    }) : () -> ()
    %add3A_166 = arith.constant 6000 : i32
    %add3A_167 = arith.addi %mul3A_2, %add3A_166 : i32
    %dma_start3A_168 = tpu.memref_slice %arg4[%add3A_167] : memref<320000xi32, #tpu.memory_space<hbm>> -> memref<1000xi32, #tpu.memory_space<hbm>>
    %dma_start3A_169 = tpu.memref_slice %arg4[%add3A_167] : memref<320000xi32, #tpu.memory_space<hbm>> -> memref<1000xi32, #tpu.memory_space<hbm>>
    tpu.enqueue_dma source(%dma_start3A_169 : memref<1000xi32, #tpu.memory_space<hbm>>) target(%arg7 : memref<1000xi32, #tpu.memory_space<vmem>>) target_semaphore(%arg16 : memref<!tpu.dma_semaphore, #tpu.memory_space<semaphore_mem>>)
    %dma_start3A_170 = tpu.memref_slice %arg5[%add3A_167] : memref<320000xi32, #tpu.memory_space<hbm>> -> memref<1000xi32, #tpu.memory_space<hbm>>
    %dma_start3A_171 = tpu.memref_slice %arg5[%add3A_167] : memref<320000xi32, #tpu.memory_space<hbm>> -> memref<1000xi32, #tpu.memory_space<hbm>>
    tpu.enqueue_dma source(%dma_start3A_171 : memref<1000xi32, #tpu.memory_space<hbm>>) target(%arg9 : memref<1000xi32, #tpu.memory_space<vmem>>) target_semaphore(%arg16 : memref<!tpu.dma_semaphore, #tpu.memory_space<semaphore_mem>>)
    %dma_wait3A_172 = arith.constant 0 : i32
    %dma_wait3A_173 = arith.constant 0 : i32
    %dma_wait3A_174 = tpu.memref_slice %arg2[%dma_wait3A_172, %dma_wait3A_173] : memref<10000x16xf32, #tpu.memory_space<hbm>> -> memref<10000x16xf32, #tpu.memory_space<hbm>>
    tpu.wait_indirect_dma semaphore(%arg19 : memref<!tpu.dma_semaphore, #tpu.memory_space<semaphore_mem>>) src(%dma_wait3A_174 : memref<10000x16xf32, #tpu.memory_space<hbm>>) dst(%arg12 : memref<1000x16xf32, #tpu.memory_space<vmem>>)
    %dma_wait3A_175 = arith.constant 0 : i32
    %dma_wait3A_176 = arith.constant 0 : i32
    %dma_wait3A_177 = tpu.memref_slice %arg3[%dma_wait3A_175, %dma_wait3A_176] : memref<10000x16xf32, #tpu.memory_space<hbm>> -> memref<10000x16xf32, #tpu.memory_space<hbm>>
    tpu.wait_indirect_dma semaphore(%arg21 : memref<!tpu.dma_semaphore, #tpu.memory_space<semaphore_mem>>) src(%dma_wait3A_177 : memref<10000x16xf32, #tpu.memory_space<hbm>>) dst(%arg14 : memref<1000x16xf32, #tpu.memory_space<vmem>>)
    %dma_wait3A_178 = tpu.memref_slice %arg4[%add3A_167] : memref<320000xi32, #tpu.memory_space<hbm>> -> memref<1000xi32, #tpu.memory_space<hbm>>
    %dma_wait3A_179 = tpu.memref_slice %arg4[%add3A_167] : memref<320000xi32, #tpu.memory_space<hbm>> -> memref<1000xi32, #tpu.memory_space<hbm>>
    tpu.wait_dma2 semaphore(%arg16 : memref<!tpu.dma_semaphore, #tpu.memory_space<semaphore_mem>>) src(%dma_wait3A_179 : memref<1000xi32, #tpu.memory_space<hbm>>) dst(%arg7 : memref<1000xi32, #tpu.memory_space<vmem>>)
    %dma_wait3A_180 = tpu.memref_slice %arg5[%add3A_167] : memref<320000xi32, #tpu.memory_space<hbm>> -> memref<1000xi32, #tpu.memory_space<hbm>>
    %dma_wait3A_181 = tpu.memref_slice %arg5[%add3A_167] : memref<320000xi32, #tpu.memory_space<hbm>> -> memref<1000xi32, #tpu.memory_space<hbm>>
    tpu.wait_dma2 semaphore(%arg16 : memref<!tpu.dma_semaphore, #tpu.memory_space<semaphore_mem>>) src(%dma_wait3A_181 : memref<1000xi32, #tpu.memory_space<hbm>>) dst(%arg9 : memref<1000xi32, #tpu.memory_space<vmem>>)
    %dma_start3A_182 = arith.constant 0 : i32
    %dma_start3A_183 = arith.constant 0 : i32
    %dma_start3A_184 = tpu.memref_slice %arg2[%dma_start3A_182, %dma_start3A_183] : memref<10000x16xf32, #tpu.memory_space<hbm>> -> memref<10000x16xf32, #tpu.memory_space<hbm>>
    tpu.enqueue_indirect_dma source(%dma_start3A_184 : memref<10000x16xf32, #tpu.memory_space<hbm>>) target(%arg11 : memref<1000x16xf32, #tpu.memory_space<vmem>>) offsets(%arg7 : memref<1000xi32, #tpu.memory_space<vmem>>) semaphore(%arg18 : memref<!tpu.dma_semaphore, #tpu.memory_space<semaphore_mem>>)
    %dma_start3A_185 = arith.constant 0 : i32
    %dma_start3A_186 = arith.constant 0 : i32
    %dma_start3A_187 = tpu.memref_slice %arg3[%dma_start3A_185, %dma_start3A_186] : memref<10000x16xf32, #tpu.memory_space<hbm>> -> memref<10000x16xf32, #tpu.memory_space<hbm>>
    tpu.enqueue_indirect_dma source(%dma_start3A_187 : memref<10000x16xf32, #tpu.memory_space<hbm>>) target(%arg13 : memref<1000x16xf32, #tpu.memory_space<vmem>>) offsets(%arg9 : memref<1000xi32, #tpu.memory_space<vmem>>) semaphore(%arg20 : memref<!tpu.dma_semaphore, #tpu.memory_space<semaphore_mem>>)
    %scan3A_188 = arith.constant 0 : i32
    %scan3A_189 = arith.constant 0 : i32
    %scan3A_190 = arith.constant 250 : i32
    %scan3A_191 = arith.addi %scan3A_189, %scan3A_190 : i32
    %scan3A_192 = arith.constant 1 : i32
    scf.for %scan3A_300 = %scan3A_189 to %scan3A_191 step %scan3A_192  : i32 {
      %mul3A_301 = arith.constant 4 : i32
      %mul3A_302 = arith.muli %scan3A_300, %mul3A_301 : i32
      %add3A_303 = arith.constant 0 : i32
      %add3A_304 = arith.addi %mul3A_302, %add3A_303 : i32
      %get3A = arith.index_cast %add3A_304 : i32 to index
      %get3A_305 = arith.constant 0 : index
      %get3A_306 = tpu.vector_load %arg12[%get3A, %get3A_305] {strides = array<i32>} : memref<1000x16xf32, #tpu.memory_space<vmem>>, vector<16xf32>,
      %add3A_307 = arith.constant 0 : i32
      %add3A_308 = arith.addi %mul3A_302, %add3A_307 : i32
      %get3A_309 = arith.index_cast %add3A_308 : i32 to index
      %get3A_310 = arith.constant 0 : index
      %get3A_311 = tpu.vector_load %arg14[%get3A_309, %get3A_310] {strides = array<i32>} : memref<1000x16xf32, #tpu.memory_space<vmem>>, vector<16xf32>,
      %add3A_312 = arith.addf %get3A_306, %get3A_311 : vector<16xf32>
      %broadcast_in_dim3A = arith.constant 0 : i32
      %broadcast_in_dim3A_313 = vector.broadcast %broadcast_in_dim3A : i32 to vector<16xi32>
      %add3A_314 = arith.constant 0 : i32
      %add3A_315 = arith.addi %mul3A_302, %add3A_314 : i32
      %add3A_316 = vector.broadcast %add3A_315 : i32 to vector<16xi32>
      %add3A_317 = arith.addi %broadcast_in_dim3A_313, %add3A_316 : vector<16xi32>
      tpu.vector_store_idx %arg15[%iota3A, %add3A_317], %add3A_312 : memref<16x1000xf32, #tpu.memory_space<vmem>>[vector<16xi32>, vector<16xi32>], vector<16xf32>,
      %add3A_318 = arith.constant 1 : i32
      %add3A_319 = arith.addi %mul3A_302, %add3A_318 : i32
      %get3A_320 = arith.index_cast %add3A_319 : i32 to index
      %get3A_321 = arith.constant 0 : index
      %get3A_322 = tpu.vector_load %arg12[%get3A_320, %get3A_321] {strides = array<i32>} : memref<1000x16xf32, #tpu.memory_space<vmem>>, vector<16xf32>,
      %add3A_323 = arith.constant 1 : i32
      %add3A_324 = arith.addi %mul3A_302, %add3A_323 : i32
      %get3A_325 = arith.index_cast %add3A_324 : i32 to index
      %get3A_326 = arith.constant 0 : index
      %get3A_327 = tpu.vector_load %arg14[%get3A_325, %get3A_326] {strides = array<i32>} : memref<1000x16xf32, #tpu.memory_space<vmem>>, vector<16xf32>,
      %add3A_328 = arith.addf %get3A_322, %get3A_327 : vector<16xf32>
      %broadcast_in_dim3A_329 = arith.constant 0 : i32
      %broadcast_in_dim3A_330 = vector.broadcast %broadcast_in_dim3A_329 : i32 to vector<16xi32>
      %add3A_331 = arith.constant 1 : i32
      %add3A_332 = arith.addi %mul3A_302, %add3A_331 : i32
      %add3A_333 = vector.broadcast %add3A_332 : i32 to vector<16xi32>
      %add3A_334 = arith.addi %broadcast_in_dim3A_330, %add3A_333 : vector<16xi32>
      tpu.vector_store_idx %arg15[%iota3A, %add3A_334], %add3A_328 : memref<16x1000xf32, #tpu.memory_space<vmem>>[vector<16xi32>, vector<16xi32>], vector<16xf32>,
      %add3A_335 = arith.constant 2 : i32
      %add3A_336 = arith.addi %mul3A_302, %add3A_335 : i32
      %get3A_337 = arith.index_cast %add3A_336 : i32 to index
      %get3A_338 = arith.constant 0 : index
      %get3A_339 = tpu.vector_load %arg12[%get3A_337, %get3A_338] {strides = array<i32>} : memref<1000x16xf32, #tpu.memory_space<vmem>>, vector<16xf32>,
      %add3A_340 = arith.constant 2 : i32
      %add3A_341 = arith.addi %mul3A_302, %add3A_340 : i32
      %get3A_342 = arith.index_cast %add3A_341 : i32 to index
      %get3A_343 = arith.constant 0 : index
      %get3A_344 = tpu.vector_load %arg14[%get3A_342, %get3A_343] {strides = array<i32>} : memref<1000x16xf32, #tpu.memory_space<vmem>>, vector<16xf32>,
      %add3A_345 = arith.addf %get3A_339, %get3A_344 : vector<16xf32>
      %broadcast_in_dim3A_346 = arith.constant 0 : i32
      %broadcast_in_dim3A_347 = vector.broadcast %broadcast_in_dim3A_346 : i32 to vector<16xi32>
      %add3A_348 = arith.constant 2 : i32
      %add3A_349 = arith.addi %mul3A_302, %add3A_348 : i32
      %add3A_350 = vector.broadcast %add3A_349 : i32 to vector<16xi32>
      %add3A_351 = arith.addi %broadcast_in_dim3A_347, %add3A_350 : vector<16xi32>
      tpu.vector_store_idx %arg15[%iota3A, %add3A_351], %add3A_345 : memref<16x1000xf32, #tpu.memory_space<vmem>>[vector<16xi32>, vector<16xi32>], vector<16xf32>,
      %add3A_352 = arith.constant 3 : i32
      %add3A_353 = arith.addi %mul3A_302, %add3A_352 : i32
      %get3A_354 = arith.index_cast %add3A_353 : i32 to index
      %get3A_355 = arith.constant 0 : index
      %get3A_356 = tpu.vector_load %arg12[%get3A_354, %get3A_355] {strides = array<i32>} : memref<1000x16xf32, #tpu.memory_space<vmem>>, vector<16xf32>,
      %add3A_357 = arith.constant 3 : i32
      %add3A_358 = arith.addi %mul3A_302, %add3A_357 : i32
      %get3A_359 = arith.index_cast %add3A_358 : i32 to index
      %get3A_360 = arith.constant 0 : index
      %get3A_361 = tpu.vector_load %arg14[%get3A_359, %get3A_360] {strides = array<i32>} : memref<1000x16xf32, #tpu.memory_space<vmem>>, vector<16xf32>,
      %add3A_362 = arith.addf %get3A_356, %get3A_361 : vector<16xf32>
      %broadcast_in_dim3A_363 = arith.constant 0 : i32
      %broadcast_in_dim3A_364 = vector.broadcast %broadcast_in_dim3A_363 : i32 to vector<16xi32>
      %add3A_365 = arith.constant 3 : i32
      %add3A_366 = arith.addi %mul3A_302, %add3A_365 : i32
      %add3A_367 = vector.broadcast %add3A_366 : i32 to vector<16xi32>
      %add3A_368 = arith.addi %broadcast_in_dim3A_364, %add3A_367 : vector<16xi32>
      tpu.vector_store_idx %arg15[%iota3A, %add3A_368], %add3A_362 : memref<16x1000xf32, #tpu.memory_space<vmem>>[vector<16xi32>, vector<16xi32>], vector<16xf32>,
    }
    %scan3A_193 = arith.constant 250 : i32
    %add3A_194 = arith.constant 5000 : i32
    %add3A_195 = arith.addi %mul3A_2, %add3A_194 : i32
    "tpu.region"() ({
      %run_scoped3A = tpu.sem_alloc : memref<!tpu.dma_semaphore, #tpu.memory_space<semaphore_mem>>
      %dma_start3A_300 = arith.constant 0 : i32
      %dma_start3A_301 = tpu.memref_slice %arg6[%dma_start3A_300, %add3A_195] : memref<16x327680xf32, #tpu.memory_space<hbm>> -> memref<16x1000xf32, #tpu.memory_space<hbm>>
      %dma_start3A_302 = arith.constant 0 : i32
      %dma_start3A_303 = tpu.memref_slice %arg6[%dma_start3A_302, %add3A_195] : memref<16x327680xf32, #tpu.memory_space<hbm>> -> memref<16x1000xf32, #tpu.memory_space<hbm>>
      tpu.enqueue_dma source(%arg15 : memref<16x1000xf32, #tpu.memory_space<vmem>>) target(%dma_start3A_303 : memref<16x1000xf32, #tpu.memory_space<hbm>>) target_semaphore(%run_scoped3A : memref<!tpu.dma_semaphore, #tpu.memory_space<semaphore_mem>>)
      %dma_wait3A_304 = arith.constant 0 : i32
      %dma_wait3A_305 = tpu.memref_slice %arg6[%dma_wait3A_304, %add3A_195] : memref<16x327680xf32, #tpu.memory_space<hbm>> -> memref<16x1000xf32, #tpu.memory_space<hbm>>
      %dma_wait3A_306 = arith.constant 0 : i32
      %dma_wait3A_307 = tpu.memref_slice %arg6[%dma_wait3A_306, %add3A_195] : memref<16x327680xf32, #tpu.memory_space<hbm>> -> memref<16x1000xf32, #tpu.memory_space<hbm>>
      tpu.wait_dma2 semaphore(%run_scoped3A : memref<!tpu.dma_semaphore, #tpu.memory_space<semaphore_mem>>) src(%arg15 : memref<16x1000xf32, #tpu.memory_space<vmem>>) dst(%dma_wait3A_307 : memref<16x1000xf32, #tpu.memory_space<hbm>>)
      tpu.yield
    }) : () -> ()
    %add3A_196 = arith.constant 7000 : i32
    %add3A_197 = arith.addi %mul3A_2, %add3A_196 : i32
    %dma_start3A_198 = tpu.memref_slice %arg4[%add3A_197] : memref<320000xi32, #tpu.memory_space<hbm>> -> memref<1000xi32, #tpu.memory_space<hbm>>
    %dma_start3A_199 = tpu.memref_slice %arg4[%add3A_197] : memref<320000xi32, #tpu.memory_space<hbm>> -> memref<1000xi32, #tpu.memory_space<hbm>>
    tpu.enqueue_dma source(%dma_start3A_199 : memref<1000xi32, #tpu.memory_space<hbm>>) target(%arg8 : memref<1000xi32, #tpu.memory_space<vmem>>) target_semaphore(%arg17 : memref<!tpu.dma_semaphore, #tpu.memory_space<semaphore_mem>>)
    %dma_start3A_200 = tpu.memref_slice %arg5[%add3A_197] : memref<320000xi32, #tpu.memory_space<hbm>> -> memref<1000xi32, #tpu.memory_space<hbm>>
    %dma_start3A_201 = tpu.memref_slice %arg5[%add3A_197] : memref<320000xi32, #tpu.memory_space<hbm>> -> memref<1000xi32, #tpu.memory_space<hbm>>
    tpu.enqueue_dma source(%dma_start3A_201 : memref<1000xi32, #tpu.memory_space<hbm>>) target(%arg10 : memref<1000xi32, #tpu.memory_space<vmem>>) target_semaphore(%arg17 : memref<!tpu.dma_semaphore, #tpu.memory_space<semaphore_mem>>)
    %dma_wait3A_202 = arith.constant 0 : i32
    %dma_wait3A_203 = arith.constant 0 : i32
    %dma_wait3A_204 = tpu.memref_slice %arg2[%dma_wait3A_202, %dma_wait3A_203] : memref<10000x16xf32, #tpu.memory_space<hbm>> -> memref<10000x16xf32, #tpu.memory_space<hbm>>
    tpu.wait_indirect_dma semaphore(%arg18 : memref<!tpu.dma_semaphore, #tpu.memory_space<semaphore_mem>>) src(%dma_wait3A_204 : memref<10000x16xf32, #tpu.memory_space<hbm>>) dst(%arg11 : memref<1000x16xf32, #tpu.memory_space<vmem>>)
    %dma_wait3A_205 = arith.constant 0 : i32
    %dma_wait3A_206 = arith.constant 0 : i32
    %dma_wait3A_207 = tpu.memref_slice %arg3[%dma_wait3A_205, %dma_wait3A_206] : memref<10000x16xf32, #tpu.memory_space<hbm>> -> memref<10000x16xf32, #tpu.memory_space<hbm>>
    tpu.wait_indirect_dma semaphore(%arg20 : memref<!tpu.dma_semaphore, #tpu.memory_space<semaphore_mem>>) src(%dma_wait3A_207 : memref<10000x16xf32, #tpu.memory_space<hbm>>) dst(%arg13 : memref<1000x16xf32, #tpu.memory_space<vmem>>)
    %dma_wait3A_208 = tpu.memref_slice %arg4[%add3A_197] : memref<320000xi32, #tpu.memory_space<hbm>> -> memref<1000xi32, #tpu.memory_space<hbm>>
    %dma_wait3A_209 = tpu.memref_slice %arg4[%add3A_197] : memref<320000xi32, #tpu.memory_space<hbm>> -> memref<1000xi32, #tpu.memory_space<hbm>>
    tpu.wait_dma2 semaphore(%arg17 : memref<!tpu.dma_semaphore, #tpu.memory_space<semaphore_mem>>) src(%dma_wait3A_209 : memref<1000xi32, #tpu.memory_space<hbm>>) dst(%arg8 : memref<1000xi32, #tpu.memory_space<vmem>>)
    %dma_wait3A_210 = tpu.memref_slice %arg5[%add3A_197] : memref<320000xi32, #tpu.memory_space<hbm>> -> memref<1000xi32, #tpu.memory_space<hbm>>
    %dma_wait3A_211 = tpu.memref_slice %arg5[%add3A_197] : memref<320000xi32, #tpu.memory_space<hbm>> -> memref<1000xi32, #tpu.memory_space<hbm>>
    tpu.wait_dma2 semaphore(%arg17 : memref<!tpu.dma_semaphore, #tpu.memory_space<semaphore_mem>>) src(%dma_wait3A_211 : memref<1000xi32, #tpu.memory_space<hbm>>) dst(%arg10 : memref<1000xi32, #tpu.memory_space<vmem>>)
    %dma_start3A_212 = arith.constant 0 : i32
    %dma_start3A_213 = arith.constant 0 : i32
    %dma_start3A_214 = tpu.memref_slice %arg2[%dma_start3A_212, %dma_start3A_213] : memref<10000x16xf32, #tpu.memory_space<hbm>> -> memref<10000x16xf32, #tpu.memory_space<hbm>>
    tpu.enqueue_indirect_dma source(%dma_start3A_214 : memref<10000x16xf32, #tpu.memory_space<hbm>>) target(%arg12 : memref<1000x16xf32, #tpu.memory_space<vmem>>) offsets(%arg8 : memref<1000xi32, #tpu.memory_space<vmem>>) semaphore(%arg19 : memref<!tpu.dma_semaphore, #tpu.memory_space<semaphore_mem>>)
    %dma_start3A_215 = arith.constant 0 : i32
    %dma_start3A_216 = arith.constant 0 : i32
    %dma_start3A_217 = tpu.memref_slice %arg3[%dma_start3A_215, %dma_start3A_216] : memref<10000x16xf32, #tpu.memory_space<hbm>> -> memref<10000x16xf32, #tpu.memory_space<hbm>>
    tpu.enqueue_indirect_dma source(%dma_start3A_217 : memref<10000x16xf32, #tpu.memory_space<hbm>>) target(%arg14 : memref<1000x16xf32, #tpu.memory_space<vmem>>) offsets(%arg10 : memref<1000xi32, #tpu.memory_space<vmem>>) semaphore(%arg21 : memref<!tpu.dma_semaphore, #tpu.memory_space<semaphore_mem>>)
    %scan3A_218 = arith.constant 0 : i32
    %scan3A_219 = arith.constant 0 : i32
    %scan3A_220 = arith.constant 250 : i32
    %scan3A_221 = arith.addi %scan3A_219, %scan3A_220 : i32
    %scan3A_222 = arith.constant 1 : i32
    scf.for %scan3A_300 = %scan3A_219 to %scan3A_221 step %scan3A_222  : i32 {
      %mul3A_301 = arith.constant 4 : i32
      %mul3A_302 = arith.muli %scan3A_300, %mul3A_301 : i32
      %add3A_303 = arith.constant 0 : i32
      %add3A_304 = arith.addi %mul3A_302, %add3A_303 : i32
      %get3A = arith.index_cast %add3A_304 : i32 to index
      %get3A_305 = arith.constant 0 : index
      %get3A_306 = tpu.vector_load %arg11[%get3A, %get3A_305] {strides = array<i32>} : memref<1000x16xf32, #tpu.memory_space<vmem>>, vector<16xf32>,
      %add3A_307 = arith.constant 0 : i32
      %add3A_308 = arith.addi %mul3A_302, %add3A_307 : i32
      %get3A_309 = arith.index_cast %add3A_308 : i32 to index
      %get3A_310 = arith.constant 0 : index
      %get3A_311 = tpu.vector_load %arg13[%get3A_309, %get3A_310] {strides = array<i32>} : memref<1000x16xf32, #tpu.memory_space<vmem>>, vector<16xf32>,
      %add3A_312 = arith.addf %get3A_306, %get3A_311 : vector<16xf32>
      %broadcast_in_dim3A = arith.constant 0 : i32
      %broadcast_in_dim3A_313 = vector.broadcast %broadcast_in_dim3A : i32 to vector<16xi32>
      %add3A_314 = arith.constant 0 : i32
      %add3A_315 = arith.addi %mul3A_302, %add3A_314 : i32
      %add3A_316 = vector.broadcast %add3A_315 : i32 to vector<16xi32>
      %add3A_317 = arith.addi %broadcast_in_dim3A_313, %add3A_316 : vector<16xi32>
      tpu.vector_store_idx %arg15[%iota3A, %add3A_317], %add3A_312 : memref<16x1000xf32, #tpu.memory_space<vmem>>[vector<16xi32>, vector<16xi32>], vector<16xf32>,
      %add3A_318 = arith.constant 1 : i32
      %add3A_319 = arith.addi %mul3A_302, %add3A_318 : i32
      %get3A_320 = arith.index_cast %add3A_319 : i32 to index
      %get3A_321 = arith.constant 0 : index
      %get3A_322 = tpu.vector_load %arg11[%get3A_320, %get3A_321] {strides = array<i32>} : memref<1000x16xf32, #tpu.memory_space<vmem>>, vector<16xf32>,
      %add3A_323 = arith.constant 1 : i32
      %add3A_324 = arith.addi %mul3A_302, %add3A_323 : i32
      %get3A_325 = arith.index_cast %add3A_324 : i32 to index
      %get3A_326 = arith.constant 0 : index
      %get3A_327 = tpu.vector_load %arg13[%get3A_325, %get3A_326] {strides = array<i32>} : memref<1000x16xf32, #tpu.memory_space<vmem>>, vector<16xf32>,
      %add3A_328 = arith.addf %get3A_322, %get3A_327 : vector<16xf32>
      %broadcast_in_dim3A_329 = arith.constant 0 : i32
      %broadcast_in_dim3A_330 = vector.broadcast %broadcast_in_dim3A_329 : i32 to vector<16xi32>
      %add3A_331 = arith.constant 1 : i32
      %add3A_332 = arith.addi %mul3A_302, %add3A_331 : i32
      %add3A_333 = vector.broadcast %add3A_332 : i32 to vector<16xi32>
      %add3A_334 = arith.addi %broadcast_in_dim3A_330, %add3A_333 : vector<16xi32>
      tpu.vector_store_idx %arg15[%iota3A, %add3A_334], %add3A_328 : memref<16x1000xf32, #tpu.memory_space<vmem>>[vector<16xi32>, vector<16xi32>], vector<16xf32>,
      %add3A_335 = arith.constant 2 : i32
      %add3A_336 = arith.addi %mul3A_302, %add3A_335 : i32
      %get3A_337 = arith.index_cast %add3A_336 : i32 to index
      %get3A_338 = arith.constant 0 : index
      %get3A_339 = tpu.vector_load %arg11[%get3A_337, %get3A_338] {strides = array<i32>} : memref<1000x16xf32, #tpu.memory_space<vmem>>, vector<16xf32>,
      %add3A_340 = arith.constant 2 : i32
      %add3A_341 = arith.addi %mul3A_302, %add3A_340 : i32
      %get3A_342 = arith.index_cast %add3A_341 : i32 to index
      %get3A_343 = arith.constant 0 : index
      %get3A_344 = tpu.vector_load %arg13[%get3A_342, %get3A_343] {strides = array<i32>} : memref<1000x16xf32, #tpu.memory_space<vmem>>, vector<16xf32>,
      %add3A_345 = arith.addf %get3A_339, %get3A_344 : vector<16xf32>
      %broadcast_in_dim3A_346 = arith.constant 0 : i32
      %broadcast_in_dim3A_347 = vector.broadcast %broadcast_in_dim3A_346 : i32 to vector<16xi32>
      %add3A_348 = arith.constant 2 : i32
      %add3A_349 = arith.addi %mul3A_302, %add3A_348 : i32
      %add3A_350 = vector.broadcast %add3A_349 : i32 to vector<16xi32>
      %add3A_351 = arith.addi %broadcast_in_dim3A_347, %add3A_350 : vector<16xi32>
      tpu.vector_store_idx %arg15[%iota3A, %add3A_351], %add3A_345 : memref<16x1000xf32, #tpu.memory_space<vmem>>[vector<16xi32>, vector<16xi32>], vector<16xf32>,
      %add3A_352 = arith.constant 3 : i32
      %add3A_353 = arith.addi %mul3A_302, %add3A_352 : i32
      %get3A_354 = arith.index_cast %add3A_353 : i32 to index
      %get3A_355 = arith.constant 0 : index
      %get3A_356 = tpu.vector_load %arg11[%get3A_354, %get3A_355] {strides = array<i32>} : memref<1000x16xf32, #tpu.memory_space<vmem>>, vector<16xf32>,
      %add3A_357 = arith.constant 3 : i32
      %add3A_358 = arith.addi %mul3A_302, %add3A_357 : i32
      %get3A_359 = arith.index_cast %add3A_358 : i32 to index
      %get3A_360 = arith.constant 0 : index
      %get3A_361 = tpu.vector_load %arg13[%get3A_359, %get3A_360] {strides = array<i32>} : memref<1000x16xf32, #tpu.memory_space<vmem>>, vector<16xf32>,
      %add3A_362 = arith.addf %get3A_356, %get3A_361 : vector<16xf32>
      %broadcast_in_dim3A_363 = arith.constant 0 : i32
      %broadcast_in_dim3A_364 = vector.broadcast %broadcast_in_dim3A_363 : i32 to vector<16xi32>
      %add3A_365 = arith.constant 3 : i32
      %add3A_366 = arith.addi %mul3A_302, %add3A_365 : i32
      %add3A_367 = vector.broadcast %add3A_366 : i32 to vector<16xi32>
      %add3A_368 = arith.addi %broadcast_in_dim3A_364, %add3A_367 : vector<16xi32>
      tpu.vector_store_idx %arg15[%iota3A, %add3A_368], %add3A_362 : memref<16x1000xf32, #tpu.memory_space<vmem>>[vector<16xi32>, vector<16xi32>], vector<16xf32>,
    }
    %scan3A_223 = arith.constant 250 : i32
    %add3A_224 = arith.constant 6000 : i32
    %add3A_225 = arith.addi %mul3A_2, %add3A_224 : i32
    "tpu.region"() ({
      %run_scoped3A = tpu.sem_alloc : memref<!tpu.dma_semaphore, #tpu.memory_space<semaphore_mem>>
      %dma_start3A_300 = arith.constant 0 : i32
      %dma_start3A_301 = tpu.memref_slice %arg6[%dma_start3A_300, %add3A_225] : memref<16x327680xf32, #tpu.memory_space<hbm>> -> memref<16x1000xf32, #tpu.memory_space<hbm>>
      %dma_start3A_302 = arith.constant 0 : i32
      %dma_start3A_303 = tpu.memref_slice %arg6[%dma_start3A_302, %add3A_225] : memref<16x327680xf32, #tpu.memory_space<hbm>> -> memref<16x1000xf32, #tpu.memory_space<hbm>>
      tpu.enqueue_dma source(%arg15 : memref<16x1000xf32, #tpu.memory_space<vmem>>) target(%dma_start3A_303 : memref<16x1000xf32, #tpu.memory_space<hbm>>) target_semaphore(%run_scoped3A : memref<!tpu.dma_semaphore, #tpu.memory_space<semaphore_mem>>)
      %dma_wait3A_304 = arith.constant 0 : i32
      %dma_wait3A_305 = tpu.memref_slice %arg6[%dma_wait3A_304, %add3A_225] : memref<16x327680xf32, #tpu.memory_space<hbm>> -> memref<16x1000xf32, #tpu.memory_space<hbm>>
      %dma_wait3A_306 = arith.constant 0 : i32
      %dma_wait3A_307 = tpu.memref_slice %arg6[%dma_wait3A_306, %add3A_225] : memref<16x327680xf32, #tpu.memory_space<hbm>> -> memref<16x1000xf32, #tpu.memory_space<hbm>>
      tpu.wait_dma2 semaphore(%run_scoped3A : memref<!tpu.dma_semaphore, #tpu.memory_space<semaphore_mem>>) src(%arg15 : memref<16x1000xf32, #tpu.memory_space<vmem>>) dst(%dma_wait3A_307 : memref<16x1000xf32, #tpu.memory_space<hbm>>)
      tpu.yield
    }) : () -> ()
    %add3A_226 = arith.constant 8000 : i32
    %add3A_227 = arith.addi %mul3A_2, %add3A_226 : i32
    %dma_start3A_228 = tpu.memref_slice %arg4[%add3A_227] : memref<320000xi32, #tpu.memory_space<hbm>> -> memref<1000xi32, #tpu.memory_space<hbm>>
    %dma_start3A_229 = tpu.memref_slice %arg4[%add3A_227] : memref<320000xi32, #tpu.memory_space<hbm>> -> memref<1000xi32, #tpu.memory_space<hbm>>
    tpu.enqueue_dma source(%dma_start3A_229 : memref<1000xi32, #tpu.memory_space<hbm>>) target(%arg7 : memref<1000xi32, #tpu.memory_space<vmem>>) target_semaphore(%arg16 : memref<!tpu.dma_semaphore, #tpu.memory_space<semaphore_mem>>)
    %dma_start3A_230 = tpu.memref_slice %arg5[%add3A_227] : memref<320000xi32, #tpu.memory_space<hbm>> -> memref<1000xi32, #tpu.memory_space<hbm>>
    %dma_start3A_231 = tpu.memref_slice %arg5[%add3A_227] : memref<320000xi32, #tpu.memory_space<hbm>> -> memref<1000xi32, #tpu.memory_space<hbm>>
    tpu.enqueue_dma source(%dma_start3A_231 : memref<1000xi32, #tpu.memory_space<hbm>>) target(%arg9 : memref<1000xi32, #tpu.memory_space<vmem>>) target_semaphore(%arg16 : memref<!tpu.dma_semaphore, #tpu.memory_space<semaphore_mem>>)
    %dma_wait3A_232 = arith.constant 0 : i32
    %dma_wait3A_233 = arith.constant 0 : i32
    %dma_wait3A_234 = tpu.memref_slice %arg2[%dma_wait3A_232, %dma_wait3A_233] : memref<10000x16xf32, #tpu.memory_space<hbm>> -> memref<10000x16xf32, #tpu.memory_space<hbm>>
    tpu.wait_indirect_dma semaphore(%arg19 : memref<!tpu.dma_semaphore, #tpu.memory_space<semaphore_mem>>) src(%dma_wait3A_234 : memref<10000x16xf32, #tpu.memory_space<hbm>>) dst(%arg12 : memref<1000x16xf32, #tpu.memory_space<vmem>>)
    %dma_wait3A_235 = arith.constant 0 : i32
    %dma_wait3A_236 = arith.constant 0 : i32
    %dma_wait3A_237 = tpu.memref_slice %arg3[%dma_wait3A_235, %dma_wait3A_236] : memref<10000x16xf32, #tpu.memory_space<hbm>> -> memref<10000x16xf32, #tpu.memory_space<hbm>>
    tpu.wait_indirect_dma semaphore(%arg21 : memref<!tpu.dma_semaphore, #tpu.memory_space<semaphore_mem>>) src(%dma_wait3A_237 : memref<10000x16xf32, #tpu.memory_space<hbm>>) dst(%arg14 : memref<1000x16xf32, #tpu.memory_space<vmem>>)
    %dma_wait3A_238 = tpu.memref_slice %arg4[%add3A_227] : memref<320000xi32, #tpu.memory_space<hbm>> -> memref<1000xi32, #tpu.memory_space<hbm>>
    %dma_wait3A_239 = tpu.memref_slice %arg4[%add3A_227] : memref<320000xi32, #tpu.memory_space<hbm>> -> memref<1000xi32, #tpu.memory_space<hbm>>
    tpu.wait_dma2 semaphore(%arg16 : memref<!tpu.dma_semaphore, #tpu.memory_space<semaphore_mem>>) src(%dma_wait3A_239 : memref<1000xi32, #tpu.memory_space<hbm>>) dst(%arg7 : memref<1000xi32, #tpu.memory_space<vmem>>)
    %dma_wait3A_240 = tpu.memref_slice %arg5[%add3A_227] : memref<320000xi32, #tpu.memory_space<hbm>> -> memref<1000xi32, #tpu.memory_space<hbm>>
    %dma_wait3A_241 = tpu.memref_slice %arg5[%add3A_227] : memref<320000xi32, #tpu.memory_space<hbm>> -> memref<1000xi32, #tpu.memory_space<hbm>>
    tpu.wait_dma2 semaphore(%arg16 : memref<!tpu.dma_semaphore, #tpu.memory_space<semaphore_mem>>) src(%dma_wait3A_241 : memref<1000xi32, #tpu.memory_space<hbm>>) dst(%arg9 : memref<1000xi32, #tpu.memory_space<vmem>>)
    %dma_start3A_242 = arith.constant 0 : i32
    %dma_start3A_243 = arith.constant 0 : i32
    %dma_start3A_244 = tpu.memref_slice %arg2[%dma_start3A_242, %dma_start3A_243] : memref<10000x16xf32, #tpu.memory_space<hbm>> -> memref<10000x16xf32, #tpu.memory_space<hbm>>
    tpu.enqueue_indirect_dma source(%dma_start3A_244 : memref<10000x16xf32, #tpu.memory_space<hbm>>) target(%arg11 : memref<1000x16xf32, #tpu.memory_space<vmem>>) offsets(%arg7 : memref<1000xi32, #tpu.memory_space<vmem>>) semaphore(%arg18 : memref<!tpu.dma_semaphore, #tpu.memory_space<semaphore_mem>>)
    %dma_start3A_245 = arith.constant 0 : i32
    %dma_start3A_246 = arith.constant 0 : i32
    %dma_start3A_247 = tpu.memref_slice %arg3[%dma_start3A_245, %dma_start3A_246] : memref<10000x16xf32, #tpu.memory_space<hbm>> -> memref<10000x16xf32, #tpu.memory_space<hbm>>
    tpu.enqueue_indirect_dma source(%dma_start3A_247 : memref<10000x16xf32, #tpu.memory_space<hbm>>) target(%arg13 : memref<1000x16xf32, #tpu.memory_space<vmem>>) offsets(%arg9 : memref<1000xi32, #tpu.memory_space<vmem>>) semaphore(%arg20 : memref<!tpu.dma_semaphore, #tpu.memory_space<semaphore_mem>>)
    %scan3A_248 = arith.constant 0 : i32
    %scan3A_249 = arith.constant 0 : i32
    %scan3A_250 = arith.constant 250 : i32
    %scan3A_251 = arith.addi %scan3A_249, %scan3A_250 : i32
    %scan3A_252 = arith.constant 1 : i32
    scf.for %scan3A_300 = %scan3A_249 to %scan3A_251 step %scan3A_252  : i32 {
      %mul3A_301 = arith.constant 4 : i32
      %mul3A_302 = arith.muli %scan3A_300, %mul3A_301 : i32
      %add3A_303 = arith.constant 0 : i32
      %add3A_304 = arith.addi %mul3A_302, %add3A_303 : i32
      %get3A = arith.index_cast %add3A_304 : i32 to index
      %get3A_305 = arith.constant 0 : index
      %get3A_306 = tpu.vector_load %arg12[%get3A, %get3A_305] {strides = array<i32>} : memref<1000x16xf32, #tpu.memory_space<vmem>>, vector<16xf32>,
      %add3A_307 = arith.constant 0 : i32
      %add3A_308 = arith.addi %mul3A_302, %add3A_307 : i32
      %get3A_309 = arith.index_cast %add3A_308 : i32 to index
      %get3A_310 = arith.constant 0 : index
      %get3A_311 = tpu.vector_load %arg14[%get3A_309, %get3A_310] {strides = array<i32>} : memref<1000x16xf32, #tpu.memory_space<vmem>>, vector<16xf32>,
      %add3A_312 = arith.addf %get3A_306, %get3A_311 : vector<16xf32>
      %broadcast_in_dim3A = arith.constant 0 : i32
      %broadcast_in_dim3A_313 = vector.broadcast %broadcast_in_dim3A : i32 to vector<16xi32>
      %add3A_314 = arith.constant 0 : i32
      %add3A_315 = arith.addi %mul3A_302, %add3A_314 : i32
      %add3A_316 = vector.broadcast %add3A_315 : i32 to vector<16xi32>
      %add3A_317 = arith.addi %broadcast_in_dim3A_313, %add3A_316 : vector<16xi32>
      tpu.vector_store_idx %arg15[%iota3A, %add3A_317], %add3A_312 : memref<16x1000xf32, #tpu.memory_space<vmem>>[vector<16xi32>, vector<16xi32>], vector<16xf32>,
      %add3A_318 = arith.constant 1 : i32
      %add3A_319 = arith.addi %mul3A_302, %add3A_318 : i32
      %get3A_320 = arith.index_cast %add3A_319 : i32 to index
      %get3A_321 = arith.constant 0 : index
      %get3A_322 = tpu.vector_load %arg12[%get3A_320, %get3A_321] {strides = array<i32>} : memref<1000x16xf32, #tpu.memory_space<vmem>>, vector<16xf32>,
      %add3A_323 = arith.constant 1 : i32
      %add3A_324 = arith.addi %mul3A_302, %add3A_323 : i32
      %get3A_325 = arith.index_cast %add3A_324 : i32 to index
      %get3A_326 = arith.constant 0 : index
      %get3A_327 = tpu.vector_load %arg14[%get3A_325, %get3A_326] {strides = array<i32>} : memref<1000x16xf32, #tpu.memory_space<vmem>>, vector<16xf32>,
      %add3A_328 = arith.addf %get3A_322, %get3A_327 : vector<16xf32>
      %broadcast_in_dim3A_329 = arith.constant 0 : i32
      %broadcast_in_dim3A_330 = vector.broadcast %broadcast_in_dim3A_329 : i32 to vector<16xi32>
      %add3A_331 = arith.constant 1 : i32
      %add3A_332 = arith.addi %mul3A_302, %add3A_331 : i32
      %add3A_333 = vector.broadcast %add3A_332 : i32 to vector<16xi32>
      %add3A_334 = arith.addi %broadcast_in_dim3A_330, %add3A_333 : vector<16xi32>
      tpu.vector_store_idx %arg15[%iota3A, %add3A_334], %add3A_328 : memref<16x1000xf32, #tpu.memory_space<vmem>>[vector<16xi32>, vector<16xi32>], vector<16xf32>,
      %add3A_335 = arith.constant 2 : i32
      %add3A_336 = arith.addi %mul3A_302, %add3A_335 : i32
      %get3A_337 = arith.index_cast %add3A_336 : i32 to index
      %get3A_338 = arith.constant 0 : index
      %get3A_339 = tpu.vector_load %arg12[%get3A_337, %get3A_338] {strides = array<i32>} : memref<1000x16xf32, #tpu.memory_space<vmem>>, vector<16xf32>,
      %add3A_340 = arith.constant 2 : i32
      %add3A_341 = arith.addi %mul3A_302, %add3A_340 : i32
      %get3A_342 = arith.index_cast %add3A_341 : i32 to index
      %get3A_343 = arith.constant 0 : index
      %get3A_344 = tpu.vector_load %arg14[%get3A_342, %get3A_343] {strides = array<i32>} : memref<1000x16xf32, #tpu.memory_space<vmem>>, vector<16xf32>,
      %add3A_345 = arith.addf %get3A_339, %get3A_344 : vector<16xf32>
      %broadcast_in_dim3A_346 = arith.constant 0 : i32
      %broadcast_in_dim3A_347 = vector.broadcast %broadcast_in_dim3A_346 : i32 to vector<16xi32>
      %add3A_348 = arith.constant 2 : i32
      %add3A_349 = arith.addi %mul3A_302, %add3A_348 : i32
      %add3A_350 = vector.broadcast %add3A_349 : i32 to vector<16xi32>
      %add3A_351 = arith.addi %broadcast_in_dim3A_347, %add3A_350 : vector<16xi32>
      tpu.vector_store_idx %arg15[%iota3A, %add3A_351], %add3A_345 : memref<16x1000xf32, #tpu.memory_space<vmem>>[vector<16xi32>, vector<16xi32>], vector<16xf32>,
      %add3A_352 = arith.constant 3 : i32
      %add3A_353 = arith.addi %mul3A_302, %add3A_352 : i32
      %get3A_354 = arith.index_cast %add3A_353 : i32 to index
      %get3A_355 = arith.constant 0 : index
      %get3A_356 = tpu.vector_load %arg12[%get3A_354, %get3A_355] {strides = array<i32>} : memref<1000x16xf32, #tpu.memory_space<vmem>>, vector<16xf32>,
      %add3A_357 = arith.constant 3 : i32
      %add3A_358 = arith.addi %mul3A_302, %add3A_357 : i32
      %get3A_359 = arith.index_cast %add3A_358 : i32 to index
      %get3A_360 = arith.constant 0 : index
      %get3A_361 = tpu.vector_load %arg14[%get3A_359, %get3A_360] {strides = array<i32>} : memref<1000x16xf32, #tpu.memory_space<vmem>>, vector<16xf32>,
      %add3A_362 = arith.addf %get3A_356, %get3A_361 : vector<16xf32>
      %broadcast_in_dim3A_363 = arith.constant 0 : i32
      %broadcast_in_dim3A_364 = vector.broadcast %broadcast_in_dim3A_363 : i32 to vector<16xi32>
      %add3A_365 = arith.constant 3 : i32
      %add3A_366 = arith.addi %mul3A_302, %add3A_365 : i32
      %add3A_367 = vector.broadcast %add3A_366 : i32 to vector<16xi32>
      %add3A_368 = arith.addi %broadcast_in_dim3A_364, %add3A_367 : vector<16xi32>
      tpu.vector_store_idx %arg15[%iota3A, %add3A_368], %add3A_362 : memref<16x1000xf32, #tpu.memory_space<vmem>>[vector<16xi32>, vector<16xi32>], vector<16xf32>,
    }
    %scan3A_253 = arith.constant 250 : i32
    %add3A_254 = arith.constant 7000 : i32
    %add3A_255 = arith.addi %mul3A_2, %add3A_254 : i32
    "tpu.region"() ({
      %run_scoped3A = tpu.sem_alloc : memref<!tpu.dma_semaphore, #tpu.memory_space<semaphore_mem>>
      %dma_start3A_300 = arith.constant 0 : i32
      %dma_start3A_301 = tpu.memref_slice %arg6[%dma_start3A_300, %add3A_255] : memref<16x327680xf32, #tpu.memory_space<hbm>> -> memref<16x1000xf32, #tpu.memory_space<hbm>>
      %dma_start3A_302 = arith.constant 0 : i32
      %dma_start3A_303 = tpu.memref_slice %arg6[%dma_start3A_302, %add3A_255] : memref<16x327680xf32, #tpu.memory_space<hbm>> -> memref<16x1000xf32, #tpu.memory_space<hbm>>
      tpu.enqueue_dma source(%arg15 : memref<16x1000xf32, #tpu.memory_space<vmem>>) target(%dma_start3A_303 : memref<16x1000xf32, #tpu.memory_space<hbm>>) target_semaphore(%run_scoped3A : memref<!tpu.dma_semaphore, #tpu.memory_space<semaphore_mem>>)
      %dma_wait3A_304 = arith.constant 0 : i32
      %dma_wait3A_305 = tpu.memref_slice %arg6[%dma_wait3A_304, %add3A_255] : memref<16x327680xf32, #tpu.memory_space<hbm>> -> memref<16x1000xf32, #tpu.memory_space<hbm>>
      %dma_wait3A_306 = arith.constant 0 : i32
      %dma_wait3A_307 = tpu.memref_slice %arg6[%dma_wait3A_306, %add3A_255] : memref<16x327680xf32, #tpu.memory_space<hbm>> -> memref<16x1000xf32, #tpu.memory_space<hbm>>
      tpu.wait_dma2 semaphore(%run_scoped3A : memref<!tpu.dma_semaphore, #tpu.memory_space<semaphore_mem>>) src(%arg15 : memref<16x1000xf32, #tpu.memory_space<vmem>>) dst(%dma_wait3A_307 : memref<16x1000xf32, #tpu.memory_space<hbm>>)
      tpu.yield
    }) : () -> ()
    %add3A_256 = arith.constant 9000 : i32
    %add3A_257 = arith.addi %mul3A_2, %add3A_256 : i32
    %dma_start3A_258 = tpu.memref_slice %arg4[%add3A_257] : memref<320000xi32, #tpu.memory_space<hbm>> -> memref<1000xi32, #tpu.memory_space<hbm>>
    %dma_start3A_259 = tpu.memref_slice %arg4[%add3A_257] : memref<320000xi32, #tpu.memory_space<hbm>> -> memref<1000xi32, #tpu.memory_space<hbm>>
    tpu.enqueue_dma source(%dma_start3A_259 : memref<1000xi32, #tpu.memory_space<hbm>>) target(%arg8 : memref<1000xi32, #tpu.memory_space<vmem>>) target_semaphore(%arg17 : memref<!tpu.dma_semaphore, #tpu.memory_space<semaphore_mem>>)
    %dma_start3A_260 = tpu.memref_slice %arg5[%add3A_257] : memref<320000xi32, #tpu.memory_space<hbm>> -> memref<1000xi32, #tpu.memory_space<hbm>>
    %dma_start3A_261 = tpu.memref_slice %arg5[%add3A_257] : memref<320000xi32, #tpu.memory_space<hbm>> -> memref<1000xi32, #tpu.memory_space<hbm>>
    tpu.enqueue_dma source(%dma_start3A_261 : memref<1000xi32, #tpu.memory_space<hbm>>) target(%arg10 : memref<1000xi32, #tpu.memory_space<vmem>>) target_semaphore(%arg17 : memref<!tpu.dma_semaphore, #tpu.memory_space<semaphore_mem>>)
    %dma_wait3A_262 = arith.constant 0 : i32
    %dma_wait3A_263 = arith.constant 0 : i32
    %dma_wait3A_264 = tpu.memref_slice %arg2[%dma_wait3A_262, %dma_wait3A_263] : memref<10000x16xf32, #tpu.memory_space<hbm>> -> memref<10000x16xf32, #tpu.memory_space<hbm>>
    tpu.wait_indirect_dma semaphore(%arg18 : memref<!tpu.dma_semaphore, #tpu.memory_space<semaphore_mem>>) src(%dma_wait3A_264 : memref<10000x16xf32, #tpu.memory_space<hbm>>) dst(%arg11 : memref<1000x16xf32, #tpu.memory_space<vmem>>)
    %dma_wait3A_265 = arith.constant 0 : i32
    %dma_wait3A_266 = arith.constant 0 : i32
    %dma_wait3A_267 = tpu.memref_slice %arg3[%dma_wait3A_265, %dma_wait3A_266] : memref<10000x16xf32, #tpu.memory_space<hbm>> -> memref<10000x16xf32, #tpu.memory_space<hbm>>
    tpu.wait_indirect_dma semaphore(%arg20 : memref<!tpu.dma_semaphore, #tpu.memory_space<semaphore_mem>>) src(%dma_wait3A_267 : memref<10000x16xf32, #tpu.memory_space<hbm>>) dst(%arg13 : memref<1000x16xf32, #tpu.memory_space<vmem>>)
    %dma_wait3A_268 = tpu.memref_slice %arg4[%add3A_257] : memref<320000xi32, #tpu.memory_space<hbm>> -> memref<1000xi32, #tpu.memory_space<hbm>>
    %dma_wait3A_269 = tpu.memref_slice %arg4[%add3A_257] : memref<320000xi32, #tpu.memory_space<hbm>> -> memref<1000xi32, #tpu.memory_space<hbm>>
    tpu.wait_dma2 semaphore(%arg17 : memref<!tpu.dma_semaphore, #tpu.memory_space<semaphore_mem>>) src(%dma_wait3A_269 : memref<1000xi32, #tpu.memory_space<hbm>>) dst(%arg8 : memref<1000xi32, #tpu.memory_space<vmem>>)
    %dma_wait3A_270 = tpu.memref_slice %arg5[%add3A_257] : memref<320000xi32, #tpu.memory_space<hbm>> -> memref<1000xi32, #tpu.memory_space<hbm>>
    %dma_wait3A_271 = tpu.memref_slice %arg5[%add3A_257] : memref<320000xi32, #tpu.memory_space<hbm>> -> memref<1000xi32, #tpu.memory_space<hbm>>
    tpu.wait_dma2 semaphore(%arg17 : memref<!tpu.dma_semaphore, #tpu.memory_space<semaphore_mem>>) src(%dma_wait3A_271 : memref<1000xi32, #tpu.memory_space<hbm>>) dst(%arg10 : memref<1000xi32, #tpu.memory_space<vmem>>)
    %dma_start3A_272 = arith.constant 0 : i32
    %dma_start3A_273 = arith.constant 0 : i32
    %dma_start3A_274 = tpu.memref_slice %arg2[%dma_start3A_272, %dma_start3A_273] : memref<10000x16xf32, #tpu.memory_space<hbm>> -> memref<10000x16xf32, #tpu.memory_space<hbm>>
    tpu.enqueue_indirect_dma source(%dma_start3A_274 : memref<10000x16xf32, #tpu.memory_space<hbm>>) target(%arg12 : memref<1000x16xf32, #tpu.memory_space<vmem>>) offsets(%arg8 : memref<1000xi32, #tpu.memory_space<vmem>>) semaphore(%arg19 : memref<!tpu.dma_semaphore, #tpu.memory_space<semaphore_mem>>)
    %dma_start3A_275 = arith.constant 0 : i32
    %dma_start3A_276 = arith.constant 0 : i32
    %dma_start3A_277 = tpu.memref_slice %arg3[%dma_start3A_275, %dma_start3A_276] : memref<10000x16xf32, #tpu.memory_space<hbm>> -> memref<10000x16xf32, #tpu.memory_space<hbm>>
    tpu.enqueue_indirect_dma source(%dma_start3A_277 : memref<10000x16xf32, #tpu.memory_space<hbm>>) target(%arg14 : memref<1000x16xf32, #tpu.memory_space<vmem>>) offsets(%arg10 : memref<1000xi32, #tpu.memory_space<vmem>>) semaphore(%arg21 : memref<!tpu.dma_semaphore, #tpu.memory_space<semaphore_mem>>)
    %scan3A_278 = arith.constant 0 : i32
    %scan3A_279 = arith.constant 0 : i32
    %scan3A_280 = arith.constant 250 : i32
    %scan3A_281 = arith.addi %scan3A_279, %scan3A_280 : i32
    %scan3A_282 = arith.constant 1 : i32
    scf.for %scan3A_300 = %scan3A_279 to %scan3A_281 step %scan3A_282  : i32 {
      %mul3A_301 = arith.constant 4 : i32
      %mul3A_302 = arith.muli %scan3A_300, %mul3A_301 : i32
      %add3A_303 = arith.constant 0 : i32
      %add3A_304 = arith.addi %mul3A_302, %add3A_303 : i32
      %get3A = arith.index_cast %add3A_304 : i32 to index
      %get3A_305 = arith.constant 0 : index
      %get3A_306 = tpu.vector_load %arg11[%get3A, %get3A_305] {strides = array<i32>} : memref<1000x16xf32, #tpu.memory_space<vmem>>, vector<16xf32>,
      %add3A_307 = arith.constant 0 : i32
      %add3A_308 = arith.addi %mul3A_302, %add3A_307 : i32
      %get3A_309 = arith.index_cast %add3A_308 : i32 to index
      %get3A_310 = arith.constant 0 : index
      %get3A_311 = tpu.vector_load %arg13[%get3A_309, %get3A_310] {strides = array<i32>} : memref<1000x16xf32, #tpu.memory_space<vmem>>, vector<16xf32>,
      %add3A_312 = arith.addf %get3A_306, %get3A_311 : vector<16xf32>
      %broadcast_in_dim3A = arith.constant 0 : i32
      %broadcast_in_dim3A_313 = vector.broadcast %broadcast_in_dim3A : i32 to vector<16xi32>
      %add3A_314 = arith.constant 0 : i32
      %add3A_315 = arith.addi %mul3A_302, %add3A_314 : i32
      %add3A_316 = vector.broadcast %add3A_315 : i32 to vector<16xi32>
      %add3A_317 = arith.addi %broadcast_in_dim3A_313, %add3A_316 : vector<16xi32>
      tpu.vector_store_idx %arg15[%iota3A, %add3A_317], %add3A_312 : memref<16x1000xf32, #tpu.memory_space<vmem>>[vector<16xi32>, vector<16xi32>], vector<16xf32>,
      %add3A_318 = arith.constant 1 : i32
      %add3A_319 = arith.addi %mul3A_302, %add3A_318 : i32
      %get3A_320 = arith.index_cast %add3A_319 : i32 to index
      %get3A_321 = arith.constant 0 : index
      %get3A_322 = tpu.vector_load %arg11[%get3A_320, %get3A_321] {strides = array<i32>} : memref<1000x16xf32, #tpu.memory_space<vmem>>, vector<16xf32>,
      %add3A_323 = arith.constant 1 : i32
      %add3A_324 = arith.addi %mul3A_302, %add3A_323 : i32
      %get3A_325 = arith.index_cast %add3A_324 : i32 to index
      %get3A_326 = arith.constant 0 : index
      %get3A_327 = tpu.vector_load %arg13[%get3A_325, %get3A_326] {strides = array<i32>} : memref<1000x16xf32, #tpu.memory_space<vmem>>, vector<16xf32>,
      %add3A_328 = arith.addf %get3A_322, %get3A_327 : vector<16xf32>
      %broadcast_in_dim3A_329 = arith.constant 0 : i32
      %broadcast_in_dim3A_330 = vector.broadcast %broadcast_in_dim3A_329 : i32 to vector<16xi32>
      %add3A_331 = arith.constant 1 : i32
      %add3A_332 = arith.addi %mul3A_302, %add3A_331 : i32
      %add3A_333 = vector.broadcast %add3A_332 : i32 to vector<16xi32>
      %add3A_334 = arith.addi %broadcast_in_dim3A_330, %add3A_333 : vector<16xi32>
      tpu.vector_store_idx %arg15[%iota3A, %add3A_334], %add3A_328 : memref<16x1000xf32, #tpu.memory_space<vmem>>[vector<16xi32>, vector<16xi32>], vector<16xf32>,
      %add3A_335 = arith.constant 2 : i32
      %add3A_336 = arith.addi %mul3A_302, %add3A_335 : i32
      %get3A_337 = arith.index_cast %add3A_336 : i32 to index
      %get3A_338 = arith.constant 0 : index
      %get3A_339 = tpu.vector_load %arg11[%get3A_337, %get3A_338] {strides = array<i32>} : memref<1000x16xf32, #tpu.memory_space<vmem>>, vector<16xf32>,
      %add3A_340 = arith.constant 2 : i32
      %add3A_341 = arith.addi %mul3A_302, %add3A_340 : i32
      %get3A_342 = arith.index_cast %add3A_341 : i32 to index
      %get3A_343 = arith.constant 0 : index
      %get3A_344 = tpu.vector_load %arg13[%get3A_342, %get3A_343] {strides = array<i32>} : memref<1000x16xf32, #tpu.memory_space<vmem>>, vector<16xf32>,
      %add3A_345 = arith.addf %get3A_339, %get3A_344 : vector<16xf32>
      %broadcast_in_dim3A_346 = arith.constant 0 : i32
      %broadcast_in_dim3A_347 = vector.broadcast %broadcast_in_dim3A_346 : i32 to vector<16xi32>
      %add3A_348 = arith.constant 2 : i32
      %add3A_349 = arith.addi %mul3A_302, %add3A_348 : i32
      %add3A_350 = vector.broadcast %add3A_349 : i32 to vector<16xi32>
      %add3A_351 = arith.addi %broadcast_in_dim3A_347, %add3A_350 : vector<16xi32>
      tpu.vector_store_idx %arg15[%iota3A, %add3A_351], %add3A_345 : memref<16x1000xf32, #tpu.memory_space<vmem>>[vector<16xi32>, vector<16xi32>], vector<16xf32>,
      %add3A_352 = arith.constant 3 : i32
      %add3A_353 = arith.addi %mul3A_302, %add3A_352 : i32
      %get3A_354 = arith.index_cast %add3A_353 : i32 to index
      %get3A_355 = arith.constant 0 : index
      %get3A_356 = tpu.vector_load %arg11[%get3A_354, %get3A_355] {strides = array<i32>} : memref<1000x16xf32, #tpu.memory_space<vmem>>, vector<16xf32>,
      %add3A_357 = arith.constant 3 : i32
      %add3A_358 = arith.addi %mul3A_302, %add3A_357 : i32
      %get3A_359 = arith.index_cast %add3A_358 : i32 to index
      %get3A_360 = arith.constant 0 : index
      %get3A_361 = tpu.vector_load %arg13[%get3A_359, %get3A_360] {strides = array<i32>} : memref<1000x16xf32, #tpu.memory_space<vmem>>, vector<16xf32>,
      %add3A_362 = arith.addf %get3A_356, %get3A_361 : vector<16xf32>
      %broadcast_in_dim3A_363 = arith.constant 0 : i32
      %broadcast_in_dim3A_364 = vector.broadcast %broadcast_in_dim3A_363 : i32 to vector<16xi32>
      %add3A_365 = arith.constant 3 : i32
      %add3A_366 = arith.addi %mul3A_302, %add3A_365 : i32
      %add3A_367 = vector.broadcast %add3A_366 : i32 to vector<16xi32>
      %add3A_368 = arith.addi %broadcast_in_dim3A_364, %add3A_367 : vector<16xi32>
      tpu.vector_store_idx %arg15[%iota3A, %add3A_368], %add3A_362 : memref<16x1000xf32, #tpu.memory_space<vmem>>[vector<16xi32>, vector<16xi32>], vector<16xf32>,
    }
    %scan3A_283 = arith.constant 250 : i32
    %add3A_284 = arith.constant 8000 : i32
    %add3A_285 = arith.addi %mul3A_2, %add3A_284 : i32
    "tpu.region"() ({
      %run_scoped3A = tpu.sem_alloc : memref<!tpu.dma_semaphore, #tpu.memory_space<semaphore_mem>>
      %dma_start3A_300 = arith.constant 0 : i32
      %dma_start3A_301 = tpu.memref_slice %arg6[%dma_start3A_300, %add3A_285] : memref<16x327680xf32, #tpu.memory_space<hbm>> -> memref<16x1000xf32, #tpu.memory_space<hbm>>
      %dma_start3A_302 = arith.constant 0 : i32
      %dma_start3A_303 = tpu.memref_slice %arg6[%dma_start3A_302, %add3A_285] : memref<16x327680xf32, #tpu.memory_space<hbm>> -> memref<16x1000xf32, #tpu.memory_space<hbm>>
      tpu.enqueue_dma source(%arg15 : memref<16x1000xf32, #tpu.memory_space<vmem>>) target(%dma_start3A_303 : memref<16x1000xf32, #tpu.memory_space<hbm>>) target_semaphore(%run_scoped3A : memref<!tpu.dma_semaphore, #tpu.memory_space<semaphore_mem>>)
      %dma_wait3A_304 = arith.constant 0 : i32
      %dma_wait3A_305 = tpu.memref_slice %arg6[%dma_wait3A_304, %add3A_285] : memref<16x327680xf32, #tpu.memory_space<hbm>> -> memref<16x1000xf32, #tpu.memory_space<hbm>>
      %dma_wait3A_306 = arith.constant 0 : i32
      %dma_wait3A_307 = tpu.memref_slice %arg6[%dma_wait3A_306, %add3A_285] : memref<16x327680xf32, #tpu.memory_space<hbm>> -> memref<16x1000xf32, #tpu.memory_space<hbm>>
      tpu.wait_dma2 semaphore(%run_scoped3A : memref<!tpu.dma_semaphore, #tpu.memory_space<semaphore_mem>>) src(%arg15 : memref<16x1000xf32, #tpu.memory_space<vmem>>) dst(%dma_wait3A_307 : memref<16x1000xf32, #tpu.memory_space<hbm>>)
      tpu.yield
    }) : () -> ()
    %dma_wait3A_286 = arith.constant 0 : i32
    %dma_wait3A_287 = arith.constant 0 : i32
    %dma_wait3A_288 = tpu.memref_slice %arg2[%dma_wait3A_286, %dma_wait3A_287] : memref<10000x16xf32, #tpu.memory_space<hbm>> -> memref<10000x16xf32, #tpu.memory_space<hbm>>
    tpu.wait_indirect_dma semaphore(%arg19 : memref<!tpu.dma_semaphore, #tpu.memory_space<semaphore_mem>>) src(%dma_wait3A_288 : memref<10000x16xf32, #tpu.memory_space<hbm>>) dst(%arg12 : memref<1000x16xf32, #tpu.memory_space<vmem>>)
    %dma_wait3A_289 = arith.constant 0 : i32
    %dma_wait3A_290 = arith.constant 0 : i32
    %dma_wait3A_291 = tpu.memref_slice %arg3[%dma_wait3A_289, %dma_wait3A_290] : memref<10000x16xf32, #tpu.memory_space<hbm>> -> memref<10000x16xf32, #tpu.memory_space<hbm>>
    tpu.wait_indirect_dma semaphore(%arg21 : memref<!tpu.dma_semaphore, #tpu.memory_space<semaphore_mem>>) src(%dma_wait3A_291 : memref<10000x16xf32, #tpu.memory_space<hbm>>) dst(%arg14 : memref<1000x16xf32, #tpu.memory_space<vmem>>)
    %scan3A_292 = arith.constant 0 : i32
    %scan3A_293 = arith.constant 0 : i32
    %scan3A_294 = arith.constant 250 : i32
    %scan3A_295 = arith.addi %scan3A_293, %scan3A_294 : i32
    %scan3A_296 = arith.constant 1 : i32
    scf.for %scan3A_300 = %scan3A_293 to %scan3A_295 step %scan3A_296  : i32 {
      %mul3A_301 = arith.constant 4 : i32
      %mul3A_302 = arith.muli %scan3A_300, %mul3A_301 : i32
      %add3A_303 = arith.constant 0 : i32
      %add3A_304 = arith.addi %mul3A_302, %add3A_303 : i32
      %get3A = arith.index_cast %add3A_304 : i32 to index
      %get3A_305 = arith.constant 0 : index
      %get3A_306 = tpu.vector_load %arg12[%get3A, %get3A_305] {strides = array<i32>} : memref<1000x16xf32, #tpu.memory_space<vmem>>, vector<16xf32>,
      %add3A_307 = arith.constant 0 : i32
      %add3A_308 = arith.addi %mul3A_302, %add3A_307 : i32
      %get3A_309 = arith.index_cast %add3A_308 : i32 to index
      %get3A_310 = arith.constant 0 : index
      %get3A_311 = tpu.vector_load %arg14[%get3A_309, %get3A_310] {strides = array<i32>} : memref<1000x16xf32, #tpu.memory_space<vmem>>, vector<16xf32>,
      %add3A_312 = arith.addf %get3A_306, %get3A_311 : vector<16xf32>
      %broadcast_in_dim3A = arith.constant 0 : i32
      %broadcast_in_dim3A_313 = vector.broadcast %broadcast_in_dim3A : i32 to vector<16xi32>
      %add3A_314 = arith.constant 0 : i32
      %add3A_315 = arith.addi %mul3A_302, %add3A_314 : i32
      %add3A_316 = vector.broadcast %add3A_315 : i32 to vector<16xi32>
      %add3A_317 = arith.addi %broadcast_in_dim3A_313, %add3A_316 : vector<16xi32>
      tpu.vector_store_idx %arg15[%iota3A, %add3A_317], %add3A_312 : memref<16x1000xf32, #tpu.memory_space<vmem>>[vector<16xi32>, vector<16xi32>], vector<16xf32>,
      %add3A_318 = arith.constant 1 : i32
      %add3A_319 = arith.addi %mul3A_302, %add3A_318 : i32
      %get3A_320 = arith.index_cast %add3A_319 : i32 to index
      %get3A_321 = arith.constant 0 : index
      %get3A_322 = tpu.vector_load %arg12[%get3A_320, %get3A_321] {strides = array<i32>} : memref<1000x16xf32, #tpu.memory_space<vmem>>, vector<16xf32>,
      %add3A_323 = arith.constant 1 : i32
      %add3A_324 = arith.addi %mul3A_302, %add3A_323 : i32
      %get3A_325 = arith.index_cast %add3A_324 : i32 to index
      %get3A_326 = arith.constant 0 : index
      %get3A_327 = tpu.vector_load %arg14[%get3A_325, %get3A_326] {strides = array<i32>} : memref<1000x16xf32, #tpu.memory_space<vmem>>, vector<16xf32>,
      %add3A_328 = arith.addf %get3A_322, %get3A_327 : vector<16xf32>
      %broadcast_in_dim3A_329 = arith.constant 0 : i32
      %broadcast_in_dim3A_330 = vector.broadcast %broadcast_in_dim3A_329 : i32 to vector<16xi32>
      %add3A_331 = arith.constant 1 : i32
      %add3A_332 = arith.addi %mul3A_302, %add3A_331 : i32
      %add3A_333 = vector.broadcast %add3A_332 : i32 to vector<16xi32>
      %add3A_334 = arith.addi %broadcast_in_dim3A_330, %add3A_333 : vector<16xi32>
      tpu.vector_store_idx %arg15[%iota3A, %add3A_334], %add3A_328 : memref<16x1000xf32, #tpu.memory_space<vmem>>[vector<16xi32>, vector<16xi32>], vector<16xf32>,
      %add3A_335 = arith.constant 2 : i32
      %add3A_336 = arith.addi %mul3A_302, %add3A_335 : i32
      %get3A_337 = arith.index_cast %add3A_336 : i32 to index
      %get3A_338 = arith.constant 0 : index
      %get3A_339 = tpu.vector_load %arg12[%get3A_337, %get3A_338] {strides = array<i32>} : memref<1000x16xf32, #tpu.memory_space<vmem>>, vector<16xf32>,
      %add3A_340 = arith.constant 2 : i32
      %add3A_341 = arith.addi %mul3A_302, %add3A_340 : i32
      %get3A_342 = arith.index_cast %add3A_341 : i32 to index
      %get3A_343 = arith.constant 0 : index
      %get3A_344 = tpu.vector_load %arg14[%get3A_342, %get3A_343] {strides = array<i32>} : memref<1000x16xf32, #tpu.memory_space<vmem>>, vector<16xf32>,
      %add3A_345 = arith.addf %get3A_339, %get3A_344 : vector<16xf32>
      %broadcast_in_dim3A_346 = arith.constant 0 : i32
      %broadcast_in_dim3A_347 = vector.broadcast %broadcast_in_dim3A_346 : i32 to vector<16xi32>
      %add3A_348 = arith.constant 2 : i32
      %add3A_349 = arith.addi %mul3A_302, %add3A_348 : i32
      %add3A_350 = vector.broadcast %add3A_349 : i32 to vector<16xi32>
      %add3A_351 = arith.addi %broadcast_in_dim3A_347, %add3A_350 : vector<16xi32>
      tpu.vector_store_idx %arg15[%iota3A, %add3A_351], %add3A_345 : memref<16x1000xf32, #tpu.memory_space<vmem>>[vector<16xi32>, vector<16xi32>], vector<16xf32>,
      %add3A_352 = arith.constant 3 : i32
      %add3A_353 = arith.addi %mul3A_302, %add3A_352 : i32
      %get3A_354 = arith.index_cast %add3A_353 : i32 to index
      %get3A_355 = arith.constant 0 : index
      %get3A_356 = tpu.vector_load %arg12[%get3A_354, %get3A_355] {strides = array<i32>} : memref<1000x16xf32, #tpu.memory_space<vmem>>, vector<16xf32>,
      %add3A_357 = arith.constant 3 : i32
      %add3A_358 = arith.addi %mul3A_302, %add3A_357 : i32
      %get3A_359 = arith.index_cast %add3A_358 : i32 to index
      %get3A_360 = arith.constant 0 : index
      %get3A_361 = tpu.vector_load %arg14[%get3A_359, %get3A_360] {strides = array<i32>} : memref<1000x16xf32, #tpu.memory_space<vmem>>, vector<16xf32>,
      %add3A_362 = arith.addf %get3A_356, %get3A_361 : vector<16xf32>
      %broadcast_in_dim3A_363 = arith.constant 0 : i32
      %broadcast_in_dim3A_364 = vector.broadcast %broadcast_in_dim3A_363 : i32 to vector<16xi32>
      %add3A_365 = arith.constant 3 : i32
      %add3A_366 = arith.addi %mul3A_302, %add3A_365 : i32
      %add3A_367 = vector.broadcast %add3A_366 : i32 to vector<16xi32>
      %add3A_368 = arith.addi %broadcast_in_dim3A_364, %add3A_367 : vector<16xi32>
      tpu.vector_store_idx %arg15[%iota3A, %add3A_368], %add3A_362 : memref<16x1000xf32, #tpu.memory_space<vmem>>[vector<16xi32>, vector<16xi32>], vector<16xf32>,
    }
    %scan3A_297 = arith.constant 250 : i32
    %add3A_298 = arith.constant 9000 : i32
    %add3A_299 = arith.addi %mul3A_2, %add3A_298 : i32
    "tpu.region"() ({
      %run_scoped3A = tpu.sem_alloc : memref<!tpu.dma_semaphore, #tpu.memory_space<semaphore_mem>>
      %dma_start3A_300 = arith.constant 0 : i32
      %dma_start3A_301 = tpu.memref_slice %arg6[%dma_start3A_300, %add3A_299] : memref<16x327680xf32, #tpu.memory_space<hbm>> -> memref<16x1000xf32, #tpu.memory_space<hbm>>
      %dma_start3A_302 = arith.constant 0 : i32
      %dma_start3A_303 = tpu.memref_slice %arg6[%dma_start3A_302, %add3A_299] : memref<16x327680xf32, #tpu.memory_space<hbm>> -> memref<16x1000xf32, #tpu.memory_space<hbm>>
      tpu.enqueue_dma source(%arg15 : memref<16x1000xf32, #tpu.memory_space<vmem>>) target(%dma_start3A_303 : memref<16x1000xf32, #tpu.memory_space<hbm>>) target_semaphore(%run_scoped3A : memref<!tpu.dma_semaphore, #tpu.memory_space<semaphore_mem>>)
      %dma_wait3A_304 = arith.constant 0 : i32
      %dma_wait3A_305 = tpu.memref_slice %arg6[%dma_wait3A_304, %add3A_299] : memref<16x327680xf32, #tpu.memory_space<hbm>> -> memref<16x1000xf32, #tpu.memory_space<hbm>>
      %dma_wait3A_306 = arith.constant 0 : i32
      %dma_wait3A_307 = tpu.memref_slice %arg6[%dma_wait3A_306, %add3A_299] : memref<16x327680xf32, #tpu.memory_space<hbm>> -> memref<16x1000xf32, #tpu.memory_space<hbm>>
      tpu.wait_dma2 semaphore(%run_scoped3A : memref<!tpu.dma_semaphore, #tpu.memory_space<semaphore_mem>>) src(%arg15 : memref<16x1000xf32, #tpu.memory_space<vmem>>) dst(%dma_wait3A_307 : memref<16x1000xf32, #tpu.memory_space<hbm>>)
      tpu.yield
    }) : () -> ()
    return
  }
}

module attributes {stable_mosaic.version = 14 : i64} {
  func.func @_nodeproj_body(%arg0: memref<10000x128xf32, #tpu.memory_space<vmem>>, %arg1: memref<128x16xf32, #tpu.memory_space<vmem>>, %arg2: memref<128x16xf32, #tpu.memory_space<vmem>>, %arg3: memref<10000x16xf32, #tpu.memory_space<vmem>>, %arg4: memref<10000x16xf32, #tpu.memory_space<vmem>>) attributes {dimension_semantics = [], scalar_prefetch = 0 : i64, scratch_operands = 0 : i64, tpu.core_type = #tpu.core_type<tc>} {
    %get3A = arith.constant 0 : index
    %get3A_0 = arith.constant 0 : index
    %get3A_1 = vector.load %arg0[%get3A, %get3A_0] : memref<10000x128xf32, #tpu.memory_space<vmem>>, vector<10000x128xf32>
    %get3A_2 = arith.constant 0 : index
    %get3A_3 = arith.constant 0 : index
    %get3A_4 = vector.load %arg1[%get3A_2, %get3A_3] : memref<128x16xf32, #tpu.memory_space<vmem>>, vector<128x16xf32>
    %dot_general3A = arith.constant dense<0.000000e+00> : vector<10000x16xf32>
    %dot_general3A_5 = tpu.matmul %get3A_1, %get3A_4, %dot_general3A {dimension_numbers = #tpu.dot_dimension_numbers<[1], [0], [0], [1], [0, 0, 1, 1], [], []>, transpose_lhs_hint = false} : vector<10000x128xf32>, vector<128x16xf32>, vector<10000x16xf32> -> vector<10000x16xf32>
    %swap3A = arith.constant 0 : index
    %swap3A_6 = arith.constant 0 : index
    %swap3A_7 = vector.load %arg3[%swap3A, %swap3A_6] : memref<10000x16xf32, #tpu.memory_space<vmem>>, vector<10000x16xf32>
    tpu.vector_store %arg3[%swap3A, %swap3A_6], %dot_general3A_5 {strides = array<i32>} : memref<10000x16xf32, #tpu.memory_space<vmem>>, vector<10000x16xf32>,
    %get3A_8 = arith.constant 0 : index
    %get3A_9 = arith.constant 0 : index
    %get3A_10 = vector.load %arg2[%get3A_8, %get3A_9] : memref<128x16xf32, #tpu.memory_space<vmem>>, vector<128x16xf32>
    %dot_general3A_11 = arith.constant dense<0.000000e+00> : vector<10000x16xf32>
    %dot_general3A_12 = tpu.matmul %get3A_1, %get3A_10, %dot_general3A_11 {dimension_numbers = #tpu.dot_dimension_numbers<[1], [0], [0], [1], [0, 0, 1, 1], [], []>, transpose_lhs_hint = false} : vector<10000x128xf32>, vector<128x16xf32>, vector<10000x16xf32> -> vector<10000x16xf32>
    %swap3A_13 = arith.constant 0 : index
    %swap3A_14 = arith.constant 0 : index
    %swap3A_15 = vector.load %arg4[%swap3A_13, %swap3A_14] : memref<10000x16xf32, #tpu.memory_space<vmem>>, vector<10000x16xf32>
    tpu.vector_store %arg4[%swap3A_13, %swap3A_14], %dot_general3A_12 {strides = array<i32>} : memref<10000x16xf32, #tpu.memory_space<vmem>>, vector<10000x16xf32>,
    return
  }
}

module attributes {stable_mosaic.version = 14 : i64} {
  func.func @_edge_body(%arg0: i32, %arg1: memref<16x16xf32, #tpu.memory_space<vmem>>, %arg2: memref<16x32768xf32, #tpu.memory_space<vmem>>, %arg3: memref<16x256x128xf32, #tpu.memory_space<vmem>>, %arg4: memref<16x1xf32, #tpu.memory_space<vmem>>, %arg5: memref<16x32768xf32, #tpu.memory_space<vmem>>) attributes {dimension_semantics = [#tpu.dimension_semantics<arbitrary>], iteration_bounds = array<i64: 10>, scalar_prefetch = 0 : i64, scratch_operands = 0 : i64, tpu.core_type = #tpu.core_type<tc>, window_params = [{pipeline_mode = #tpu.pipeline_mode<synchronous>, transform_indices = @transform_0, window_bounds = array<i64: 16, 16>}, {transform_indices = @transform_1, window_bounds = array<i64: 16, 32768>}, {transform_indices = @transform_2, window_bounds = array<i64: 16, 256, 128>}, {pipeline_mode = #tpu.pipeline_mode<synchronous>, transform_indices = @transform_3, window_bounds = array<i64: 16, 1>}, {transform_indices = @transform_4, window_bounds = array<i64: 16, 32768>}]} {
    %get3A = arith.constant 0 : index
    %get3A_0 = arith.constant 0 : index
    %get3A_1 = vector.load %arg1[%get3A, %get3A_0] : memref<16x16xf32, #tpu.memory_space<vmem>>, vector<16x16xf32>
    %get3A_2 = arith.constant 0 : index
    %get3A_3 = arith.constant 0 : index
    %get3A_4 = vector.load %arg4[%get3A_2, %get3A_3] : memref<16x1xf32, #tpu.memory_space<vmem>>, vector<16x1xf32>
    %get3A_5 = arith.constant 0 : index
    %get3A_6 = arith.constant 0 : index
    %get3A_7 = vector.load %arg2[%get3A_5, %get3A_6] : memref<16x32768xf32, #tpu.memory_space<vmem>>, vector<16x32768xf32>
    %dot_general3A = arith.constant dense<0.000000e+00> : vector<16x32768xf32>
    %dot_general3A_8 = tpu.matmul %get3A_1, %get3A_7, %dot_general3A {dimension_numbers = #tpu.dot_dimension_numbers<[1], [0], [0], [1], [0, 0, 1, 1], [], []>, transpose_lhs_hint = false} : vector<16x16xf32>, vector<16x32768xf32>, vector<16x32768xf32> -> vector<16x32768xf32>
    %add3A = vector.broadcast %get3A_4 : vector<16x1xf32> to vector<16x32768xf32>
    %add3A_9 = arith.addf %dot_general3A_8, %add3A : vector<16x32768xf32>
    %slice3A = vector.extract_strided_slice %add3A_9 {offsets = [0, 0], sizes = [16, 128], strides = [1, 1]} : vector<16x32768xf32> to vector<16x128xf32>
    %get3A_10 = arith.constant 0 : index
    %get3A_11 = arith.constant 0 : index
    %get3A_12 = arith.constant 0 : index
    %get3A_13 = vector.load %arg3[%get3A_10, %get3A_11, %get3A_12] : memref<16x256x128xf32, #tpu.memory_space<vmem>>, vector<16x1x128xf32>
    %get3A_14 = vector.shape_cast %get3A_13 : vector<16x1x128xf32> to vector<16x128xf32>
    %add3A_15 = arith.addf %slice3A, %get3A_14 : vector<16x128xf32>
    %swap3A = arith.constant 0 : index
    %swap3A_16 = arith.constant 0 : index
    %swap3A_17 = vector.load %arg5[%swap3A, %swap3A_16] : memref<16x32768xf32, #tpu.memory_space<vmem>>, vector<16x128xf32>
    tpu.vector_store %arg5[%swap3A, %swap3A_16], %add3A_15 {strides = array<i32>} : memref<16x32768xf32, #tpu.memory_space<vmem>>, vector<16x128xf32>,
    %slice3A_18 = vector.extract_strided_slice %add3A_9 {offsets = [0, 128], sizes = [16, 128], strides = [1, 1]} : vector<16x32768xf32> to vector<16x128xf32>
    %get3A_19 = arith.constant 0 : index
    %get3A_20 = arith.constant 1 : index
    %get3A_21 = arith.constant 0 : index
    %get3A_22 = vector.load %arg3[%get3A_19, %get3A_20, %get3A_21] : memref<16x256x128xf32, #tpu.memory_space<vmem>>, vector<16x1x128xf32>
    %get3A_23 = vector.shape_cast %get3A_22 : vector<16x1x128xf32> to vector<16x128xf32>
    %add3A_24 = arith.addf %slice3A_18, %get3A_23 : vector<16x128xf32>
    %swap3A_25 = arith.constant 0 : index
    %swap3A_26 = arith.constant 128 : index
    %swap3A_27 = vector.load %arg5[%swap3A_25, %swap3A_26] : memref<16x32768xf32, #tpu.memory_space<vmem>>, vector<16x128xf32>
    tpu.vector_store %arg5[%swap3A_25, %swap3A_26], %add3A_24 {strides = array<i32>} : memref<16x32768xf32, #tpu.memory_space<vmem>>, vector<16x128xf32>,
    %slice3A_28 = vector.extract_strided_slice %add3A_9 {offsets = [0, 256], sizes = [16, 128], strides = [1, 1]} : vector<16x32768xf32> to vector<16x128xf32>
    %get3A_29 = arith.constant 0 : index
    %get3A_30 = arith.constant 2 : index
    %get3A_31 = arith.constant 0 : index
    %get3A_32 = vector.load %arg3[%get3A_29, %get3A_30, %get3A_31] : memref<16x256x128xf32, #tpu.memory_space<vmem>>, vector<16x1x128xf32>
    %get3A_33 = vector.shape_cast %get3A_32 : vector<16x1x128xf32> to vector<16x128xf32>
    %add3A_34 = arith.addf %slice3A_28, %get3A_33 : vector<16x128xf32>
    %swap3A_35 = arith.constant 0 : index
    %swap3A_36 = arith.constant 256 : index
    %swap3A_37 = vector.load %arg5[%swap3A_35, %swap3A_36] : memref<16x32768xf32, #tpu.memory_space<vmem>>, vector<16x128xf32>
    tpu.vector_store %arg5[%swap3A_35, %swap3A_36], %add3A_34 {strides = array<i32>} : memref<16x32768xf32, #tpu.memory_space<vmem>>, vector<16x128xf32>,
    %slice3A_38 = vector.extract_strided_slice %add3A_9 {offsets = [0, 384], sizes = [16, 128], strides = [1, 1]} : vector<16x32768xf32> to vector<16x128xf32>
    %get3A_39 = arith.constant 0 : index
    %get3A_40 = arith.constant 3 : index
    %get3A_41 = arith.constant 0 : index
    %get3A_42 = vector.load %arg3[%get3A_39, %get3A_40, %get3A_41] : memref<16x256x128xf32, #tpu.memory_space<vmem>>, vector<16x1x128xf32>
    %get3A_43 = vector.shape_cast %get3A_42 : vector<16x1x128xf32> to vector<16x128xf32>
    %add3A_44 = arith.addf %slice3A_38, %get3A_43 : vector<16x128xf32>
    %swap3A_45 = arith.constant 0 : index
    %swap3A_46 = arith.constant 384 : index
    %swap3A_47 = vector.load %arg5[%swap3A_45, %swap3A_46] : memref<16x32768xf32, #tpu.memory_space<vmem>>, vector<16x128xf32>
    tpu.vector_store %arg5[%swap3A_45, %swap3A_46], %add3A_44 {strides = array<i32>} : memref<16x32768xf32, #tpu.memory_space<vmem>>, vector<16x128xf32>,
    %slice3A_48 = vector.extract_strided_slice %add3A_9 {offsets = [0, 512], sizes = [16, 128], strides = [1, 1]} : vector<16x32768xf32> to vector<16x128xf32>
    %get3A_49 = arith.constant 0 : index
    %get3A_50 = arith.constant 4 : index
    %get3A_51 = arith.constant 0 : index
    %get3A_52 = vector.load %arg3[%get3A_49, %get3A_50, %get3A_51] : memref<16x256x128xf32, #tpu.memory_space<vmem>>, vector<16x1x128xf32>
    %get3A_53 = vector.shape_cast %get3A_52 : vector<16x1x128xf32> to vector<16x128xf32>
    %add3A_54 = arith.addf %slice3A_48, %get3A_53 : vector<16x128xf32>
    %swap3A_55 = arith.constant 0 : index
    %swap3A_56 = arith.constant 512 : index
    %swap3A_57 = vector.load %arg5[%swap3A_55, %swap3A_56] : memref<16x32768xf32, #tpu.memory_space<vmem>>, vector<16x128xf32>
    tpu.vector_store %arg5[%swap3A_55, %swap3A_56], %add3A_54 {strides = array<i32>} : memref<16x32768xf32, #tpu.memory_space<vmem>>, vector<16x128xf32>,
    %slice3A_58 = vector.extract_strided_slice %add3A_9 {offsets = [0, 640], sizes = [16, 128], strides = [1, 1]} : vector<16x32768xf32> to vector<16x128xf32>
    %get3A_59 = arith.constant 0 : index
    %get3A_60 = arith.constant 5 : index
    %get3A_61 = arith.constant 0 : index
    %get3A_62 = vector.load %arg3[%get3A_59, %get3A_60, %get3A_61] : memref<16x256x128xf32, #tpu.memory_space<vmem>>, vector<16x1x128xf32>
    %get3A_63 = vector.shape_cast %get3A_62 : vector<16x1x128xf32> to vector<16x128xf32>
    %add3A_64 = arith.addf %slice3A_58, %get3A_63 : vector<16x128xf32>
    %swap3A_65 = arith.constant 0 : index
    %swap3A_66 = arith.constant 640 : index
    %swap3A_67 = vector.load %arg5[%swap3A_65, %swap3A_66] : memref<16x32768xf32, #tpu.memory_space<vmem>>, vector<16x128xf32>
    tpu.vector_store %arg5[%swap3A_65, %swap3A_66], %add3A_64 {strides = array<i32>} : memref<16x32768xf32, #tpu.memory_space<vmem>>, vector<16x128xf32>,
    %slice3A_68 = vector.extract_strided_slice %add3A_9 {offsets = [0, 768], sizes = [16, 128], strides = [1, 1]} : vector<16x32768xf32> to vector<16x128xf32>
    %get3A_69 = arith.constant 0 : index
    %get3A_70 = arith.constant 6 : index
    %get3A_71 = arith.constant 0 : index
    %get3A_72 = vector.load %arg3[%get3A_69, %get3A_70, %get3A_71] : memref<16x256x128xf32, #tpu.memory_space<vmem>>, vector<16x1x128xf32>
    %get3A_73 = vector.shape_cast %get3A_72 : vector<16x1x128xf32> to vector<16x128xf32>
    %add3A_74 = arith.addf %slice3A_68, %get3A_73 : vector<16x128xf32>
    %swap3A_75 = arith.constant 0 : index
    %swap3A_76 = arith.constant 768 : index
    %swap3A_77 = vector.load %arg5[%swap3A_75, %swap3A_76] : memref<16x32768xf32, #tpu.memory_space<vmem>>, vector<16x128xf32>
    tpu.vector_store %arg5[%swap3A_75, %swap3A_76], %add3A_74 {strides = array<i32>} : memref<16x32768xf32, #tpu.memory_space<vmem>>, vector<16x128xf32>,
    %slice3A_78 = vector.extract_strided_slice %add3A_9 {offsets = [0, 896], sizes = [16, 128], strides = [1, 1]} : vector<16x32768xf32> to vector<16x128xf32>
    %get3A_79 = arith.constant 0 : index
    %get3A_80 = arith.constant 7 : index
    %get3A_81 = arith.constant 0 : index
    %get3A_82 = vector.load %arg3[%get3A_79, %get3A_80, %get3A_81] : memref<16x256x128xf32, #tpu.memory_space<vmem>>, vector<16x1x128xf32>
    %get3A_83 = vector.shape_cast %get3A_82 : vector<16x1x128xf32> to vector<16x128xf32>
    %add3A_84 = arith.addf %slice3A_78, %get3A_83 : vector<16x128xf32>
    %swap3A_85 = arith.constant 0 : index
    %swap3A_86 = arith.constant 896 : index
    %swap3A_87 = vector.load %arg5[%swap3A_85, %swap3A_86] : memref<16x32768xf32, #tpu.memory_space<vmem>>, vector<16x128xf32>
    tpu.vector_store %arg5[%swap3A_85, %swap3A_86], %add3A_84 {strides = array<i32>} : memref<16x32768xf32, #tpu.memory_space<vmem>>, vector<16x128xf32>,
    %slice3A_88 = vector.extract_strided_slice %add3A_9 {offsets = [0, 1024], sizes = [16, 128], strides = [1, 1]} : vector<16x32768xf32> to vector<16x128xf32>
    %get3A_89 = arith.constant 0 : index
    %get3A_90 = arith.constant 8 : index
    %get3A_91 = arith.constant 0 : index
    %get3A_92 = vector.load %arg3[%get3A_89, %get3A_90, %get3A_91] : memref<16x256x128xf32, #tpu.memory_space<vmem>>, vector<16x1x128xf32>
    %get3A_93 = vector.shape_cast %get3A_92 : vector<16x1x128xf32> to vector<16x128xf32>
    %add3A_94 = arith.addf %slice3A_88, %get3A_93 : vector<16x128xf32>
    %swap3A_95 = arith.constant 0 : index
    %swap3A_96 = arith.constant 1024 : index
    %swap3A_97 = vector.load %arg5[%swap3A_95, %swap3A_96] : memref<16x32768xf32, #tpu.memory_space<vmem>>, vector<16x128xf32>
    tpu.vector_store %arg5[%swap3A_95, %swap3A_96], %add3A_94 {strides = array<i32>} : memref<16x32768xf32, #tpu.memory_space<vmem>>, vector<16x128xf32>,
    %slice3A_98 = vector.extract_strided_slice %add3A_9 {offsets = [0, 1152], sizes = [16, 128], strides = [1, 1]} : vector<16x32768xf32> to vector<16x128xf32>
    %get3A_99 = arith.constant 0 : index
    %get3A_100 = arith.constant 9 : index
    %get3A_101 = arith.constant 0 : index
    %get3A_102 = vector.load %arg3[%get3A_99, %get3A_100, %get3A_101] : memref<16x256x128xf32, #tpu.memory_space<vmem>>, vector<16x1x128xf32>
    %get3A_103 = vector.shape_cast %get3A_102 : vector<16x1x128xf32> to vector<16x128xf32>
    %add3A_104 = arith.addf %slice3A_98, %get3A_103 : vector<16x128xf32>
    %swap3A_105 = arith.constant 0 : index
    %swap3A_106 = arith.constant 1152 : index
    %swap3A_107 = vector.load %arg5[%swap3A_105, %swap3A_106] : memref<16x32768xf32, #tpu.memory_space<vmem>>, vector<16x128xf32>
    tpu.vector_store %arg5[%swap3A_105, %swap3A_106], %add3A_104 {strides = array<i32>} : memref<16x32768xf32, #tpu.memory_space<vmem>>, vector<16x128xf32>,
    %slice3A_108 = vector.extract_strided_slice %add3A_9 {offsets = [0, 1280], sizes = [16, 128], strides = [1, 1]} : vector<16x32768xf32> to vector<16x128xf32>
    %get3A_109 = arith.constant 0 : index
    %get3A_110 = arith.constant 10 : index
    %get3A_111 = arith.constant 0 : index
    %get3A_112 = vector.load %arg3[%get3A_109, %get3A_110, %get3A_111] : memref<16x256x128xf32, #tpu.memory_space<vmem>>, vector<16x1x128xf32>
    %get3A_113 = vector.shape_cast %get3A_112 : vector<16x1x128xf32> to vector<16x128xf32>
    %add3A_114 = arith.addf %slice3A_108, %get3A_113 : vector<16x128xf32>
    %swap3A_115 = arith.constant 0 : index
    %swap3A_116 = arith.constant 1280 : index
    %swap3A_117 = vector.load %arg5[%swap3A_115, %swap3A_116] : memref<16x32768xf32, #tpu.memory_space<vmem>>, vector<16x128xf32>
    tpu.vector_store %arg5[%swap3A_115, %swap3A_116], %add3A_114 {strides = array<i32>} : memref<16x32768xf32, #tpu.memory_space<vmem>>, vector<16x128xf32>,
    %slice3A_118 = vector.extract_strided_slice %add3A_9 {offsets = [0, 1408], sizes = [16, 128], strides = [1, 1]} : vector<16x32768xf32> to vector<16x128xf32>
    %get3A_119 = arith.constant 0 : index
    %get3A_120 = arith.constant 11 : index
    %get3A_121 = arith.constant 0 : index
    %get3A_122 = vector.load %arg3[%get3A_119, %get3A_120, %get3A_121] : memref<16x256x128xf32, #tpu.memory_space<vmem>>, vector<16x1x128xf32>
    %get3A_123 = vector.shape_cast %get3A_122 : vector<16x1x128xf32> to vector<16x128xf32>
    %add3A_124 = arith.addf %slice3A_118, %get3A_123 : vector<16x128xf32>
    %swap3A_125 = arith.constant 0 : index
    %swap3A_126 = arith.constant 1408 : index
    %swap3A_127 = vector.load %arg5[%swap3A_125, %swap3A_126] : memref<16x32768xf32, #tpu.memory_space<vmem>>, vector<16x128xf32>
    tpu.vector_store %arg5[%swap3A_125, %swap3A_126], %add3A_124 {strides = array<i32>} : memref<16x32768xf32, #tpu.memory_space<vmem>>, vector<16x128xf32>,
    %slice3A_128 = vector.extract_strided_slice %add3A_9 {offsets = [0, 1536], sizes = [16, 128], strides = [1, 1]} : vector<16x32768xf32> to vector<16x128xf32>
    %get3A_129 = arith.constant 0 : index
    %get3A_130 = arith.constant 12 : index
    %get3A_131 = arith.constant 0 : index
    %get3A_132 = vector.load %arg3[%get3A_129, %get3A_130, %get3A_131] : memref<16x256x128xf32, #tpu.memory_space<vmem>>, vector<16x1x128xf32>
    %get3A_133 = vector.shape_cast %get3A_132 : vector<16x1x128xf32> to vector<16x128xf32>
    %add3A_134 = arith.addf %slice3A_128, %get3A_133 : vector<16x128xf32>
    %swap3A_135 = arith.constant 0 : index
    %swap3A_136 = arith.constant 1536 : index
    %swap3A_137 = vector.load %arg5[%swap3A_135, %swap3A_136] : memref<16x32768xf32, #tpu.memory_space<vmem>>, vector<16x128xf32>
    tpu.vector_store %arg5[%swap3A_135, %swap3A_136], %add3A_134 {strides = array<i32>} : memref<16x32768xf32, #tpu.memory_space<vmem>>, vector<16x128xf32>,
    %slice3A_138 = vector.extract_strided_slice %add3A_9 {offsets = [0, 1664], sizes = [16, 128], strides = [1, 1]} : vector<16x32768xf32> to vector<16x128xf32>
    %get3A_139 = arith.constant 0 : index
    %get3A_140 = arith.constant 13 : index
    %get3A_141 = arith.constant 0 : index
    %get3A_142 = vector.load %arg3[%get3A_139, %get3A_140, %get3A_141] : memref<16x256x128xf32, #tpu.memory_space<vmem>>, vector<16x1x128xf32>
    %get3A_143 = vector.shape_cast %get3A_142 : vector<16x1x128xf32> to vector<16x128xf32>
    %add3A_144 = arith.addf %slice3A_138, %get3A_143 : vector<16x128xf32>
    %swap3A_145 = arith.constant 0 : index
    %swap3A_146 = arith.constant 1664 : index
    %swap3A_147 = vector.load %arg5[%swap3A_145, %swap3A_146] : memref<16x32768xf32, #tpu.memory_space<vmem>>, vector<16x128xf32>
    tpu.vector_store %arg5[%swap3A_145, %swap3A_146], %add3A_144 {strides = array<i32>} : memref<16x32768xf32, #tpu.memory_space<vmem>>, vector<16x128xf32>,
    %slice3A_148 = vector.extract_strided_slice %add3A_9 {offsets = [0, 1792], sizes = [16, 128], strides = [1, 1]} : vector<16x32768xf32> to vector<16x128xf32>
    %get3A_149 = arith.constant 0 : index
    %get3A_150 = arith.constant 14 : index
    %get3A_151 = arith.constant 0 : index
    %get3A_152 = vector.load %arg3[%get3A_149, %get3A_150, %get3A_151] : memref<16x256x128xf32, #tpu.memory_space<vmem>>, vector<16x1x128xf32>
    %get3A_153 = vector.shape_cast %get3A_152 : vector<16x1x128xf32> to vector<16x128xf32>
    %add3A_154 = arith.addf %slice3A_148, %get3A_153 : vector<16x128xf32>
    %swap3A_155 = arith.constant 0 : index
    %swap3A_156 = arith.constant 1792 : index
    %swap3A_157 = vector.load %arg5[%swap3A_155, %swap3A_156] : memref<16x32768xf32, #tpu.memory_space<vmem>>, vector<16x128xf32>
    tpu.vector_store %arg5[%swap3A_155, %swap3A_156], %add3A_154 {strides = array<i32>} : memref<16x32768xf32, #tpu.memory_space<vmem>>, vector<16x128xf32>,
    %slice3A_158 = vector.extract_strided_slice %add3A_9 {offsets = [0, 1920], sizes = [16, 128], strides = [1, 1]} : vector<16x32768xf32> to vector<16x128xf32>
    %get3A_159 = arith.constant 0 : index
    %get3A_160 = arith.constant 15 : index
    %get3A_161 = arith.constant 0 : index
    %get3A_162 = vector.load %arg3[%get3A_159, %get3A_160, %get3A_161] : memref<16x256x128xf32, #tpu.memory_space<vmem>>, vector<16x1x128xf32>
    %get3A_163 = vector.shape_cast %get3A_162 : vector<16x1x128xf32> to vector<16x128xf32>
    %add3A_164 = arith.addf %slice3A_158, %get3A_163 : vector<16x128xf32>
    %swap3A_165 = arith.constant 0 : index
    %swap3A_166 = arith.constant 1920 : index
    %swap3A_167 = vector.load %arg5[%swap3A_165, %swap3A_166] : memref<16x32768xf32, #tpu.memory_space<vmem>>, vector<16x128xf32>
    tpu.vector_store %arg5[%swap3A_165, %swap3A_166], %add3A_164 {strides = array<i32>} : memref<16x32768xf32, #tpu.memory_space<vmem>>, vector<16x128xf32>,
    %slice3A_168 = vector.extract_strided_slice %add3A_9 {offsets = [0, 2048], sizes = [16, 128], strides = [1, 1]} : vector<16x32768xf32> to vector<16x128xf32>
    %get3A_169 = arith.constant 0 : index
    %get3A_170 = arith.constant 16 : index
    %get3A_171 = arith.constant 0 : index
    %get3A_172 = vector.load %arg3[%get3A_169, %get3A_170, %get3A_171] : memref<16x256x128xf32, #tpu.memory_space<vmem>>, vector<16x1x128xf32>
    %get3A_173 = vector.shape_cast %get3A_172 : vector<16x1x128xf32> to vector<16x128xf32>
    %add3A_174 = arith.addf %slice3A_168, %get3A_173 : vector<16x128xf32>
    %swap3A_175 = arith.constant 0 : index
    %swap3A_176 = arith.constant 2048 : index
    %swap3A_177 = vector.load %arg5[%swap3A_175, %swap3A_176] : memref<16x32768xf32, #tpu.memory_space<vmem>>, vector<16x128xf32>
    tpu.vector_store %arg5[%swap3A_175, %swap3A_176], %add3A_174 {strides = array<i32>} : memref<16x32768xf32, #tpu.memory_space<vmem>>, vector<16x128xf32>,
    %slice3A_178 = vector.extract_strided_slice %add3A_9 {offsets = [0, 2176], sizes = [16, 128], strides = [1, 1]} : vector<16x32768xf32> to vector<16x128xf32>
    %get3A_179 = arith.constant 0 : index
    %get3A_180 = arith.constant 17 : index
    %get3A_181 = arith.constant 0 : index
    %get3A_182 = vector.load %arg3[%get3A_179, %get3A_180, %get3A_181] : memref<16x256x128xf32, #tpu.memory_space<vmem>>, vector<16x1x128xf32>
    %get3A_183 = vector.shape_cast %get3A_182 : vector<16x1x128xf32> to vector<16x128xf32>
    %add3A_184 = arith.addf %slice3A_178, %get3A_183 : vector<16x128xf32>
    %swap3A_185 = arith.constant 0 : index
    %swap3A_186 = arith.constant 2176 : index
    %swap3A_187 = vector.load %arg5[%swap3A_185, %swap3A_186] : memref<16x32768xf32, #tpu.memory_space<vmem>>, vector<16x128xf32>
    tpu.vector_store %arg5[%swap3A_185, %swap3A_186], %add3A_184 {strides = array<i32>} : memref<16x32768xf32, #tpu.memory_space<vmem>>, vector<16x128xf32>,
    %slice3A_188 = vector.extract_strided_slice %add3A_9 {offsets = [0, 2304], sizes = [16, 128], strides = [1, 1]} : vector<16x32768xf32> to vector<16x128xf32>
    %get3A_189 = arith.constant 0 : index
    %get3A_190 = arith.constant 18 : index
    %get3A_191 = arith.constant 0 : index
    %get3A_192 = vector.load %arg3[%get3A_189, %get3A_190, %get3A_191] : memref<16x256x128xf32, #tpu.memory_space<vmem>>, vector<16x1x128xf32>
    %get3A_193 = vector.shape_cast %get3A_192 : vector<16x1x128xf32> to vector<16x128xf32>
    %add3A_194 = arith.addf %slice3A_188, %get3A_193 : vector<16x128xf32>
    %swap3A_195 = arith.constant 0 : index
    %swap3A_196 = arith.constant 2304 : index
    %swap3A_197 = vector.load %arg5[%swap3A_195, %swap3A_196] : memref<16x32768xf32, #tpu.memory_space<vmem>>, vector<16x128xf32>
    tpu.vector_store %arg5[%swap3A_195, %swap3A_196], %add3A_194 {strides = array<i32>} : memref<16x32768xf32, #tpu.memory_space<vmem>>, vector<16x128xf32>,
    %slice3A_198 = vector.extract_strided_slice %add3A_9 {offsets = [0, 2432], sizes = [16, 128], strides = [1, 1]} : vector<16x32768xf32> to vector<16x128xf32>
    %get3A_199 = arith.constant 0 : index
    %get3A_200 = arith.constant 19 : index
    %get3A_201 = arith.constant 0 : index
    %get3A_202 = vector.load %arg3[%get3A_199, %get3A_200, %get3A_201] : memref<16x256x128xf32, #tpu.memory_space<vmem>>, vector<16x1x128xf32>
    %get3A_203 = vector.shape_cast %get3A_202 : vector<16x1x128xf32> to vector<16x128xf32>
    %add3A_204 = arith.addf %slice3A_198, %get3A_203 : vector<16x128xf32>
    %swap3A_205 = arith.constant 0 : index
    %swap3A_206 = arith.constant 2432 : index
    %swap3A_207 = vector.load %arg5[%swap3A_205, %swap3A_206] : memref<16x32768xf32, #tpu.memory_space<vmem>>, vector<16x128xf32>
    tpu.vector_store %arg5[%swap3A_205, %swap3A_206], %add3A_204 {strides = array<i32>} : memref<16x32768xf32, #tpu.memory_space<vmem>>, vector<16x128xf32>,
    %slice3A_208 = vector.extract_strided_slice %add3A_9 {offsets = [0, 2560], sizes = [16, 128], strides = [1, 1]} : vector<16x32768xf32> to vector<16x128xf32>
    %get3A_209 = arith.constant 0 : index
    %get3A_210 = arith.constant 20 : index
    %get3A_211 = arith.constant 0 : index
    %get3A_212 = vector.load %arg3[%get3A_209, %get3A_210, %get3A_211] : memref<16x256x128xf32, #tpu.memory_space<vmem>>, vector<16x1x128xf32>
    %get3A_213 = vector.shape_cast %get3A_212 : vector<16x1x128xf32> to vector<16x128xf32>
    %add3A_214 = arith.addf %slice3A_208, %get3A_213 : vector<16x128xf32>
    %swap3A_215 = arith.constant 0 : index
    %swap3A_216 = arith.constant 2560 : index
    %swap3A_217 = vector.load %arg5[%swap3A_215, %swap3A_216] : memref<16x32768xf32, #tpu.memory_space<vmem>>, vector<16x128xf32>
    tpu.vector_store %arg5[%swap3A_215, %swap3A_216], %add3A_214 {strides = array<i32>} : memref<16x32768xf32, #tpu.memory_space<vmem>>, vector<16x128xf32>,
    %slice3A_218 = vector.extract_strided_slice %add3A_9 {offsets = [0, 2688], sizes = [16, 128], strides = [1, 1]} : vector<16x32768xf32> to vector<16x128xf32>
    %get3A_219 = arith.constant 0 : index
    %get3A_220 = arith.constant 21 : index
    %get3A_221 = arith.constant 0 : index
    %get3A_222 = vector.load %arg3[%get3A_219, %get3A_220, %get3A_221] : memref<16x256x128xf32, #tpu.memory_space<vmem>>, vector<16x1x128xf32>
    %get3A_223 = vector.shape_cast %get3A_222 : vector<16x1x128xf32> to vector<16x128xf32>
    %add3A_224 = arith.addf %slice3A_218, %get3A_223 : vector<16x128xf32>
    %swap3A_225 = arith.constant 0 : index
    %swap3A_226 = arith.constant 2688 : index
    %swap3A_227 = vector.load %arg5[%swap3A_225, %swap3A_226] : memref<16x32768xf32, #tpu.memory_space<vmem>>, vector<16x128xf32>
    tpu.vector_store %arg5[%swap3A_225, %swap3A_226], %add3A_224 {strides = array<i32>} : memref<16x32768xf32, #tpu.memory_space<vmem>>, vector<16x128xf32>,
    %slice3A_228 = vector.extract_strided_slice %add3A_9 {offsets = [0, 2816], sizes = [16, 128], strides = [1, 1]} : vector<16x32768xf32> to vector<16x128xf32>
    %get3A_229 = arith.constant 0 : index
    %get3A_230 = arith.constant 22 : index
    %get3A_231 = arith.constant 0 : index
    %get3A_232 = vector.load %arg3[%get3A_229, %get3A_230, %get3A_231] : memref<16x256x128xf32, #tpu.memory_space<vmem>>, vector<16x1x128xf32>
    %get3A_233 = vector.shape_cast %get3A_232 : vector<16x1x128xf32> to vector<16x128xf32>
    %add3A_234 = arith.addf %slice3A_228, %get3A_233 : vector<16x128xf32>
    %swap3A_235 = arith.constant 0 : index
    %swap3A_236 = arith.constant 2816 : index
    %swap3A_237 = vector.load %arg5[%swap3A_235, %swap3A_236] : memref<16x32768xf32, #tpu.memory_space<vmem>>, vector<16x128xf32>
    tpu.vector_store %arg5[%swap3A_235, %swap3A_236], %add3A_234 {strides = array<i32>} : memref<16x32768xf32, #tpu.memory_space<vmem>>, vector<16x128xf32>,
    %slice3A_238 = vector.extract_strided_slice %add3A_9 {offsets = [0, 2944], sizes = [16, 128], strides = [1, 1]} : vector<16x32768xf32> to vector<16x128xf32>
    %get3A_239 = arith.constant 0 : index
    %get3A_240 = arith.constant 23 : index
    %get3A_241 = arith.constant 0 : index
    %get3A_242 = vector.load %arg3[%get3A_239, %get3A_240, %get3A_241] : memref<16x256x128xf32, #tpu.memory_space<vmem>>, vector<16x1x128xf32>
    %get3A_243 = vector.shape_cast %get3A_242 : vector<16x1x128xf32> to vector<16x128xf32>
    %add3A_244 = arith.addf %slice3A_238, %get3A_243 : vector<16x128xf32>
    %swap3A_245 = arith.constant 0 : index
    %swap3A_246 = arith.constant 2944 : index
    %swap3A_247 = vector.load %arg5[%swap3A_245, %swap3A_246] : memref<16x32768xf32, #tpu.memory_space<vmem>>, vector<16x128xf32>
    tpu.vector_store %arg5[%swap3A_245, %swap3A_246], %add3A_244 {strides = array<i32>} : memref<16x32768xf32, #tpu.memory_space<vmem>>, vector<16x128xf32>,
    %slice3A_248 = vector.extract_strided_slice %add3A_9 {offsets = [0, 3072], sizes = [16, 128], strides = [1, 1]} : vector<16x32768xf32> to vector<16x128xf32>
    %get3A_249 = arith.constant 0 : index
    %get3A_250 = arith.constant 24 : index
    %get3A_251 = arith.constant 0 : index
    %get3A_252 = vector.load %arg3[%get3A_249, %get3A_250, %get3A_251] : memref<16x256x128xf32, #tpu.memory_space<vmem>>, vector<16x1x128xf32>
    %get3A_253 = vector.shape_cast %get3A_252 : vector<16x1x128xf32> to vector<16x128xf32>
    %add3A_254 = arith.addf %slice3A_248, %get3A_253 : vector<16x128xf32>
    %swap3A_255 = arith.constant 0 : index
    %swap3A_256 = arith.constant 3072 : index
    %swap3A_257 = vector.load %arg5[%swap3A_255, %swap3A_256] : memref<16x32768xf32, #tpu.memory_space<vmem>>, vector<16x128xf32>
    tpu.vector_store %arg5[%swap3A_255, %swap3A_256], %add3A_254 {strides = array<i32>} : memref<16x32768xf32, #tpu.memory_space<vmem>>, vector<16x128xf32>,
    %slice3A_258 = vector.extract_strided_slice %add3A_9 {offsets = [0, 3200], sizes = [16, 128], strides = [1, 1]} : vector<16x32768xf32> to vector<16x128xf32>
    %get3A_259 = arith.constant 0 : index
    %get3A_260 = arith.constant 25 : index
    %get3A_261 = arith.constant 0 : index
    %get3A_262 = vector.load %arg3[%get3A_259, %get3A_260, %get3A_261] : memref<16x256x128xf32, #tpu.memory_space<vmem>>, vector<16x1x128xf32>
    %get3A_263 = vector.shape_cast %get3A_262 : vector<16x1x128xf32> to vector<16x128xf32>
    %add3A_264 = arith.addf %slice3A_258, %get3A_263 : vector<16x128xf32>
    %swap3A_265 = arith.constant 0 : index
    %swap3A_266 = arith.constant 3200 : index
    %swap3A_267 = vector.load %arg5[%swap3A_265, %swap3A_266] : memref<16x32768xf32, #tpu.memory_space<vmem>>, vector<16x128xf32>
    tpu.vector_store %arg5[%swap3A_265, %swap3A_266], %add3A_264 {strides = array<i32>} : memref<16x32768xf32, #tpu.memory_space<vmem>>, vector<16x128xf32>,
    %slice3A_268 = vector.extract_strided_slice %add3A_9 {offsets = [0, 3328], sizes = [16, 128], strides = [1, 1]} : vector<16x32768xf32> to vector<16x128xf32>
    %get3A_269 = arith.constant 0 : index
    %get3A_270 = arith.constant 26 : index
    %get3A_271 = arith.constant 0 : index
    %get3A_272 = vector.load %arg3[%get3A_269, %get3A_270, %get3A_271] : memref<16x256x128xf32, #tpu.memory_space<vmem>>, vector<16x1x128xf32>
    %get3A_273 = vector.shape_cast %get3A_272 : vector<16x1x128xf32> to vector<16x128xf32>
    %add3A_274 = arith.addf %slice3A_268, %get3A_273 : vector<16x128xf32>
    %swap3A_275 = arith.constant 0 : index
    %swap3A_276 = arith.constant 3328 : index
    %swap3A_277 = vector.load %arg5[%swap3A_275, %swap3A_276] : memref<16x32768xf32, #tpu.memory_space<vmem>>, vector<16x128xf32>
    tpu.vector_store %arg5[%swap3A_275, %swap3A_276], %add3A_274 {strides = array<i32>} : memref<16x32768xf32, #tpu.memory_space<vmem>>, vector<16x128xf32>,
    %slice3A_278 = vector.extract_strided_slice %add3A_9 {offsets = [0, 3456], sizes = [16, 128], strides = [1, 1]} : vector<16x32768xf32> to vector<16x128xf32>
    %get3A_279 = arith.constant 0 : index
    %get3A_280 = arith.constant 27 : index
    %get3A_281 = arith.constant 0 : index
    %get3A_282 = vector.load %arg3[%get3A_279, %get3A_280, %get3A_281] : memref<16x256x128xf32, #tpu.memory_space<vmem>>, vector<16x1x128xf32>
    %get3A_283 = vector.shape_cast %get3A_282 : vector<16x1x128xf32> to vector<16x128xf32>
    %add3A_284 = arith.addf %slice3A_278, %get3A_283 : vector<16x128xf32>
    %swap3A_285 = arith.constant 0 : index
    %swap3A_286 = arith.constant 3456 : index
    %swap3A_287 = vector.load %arg5[%swap3A_285, %swap3A_286] : memref<16x32768xf32, #tpu.memory_space<vmem>>, vector<16x128xf32>
    tpu.vector_store %arg5[%swap3A_285, %swap3A_286], %add3A_284 {strides = array<i32>} : memref<16x32768xf32, #tpu.memory_space<vmem>>, vector<16x128xf32>,
    %slice3A_288 = vector.extract_strided_slice %add3A_9 {offsets = [0, 3584], sizes = [16, 128], strides = [1, 1]} : vector<16x32768xf32> to vector<16x128xf32>
    %get3A_289 = arith.constant 0 : index
    %get3A_290 = arith.constant 28 : index
    %get3A_291 = arith.constant 0 : index
    %get3A_292 = vector.load %arg3[%get3A_289, %get3A_290, %get3A_291] : memref<16x256x128xf32, #tpu.memory_space<vmem>>, vector<16x1x128xf32>
    %get3A_293 = vector.shape_cast %get3A_292 : vector<16x1x128xf32> to vector<16x128xf32>
    %add3A_294 = arith.addf %slice3A_288, %get3A_293 : vector<16x128xf32>
    %swap3A_295 = arith.constant 0 : index
    %swap3A_296 = arith.constant 3584 : index
    %swap3A_297 = vector.load %arg5[%swap3A_295, %swap3A_296] : memref<16x32768xf32, #tpu.memory_space<vmem>>, vector<16x128xf32>
    tpu.vector_store %arg5[%swap3A_295, %swap3A_296], %add3A_294 {strides = array<i32>} : memref<16x32768xf32, #tpu.memory_space<vmem>>, vector<16x128xf32>,
    %slice3A_298 = vector.extract_strided_slice %add3A_9 {offsets = [0, 3712], sizes = [16, 128], strides = [1, 1]} : vector<16x32768xf32> to vector<16x128xf32>
    %get3A_299 = arith.constant 0 : index
    %get3A_300 = arith.constant 29 : index
    %get3A_301 = arith.constant 0 : index
    %get3A_302 = vector.load %arg3[%get3A_299, %get3A_300, %get3A_301] : memref<16x256x128xf32, #tpu.memory_space<vmem>>, vector<16x1x128xf32>
    %get3A_303 = vector.shape_cast %get3A_302 : vector<16x1x128xf32> to vector<16x128xf32>
    %add3A_304 = arith.addf %slice3A_298, %get3A_303 : vector<16x128xf32>
    %swap3A_305 = arith.constant 0 : index
    %swap3A_306 = arith.constant 3712 : index
    %swap3A_307 = vector.load %arg5[%swap3A_305, %swap3A_306] : memref<16x32768xf32, #tpu.memory_space<vmem>>, vector<16x128xf32>
    tpu.vector_store %arg5[%swap3A_305, %swap3A_306], %add3A_304 {strides = array<i32>} : memref<16x32768xf32, #tpu.memory_space<vmem>>, vector<16x128xf32>,
    %slice3A_308 = vector.extract_strided_slice %add3A_9 {offsets = [0, 3840], sizes = [16, 128], strides = [1, 1]} : vector<16x32768xf32> to vector<16x128xf32>
    %get3A_309 = arith.constant 0 : index
    %get3A_310 = arith.constant 30 : index
    %get3A_311 = arith.constant 0 : index
    %get3A_312 = vector.load %arg3[%get3A_309, %get3A_310, %get3A_311] : memref<16x256x128xf32, #tpu.memory_space<vmem>>, vector<16x1x128xf32>
    %get3A_313 = vector.shape_cast %get3A_312 : vector<16x1x128xf32> to vector<16x128xf32>
    %add3A_314 = arith.addf %slice3A_308, %get3A_313 : vector<16x128xf32>
    %swap3A_315 = arith.constant 0 : index
    %swap3A_316 = arith.constant 3840 : index
    %swap3A_317 = vector.load %arg5[%swap3A_315, %swap3A_316] : memref<16x32768xf32, #tpu.memory_space<vmem>>, vector<16x128xf32>
    tpu.vector_store %arg5[%swap3A_315, %swap3A_316], %add3A_314 {strides = array<i32>} : memref<16x32768xf32, #tpu.memory_space<vmem>>, vector<16x128xf32>,
    %slice3A_318 = vector.extract_strided_slice %add3A_9 {offsets = [0, 3968], sizes = [16, 128], strides = [1, 1]} : vector<16x32768xf32> to vector<16x128xf32>
    %get3A_319 = arith.constant 0 : index
    %get3A_320 = arith.constant 31 : index
    %get3A_321 = arith.constant 0 : index
    %get3A_322 = vector.load %arg3[%get3A_319, %get3A_320, %get3A_321] : memref<16x256x128xf32, #tpu.memory_space<vmem>>, vector<16x1x128xf32>
    %get3A_323 = vector.shape_cast %get3A_322 : vector<16x1x128xf32> to vector<16x128xf32>
    %add3A_324 = arith.addf %slice3A_318, %get3A_323 : vector<16x128xf32>
    %swap3A_325 = arith.constant 0 : index
    %swap3A_326 = arith.constant 3968 : index
    %swap3A_327 = vector.load %arg5[%swap3A_325, %swap3A_326] : memref<16x32768xf32, #tpu.memory_space<vmem>>, vector<16x128xf32>
    tpu.vector_store %arg5[%swap3A_325, %swap3A_326], %add3A_324 {strides = array<i32>} : memref<16x32768xf32, #tpu.memory_space<vmem>>, vector<16x128xf32>,
    %slice3A_328 = vector.extract_strided_slice %add3A_9 {offsets = [0, 4096], sizes = [16, 128], strides = [1, 1]} : vector<16x32768xf32> to vector<16x128xf32>
    %get3A_329 = arith.constant 0 : index
    %get3A_330 = arith.constant 32 : index
    %get3A_331 = arith.constant 0 : index
    %get3A_332 = vector.load %arg3[%get3A_329, %get3A_330, %get3A_331] : memref<16x256x128xf32, #tpu.memory_space<vmem>>, vector<16x1x128xf32>
    %get3A_333 = vector.shape_cast %get3A_332 : vector<16x1x128xf32> to vector<16x128xf32>
    %add3A_334 = arith.addf %slice3A_328, %get3A_333 : vector<16x128xf32>
    %swap3A_335 = arith.constant 0 : index
    %swap3A_336 = arith.constant 4096 : index
    %swap3A_337 = vector.load %arg5[%swap3A_335, %swap3A_336] : memref<16x32768xf32, #tpu.memory_space<vmem>>, vector<16x128xf32>
    tpu.vector_store %arg5[%swap3A_335, %swap3A_336], %add3A_334 {strides = array<i32>} : memref<16x32768xf32, #tpu.memory_space<vmem>>, vector<16x128xf32>,
    %slice3A_338 = vector.extract_strided_slice %add3A_9 {offsets = [0, 4224], sizes = [16, 128], strides = [1, 1]} : vector<16x32768xf32> to vector<16x128xf32>
    %get3A_339 = arith.constant 0 : index
    %get3A_340 = arith.constant 33 : index
    %get3A_341 = arith.constant 0 : index
    %get3A_342 = vector.load %arg3[%get3A_339, %get3A_340, %get3A_341] : memref<16x256x128xf32, #tpu.memory_space<vmem>>, vector<16x1x128xf32>
    %get3A_343 = vector.shape_cast %get3A_342 : vector<16x1x128xf32> to vector<16x128xf32>
    %add3A_344 = arith.addf %slice3A_338, %get3A_343 : vector<16x128xf32>
    %swap3A_345 = arith.constant 0 : index
    %swap3A_346 = arith.constant 4224 : index
    %swap3A_347 = vector.load %arg5[%swap3A_345, %swap3A_346] : memref<16x32768xf32, #tpu.memory_space<vmem>>, vector<16x128xf32>
    tpu.vector_store %arg5[%swap3A_345, %swap3A_346], %add3A_344 {strides = array<i32>} : memref<16x32768xf32, #tpu.memory_space<vmem>>, vector<16x128xf32>,
    %slice3A_348 = vector.extract_strided_slice %add3A_9 {offsets = [0, 4352], sizes = [16, 128], strides = [1, 1]} : vector<16x32768xf32> to vector<16x128xf32>
    %get3A_349 = arith.constant 0 : index
    %get3A_350 = arith.constant 34 : index
    %get3A_351 = arith.constant 0 : index
    %get3A_352 = vector.load %arg3[%get3A_349, %get3A_350, %get3A_351] : memref<16x256x128xf32, #tpu.memory_space<vmem>>, vector<16x1x128xf32>
    %get3A_353 = vector.shape_cast %get3A_352 : vector<16x1x128xf32> to vector<16x128xf32>
    %add3A_354 = arith.addf %slice3A_348, %get3A_353 : vector<16x128xf32>
    %swap3A_355 = arith.constant 0 : index
    %swap3A_356 = arith.constant 4352 : index
    %swap3A_357 = vector.load %arg5[%swap3A_355, %swap3A_356] : memref<16x32768xf32, #tpu.memory_space<vmem>>, vector<16x128xf32>
    tpu.vector_store %arg5[%swap3A_355, %swap3A_356], %add3A_354 {strides = array<i32>} : memref<16x32768xf32, #tpu.memory_space<vmem>>, vector<16x128xf32>,
    %slice3A_358 = vector.extract_strided_slice %add3A_9 {offsets = [0, 4480], sizes = [16, 128], strides = [1, 1]} : vector<16x32768xf32> to vector<16x128xf32>
    %get3A_359 = arith.constant 0 : index
    %get3A_360 = arith.constant 35 : index
    %get3A_361 = arith.constant 0 : index
    %get3A_362 = vector.load %arg3[%get3A_359, %get3A_360, %get3A_361] : memref<16x256x128xf32, #tpu.memory_space<vmem>>, vector<16x1x128xf32>
    %get3A_363 = vector.shape_cast %get3A_362 : vector<16x1x128xf32> to vector<16x128xf32>
    %add3A_364 = arith.addf %slice3A_358, %get3A_363 : vector<16x128xf32>
    %swap3A_365 = arith.constant 0 : index
    %swap3A_366 = arith.constant 4480 : index
    %swap3A_367 = vector.load %arg5[%swap3A_365, %swap3A_366] : memref<16x32768xf32, #tpu.memory_space<vmem>>, vector<16x128xf32>
    tpu.vector_store %arg5[%swap3A_365, %swap3A_366], %add3A_364 {strides = array<i32>} : memref<16x32768xf32, #tpu.memory_space<vmem>>, vector<16x128xf32>,
    %slice3A_368 = vector.extract_strided_slice %add3A_9 {offsets = [0, 4608], sizes = [16, 128], strides = [1, 1]} : vector<16x32768xf32> to vector<16x128xf32>
    %get3A_369 = arith.constant 0 : index
    %get3A_370 = arith.constant 36 : index
    %get3A_371 = arith.constant 0 : index
    %get3A_372 = vector.load %arg3[%get3A_369, %get3A_370, %get3A_371] : memref<16x256x128xf32, #tpu.memory_space<vmem>>, vector<16x1x128xf32>
    %get3A_373 = vector.shape_cast %get3A_372 : vector<16x1x128xf32> to vector<16x128xf32>
    %add3A_374 = arith.addf %slice3A_368, %get3A_373 : vector<16x128xf32>
    %swap3A_375 = arith.constant 0 : index
    %swap3A_376 = arith.constant 4608 : index
    %swap3A_377 = vector.load %arg5[%swap3A_375, %swap3A_376] : memref<16x32768xf32, #tpu.memory_space<vmem>>, vector<16x128xf32>
    tpu.vector_store %arg5[%swap3A_375, %swap3A_376], %add3A_374 {strides = array<i32>} : memref<16x32768xf32, #tpu.memory_space<vmem>>, vector<16x128xf32>,
    %slice3A_378 = vector.extract_strided_slice %add3A_9 {offsets = [0, 4736], sizes = [16, 128], strides = [1, 1]} : vector<16x32768xf32> to vector<16x128xf32>
    %get3A_379 = arith.constant 0 : index
    %get3A_380 = arith.constant 37 : index
    %get3A_381 = arith.constant 0 : index
    %get3A_382 = vector.load %arg3[%get3A_379, %get3A_380, %get3A_381] : memref<16x256x128xf32, #tpu.memory_space<vmem>>, vector<16x1x128xf32>
    %get3A_383 = vector.shape_cast %get3A_382 : vector<16x1x128xf32> to vector<16x128xf32>
    %add3A_384 = arith.addf %slice3A_378, %get3A_383 : vector<16x128xf32>
    %swap3A_385 = arith.constant 0 : index
    %swap3A_386 = arith.constant 4736 : index
    %swap3A_387 = vector.load %arg5[%swap3A_385, %swap3A_386] : memref<16x32768xf32, #tpu.memory_space<vmem>>, vector<16x128xf32>
    tpu.vector_store %arg5[%swap3A_385, %swap3A_386], %add3A_384 {strides = array<i32>} : memref<16x32768xf32, #tpu.memory_space<vmem>>, vector<16x128xf32>,
    %slice3A_388 = vector.extract_strided_slice %add3A_9 {offsets = [0, 4864], sizes = [16, 128], strides = [1, 1]} : vector<16x32768xf32> to vector<16x128xf32>
    %get3A_389 = arith.constant 0 : index
    %get3A_390 = arith.constant 38 : index
    %get3A_391 = arith.constant 0 : index
    %get3A_392 = vector.load %arg3[%get3A_389, %get3A_390, %get3A_391] : memref<16x256x128xf32, #tpu.memory_space<vmem>>, vector<16x1x128xf32>
    %get3A_393 = vector.shape_cast %get3A_392 : vector<16x1x128xf32> to vector<16x128xf32>
    %add3A_394 = arith.addf %slice3A_388, %get3A_393 : vector<16x128xf32>
    %swap3A_395 = arith.constant 0 : index
    %swap3A_396 = arith.constant 4864 : index
    %swap3A_397 = vector.load %arg5[%swap3A_395, %swap3A_396] : memref<16x32768xf32, #tpu.memory_space<vmem>>, vector<16x128xf32>
    tpu.vector_store %arg5[%swap3A_395, %swap3A_396], %add3A_394 {strides = array<i32>} : memref<16x32768xf32, #tpu.memory_space<vmem>>, vector<16x128xf32>,
    %slice3A_398 = vector.extract_strided_slice %add3A_9 {offsets = [0, 4992], sizes = [16, 128], strides = [1, 1]} : vector<16x32768xf32> to vector<16x128xf32>
    %get3A_399 = arith.constant 0 : index
    %get3A_400 = arith.constant 39 : index
    %get3A_401 = arith.constant 0 : index
    %get3A_402 = vector.load %arg3[%get3A_399, %get3A_400, %get3A_401] : memref<16x256x128xf32, #tpu.memory_space<vmem>>, vector<16x1x128xf32>
    %get3A_403 = vector.shape_cast %get3A_402 : vector<16x1x128xf32> to vector<16x128xf32>
    %add3A_404 = arith.addf %slice3A_398, %get3A_403 : vector<16x128xf32>
    %swap3A_405 = arith.constant 0 : index
    %swap3A_406 = arith.constant 4992 : index
    %swap3A_407 = vector.load %arg5[%swap3A_405, %swap3A_406] : memref<16x32768xf32, #tpu.memory_space<vmem>>, vector<16x128xf32>
    tpu.vector_store %arg5[%swap3A_405, %swap3A_406], %add3A_404 {strides = array<i32>} : memref<16x32768xf32, #tpu.memory_space<vmem>>, vector<16x128xf32>,
    %slice3A_408 = vector.extract_strided_slice %add3A_9 {offsets = [0, 5120], sizes = [16, 128], strides = [1, 1]} : vector<16x32768xf32> to vector<16x128xf32>
    %get3A_409 = arith.constant 0 : index
    %get3A_410 = arith.constant 40 : index
    %get3A_411 = arith.constant 0 : index
    %get3A_412 = vector.load %arg3[%get3A_409, %get3A_410, %get3A_411] : memref<16x256x128xf32, #tpu.memory_space<vmem>>, vector<16x1x128xf32>
    %get3A_413 = vector.shape_cast %get3A_412 : vector<16x1x128xf32> to vector<16x128xf32>
    %add3A_414 = arith.addf %slice3A_408, %get3A_413 : vector<16x128xf32>
    %swap3A_415 = arith.constant 0 : index
    %swap3A_416 = arith.constant 5120 : index
    %swap3A_417 = vector.load %arg5[%swap3A_415, %swap3A_416] : memref<16x32768xf32, #tpu.memory_space<vmem>>, vector<16x128xf32>
    tpu.vector_store %arg5[%swap3A_415, %swap3A_416], %add3A_414 {strides = array<i32>} : memref<16x32768xf32, #tpu.memory_space<vmem>>, vector<16x128xf32>,
    %slice3A_418 = vector.extract_strided_slice %add3A_9 {offsets = [0, 5248], sizes = [16, 128], strides = [1, 1]} : vector<16x32768xf32> to vector<16x128xf32>
    %get3A_419 = arith.constant 0 : index
    %get3A_420 = arith.constant 41 : index
    %get3A_421 = arith.constant 0 : index
    %get3A_422 = vector.load %arg3[%get3A_419, %get3A_420, %get3A_421] : memref<16x256x128xf32, #tpu.memory_space<vmem>>, vector<16x1x128xf32>
    %get3A_423 = vector.shape_cast %get3A_422 : vector<16x1x128xf32> to vector<16x128xf32>
    %add3A_424 = arith.addf %slice3A_418, %get3A_423 : vector<16x128xf32>
    %swap3A_425 = arith.constant 0 : index
    %swap3A_426 = arith.constant 5248 : index
    %swap3A_427 = vector.load %arg5[%swap3A_425, %swap3A_426] : memref<16x32768xf32, #tpu.memory_space<vmem>>, vector<16x128xf32>
    tpu.vector_store %arg5[%swap3A_425, %swap3A_426], %add3A_424 {strides = array<i32>} : memref<16x32768xf32, #tpu.memory_space<vmem>>, vector<16x128xf32>,
    %slice3A_428 = vector.extract_strided_slice %add3A_9 {offsets = [0, 5376], sizes = [16, 128], strides = [1, 1]} : vector<16x32768xf32> to vector<16x128xf32>
    %get3A_429 = arith.constant 0 : index
    %get3A_430 = arith.constant 42 : index
    %get3A_431 = arith.constant 0 : index
    %get3A_432 = vector.load %arg3[%get3A_429, %get3A_430, %get3A_431] : memref<16x256x128xf32, #tpu.memory_space<vmem>>, vector<16x1x128xf32>
    %get3A_433 = vector.shape_cast %get3A_432 : vector<16x1x128xf32> to vector<16x128xf32>
    %add3A_434 = arith.addf %slice3A_428, %get3A_433 : vector<16x128xf32>
    %swap3A_435 = arith.constant 0 : index
    %swap3A_436 = arith.constant 5376 : index
    %swap3A_437 = vector.load %arg5[%swap3A_435, %swap3A_436] : memref<16x32768xf32, #tpu.memory_space<vmem>>, vector<16x128xf32>
    tpu.vector_store %arg5[%swap3A_435, %swap3A_436], %add3A_434 {strides = array<i32>} : memref<16x32768xf32, #tpu.memory_space<vmem>>, vector<16x128xf32>,
    %slice3A_438 = vector.extract_strided_slice %add3A_9 {offsets = [0, 5504], sizes = [16, 128], strides = [1, 1]} : vector<16x32768xf32> to vector<16x128xf32>
    %get3A_439 = arith.constant 0 : index
    %get3A_440 = arith.constant 43 : index
    %get3A_441 = arith.constant 0 : index
    %get3A_442 = vector.load %arg3[%get3A_439, %get3A_440, %get3A_441] : memref<16x256x128xf32, #tpu.memory_space<vmem>>, vector<16x1x128xf32>
    %get3A_443 = vector.shape_cast %get3A_442 : vector<16x1x128xf32> to vector<16x128xf32>
    %add3A_444 = arith.addf %slice3A_438, %get3A_443 : vector<16x128xf32>
    %swap3A_445 = arith.constant 0 : index
    %swap3A_446 = arith.constant 5504 : index
    %swap3A_447 = vector.load %arg5[%swap3A_445, %swap3A_446] : memref<16x32768xf32, #tpu.memory_space<vmem>>, vector<16x128xf32>
    tpu.vector_store %arg5[%swap3A_445, %swap3A_446], %add3A_444 {strides = array<i32>} : memref<16x32768xf32, #tpu.memory_space<vmem>>, vector<16x128xf32>,
    %slice3A_448 = vector.extract_strided_slice %add3A_9 {offsets = [0, 5632], sizes = [16, 128], strides = [1, 1]} : vector<16x32768xf32> to vector<16x128xf32>
    %get3A_449 = arith.constant 0 : index
    %get3A_450 = arith.constant 44 : index
    %get3A_451 = arith.constant 0 : index
    %get3A_452 = vector.load %arg3[%get3A_449, %get3A_450, %get3A_451] : memref<16x256x128xf32, #tpu.memory_space<vmem>>, vector<16x1x128xf32>
    %get3A_453 = vector.shape_cast %get3A_452 : vector<16x1x128xf32> to vector<16x128xf32>
    %add3A_454 = arith.addf %slice3A_448, %get3A_453 : vector<16x128xf32>
    %swap3A_455 = arith.constant 0 : index
    %swap3A_456 = arith.constant 5632 : index
    %swap3A_457 = vector.load %arg5[%swap3A_455, %swap3A_456] : memref<16x32768xf32, #tpu.memory_space<vmem>>, vector<16x128xf32>
    tpu.vector_store %arg5[%swap3A_455, %swap3A_456], %add3A_454 {strides = array<i32>} : memref<16x32768xf32, #tpu.memory_space<vmem>>, vector<16x128xf32>,
    %slice3A_458 = vector.extract_strided_slice %add3A_9 {offsets = [0, 5760], sizes = [16, 128], strides = [1, 1]} : vector<16x32768xf32> to vector<16x128xf32>
    %get3A_459 = arith.constant 0 : index
    %get3A_460 = arith.constant 45 : index
    %get3A_461 = arith.constant 0 : index
    %get3A_462 = vector.load %arg3[%get3A_459, %get3A_460, %get3A_461] : memref<16x256x128xf32, #tpu.memory_space<vmem>>, vector<16x1x128xf32>
    %get3A_463 = vector.shape_cast %get3A_462 : vector<16x1x128xf32> to vector<16x128xf32>
    %add3A_464 = arith.addf %slice3A_458, %get3A_463 : vector<16x128xf32>
    %swap3A_465 = arith.constant 0 : index
    %swap3A_466 = arith.constant 5760 : index
    %swap3A_467 = vector.load %arg5[%swap3A_465, %swap3A_466] : memref<16x32768xf32, #tpu.memory_space<vmem>>, vector<16x128xf32>
    tpu.vector_store %arg5[%swap3A_465, %swap3A_466], %add3A_464 {strides = array<i32>} : memref<16x32768xf32, #tpu.memory_space<vmem>>, vector<16x128xf32>,
    %slice3A_468 = vector.extract_strided_slice %add3A_9 {offsets = [0, 5888], sizes = [16, 128], strides = [1, 1]} : vector<16x32768xf32> to vector<16x128xf32>
    %get3A_469 = arith.constant 0 : index
    %get3A_470 = arith.constant 46 : index
    %get3A_471 = arith.constant 0 : index
    %get3A_472 = vector.load %arg3[%get3A_469, %get3A_470, %get3A_471] : memref<16x256x128xf32, #tpu.memory_space<vmem>>, vector<16x1x128xf32>
    %get3A_473 = vector.shape_cast %get3A_472 : vector<16x1x128xf32> to vector<16x128xf32>
    %add3A_474 = arith.addf %slice3A_468, %get3A_473 : vector<16x128xf32>
    %swap3A_475 = arith.constant 0 : index
    %swap3A_476 = arith.constant 5888 : index
    %swap3A_477 = vector.load %arg5[%swap3A_475, %swap3A_476] : memref<16x32768xf32, #tpu.memory_space<vmem>>, vector<16x128xf32>
    tpu.vector_store %arg5[%swap3A_475, %swap3A_476], %add3A_474 {strides = array<i32>} : memref<16x32768xf32, #tpu.memory_space<vmem>>, vector<16x128xf32>,
    %slice3A_478 = vector.extract_strided_slice %add3A_9 {offsets = [0, 6016], sizes = [16, 128], strides = [1, 1]} : vector<16x32768xf32> to vector<16x128xf32>
    %get3A_479 = arith.constant 0 : index
    %get3A_480 = arith.constant 47 : index
    %get3A_481 = arith.constant 0 : index
    %get3A_482 = vector.load %arg3[%get3A_479, %get3A_480, %get3A_481] : memref<16x256x128xf32, #tpu.memory_space<vmem>>, vector<16x1x128xf32>
    %get3A_483 = vector.shape_cast %get3A_482 : vector<16x1x128xf32> to vector<16x128xf32>
    %add3A_484 = arith.addf %slice3A_478, %get3A_483 : vector<16x128xf32>
    %swap3A_485 = arith.constant 0 : index
    %swap3A_486 = arith.constant 6016 : index
    %swap3A_487 = vector.load %arg5[%swap3A_485, %swap3A_486] : memref<16x32768xf32, #tpu.memory_space<vmem>>, vector<16x128xf32>
    tpu.vector_store %arg5[%swap3A_485, %swap3A_486], %add3A_484 {strides = array<i32>} : memref<16x32768xf32, #tpu.memory_space<vmem>>, vector<16x128xf32>,
    %slice3A_488 = vector.extract_strided_slice %add3A_9 {offsets = [0, 6144], sizes = [16, 128], strides = [1, 1]} : vector<16x32768xf32> to vector<16x128xf32>
    %get3A_489 = arith.constant 0 : index
    %get3A_490 = arith.constant 48 : index
    %get3A_491 = arith.constant 0 : index
    %get3A_492 = vector.load %arg3[%get3A_489, %get3A_490, %get3A_491] : memref<16x256x128xf32, #tpu.memory_space<vmem>>, vector<16x1x128xf32>
    %get3A_493 = vector.shape_cast %get3A_492 : vector<16x1x128xf32> to vector<16x128xf32>
    %add3A_494 = arith.addf %slice3A_488, %get3A_493 : vector<16x128xf32>
    %swap3A_495 = arith.constant 0 : index
    %swap3A_496 = arith.constant 6144 : index
    %swap3A_497 = vector.load %arg5[%swap3A_495, %swap3A_496] : memref<16x32768xf32, #tpu.memory_space<vmem>>, vector<16x128xf32>
    tpu.vector_store %arg5[%swap3A_495, %swap3A_496], %add3A_494 {strides = array<i32>} : memref<16x32768xf32, #tpu.memory_space<vmem>>, vector<16x128xf32>,
    %slice3A_498 = vector.extract_strided_slice %add3A_9 {offsets = [0, 6272], sizes = [16, 128], strides = [1, 1]} : vector<16x32768xf32> to vector<16x128xf32>
    %get3A_499 = arith.constant 0 : index
    %get3A_500 = arith.constant 49 : index
    %get3A_501 = arith.constant 0 : index
    %get3A_502 = vector.load %arg3[%get3A_499, %get3A_500, %get3A_501] : memref<16x256x128xf32, #tpu.memory_space<vmem>>, vector<16x1x128xf32>
    %get3A_503 = vector.shape_cast %get3A_502 : vector<16x1x128xf32> to vector<16x128xf32>
    %add3A_504 = arith.addf %slice3A_498, %get3A_503 : vector<16x128xf32>
    %swap3A_505 = arith.constant 0 : index
    %swap3A_506 = arith.constant 6272 : index
    %swap3A_507 = vector.load %arg5[%swap3A_505, %swap3A_506] : memref<16x32768xf32, #tpu.memory_space<vmem>>, vector<16x128xf32>
    tpu.vector_store %arg5[%swap3A_505, %swap3A_506], %add3A_504 {strides = array<i32>} : memref<16x32768xf32, #tpu.memory_space<vmem>>, vector<16x128xf32>,
    %slice3A_508 = vector.extract_strided_slice %add3A_9 {offsets = [0, 6400], sizes = [16, 128], strides = [1, 1]} : vector<16x32768xf32> to vector<16x128xf32>
    %get3A_509 = arith.constant 0 : index
    %get3A_510 = arith.constant 50 : index
    %get3A_511 = arith.constant 0 : index
    %get3A_512 = vector.load %arg3[%get3A_509, %get3A_510, %get3A_511] : memref<16x256x128xf32, #tpu.memory_space<vmem>>, vector<16x1x128xf32>
    %get3A_513 = vector.shape_cast %get3A_512 : vector<16x1x128xf32> to vector<16x128xf32>
    %add3A_514 = arith.addf %slice3A_508, %get3A_513 : vector<16x128xf32>
    %swap3A_515 = arith.constant 0 : index
    %swap3A_516 = arith.constant 6400 : index
    %swap3A_517 = vector.load %arg5[%swap3A_515, %swap3A_516] : memref<16x32768xf32, #tpu.memory_space<vmem>>, vector<16x128xf32>
    tpu.vector_store %arg5[%swap3A_515, %swap3A_516], %add3A_514 {strides = array<i32>} : memref<16x32768xf32, #tpu.memory_space<vmem>>, vector<16x128xf32>,
    %slice3A_518 = vector.extract_strided_slice %add3A_9 {offsets = [0, 6528], sizes = [16, 128], strides = [1, 1]} : vector<16x32768xf32> to vector<16x128xf32>
    %get3A_519 = arith.constant 0 : index
    %get3A_520 = arith.constant 51 : index
    %get3A_521 = arith.constant 0 : index
    %get3A_522 = vector.load %arg3[%get3A_519, %get3A_520, %get3A_521] : memref<16x256x128xf32, #tpu.memory_space<vmem>>, vector<16x1x128xf32>
    %get3A_523 = vector.shape_cast %get3A_522 : vector<16x1x128xf32> to vector<16x128xf32>
    %add3A_524 = arith.addf %slice3A_518, %get3A_523 : vector<16x128xf32>
    %swap3A_525 = arith.constant 0 : index
    %swap3A_526 = arith.constant 6528 : index
    %swap3A_527 = vector.load %arg5[%swap3A_525, %swap3A_526] : memref<16x32768xf32, #tpu.memory_space<vmem>>, vector<16x128xf32>
    tpu.vector_store %arg5[%swap3A_525, %swap3A_526], %add3A_524 {strides = array<i32>} : memref<16x32768xf32, #tpu.memory_space<vmem>>, vector<16x128xf32>,
    %slice3A_528 = vector.extract_strided_slice %add3A_9 {offsets = [0, 6656], sizes = [16, 128], strides = [1, 1]} : vector<16x32768xf32> to vector<16x128xf32>
    %get3A_529 = arith.constant 0 : index
    %get3A_530 = arith.constant 52 : index
    %get3A_531 = arith.constant 0 : index
    %get3A_532 = vector.load %arg3[%get3A_529, %get3A_530, %get3A_531] : memref<16x256x128xf32, #tpu.memory_space<vmem>>, vector<16x1x128xf32>
    %get3A_533 = vector.shape_cast %get3A_532 : vector<16x1x128xf32> to vector<16x128xf32>
    %add3A_534 = arith.addf %slice3A_528, %get3A_533 : vector<16x128xf32>
    %swap3A_535 = arith.constant 0 : index
    %swap3A_536 = arith.constant 6656 : index
    %swap3A_537 = vector.load %arg5[%swap3A_535, %swap3A_536] : memref<16x32768xf32, #tpu.memory_space<vmem>>, vector<16x128xf32>
    tpu.vector_store %arg5[%swap3A_535, %swap3A_536], %add3A_534 {strides = array<i32>} : memref<16x32768xf32, #tpu.memory_space<vmem>>, vector<16x128xf32>,
    %slice3A_538 = vector.extract_strided_slice %add3A_9 {offsets = [0, 6784], sizes = [16, 128], strides = [1, 1]} : vector<16x32768xf32> to vector<16x128xf32>
    %get3A_539 = arith.constant 0 : index
    %get3A_540 = arith.constant 53 : index
    %get3A_541 = arith.constant 0 : index
    %get3A_542 = vector.load %arg3[%get3A_539, %get3A_540, %get3A_541] : memref<16x256x128xf32, #tpu.memory_space<vmem>>, vector<16x1x128xf32>
    %get3A_543 = vector.shape_cast %get3A_542 : vector<16x1x128xf32> to vector<16x128xf32>
    %add3A_544 = arith.addf %slice3A_538, %get3A_543 : vector<16x128xf32>
    %swap3A_545 = arith.constant 0 : index
    %swap3A_546 = arith.constant 6784 : index
    %swap3A_547 = vector.load %arg5[%swap3A_545, %swap3A_546] : memref<16x32768xf32, #tpu.memory_space<vmem>>, vector<16x128xf32>
    tpu.vector_store %arg5[%swap3A_545, %swap3A_546], %add3A_544 {strides = array<i32>} : memref<16x32768xf32, #tpu.memory_space<vmem>>, vector<16x128xf32>,
    %slice3A_548 = vector.extract_strided_slice %add3A_9 {offsets = [0, 6912], sizes = [16, 128], strides = [1, 1]} : vector<16x32768xf32> to vector<16x128xf32>
    %get3A_549 = arith.constant 0 : index
    %get3A_550 = arith.constant 54 : index
    %get3A_551 = arith.constant 0 : index
    %get3A_552 = vector.load %arg3[%get3A_549, %get3A_550, %get3A_551] : memref<16x256x128xf32, #tpu.memory_space<vmem>>, vector<16x1x128xf32>
    %get3A_553 = vector.shape_cast %get3A_552 : vector<16x1x128xf32> to vector<16x128xf32>
    %add3A_554 = arith.addf %slice3A_548, %get3A_553 : vector<16x128xf32>
    %swap3A_555 = arith.constant 0 : index
    %swap3A_556 = arith.constant 6912 : index
    %swap3A_557 = vector.load %arg5[%swap3A_555, %swap3A_556] : memref<16x32768xf32, #tpu.memory_space<vmem>>, vector<16x128xf32>
    tpu.vector_store %arg5[%swap3A_555, %swap3A_556], %add3A_554 {strides = array<i32>} : memref<16x32768xf32, #tpu.memory_space<vmem>>, vector<16x128xf32>,
    %slice3A_558 = vector.extract_strided_slice %add3A_9 {offsets = [0, 7040], sizes = [16, 128], strides = [1, 1]} : vector<16x32768xf32> to vector<16x128xf32>
    %get3A_559 = arith.constant 0 : index
    %get3A_560 = arith.constant 55 : index
    %get3A_561 = arith.constant 0 : index
    %get3A_562 = vector.load %arg3[%get3A_559, %get3A_560, %get3A_561] : memref<16x256x128xf32, #tpu.memory_space<vmem>>, vector<16x1x128xf32>
    %get3A_563 = vector.shape_cast %get3A_562 : vector<16x1x128xf32> to vector<16x128xf32>
    %add3A_564 = arith.addf %slice3A_558, %get3A_563 : vector<16x128xf32>
    %swap3A_565 = arith.constant 0 : index
    %swap3A_566 = arith.constant 7040 : index
    %swap3A_567 = vector.load %arg5[%swap3A_565, %swap3A_566] : memref<16x32768xf32, #tpu.memory_space<vmem>>, vector<16x128xf32>
    tpu.vector_store %arg5[%swap3A_565, %swap3A_566], %add3A_564 {strides = array<i32>} : memref<16x32768xf32, #tpu.memory_space<vmem>>, vector<16x128xf32>,
    %slice3A_568 = vector.extract_strided_slice %add3A_9 {offsets = [0, 7168], sizes = [16, 128], strides = [1, 1]} : vector<16x32768xf32> to vector<16x128xf32>
    %get3A_569 = arith.constant 0 : index
    %get3A_570 = arith.constant 56 : index
    %get3A_571 = arith.constant 0 : index
    %get3A_572 = vector.load %arg3[%get3A_569, %get3A_570, %get3A_571] : memref<16x256x128xf32, #tpu.memory_space<vmem>>, vector<16x1x128xf32>
    %get3A_573 = vector.shape_cast %get3A_572 : vector<16x1x128xf32> to vector<16x128xf32>
    %add3A_574 = arith.addf %slice3A_568, %get3A_573 : vector<16x128xf32>
    %swap3A_575 = arith.constant 0 : index
    %swap3A_576 = arith.constant 7168 : index
    %swap3A_577 = vector.load %arg5[%swap3A_575, %swap3A_576] : memref<16x32768xf32, #tpu.memory_space<vmem>>, vector<16x128xf32>
    tpu.vector_store %arg5[%swap3A_575, %swap3A_576], %add3A_574 {strides = array<i32>} : memref<16x32768xf32, #tpu.memory_space<vmem>>, vector<16x128xf32>,
    %slice3A_578 = vector.extract_strided_slice %add3A_9 {offsets = [0, 7296], sizes = [16, 128], strides = [1, 1]} : vector<16x32768xf32> to vector<16x128xf32>
    %get3A_579 = arith.constant 0 : index
    %get3A_580 = arith.constant 57 : index
    %get3A_581 = arith.constant 0 : index
    %get3A_582 = vector.load %arg3[%get3A_579, %get3A_580, %get3A_581] : memref<16x256x128xf32, #tpu.memory_space<vmem>>, vector<16x1x128xf32>
    %get3A_583 = vector.shape_cast %get3A_582 : vector<16x1x128xf32> to vector<16x128xf32>
    %add3A_584 = arith.addf %slice3A_578, %get3A_583 : vector<16x128xf32>
    %swap3A_585 = arith.constant 0 : index
    %swap3A_586 = arith.constant 7296 : index
    %swap3A_587 = vector.load %arg5[%swap3A_585, %swap3A_586] : memref<16x32768xf32, #tpu.memory_space<vmem>>, vector<16x128xf32>
    tpu.vector_store %arg5[%swap3A_585, %swap3A_586], %add3A_584 {strides = array<i32>} : memref<16x32768xf32, #tpu.memory_space<vmem>>, vector<16x128xf32>,
    %slice3A_588 = vector.extract_strided_slice %add3A_9 {offsets = [0, 7424], sizes = [16, 128], strides = [1, 1]} : vector<16x32768xf32> to vector<16x128xf32>
    %get3A_589 = arith.constant 0 : index
    %get3A_590 = arith.constant 58 : index
    %get3A_591 = arith.constant 0 : index
    %get3A_592 = vector.load %arg3[%get3A_589, %get3A_590, %get3A_591] : memref<16x256x128xf32, #tpu.memory_space<vmem>>, vector<16x1x128xf32>
    %get3A_593 = vector.shape_cast %get3A_592 : vector<16x1x128xf32> to vector<16x128xf32>
    %add3A_594 = arith.addf %slice3A_588, %get3A_593 : vector<16x128xf32>
    %swap3A_595 = arith.constant 0 : index
    %swap3A_596 = arith.constant 7424 : index
    %swap3A_597 = vector.load %arg5[%swap3A_595, %swap3A_596] : memref<16x32768xf32, #tpu.memory_space<vmem>>, vector<16x128xf32>
    tpu.vector_store %arg5[%swap3A_595, %swap3A_596], %add3A_594 {strides = array<i32>} : memref<16x32768xf32, #tpu.memory_space<vmem>>, vector<16x128xf32>,
    %slice3A_598 = vector.extract_strided_slice %add3A_9 {offsets = [0, 7552], sizes = [16, 128], strides = [1, 1]} : vector<16x32768xf32> to vector<16x128xf32>
    %get3A_599 = arith.constant 0 : index
    %get3A_600 = arith.constant 59 : index
    %get3A_601 = arith.constant 0 : index
    %get3A_602 = vector.load %arg3[%get3A_599, %get3A_600, %get3A_601] : memref<16x256x128xf32, #tpu.memory_space<vmem>>, vector<16x1x128xf32>
    %get3A_603 = vector.shape_cast %get3A_602 : vector<16x1x128xf32> to vector<16x128xf32>
    %add3A_604 = arith.addf %slice3A_598, %get3A_603 : vector<16x128xf32>
    %swap3A_605 = arith.constant 0 : index
    %swap3A_606 = arith.constant 7552 : index
    %swap3A_607 = vector.load %arg5[%swap3A_605, %swap3A_606] : memref<16x32768xf32, #tpu.memory_space<vmem>>, vector<16x128xf32>
    tpu.vector_store %arg5[%swap3A_605, %swap3A_606], %add3A_604 {strides = array<i32>} : memref<16x32768xf32, #tpu.memory_space<vmem>>, vector<16x128xf32>,
    %slice3A_608 = vector.extract_strided_slice %add3A_9 {offsets = [0, 7680], sizes = [16, 128], strides = [1, 1]} : vector<16x32768xf32> to vector<16x128xf32>
    %get3A_609 = arith.constant 0 : index
    %get3A_610 = arith.constant 60 : index
    %get3A_611 = arith.constant 0 : index
    %get3A_612 = vector.load %arg3[%get3A_609, %get3A_610, %get3A_611] : memref<16x256x128xf32, #tpu.memory_space<vmem>>, vector<16x1x128xf32>
    %get3A_613 = vector.shape_cast %get3A_612 : vector<16x1x128xf32> to vector<16x128xf32>
    %add3A_614 = arith.addf %slice3A_608, %get3A_613 : vector<16x128xf32>
    %swap3A_615 = arith.constant 0 : index
    %swap3A_616 = arith.constant 7680 : index
    %swap3A_617 = vector.load %arg5[%swap3A_615, %swap3A_616] : memref<16x32768xf32, #tpu.memory_space<vmem>>, vector<16x128xf32>
    tpu.vector_store %arg5[%swap3A_615, %swap3A_616], %add3A_614 {strides = array<i32>} : memref<16x32768xf32, #tpu.memory_space<vmem>>, vector<16x128xf32>,
    %slice3A_618 = vector.extract_strided_slice %add3A_9 {offsets = [0, 7808], sizes = [16, 128], strides = [1, 1]} : vector<16x32768xf32> to vector<16x128xf32>
    %get3A_619 = arith.constant 0 : index
    %get3A_620 = arith.constant 61 : index
    %get3A_621 = arith.constant 0 : index
    %get3A_622 = vector.load %arg3[%get3A_619, %get3A_620, %get3A_621] : memref<16x256x128xf32, #tpu.memory_space<vmem>>, vector<16x1x128xf32>
    %get3A_623 = vector.shape_cast %get3A_622 : vector<16x1x128xf32> to vector<16x128xf32>
    %add3A_624 = arith.addf %slice3A_618, %get3A_623 : vector<16x128xf32>
    %swap3A_625 = arith.constant 0 : index
    %swap3A_626 = arith.constant 7808 : index
    %swap3A_627 = vector.load %arg5[%swap3A_625, %swap3A_626] : memref<16x32768xf32, #tpu.memory_space<vmem>>, vector<16x128xf32>
    tpu.vector_store %arg5[%swap3A_625, %swap3A_626], %add3A_624 {strides = array<i32>} : memref<16x32768xf32, #tpu.memory_space<vmem>>, vector<16x128xf32>,
    %slice3A_628 = vector.extract_strided_slice %add3A_9 {offsets = [0, 7936], sizes = [16, 128], strides = [1, 1]} : vector<16x32768xf32> to vector<16x128xf32>
    %get3A_629 = arith.constant 0 : index
    %get3A_630 = arith.constant 62 : index
    %get3A_631 = arith.constant 0 : index
    %get3A_632 = vector.load %arg3[%get3A_629, %get3A_630, %get3A_631] : memref<16x256x128xf32, #tpu.memory_space<vmem>>, vector<16x1x128xf32>
    %get3A_633 = vector.shape_cast %get3A_632 : vector<16x1x128xf32> to vector<16x128xf32>
    %add3A_634 = arith.addf %slice3A_628, %get3A_633 : vector<16x128xf32>
    %swap3A_635 = arith.constant 0 : index
    %swap3A_636 = arith.constant 7936 : index
    %swap3A_637 = vector.load %arg5[%swap3A_635, %swap3A_636] : memref<16x32768xf32, #tpu.memory_space<vmem>>, vector<16x128xf32>
    tpu.vector_store %arg5[%swap3A_635, %swap3A_636], %add3A_634 {strides = array<i32>} : memref<16x32768xf32, #tpu.memory_space<vmem>>, vector<16x128xf32>,
    %slice3A_638 = vector.extract_strided_slice %add3A_9 {offsets = [0, 8064], sizes = [16, 128], strides = [1, 1]} : vector<16x32768xf32> to vector<16x128xf32>
    %get3A_639 = arith.constant 0 : index
    %get3A_640 = arith.constant 63 : index
    %get3A_641 = arith.constant 0 : index
    %get3A_642 = vector.load %arg3[%get3A_639, %get3A_640, %get3A_641] : memref<16x256x128xf32, #tpu.memory_space<vmem>>, vector<16x1x128xf32>
    %get3A_643 = vector.shape_cast %get3A_642 : vector<16x1x128xf32> to vector<16x128xf32>
    %add3A_644 = arith.addf %slice3A_638, %get3A_643 : vector<16x128xf32>
    %swap3A_645 = arith.constant 0 : index
    %swap3A_646 = arith.constant 8064 : index
    %swap3A_647 = vector.load %arg5[%swap3A_645, %swap3A_646] : memref<16x32768xf32, #tpu.memory_space<vmem>>, vector<16x128xf32>
    tpu.vector_store %arg5[%swap3A_645, %swap3A_646], %add3A_644 {strides = array<i32>} : memref<16x32768xf32, #tpu.memory_space<vmem>>, vector<16x128xf32>,
    %slice3A_648 = vector.extract_strided_slice %add3A_9 {offsets = [0, 8192], sizes = [16, 128], strides = [1, 1]} : vector<16x32768xf32> to vector<16x128xf32>
    %get3A_649 = arith.constant 0 : index
    %get3A_650 = arith.constant 64 : index
    %get3A_651 = arith.constant 0 : index
    %get3A_652 = vector.load %arg3[%get3A_649, %get3A_650, %get3A_651] : memref<16x256x128xf32, #tpu.memory_space<vmem>>, vector<16x1x128xf32>
    %get3A_653 = vector.shape_cast %get3A_652 : vector<16x1x128xf32> to vector<16x128xf32>
    %add3A_654 = arith.addf %slice3A_648, %get3A_653 : vector<16x128xf32>
    %swap3A_655 = arith.constant 0 : index
    %swap3A_656 = arith.constant 8192 : index
    %swap3A_657 = vector.load %arg5[%swap3A_655, %swap3A_656] : memref<16x32768xf32, #tpu.memory_space<vmem>>, vector<16x128xf32>
    tpu.vector_store %arg5[%swap3A_655, %swap3A_656], %add3A_654 {strides = array<i32>} : memref<16x32768xf32, #tpu.memory_space<vmem>>, vector<16x128xf32>,
    %slice3A_658 = vector.extract_strided_slice %add3A_9 {offsets = [0, 8320], sizes = [16, 128], strides = [1, 1]} : vector<16x32768xf32> to vector<16x128xf32>
    %get3A_659 = arith.constant 0 : index
    %get3A_660 = arith.constant 65 : index
    %get3A_661 = arith.constant 0 : index
    %get3A_662 = vector.load %arg3[%get3A_659, %get3A_660, %get3A_661] : memref<16x256x128xf32, #tpu.memory_space<vmem>>, vector<16x1x128xf32>
    %get3A_663 = vector.shape_cast %get3A_662 : vector<16x1x128xf32> to vector<16x128xf32>
    %add3A_664 = arith.addf %slice3A_658, %get3A_663 : vector<16x128xf32>
    %swap3A_665 = arith.constant 0 : index
    %swap3A_666 = arith.constant 8320 : index
    %swap3A_667 = vector.load %arg5[%swap3A_665, %swap3A_666] : memref<16x32768xf32, #tpu.memory_space<vmem>>, vector<16x128xf32>
    tpu.vector_store %arg5[%swap3A_665, %swap3A_666], %add3A_664 {strides = array<i32>} : memref<16x32768xf32, #tpu.memory_space<vmem>>, vector<16x128xf32>,
    %slice3A_668 = vector.extract_strided_slice %add3A_9 {offsets = [0, 8448], sizes = [16, 128], strides = [1, 1]} : vector<16x32768xf32> to vector<16x128xf32>
    %get3A_669 = arith.constant 0 : index
    %get3A_670 = arith.constant 66 : index
    %get3A_671 = arith.constant 0 : index
    %get3A_672 = vector.load %arg3[%get3A_669, %get3A_670, %get3A_671] : memref<16x256x128xf32, #tpu.memory_space<vmem>>, vector<16x1x128xf32>
    %get3A_673 = vector.shape_cast %get3A_672 : vector<16x1x128xf32> to vector<16x128xf32>
    %add3A_674 = arith.addf %slice3A_668, %get3A_673 : vector<16x128xf32>
    %swap3A_675 = arith.constant 0 : index
    %swap3A_676 = arith.constant 8448 : index
    %swap3A_677 = vector.load %arg5[%swap3A_675, %swap3A_676] : memref<16x32768xf32, #tpu.memory_space<vmem>>, vector<16x128xf32>
    tpu.vector_store %arg5[%swap3A_675, %swap3A_676], %add3A_674 {strides = array<i32>} : memref<16x32768xf32, #tpu.memory_space<vmem>>, vector<16x128xf32>,
    %slice3A_678 = vector.extract_strided_slice %add3A_9 {offsets = [0, 8576], sizes = [16, 128], strides = [1, 1]} : vector<16x32768xf32> to vector<16x128xf32>
    %get3A_679 = arith.constant 0 : index
    %get3A_680 = arith.constant 67 : index
    %get3A_681 = arith.constant 0 : index
    %get3A_682 = vector.load %arg3[%get3A_679, %get3A_680, %get3A_681] : memref<16x256x128xf32, #tpu.memory_space<vmem>>, vector<16x1x128xf32>
    %get3A_683 = vector.shape_cast %get3A_682 : vector<16x1x128xf32> to vector<16x128xf32>
    %add3A_684 = arith.addf %slice3A_678, %get3A_683 : vector<16x128xf32>
    %swap3A_685 = arith.constant 0 : index
    %swap3A_686 = arith.constant 8576 : index
    %swap3A_687 = vector.load %arg5[%swap3A_685, %swap3A_686] : memref<16x32768xf32, #tpu.memory_space<vmem>>, vector<16x128xf32>
    tpu.vector_store %arg5[%swap3A_685, %swap3A_686], %add3A_684 {strides = array<i32>} : memref<16x32768xf32, #tpu.memory_space<vmem>>, vector<16x128xf32>,
    %slice3A_688 = vector.extract_strided_slice %add3A_9 {offsets = [0, 8704], sizes = [16, 128], strides = [1, 1]} : vector<16x32768xf32> to vector<16x128xf32>
    %get3A_689 = arith.constant 0 : index
    %get3A_690 = arith.constant 68 : index
    %get3A_691 = arith.constant 0 : index
    %get3A_692 = vector.load %arg3[%get3A_689, %get3A_690, %get3A_691] : memref<16x256x128xf32, #tpu.memory_space<vmem>>, vector<16x1x128xf32>
    %get3A_693 = vector.shape_cast %get3A_692 : vector<16x1x128xf32> to vector<16x128xf32>
    %add3A_694 = arith.addf %slice3A_688, %get3A_693 : vector<16x128xf32>
    %swap3A_695 = arith.constant 0 : index
    %swap3A_696 = arith.constant 8704 : index
    %swap3A_697 = vector.load %arg5[%swap3A_695, %swap3A_696] : memref<16x32768xf32, #tpu.memory_space<vmem>>, vector<16x128xf32>
    tpu.vector_store %arg5[%swap3A_695, %swap3A_696], %add3A_694 {strides = array<i32>} : memref<16x32768xf32, #tpu.memory_space<vmem>>, vector<16x128xf32>,
    %slice3A_698 = vector.extract_strided_slice %add3A_9 {offsets = [0, 8832], sizes = [16, 128], strides = [1, 1]} : vector<16x32768xf32> to vector<16x128xf32>
    %get3A_699 = arith.constant 0 : index
    %get3A_700 = arith.constant 69 : index
    %get3A_701 = arith.constant 0 : index
    %get3A_702 = vector.load %arg3[%get3A_699, %get3A_700, %get3A_701] : memref<16x256x128xf32, #tpu.memory_space<vmem>>, vector<16x1x128xf32>
    %get3A_703 = vector.shape_cast %get3A_702 : vector<16x1x128xf32> to vector<16x128xf32>
    %add3A_704 = arith.addf %slice3A_698, %get3A_703 : vector<16x128xf32>
    %swap3A_705 = arith.constant 0 : index
    %swap3A_706 = arith.constant 8832 : index
    %swap3A_707 = vector.load %arg5[%swap3A_705, %swap3A_706] : memref<16x32768xf32, #tpu.memory_space<vmem>>, vector<16x128xf32>
    tpu.vector_store %arg5[%swap3A_705, %swap3A_706], %add3A_704 {strides = array<i32>} : memref<16x32768xf32, #tpu.memory_space<vmem>>, vector<16x128xf32>,
    %slice3A_708 = vector.extract_strided_slice %add3A_9 {offsets = [0, 8960], sizes = [16, 128], strides = [1, 1]} : vector<16x32768xf32> to vector<16x128xf32>
    %get3A_709 = arith.constant 0 : index
    %get3A_710 = arith.constant 70 : index
    %get3A_711 = arith.constant 0 : index
    %get3A_712 = vector.load %arg3[%get3A_709, %get3A_710, %get3A_711] : memref<16x256x128xf32, #tpu.memory_space<vmem>>, vector<16x1x128xf32>
    %get3A_713 = vector.shape_cast %get3A_712 : vector<16x1x128xf32> to vector<16x128xf32>
    %add3A_714 = arith.addf %slice3A_708, %get3A_713 : vector<16x128xf32>
    %swap3A_715 = arith.constant 0 : index
    %swap3A_716 = arith.constant 8960 : index
    %swap3A_717 = vector.load %arg5[%swap3A_715, %swap3A_716] : memref<16x32768xf32, #tpu.memory_space<vmem>>, vector<16x128xf32>
    tpu.vector_store %arg5[%swap3A_715, %swap3A_716], %add3A_714 {strides = array<i32>} : memref<16x32768xf32, #tpu.memory_space<vmem>>, vector<16x128xf32>,
    %slice3A_718 = vector.extract_strided_slice %add3A_9 {offsets = [0, 9088], sizes = [16, 128], strides = [1, 1]} : vector<16x32768xf32> to vector<16x128xf32>
    %get3A_719 = arith.constant 0 : index
    %get3A_720 = arith.constant 71 : index
    %get3A_721 = arith.constant 0 : index
    %get3A_722 = vector.load %arg3[%get3A_719, %get3A_720, %get3A_721] : memref<16x256x128xf32, #tpu.memory_space<vmem>>, vector<16x1x128xf32>
    %get3A_723 = vector.shape_cast %get3A_722 : vector<16x1x128xf32> to vector<16x128xf32>
    %add3A_724 = arith.addf %slice3A_718, %get3A_723 : vector<16x128xf32>
    %swap3A_725 = arith.constant 0 : index
    %swap3A_726 = arith.constant 9088 : index
    %swap3A_727 = vector.load %arg5[%swap3A_725, %swap3A_726] : memref<16x32768xf32, #tpu.memory_space<vmem>>, vector<16x128xf32>
    tpu.vector_store %arg5[%swap3A_725, %swap3A_726], %add3A_724 {strides = array<i32>} : memref<16x32768xf32, #tpu.memory_space<vmem>>, vector<16x128xf32>,
    %slice3A_728 = vector.extract_strided_slice %add3A_9 {offsets = [0, 9216], sizes = [16, 128], strides = [1, 1]} : vector<16x32768xf32> to vector<16x128xf32>
    %get3A_729 = arith.constant 0 : index
    %get3A_730 = arith.constant 72 : index
    %get3A_731 = arith.constant 0 : index
    %get3A_732 = vector.load %arg3[%get3A_729, %get3A_730, %get3A_731] : memref<16x256x128xf32, #tpu.memory_space<vmem>>, vector<16x1x128xf32>
    %get3A_733 = vector.shape_cast %get3A_732 : vector<16x1x128xf32> to vector<16x128xf32>
    %add3A_734 = arith.addf %slice3A_728, %get3A_733 : vector<16x128xf32>
    %swap3A_735 = arith.constant 0 : index
    %swap3A_736 = arith.constant 9216 : index
    %swap3A_737 = vector.load %arg5[%swap3A_735, %swap3A_736] : memref<16x32768xf32, #tpu.memory_space<vmem>>, vector<16x128xf32>
    tpu.vector_store %arg5[%swap3A_735, %swap3A_736], %add3A_734 {strides = array<i32>} : memref<16x32768xf32, #tpu.memory_space<vmem>>, vector<16x128xf32>,
    %slice3A_738 = vector.extract_strided_slice %add3A_9 {offsets = [0, 9344], sizes = [16, 128], strides = [1, 1]} : vector<16x32768xf32> to vector<16x128xf32>
    %get3A_739 = arith.constant 0 : index
    %get3A_740 = arith.constant 73 : index
    %get3A_741 = arith.constant 0 : index
    %get3A_742 = vector.load %arg3[%get3A_739, %get3A_740, %get3A_741] : memref<16x256x128xf32, #tpu.memory_space<vmem>>, vector<16x1x128xf32>
    %get3A_743 = vector.shape_cast %get3A_742 : vector<16x1x128xf32> to vector<16x128xf32>
    %add3A_744 = arith.addf %slice3A_738, %get3A_743 : vector<16x128xf32>
    %swap3A_745 = arith.constant 0 : index
    %swap3A_746 = arith.constant 9344 : index
    %swap3A_747 = vector.load %arg5[%swap3A_745, %swap3A_746] : memref<16x32768xf32, #tpu.memory_space<vmem>>, vector<16x128xf32>
    tpu.vector_store %arg5[%swap3A_745, %swap3A_746], %add3A_744 {strides = array<i32>} : memref<16x32768xf32, #tpu.memory_space<vmem>>, vector<16x128xf32>,
    %slice3A_748 = vector.extract_strided_slice %add3A_9 {offsets = [0, 9472], sizes = [16, 128], strides = [1, 1]} : vector<16x32768xf32> to vector<16x128xf32>
    %get3A_749 = arith.constant 0 : index
    %get3A_750 = arith.constant 74 : index
    %get3A_751 = arith.constant 0 : index
    %get3A_752 = vector.load %arg3[%get3A_749, %get3A_750, %get3A_751] : memref<16x256x128xf32, #tpu.memory_space<vmem>>, vector<16x1x128xf32>
    %get3A_753 = vector.shape_cast %get3A_752 : vector<16x1x128xf32> to vector<16x128xf32>
    %add3A_754 = arith.addf %slice3A_748, %get3A_753 : vector<16x128xf32>
    %swap3A_755 = arith.constant 0 : index
    %swap3A_756 = arith.constant 9472 : index
    %swap3A_757 = vector.load %arg5[%swap3A_755, %swap3A_756] : memref<16x32768xf32, #tpu.memory_space<vmem>>, vector<16x128xf32>
    tpu.vector_store %arg5[%swap3A_755, %swap3A_756], %add3A_754 {strides = array<i32>} : memref<16x32768xf32, #tpu.memory_space<vmem>>, vector<16x128xf32>,
    %slice3A_758 = vector.extract_strided_slice %add3A_9 {offsets = [0, 9600], sizes = [16, 128], strides = [1, 1]} : vector<16x32768xf32> to vector<16x128xf32>
    %get3A_759 = arith.constant 0 : index
    %get3A_760 = arith.constant 75 : index
    %get3A_761 = arith.constant 0 : index
    %get3A_762 = vector.load %arg3[%get3A_759, %get3A_760, %get3A_761] : memref<16x256x128xf32, #tpu.memory_space<vmem>>, vector<16x1x128xf32>
    %get3A_763 = vector.shape_cast %get3A_762 : vector<16x1x128xf32> to vector<16x128xf32>
    %add3A_764 = arith.addf %slice3A_758, %get3A_763 : vector<16x128xf32>
    %swap3A_765 = arith.constant 0 : index
    %swap3A_766 = arith.constant 9600 : index
    %swap3A_767 = vector.load %arg5[%swap3A_765, %swap3A_766] : memref<16x32768xf32, #tpu.memory_space<vmem>>, vector<16x128xf32>
    tpu.vector_store %arg5[%swap3A_765, %swap3A_766], %add3A_764 {strides = array<i32>} : memref<16x32768xf32, #tpu.memory_space<vmem>>, vector<16x128xf32>,
    %slice3A_768 = vector.extract_strided_slice %add3A_9 {offsets = [0, 9728], sizes = [16, 128], strides = [1, 1]} : vector<16x32768xf32> to vector<16x128xf32>
    %get3A_769 = arith.constant 0 : index
    %get3A_770 = arith.constant 76 : index
    %get3A_771 = arith.constant 0 : index
    %get3A_772 = vector.load %arg3[%get3A_769, %get3A_770, %get3A_771] : memref<16x256x128xf32, #tpu.memory_space<vmem>>, vector<16x1x128xf32>
    %get3A_773 = vector.shape_cast %get3A_772 : vector<16x1x128xf32> to vector<16x128xf32>
    %add3A_774 = arith.addf %slice3A_768, %get3A_773 : vector<16x128xf32>
    %swap3A_775 = arith.constant 0 : index
    %swap3A_776 = arith.constant 9728 : index
    %swap3A_777 = vector.load %arg5[%swap3A_775, %swap3A_776] : memref<16x32768xf32, #tpu.memory_space<vmem>>, vector<16x128xf32>
    tpu.vector_store %arg5[%swap3A_775, %swap3A_776], %add3A_774 {strides = array<i32>} : memref<16x32768xf32, #tpu.memory_space<vmem>>, vector<16x128xf32>,
    %slice3A_778 = vector.extract_strided_slice %add3A_9 {offsets = [0, 9856], sizes = [16, 128], strides = [1, 1]} : vector<16x32768xf32> to vector<16x128xf32>
    %get3A_779 = arith.constant 0 : index
    %get3A_780 = arith.constant 77 : index
    %get3A_781 = arith.constant 0 : index
    %get3A_782 = vector.load %arg3[%get3A_779, %get3A_780, %get3A_781] : memref<16x256x128xf32, #tpu.memory_space<vmem>>, vector<16x1x128xf32>
    %get3A_783 = vector.shape_cast %get3A_782 : vector<16x1x128xf32> to vector<16x128xf32>
    %add3A_784 = arith.addf %slice3A_778, %get3A_783 : vector<16x128xf32>
    %swap3A_785 = arith.constant 0 : index
    %swap3A_786 = arith.constant 9856 : index
    %swap3A_787 = vector.load %arg5[%swap3A_785, %swap3A_786] : memref<16x32768xf32, #tpu.memory_space<vmem>>, vector<16x128xf32>
    tpu.vector_store %arg5[%swap3A_785, %swap3A_786], %add3A_784 {strides = array<i32>} : memref<16x32768xf32, #tpu.memory_space<vmem>>, vector<16x128xf32>,
    %slice3A_788 = vector.extract_strided_slice %add3A_9 {offsets = [0, 9984], sizes = [16, 128], strides = [1, 1]} : vector<16x32768xf32> to vector<16x128xf32>
    %get3A_789 = arith.constant 0 : index
    %get3A_790 = arith.constant 78 : index
    %get3A_791 = arith.constant 0 : index
    %get3A_792 = vector.load %arg3[%get3A_789, %get3A_790, %get3A_791] : memref<16x256x128xf32, #tpu.memory_space<vmem>>, vector<16x1x128xf32>
    %get3A_793 = vector.shape_cast %get3A_792 : vector<16x1x128xf32> to vector<16x128xf32>
    %add3A_794 = arith.addf %slice3A_788, %get3A_793 : vector<16x128xf32>
    %swap3A_795 = arith.constant 0 : index
    %swap3A_796 = arith.constant 9984 : index
    %swap3A_797 = vector.load %arg5[%swap3A_795, %swap3A_796] : memref<16x32768xf32, #tpu.memory_space<vmem>>, vector<16x128xf32>
    tpu.vector_store %arg5[%swap3A_795, %swap3A_796], %add3A_794 {strides = array<i32>} : memref<16x32768xf32, #tpu.memory_space<vmem>>, vector<16x128xf32>,
    %slice3A_798 = vector.extract_strided_slice %add3A_9 {offsets = [0, 10112], sizes = [16, 128], strides = [1, 1]} : vector<16x32768xf32> to vector<16x128xf32>
    %get3A_799 = arith.constant 0 : index
    %get3A_800 = arith.constant 79 : index
    %get3A_801 = arith.constant 0 : index
    %get3A_802 = vector.load %arg3[%get3A_799, %get3A_800, %get3A_801] : memref<16x256x128xf32, #tpu.memory_space<vmem>>, vector<16x1x128xf32>
    %get3A_803 = vector.shape_cast %get3A_802 : vector<16x1x128xf32> to vector<16x128xf32>
    %add3A_804 = arith.addf %slice3A_798, %get3A_803 : vector<16x128xf32>
    %swap3A_805 = arith.constant 0 : index
    %swap3A_806 = arith.constant 10112 : index
    %swap3A_807 = vector.load %arg5[%swap3A_805, %swap3A_806] : memref<16x32768xf32, #tpu.memory_space<vmem>>, vector<16x128xf32>
    tpu.vector_store %arg5[%swap3A_805, %swap3A_806], %add3A_804 {strides = array<i32>} : memref<16x32768xf32, #tpu.memory_space<vmem>>, vector<16x128xf32>,
    %slice3A_808 = vector.extract_strided_slice %add3A_9 {offsets = [0, 10240], sizes = [16, 128], strides = [1, 1]} : vector<16x32768xf32> to vector<16x128xf32>
    %get3A_809 = arith.constant 0 : index
    %get3A_810 = arith.constant 80 : index
    %get3A_811 = arith.constant 0 : index
    %get3A_812 = vector.load %arg3[%get3A_809, %get3A_810, %get3A_811] : memref<16x256x128xf32, #tpu.memory_space<vmem>>, vector<16x1x128xf32>
    %get3A_813 = vector.shape_cast %get3A_812 : vector<16x1x128xf32> to vector<16x128xf32>
    %add3A_814 = arith.addf %slice3A_808, %get3A_813 : vector<16x128xf32>
    %swap3A_815 = arith.constant 0 : index
    %swap3A_816 = arith.constant 10240 : index
    %swap3A_817 = vector.load %arg5[%swap3A_815, %swap3A_816] : memref<16x32768xf32, #tpu.memory_space<vmem>>, vector<16x128xf32>
    tpu.vector_store %arg5[%swap3A_815, %swap3A_816], %add3A_814 {strides = array<i32>} : memref<16x32768xf32, #tpu.memory_space<vmem>>, vector<16x128xf32>,
    %slice3A_818 = vector.extract_strided_slice %add3A_9 {offsets = [0, 10368], sizes = [16, 128], strides = [1, 1]} : vector<16x32768xf32> to vector<16x128xf32>
    %get3A_819 = arith.constant 0 : index
    %get3A_820 = arith.constant 81 : index
    %get3A_821 = arith.constant 0 : index
    %get3A_822 = vector.load %arg3[%get3A_819, %get3A_820, %get3A_821] : memref<16x256x128xf32, #tpu.memory_space<vmem>>, vector<16x1x128xf32>
    %get3A_823 = vector.shape_cast %get3A_822 : vector<16x1x128xf32> to vector<16x128xf32>
    %add3A_824 = arith.addf %slice3A_818, %get3A_823 : vector<16x128xf32>
    %swap3A_825 = arith.constant 0 : index
    %swap3A_826 = arith.constant 10368 : index
    %swap3A_827 = vector.load %arg5[%swap3A_825, %swap3A_826] : memref<16x32768xf32, #tpu.memory_space<vmem>>, vector<16x128xf32>
    tpu.vector_store %arg5[%swap3A_825, %swap3A_826], %add3A_824 {strides = array<i32>} : memref<16x32768xf32, #tpu.memory_space<vmem>>, vector<16x128xf32>,
    %slice3A_828 = vector.extract_strided_slice %add3A_9 {offsets = [0, 10496], sizes = [16, 128], strides = [1, 1]} : vector<16x32768xf32> to vector<16x128xf32>
    %get3A_829 = arith.constant 0 : index
    %get3A_830 = arith.constant 82 : index
    %get3A_831 = arith.constant 0 : index
    %get3A_832 = vector.load %arg3[%get3A_829, %get3A_830, %get3A_831] : memref<16x256x128xf32, #tpu.memory_space<vmem>>, vector<16x1x128xf32>
    %get3A_833 = vector.shape_cast %get3A_832 : vector<16x1x128xf32> to vector<16x128xf32>
    %add3A_834 = arith.addf %slice3A_828, %get3A_833 : vector<16x128xf32>
    %swap3A_835 = arith.constant 0 : index
    %swap3A_836 = arith.constant 10496 : index
    %swap3A_837 = vector.load %arg5[%swap3A_835, %swap3A_836] : memref<16x32768xf32, #tpu.memory_space<vmem>>, vector<16x128xf32>
    tpu.vector_store %arg5[%swap3A_835, %swap3A_836], %add3A_834 {strides = array<i32>} : memref<16x32768xf32, #tpu.memory_space<vmem>>, vector<16x128xf32>,
    %slice3A_838 = vector.extract_strided_slice %add3A_9 {offsets = [0, 10624], sizes = [16, 128], strides = [1, 1]} : vector<16x32768xf32> to vector<16x128xf32>
    %get3A_839 = arith.constant 0 : index
    %get3A_840 = arith.constant 83 : index
    %get3A_841 = arith.constant 0 : index
    %get3A_842 = vector.load %arg3[%get3A_839, %get3A_840, %get3A_841] : memref<16x256x128xf32, #tpu.memory_space<vmem>>, vector<16x1x128xf32>
    %get3A_843 = vector.shape_cast %get3A_842 : vector<16x1x128xf32> to vector<16x128xf32>
    %add3A_844 = arith.addf %slice3A_838, %get3A_843 : vector<16x128xf32>
    %swap3A_845 = arith.constant 0 : index
    %swap3A_846 = arith.constant 10624 : index
    %swap3A_847 = vector.load %arg5[%swap3A_845, %swap3A_846] : memref<16x32768xf32, #tpu.memory_space<vmem>>, vector<16x128xf32>
    tpu.vector_store %arg5[%swap3A_845, %swap3A_846], %add3A_844 {strides = array<i32>} : memref<16x32768xf32, #tpu.memory_space<vmem>>, vector<16x128xf32>,
    %slice3A_848 = vector.extract_strided_slice %add3A_9 {offsets = [0, 10752], sizes = [16, 128], strides = [1, 1]} : vector<16x32768xf32> to vector<16x128xf32>
    %get3A_849 = arith.constant 0 : index
    %get3A_850 = arith.constant 84 : index
    %get3A_851 = arith.constant 0 : index
    %get3A_852 = vector.load %arg3[%get3A_849, %get3A_850, %get3A_851] : memref<16x256x128xf32, #tpu.memory_space<vmem>>, vector<16x1x128xf32>
    %get3A_853 = vector.shape_cast %get3A_852 : vector<16x1x128xf32> to vector<16x128xf32>
    %add3A_854 = arith.addf %slice3A_848, %get3A_853 : vector<16x128xf32>
    %swap3A_855 = arith.constant 0 : index
    %swap3A_856 = arith.constant 10752 : index
    %swap3A_857 = vector.load %arg5[%swap3A_855, %swap3A_856] : memref<16x32768xf32, #tpu.memory_space<vmem>>, vector<16x128xf32>
    tpu.vector_store %arg5[%swap3A_855, %swap3A_856], %add3A_854 {strides = array<i32>} : memref<16x32768xf32, #tpu.memory_space<vmem>>, vector<16x128xf32>,
    %slice3A_858 = vector.extract_strided_slice %add3A_9 {offsets = [0, 10880], sizes = [16, 128], strides = [1, 1]} : vector<16x32768xf32> to vector<16x128xf32>
    %get3A_859 = arith.constant 0 : index
    %get3A_860 = arith.constant 85 : index
    %get3A_861 = arith.constant 0 : index
    %get3A_862 = vector.load %arg3[%get3A_859, %get3A_860, %get3A_861] : memref<16x256x128xf32, #tpu.memory_space<vmem>>, vector<16x1x128xf32>
    %get3A_863 = vector.shape_cast %get3A_862 : vector<16x1x128xf32> to vector<16x128xf32>
    %add3A_864 = arith.addf %slice3A_858, %get3A_863 : vector<16x128xf32>
    %swap3A_865 = arith.constant 0 : index
    %swap3A_866 = arith.constant 10880 : index
    %swap3A_867 = vector.load %arg5[%swap3A_865, %swap3A_866] : memref<16x32768xf32, #tpu.memory_space<vmem>>, vector<16x128xf32>
    tpu.vector_store %arg5[%swap3A_865, %swap3A_866], %add3A_864 {strides = array<i32>} : memref<16x32768xf32, #tpu.memory_space<vmem>>, vector<16x128xf32>,
    %slice3A_868 = vector.extract_strided_slice %add3A_9 {offsets = [0, 11008], sizes = [16, 128], strides = [1, 1]} : vector<16x32768xf32> to vector<16x128xf32>
    %get3A_869 = arith.constant 0 : index
    %get3A_870 = arith.constant 86 : index
    %get3A_871 = arith.constant 0 : index
    %get3A_872 = vector.load %arg3[%get3A_869, %get3A_870, %get3A_871] : memref<16x256x128xf32, #tpu.memory_space<vmem>>, vector<16x1x128xf32>
    %get3A_873 = vector.shape_cast %get3A_872 : vector<16x1x128xf32> to vector<16x128xf32>
    %add3A_874 = arith.addf %slice3A_868, %get3A_873 : vector<16x128xf32>
    %swap3A_875 = arith.constant 0 : index
    %swap3A_876 = arith.constant 11008 : index
    %swap3A_877 = vector.load %arg5[%swap3A_875, %swap3A_876] : memref<16x32768xf32, #tpu.memory_space<vmem>>, vector<16x128xf32>
    tpu.vector_store %arg5[%swap3A_875, %swap3A_876], %add3A_874 {strides = array<i32>} : memref<16x32768xf32, #tpu.memory_space<vmem>>, vector<16x128xf32>,
    %slice3A_878 = vector.extract_strided_slice %add3A_9 {offsets = [0, 11136], sizes = [16, 128], strides = [1, 1]} : vector<16x32768xf32> to vector<16x128xf32>
    %get3A_879 = arith.constant 0 : index
    %get3A_880 = arith.constant 87 : index
    %get3A_881 = arith.constant 0 : index
    %get3A_882 = vector.load %arg3[%get3A_879, %get3A_880, %get3A_881] : memref<16x256x128xf32, #tpu.memory_space<vmem>>, vector<16x1x128xf32>
    %get3A_883 = vector.shape_cast %get3A_882 : vector<16x1x128xf32> to vector<16x128xf32>
    %add3A_884 = arith.addf %slice3A_878, %get3A_883 : vector<16x128xf32>
    %swap3A_885 = arith.constant 0 : index
    %swap3A_886 = arith.constant 11136 : index
    %swap3A_887 = vector.load %arg5[%swap3A_885, %swap3A_886] : memref<16x32768xf32, #tpu.memory_space<vmem>>, vector<16x128xf32>
    tpu.vector_store %arg5[%swap3A_885, %swap3A_886], %add3A_884 {strides = array<i32>} : memref<16x32768xf32, #tpu.memory_space<vmem>>, vector<16x128xf32>,
    %slice3A_888 = vector.extract_strided_slice %add3A_9 {offsets = [0, 11264], sizes = [16, 128], strides = [1, 1]} : vector<16x32768xf32> to vector<16x128xf32>
    %get3A_889 = arith.constant 0 : index
    %get3A_890 = arith.constant 88 : index
    %get3A_891 = arith.constant 0 : index
    %get3A_892 = vector.load %arg3[%get3A_889, %get3A_890, %get3A_891] : memref<16x256x128xf32, #tpu.memory_space<vmem>>, vector<16x1x128xf32>
    %get3A_893 = vector.shape_cast %get3A_892 : vector<16x1x128xf32> to vector<16x128xf32>
    %add3A_894 = arith.addf %slice3A_888, %get3A_893 : vector<16x128xf32>
    %swap3A_895 = arith.constant 0 : index
    %swap3A_896 = arith.constant 11264 : index
    %swap3A_897 = vector.load %arg5[%swap3A_895, %swap3A_896] : memref<16x32768xf32, #tpu.memory_space<vmem>>, vector<16x128xf32>
    tpu.vector_store %arg5[%swap3A_895, %swap3A_896], %add3A_894 {strides = array<i32>} : memref<16x32768xf32, #tpu.memory_space<vmem>>, vector<16x128xf32>,
    %slice3A_898 = vector.extract_strided_slice %add3A_9 {offsets = [0, 11392], sizes = [16, 128], strides = [1, 1]} : vector<16x32768xf32> to vector<16x128xf32>
    %get3A_899 = arith.constant 0 : index
    %get3A_900 = arith.constant 89 : index
    %get3A_901 = arith.constant 0 : index
    %get3A_902 = vector.load %arg3[%get3A_899, %get3A_900, %get3A_901] : memref<16x256x128xf32, #tpu.memory_space<vmem>>, vector<16x1x128xf32>
    %get3A_903 = vector.shape_cast %get3A_902 : vector<16x1x128xf32> to vector<16x128xf32>
    %add3A_904 = arith.addf %slice3A_898, %get3A_903 : vector<16x128xf32>
    %swap3A_905 = arith.constant 0 : index
    %swap3A_906 = arith.constant 11392 : index
    %swap3A_907 = vector.load %arg5[%swap3A_905, %swap3A_906] : memref<16x32768xf32, #tpu.memory_space<vmem>>, vector<16x128xf32>
    tpu.vector_store %arg5[%swap3A_905, %swap3A_906], %add3A_904 {strides = array<i32>} : memref<16x32768xf32, #tpu.memory_space<vmem>>, vector<16x128xf32>,
    %slice3A_908 = vector.extract_strided_slice %add3A_9 {offsets = [0, 11520], sizes = [16, 128], strides = [1, 1]} : vector<16x32768xf32> to vector<16x128xf32>
    %get3A_909 = arith.constant 0 : index
    %get3A_910 = arith.constant 90 : index
    %get3A_911 = arith.constant 0 : index
    %get3A_912 = vector.load %arg3[%get3A_909, %get3A_910, %get3A_911] : memref<16x256x128xf32, #tpu.memory_space<vmem>>, vector<16x1x128xf32>
    %get3A_913 = vector.shape_cast %get3A_912 : vector<16x1x128xf32> to vector<16x128xf32>
    %add3A_914 = arith.addf %slice3A_908, %get3A_913 : vector<16x128xf32>
    %swap3A_915 = arith.constant 0 : index
    %swap3A_916 = arith.constant 11520 : index
    %swap3A_917 = vector.load %arg5[%swap3A_915, %swap3A_916] : memref<16x32768xf32, #tpu.memory_space<vmem>>, vector<16x128xf32>
    tpu.vector_store %arg5[%swap3A_915, %swap3A_916], %add3A_914 {strides = array<i32>} : memref<16x32768xf32, #tpu.memory_space<vmem>>, vector<16x128xf32>,
    %slice3A_918 = vector.extract_strided_slice %add3A_9 {offsets = [0, 11648], sizes = [16, 128], strides = [1, 1]} : vector<16x32768xf32> to vector<16x128xf32>
    %get3A_919 = arith.constant 0 : index
    %get3A_920 = arith.constant 91 : index
    %get3A_921 = arith.constant 0 : index
    %get3A_922 = vector.load %arg3[%get3A_919, %get3A_920, %get3A_921] : memref<16x256x128xf32, #tpu.memory_space<vmem>>, vector<16x1x128xf32>
    %get3A_923 = vector.shape_cast %get3A_922 : vector<16x1x128xf32> to vector<16x128xf32>
    %add3A_924 = arith.addf %slice3A_918, %get3A_923 : vector<16x128xf32>
    %swap3A_925 = arith.constant 0 : index
    %swap3A_926 = arith.constant 11648 : index
    %swap3A_927 = vector.load %arg5[%swap3A_925, %swap3A_926] : memref<16x32768xf32, #tpu.memory_space<vmem>>, vector<16x128xf32>
    tpu.vector_store %arg5[%swap3A_925, %swap3A_926], %add3A_924 {strides = array<i32>} : memref<16x32768xf32, #tpu.memory_space<vmem>>, vector<16x128xf32>,
    %slice3A_928 = vector.extract_strided_slice %add3A_9 {offsets = [0, 11776], sizes = [16, 128], strides = [1, 1]} : vector<16x32768xf32> to vector<16x128xf32>
    %get3A_929 = arith.constant 0 : index
    %get3A_930 = arith.constant 92 : index
    %get3A_931 = arith.constant 0 : index
    %get3A_932 = vector.load %arg3[%get3A_929, %get3A_930, %get3A_931] : memref<16x256x128xf32, #tpu.memory_space<vmem>>, vector<16x1x128xf32>
    %get3A_933 = vector.shape_cast %get3A_932 : vector<16x1x128xf32> to vector<16x128xf32>
    %add3A_934 = arith.addf %slice3A_928, %get3A_933 : vector<16x128xf32>
    %swap3A_935 = arith.constant 0 : index
    %swap3A_936 = arith.constant 11776 : index
    %swap3A_937 = vector.load %arg5[%swap3A_935, %swap3A_936] : memref<16x32768xf32, #tpu.memory_space<vmem>>, vector<16x128xf32>
    tpu.vector_store %arg5[%swap3A_935, %swap3A_936], %add3A_934 {strides = array<i32>} : memref<16x32768xf32, #tpu.memory_space<vmem>>, vector<16x128xf32>,
    %slice3A_938 = vector.extract_strided_slice %add3A_9 {offsets = [0, 11904], sizes = [16, 128], strides = [1, 1]} : vector<16x32768xf32> to vector<16x128xf32>
    %get3A_939 = arith.constant 0 : index
    %get3A_940 = arith.constant 93 : index
    %get3A_941 = arith.constant 0 : index
    %get3A_942 = vector.load %arg3[%get3A_939, %get3A_940, %get3A_941] : memref<16x256x128xf32, #tpu.memory_space<vmem>>, vector<16x1x128xf32>
    %get3A_943 = vector.shape_cast %get3A_942 : vector<16x1x128xf32> to vector<16x128xf32>
    %add3A_944 = arith.addf %slice3A_938, %get3A_943 : vector<16x128xf32>
    %swap3A_945 = arith.constant 0 : index
    %swap3A_946 = arith.constant 11904 : index
    %swap3A_947 = vector.load %arg5[%swap3A_945, %swap3A_946] : memref<16x32768xf32, #tpu.memory_space<vmem>>, vector<16x128xf32>
    tpu.vector_store %arg5[%swap3A_945, %swap3A_946], %add3A_944 {strides = array<i32>} : memref<16x32768xf32, #tpu.memory_space<vmem>>, vector<16x128xf32>,
    %slice3A_948 = vector.extract_strided_slice %add3A_9 {offsets = [0, 12032], sizes = [16, 128], strides = [1, 1]} : vector<16x32768xf32> to vector<16x128xf32>
    %get3A_949 = arith.constant 0 : index
    %get3A_950 = arith.constant 94 : index
    %get3A_951 = arith.constant 0 : index
    %get3A_952 = vector.load %arg3[%get3A_949, %get3A_950, %get3A_951] : memref<16x256x128xf32, #tpu.memory_space<vmem>>, vector<16x1x128xf32>
    %get3A_953 = vector.shape_cast %get3A_952 : vector<16x1x128xf32> to vector<16x128xf32>
    %add3A_954 = arith.addf %slice3A_948, %get3A_953 : vector<16x128xf32>
    %swap3A_955 = arith.constant 0 : index
    %swap3A_956 = arith.constant 12032 : index
    %swap3A_957 = vector.load %arg5[%swap3A_955, %swap3A_956] : memref<16x32768xf32, #tpu.memory_space<vmem>>, vector<16x128xf32>
    tpu.vector_store %arg5[%swap3A_955, %swap3A_956], %add3A_954 {strides = array<i32>} : memref<16x32768xf32, #tpu.memory_space<vmem>>, vector<16x128xf32>,
    %slice3A_958 = vector.extract_strided_slice %add3A_9 {offsets = [0, 12160], sizes = [16, 128], strides = [1, 1]} : vector<16x32768xf32> to vector<16x128xf32>
    %get3A_959 = arith.constant 0 : index
    %get3A_960 = arith.constant 95 : index
    %get3A_961 = arith.constant 0 : index
    %get3A_962 = vector.load %arg3[%get3A_959, %get3A_960, %get3A_961] : memref<16x256x128xf32, #tpu.memory_space<vmem>>, vector<16x1x128xf32>
    %get3A_963 = vector.shape_cast %get3A_962 : vector<16x1x128xf32> to vector<16x128xf32>
    %add3A_964 = arith.addf %slice3A_958, %get3A_963 : vector<16x128xf32>
    %swap3A_965 = arith.constant 0 : index
    %swap3A_966 = arith.constant 12160 : index
    %swap3A_967 = vector.load %arg5[%swap3A_965, %swap3A_966] : memref<16x32768xf32, #tpu.memory_space<vmem>>, vector<16x128xf32>
    tpu.vector_store %arg5[%swap3A_965, %swap3A_966], %add3A_964 {strides = array<i32>} : memref<16x32768xf32, #tpu.memory_space<vmem>>, vector<16x128xf32>,
    %slice3A_968 = vector.extract_strided_slice %add3A_9 {offsets = [0, 12288], sizes = [16, 128], strides = [1, 1]} : vector<16x32768xf32> to vector<16x128xf32>
    %get3A_969 = arith.constant 0 : index
    %get3A_970 = arith.constant 96 : index
    %get3A_971 = arith.constant 0 : index
    %get3A_972 = vector.load %arg3[%get3A_969, %get3A_970, %get3A_971] : memref<16x256x128xf32, #tpu.memory_space<vmem>>, vector<16x1x128xf32>
    %get3A_973 = vector.shape_cast %get3A_972 : vector<16x1x128xf32> to vector<16x128xf32>
    %add3A_974 = arith.addf %slice3A_968, %get3A_973 : vector<16x128xf32>
    %swap3A_975 = arith.constant 0 : index
    %swap3A_976 = arith.constant 12288 : index
    %swap3A_977 = vector.load %arg5[%swap3A_975, %swap3A_976] : memref<16x32768xf32, #tpu.memory_space<vmem>>, vector<16x128xf32>
    tpu.vector_store %arg5[%swap3A_975, %swap3A_976], %add3A_974 {strides = array<i32>} : memref<16x32768xf32, #tpu.memory_space<vmem>>, vector<16x128xf32>,
    %slice3A_978 = vector.extract_strided_slice %add3A_9 {offsets = [0, 12416], sizes = [16, 128], strides = [1, 1]} : vector<16x32768xf32> to vector<16x128xf32>
    %get3A_979 = arith.constant 0 : index
    %get3A_980 = arith.constant 97 : index
    %get3A_981 = arith.constant 0 : index
    %get3A_982 = vector.load %arg3[%get3A_979, %get3A_980, %get3A_981] : memref<16x256x128xf32, #tpu.memory_space<vmem>>, vector<16x1x128xf32>
    %get3A_983 = vector.shape_cast %get3A_982 : vector<16x1x128xf32> to vector<16x128xf32>
    %add3A_984 = arith.addf %slice3A_978, %get3A_983 : vector<16x128xf32>
    %swap3A_985 = arith.constant 0 : index
    %swap3A_986 = arith.constant 12416 : index
    %swap3A_987 = vector.load %arg5[%swap3A_985, %swap3A_986] : memref<16x32768xf32, #tpu.memory_space<vmem>>, vector<16x128xf32>
    tpu.vector_store %arg5[%swap3A_985, %swap3A_986], %add3A_984 {strides = array<i32>} : memref<16x32768xf32, #tpu.memory_space<vmem>>, vector<16x128xf32>,
    %slice3A_988 = vector.extract_strided_slice %add3A_9 {offsets = [0, 12544], sizes = [16, 128], strides = [1, 1]} : vector<16x32768xf32> to vector<16x128xf32>
    %get3A_989 = arith.constant 0 : index
    %get3A_990 = arith.constant 98 : index
    %get3A_991 = arith.constant 0 : index
    %get3A_992 = vector.load %arg3[%get3A_989, %get3A_990, %get3A_991] : memref<16x256x128xf32, #tpu.memory_space<vmem>>, vector<16x1x128xf32>
    %get3A_993 = vector.shape_cast %get3A_992 : vector<16x1x128xf32> to vector<16x128xf32>
    %add3A_994 = arith.addf %slice3A_988, %get3A_993 : vector<16x128xf32>
    %swap3A_995 = arith.constant 0 : index
    %swap3A_996 = arith.constant 12544 : index
    %swap3A_997 = vector.load %arg5[%swap3A_995, %swap3A_996] : memref<16x32768xf32, #tpu.memory_space<vmem>>, vector<16x128xf32>
    tpu.vector_store %arg5[%swap3A_995, %swap3A_996], %add3A_994 {strides = array<i32>} : memref<16x32768xf32, #tpu.memory_space<vmem>>, vector<16x128xf32>,
    %slice3A_998 = vector.extract_strided_slice %add3A_9 {offsets = [0, 12672], sizes = [16, 128], strides = [1, 1]} : vector<16x32768xf32> to vector<16x128xf32>
    %get3A_999 = arith.constant 0 : index
    %get3A_1000 = arith.constant 99 : index
    %get3A_1001 = arith.constant 0 : index
    %get3A_1002 = vector.load %arg3[%get3A_999, %get3A_1000, %get3A_1001] : memref<16x256x128xf32, #tpu.memory_space<vmem>>, vector<16x1x128xf32>
    %get3A_1003 = vector.shape_cast %get3A_1002 : vector<16x1x128xf32> to vector<16x128xf32>
    %add3A_1004 = arith.addf %slice3A_998, %get3A_1003 : vector<16x128xf32>
    %swap3A_1005 = arith.constant 0 : index
    %swap3A_1006 = arith.constant 12672 : index
    %swap3A_1007 = vector.load %arg5[%swap3A_1005, %swap3A_1006] : memref<16x32768xf32, #tpu.memory_space<vmem>>, vector<16x128xf32>
    tpu.vector_store %arg5[%swap3A_1005, %swap3A_1006], %add3A_1004 {strides = array<i32>} : memref<16x32768xf32, #tpu.memory_space<vmem>>, vector<16x128xf32>,
    %slice3A_1008 = vector.extract_strided_slice %add3A_9 {offsets = [0, 12800], sizes = [16, 128], strides = [1, 1]} : vector<16x32768xf32> to vector<16x128xf32>
    %get3A_1009 = arith.constant 0 : index
    %get3A_1010 = arith.constant 100 : index
    %get3A_1011 = arith.constant 0 : index
    %get3A_1012 = vector.load %arg3[%get3A_1009, %get3A_1010, %get3A_1011] : memref<16x256x128xf32, #tpu.memory_space<vmem>>, vector<16x1x128xf32>
    %get3A_1013 = vector.shape_cast %get3A_1012 : vector<16x1x128xf32> to vector<16x128xf32>
    %add3A_1014 = arith.addf %slice3A_1008, %get3A_1013 : vector<16x128xf32>
    %swap3A_1015 = arith.constant 0 : index
    %swap3A_1016 = arith.constant 12800 : index
    %swap3A_1017 = vector.load %arg5[%swap3A_1015, %swap3A_1016] : memref<16x32768xf32, #tpu.memory_space<vmem>>, vector<16x128xf32>
    tpu.vector_store %arg5[%swap3A_1015, %swap3A_1016], %add3A_1014 {strides = array<i32>} : memref<16x32768xf32, #tpu.memory_space<vmem>>, vector<16x128xf32>,
    %slice3A_1018 = vector.extract_strided_slice %add3A_9 {offsets = [0, 12928], sizes = [16, 128], strides = [1, 1]} : vector<16x32768xf32> to vector<16x128xf32>
    %get3A_1019 = arith.constant 0 : index
    %get3A_1020 = arith.constant 101 : index
    %get3A_1021 = arith.constant 0 : index
    %get3A_1022 = vector.load %arg3[%get3A_1019, %get3A_1020, %get3A_1021] : memref<16x256x128xf32, #tpu.memory_space<vmem>>, vector<16x1x128xf32>
    %get3A_1023 = vector.shape_cast %get3A_1022 : vector<16x1x128xf32> to vector<16x128xf32>
    %add3A_1024 = arith.addf %slice3A_1018, %get3A_1023 : vector<16x128xf32>
    %swap3A_1025 = arith.constant 0 : index
    %swap3A_1026 = arith.constant 12928 : index
    %swap3A_1027 = vector.load %arg5[%swap3A_1025, %swap3A_1026] : memref<16x32768xf32, #tpu.memory_space<vmem>>, vector<16x128xf32>
    tpu.vector_store %arg5[%swap3A_1025, %swap3A_1026], %add3A_1024 {strides = array<i32>} : memref<16x32768xf32, #tpu.memory_space<vmem>>, vector<16x128xf32>,
    %slice3A_1028 = vector.extract_strided_slice %add3A_9 {offsets = [0, 13056], sizes = [16, 128], strides = [1, 1]} : vector<16x32768xf32> to vector<16x128xf32>
    %get3A_1029 = arith.constant 0 : index
    %get3A_1030 = arith.constant 102 : index
    %get3A_1031 = arith.constant 0 : index
    %get3A_1032 = vector.load %arg3[%get3A_1029, %get3A_1030, %get3A_1031] : memref<16x256x128xf32, #tpu.memory_space<vmem>>, vector<16x1x128xf32>
    %get3A_1033 = vector.shape_cast %get3A_1032 : vector<16x1x128xf32> to vector<16x128xf32>
    %add3A_1034 = arith.addf %slice3A_1028, %get3A_1033 : vector<16x128xf32>
    %swap3A_1035 = arith.constant 0 : index
    %swap3A_1036 = arith.constant 13056 : index
    %swap3A_1037 = vector.load %arg5[%swap3A_1035, %swap3A_1036] : memref<16x32768xf32, #tpu.memory_space<vmem>>, vector<16x128xf32>
    tpu.vector_store %arg5[%swap3A_1035, %swap3A_1036], %add3A_1034 {strides = array<i32>} : memref<16x32768xf32, #tpu.memory_space<vmem>>, vector<16x128xf32>,
    %slice3A_1038 = vector.extract_strided_slice %add3A_9 {offsets = [0, 13184], sizes = [16, 128], strides = [1, 1]} : vector<16x32768xf32> to vector<16x128xf32>
    %get3A_1039 = arith.constant 0 : index
    %get3A_1040 = arith.constant 103 : index
    %get3A_1041 = arith.constant 0 : index
    %get3A_1042 = vector.load %arg3[%get3A_1039, %get3A_1040, %get3A_1041] : memref<16x256x128xf32, #tpu.memory_space<vmem>>, vector<16x1x128xf32>
    %get3A_1043 = vector.shape_cast %get3A_1042 : vector<16x1x128xf32> to vector<16x128xf32>
    %add3A_1044 = arith.addf %slice3A_1038, %get3A_1043 : vector<16x128xf32>
    %swap3A_1045 = arith.constant 0 : index
    %swap3A_1046 = arith.constant 13184 : index
    %swap3A_1047 = vector.load %arg5[%swap3A_1045, %swap3A_1046] : memref<16x32768xf32, #tpu.memory_space<vmem>>, vector<16x128xf32>
    tpu.vector_store %arg5[%swap3A_1045, %swap3A_1046], %add3A_1044 {strides = array<i32>} : memref<16x32768xf32, #tpu.memory_space<vmem>>, vector<16x128xf32>,
    %slice3A_1048 = vector.extract_strided_slice %add3A_9 {offsets = [0, 13312], sizes = [16, 128], strides = [1, 1]} : vector<16x32768xf32> to vector<16x128xf32>
    %get3A_1049 = arith.constant 0 : index
    %get3A_1050 = arith.constant 104 : index
    %get3A_1051 = arith.constant 0 : index
    %get3A_1052 = vector.load %arg3[%get3A_1049, %get3A_1050, %get3A_1051] : memref<16x256x128xf32, #tpu.memory_space<vmem>>, vector<16x1x128xf32>
    %get3A_1053 = vector.shape_cast %get3A_1052 : vector<16x1x128xf32> to vector<16x128xf32>
    %add3A_1054 = arith.addf %slice3A_1048, %get3A_1053 : vector<16x128xf32>
    %swap3A_1055 = arith.constant 0 : index
    %swap3A_1056 = arith.constant 13312 : index
    %swap3A_1057 = vector.load %arg5[%swap3A_1055, %swap3A_1056] : memref<16x32768xf32, #tpu.memory_space<vmem>>, vector<16x128xf32>
    tpu.vector_store %arg5[%swap3A_1055, %swap3A_1056], %add3A_1054 {strides = array<i32>} : memref<16x32768xf32, #tpu.memory_space<vmem>>, vector<16x128xf32>,
    %slice3A_1058 = vector.extract_strided_slice %add3A_9 {offsets = [0, 13440], sizes = [16, 128], strides = [1, 1]} : vector<16x32768xf32> to vector<16x128xf32>
    %get3A_1059 = arith.constant 0 : index
    %get3A_1060 = arith.constant 105 : index
    %get3A_1061 = arith.constant 0 : index
    %get3A_1062 = vector.load %arg3[%get3A_1059, %get3A_1060, %get3A_1061] : memref<16x256x128xf32, #tpu.memory_space<vmem>>, vector<16x1x128xf32>
    %get3A_1063 = vector.shape_cast %get3A_1062 : vector<16x1x128xf32> to vector<16x128xf32>
    %add3A_1064 = arith.addf %slice3A_1058, %get3A_1063 : vector<16x128xf32>
    %swap3A_1065 = arith.constant 0 : index
    %swap3A_1066 = arith.constant 13440 : index
    %swap3A_1067 = vector.load %arg5[%swap3A_1065, %swap3A_1066] : memref<16x32768xf32, #tpu.memory_space<vmem>>, vector<16x128xf32>
    tpu.vector_store %arg5[%swap3A_1065, %swap3A_1066], %add3A_1064 {strides = array<i32>} : memref<16x32768xf32, #tpu.memory_space<vmem>>, vector<16x128xf32>,
    %slice3A_1068 = vector.extract_strided_slice %add3A_9 {offsets = [0, 13568], sizes = [16, 128], strides = [1, 1]} : vector<16x32768xf32> to vector<16x128xf32>
    %get3A_1069 = arith.constant 0 : index
    %get3A_1070 = arith.constant 106 : index
    %get3A_1071 = arith.constant 0 : index
    %get3A_1072 = vector.load %arg3[%get3A_1069, %get3A_1070, %get3A_1071] : memref<16x256x128xf32, #tpu.memory_space<vmem>>, vector<16x1x128xf32>
    %get3A_1073 = vector.shape_cast %get3A_1072 : vector<16x1x128xf32> to vector<16x128xf32>
    %add3A_1074 = arith.addf %slice3A_1068, %get3A_1073 : vector<16x128xf32>
    %swap3A_1075 = arith.constant 0 : index
    %swap3A_1076 = arith.constant 13568 : index
    %swap3A_1077 = vector.load %arg5[%swap3A_1075, %swap3A_1076] : memref<16x32768xf32, #tpu.memory_space<vmem>>, vector<16x128xf32>
    tpu.vector_store %arg5[%swap3A_1075, %swap3A_1076], %add3A_1074 {strides = array<i32>} : memref<16x32768xf32, #tpu.memory_space<vmem>>, vector<16x128xf32>,
    %slice3A_1078 = vector.extract_strided_slice %add3A_9 {offsets = [0, 13696], sizes = [16, 128], strides = [1, 1]} : vector<16x32768xf32> to vector<16x128xf32>
    %get3A_1079 = arith.constant 0 : index
    %get3A_1080 = arith.constant 107 : index
    %get3A_1081 = arith.constant 0 : index
    %get3A_1082 = vector.load %arg3[%get3A_1079, %get3A_1080, %get3A_1081] : memref<16x256x128xf32, #tpu.memory_space<vmem>>, vector<16x1x128xf32>
    %get3A_1083 = vector.shape_cast %get3A_1082 : vector<16x1x128xf32> to vector<16x128xf32>
    %add3A_1084 = arith.addf %slice3A_1078, %get3A_1083 : vector<16x128xf32>
    %swap3A_1085 = arith.constant 0 : index
    %swap3A_1086 = arith.constant 13696 : index
    %swap3A_1087 = vector.load %arg5[%swap3A_1085, %swap3A_1086] : memref<16x32768xf32, #tpu.memory_space<vmem>>, vector<16x128xf32>
    tpu.vector_store %arg5[%swap3A_1085, %swap3A_1086], %add3A_1084 {strides = array<i32>} : memref<16x32768xf32, #tpu.memory_space<vmem>>, vector<16x128xf32>,
    %slice3A_1088 = vector.extract_strided_slice %add3A_9 {offsets = [0, 13824], sizes = [16, 128], strides = [1, 1]} : vector<16x32768xf32> to vector<16x128xf32>
    %get3A_1089 = arith.constant 0 : index
    %get3A_1090 = arith.constant 108 : index
    %get3A_1091 = arith.constant 0 : index
    %get3A_1092 = vector.load %arg3[%get3A_1089, %get3A_1090, %get3A_1091] : memref<16x256x128xf32, #tpu.memory_space<vmem>>, vector<16x1x128xf32>
    %get3A_1093 = vector.shape_cast %get3A_1092 : vector<16x1x128xf32> to vector<16x128xf32>
    %add3A_1094 = arith.addf %slice3A_1088, %get3A_1093 : vector<16x128xf32>
    %swap3A_1095 = arith.constant 0 : index
    %swap3A_1096 = arith.constant 13824 : index
    %swap3A_1097 = vector.load %arg5[%swap3A_1095, %swap3A_1096] : memref<16x32768xf32, #tpu.memory_space<vmem>>, vector<16x128xf32>
    tpu.vector_store %arg5[%swap3A_1095, %swap3A_1096], %add3A_1094 {strides = array<i32>} : memref<16x32768xf32, #tpu.memory_space<vmem>>, vector<16x128xf32>,
    %slice3A_1098 = vector.extract_strided_slice %add3A_9 {offsets = [0, 13952], sizes = [16, 128], strides = [1, 1]} : vector<16x32768xf32> to vector<16x128xf32>
    %get3A_1099 = arith.constant 0 : index
    %get3A_1100 = arith.constant 109 : index
    %get3A_1101 = arith.constant 0 : index
    %get3A_1102 = vector.load %arg3[%get3A_1099, %get3A_1100, %get3A_1101] : memref<16x256x128xf32, #tpu.memory_space<vmem>>, vector<16x1x128xf32>
    %get3A_1103 = vector.shape_cast %get3A_1102 : vector<16x1x128xf32> to vector<16x128xf32>
    %add3A_1104 = arith.addf %slice3A_1098, %get3A_1103 : vector<16x128xf32>
    %swap3A_1105 = arith.constant 0 : index
    %swap3A_1106 = arith.constant 13952 : index
    %swap3A_1107 = vector.load %arg5[%swap3A_1105, %swap3A_1106] : memref<16x32768xf32, #tpu.memory_space<vmem>>, vector<16x128xf32>
    tpu.vector_store %arg5[%swap3A_1105, %swap3A_1106], %add3A_1104 {strides = array<i32>} : memref<16x32768xf32, #tpu.memory_space<vmem>>, vector<16x128xf32>,
    %slice3A_1108 = vector.extract_strided_slice %add3A_9 {offsets = [0, 14080], sizes = [16, 128], strides = [1, 1]} : vector<16x32768xf32> to vector<16x128xf32>
    %get3A_1109 = arith.constant 0 : index
    %get3A_1110 = arith.constant 110 : index
    %get3A_1111 = arith.constant 0 : index
    %get3A_1112 = vector.load %arg3[%get3A_1109, %get3A_1110, %get3A_1111] : memref<16x256x128xf32, #tpu.memory_space<vmem>>, vector<16x1x128xf32>
    %get3A_1113 = vector.shape_cast %get3A_1112 : vector<16x1x128xf32> to vector<16x128xf32>
    %add3A_1114 = arith.addf %slice3A_1108, %get3A_1113 : vector<16x128xf32>
    %swap3A_1115 = arith.constant 0 : index
    %swap3A_1116 = arith.constant 14080 : index
    %swap3A_1117 = vector.load %arg5[%swap3A_1115, %swap3A_1116] : memref<16x32768xf32, #tpu.memory_space<vmem>>, vector<16x128xf32>
    tpu.vector_store %arg5[%swap3A_1115, %swap3A_1116], %add3A_1114 {strides = array<i32>} : memref<16x32768xf32, #tpu.memory_space<vmem>>, vector<16x128xf32>,
    %slice3A_1118 = vector.extract_strided_slice %add3A_9 {offsets = [0, 14208], sizes = [16, 128], strides = [1, 1]} : vector<16x32768xf32> to vector<16x128xf32>
    %get3A_1119 = arith.constant 0 : index
    %get3A_1120 = arith.constant 111 : index
    %get3A_1121 = arith.constant 0 : index
    %get3A_1122 = vector.load %arg3[%get3A_1119, %get3A_1120, %get3A_1121] : memref<16x256x128xf32, #tpu.memory_space<vmem>>, vector<16x1x128xf32>
    %get3A_1123 = vector.shape_cast %get3A_1122 : vector<16x1x128xf32> to vector<16x128xf32>
    %add3A_1124 = arith.addf %slice3A_1118, %get3A_1123 : vector<16x128xf32>
    %swap3A_1125 = arith.constant 0 : index
    %swap3A_1126 = arith.constant 14208 : index
    %swap3A_1127 = vector.load %arg5[%swap3A_1125, %swap3A_1126] : memref<16x32768xf32, #tpu.memory_space<vmem>>, vector<16x128xf32>
    tpu.vector_store %arg5[%swap3A_1125, %swap3A_1126], %add3A_1124 {strides = array<i32>} : memref<16x32768xf32, #tpu.memory_space<vmem>>, vector<16x128xf32>,
    %slice3A_1128 = vector.extract_strided_slice %add3A_9 {offsets = [0, 14336], sizes = [16, 128], strides = [1, 1]} : vector<16x32768xf32> to vector<16x128xf32>
    %get3A_1129 = arith.constant 0 : index
    %get3A_1130 = arith.constant 112 : index
    %get3A_1131 = arith.constant 0 : index
    %get3A_1132 = vector.load %arg3[%get3A_1129, %get3A_1130, %get3A_1131] : memref<16x256x128xf32, #tpu.memory_space<vmem>>, vector<16x1x128xf32>
    %get3A_1133 = vector.shape_cast %get3A_1132 : vector<16x1x128xf32> to vector<16x128xf32>
    %add3A_1134 = arith.addf %slice3A_1128, %get3A_1133 : vector<16x128xf32>
    %swap3A_1135 = arith.constant 0 : index
    %swap3A_1136 = arith.constant 14336 : index
    %swap3A_1137 = vector.load %arg5[%swap3A_1135, %swap3A_1136] : memref<16x32768xf32, #tpu.memory_space<vmem>>, vector<16x128xf32>
    tpu.vector_store %arg5[%swap3A_1135, %swap3A_1136], %add3A_1134 {strides = array<i32>} : memref<16x32768xf32, #tpu.memory_space<vmem>>, vector<16x128xf32>,
    %slice3A_1138 = vector.extract_strided_slice %add3A_9 {offsets = [0, 14464], sizes = [16, 128], strides = [1, 1]} : vector<16x32768xf32> to vector<16x128xf32>
    %get3A_1139 = arith.constant 0 : index
    %get3A_1140 = arith.constant 113 : index
    %get3A_1141 = arith.constant 0 : index
    %get3A_1142 = vector.load %arg3[%get3A_1139, %get3A_1140, %get3A_1141] : memref<16x256x128xf32, #tpu.memory_space<vmem>>, vector<16x1x128xf32>
    %get3A_1143 = vector.shape_cast %get3A_1142 : vector<16x1x128xf32> to vector<16x128xf32>
    %add3A_1144 = arith.addf %slice3A_1138, %get3A_1143 : vector<16x128xf32>
    %swap3A_1145 = arith.constant 0 : index
    %swap3A_1146 = arith.constant 14464 : index
    %swap3A_1147 = vector.load %arg5[%swap3A_1145, %swap3A_1146] : memref<16x32768xf32, #tpu.memory_space<vmem>>, vector<16x128xf32>
    tpu.vector_store %arg5[%swap3A_1145, %swap3A_1146], %add3A_1144 {strides = array<i32>} : memref<16x32768xf32, #tpu.memory_space<vmem>>, vector<16x128xf32>,
    %slice3A_1148 = vector.extract_strided_slice %add3A_9 {offsets = [0, 14592], sizes = [16, 128], strides = [1, 1]} : vector<16x32768xf32> to vector<16x128xf32>
    %get3A_1149 = arith.constant 0 : index
    %get3A_1150 = arith.constant 114 : index
    %get3A_1151 = arith.constant 0 : index
    %get3A_1152 = vector.load %arg3[%get3A_1149, %get3A_1150, %get3A_1151] : memref<16x256x128xf32, #tpu.memory_space<vmem>>, vector<16x1x128xf32>
    %get3A_1153 = vector.shape_cast %get3A_1152 : vector<16x1x128xf32> to vector<16x128xf32>
    %add3A_1154 = arith.addf %slice3A_1148, %get3A_1153 : vector<16x128xf32>
    %swap3A_1155 = arith.constant 0 : index
    %swap3A_1156 = arith.constant 14592 : index
    %swap3A_1157 = vector.load %arg5[%swap3A_1155, %swap3A_1156] : memref<16x32768xf32, #tpu.memory_space<vmem>>, vector<16x128xf32>
    tpu.vector_store %arg5[%swap3A_1155, %swap3A_1156], %add3A_1154 {strides = array<i32>} : memref<16x32768xf32, #tpu.memory_space<vmem>>, vector<16x128xf32>,
    %slice3A_1158 = vector.extract_strided_slice %add3A_9 {offsets = [0, 14720], sizes = [16, 128], strides = [1, 1]} : vector<16x32768xf32> to vector<16x128xf32>
    %get3A_1159 = arith.constant 0 : index
    %get3A_1160 = arith.constant 115 : index
    %get3A_1161 = arith.constant 0 : index
    %get3A_1162 = vector.load %arg3[%get3A_1159, %get3A_1160, %get3A_1161] : memref<16x256x128xf32, #tpu.memory_space<vmem>>, vector<16x1x128xf32>
    %get3A_1163 = vector.shape_cast %get3A_1162 : vector<16x1x128xf32> to vector<16x128xf32>
    %add3A_1164 = arith.addf %slice3A_1158, %get3A_1163 : vector<16x128xf32>
    %swap3A_1165 = arith.constant 0 : index
    %swap3A_1166 = arith.constant 14720 : index
    %swap3A_1167 = vector.load %arg5[%swap3A_1165, %swap3A_1166] : memref<16x32768xf32, #tpu.memory_space<vmem>>, vector<16x128xf32>
    tpu.vector_store %arg5[%swap3A_1165, %swap3A_1166], %add3A_1164 {strides = array<i32>} : memref<16x32768xf32, #tpu.memory_space<vmem>>, vector<16x128xf32>,
    %slice3A_1168 = vector.extract_strided_slice %add3A_9 {offsets = [0, 14848], sizes = [16, 128], strides = [1, 1]} : vector<16x32768xf32> to vector<16x128xf32>
    %get3A_1169 = arith.constant 0 : index
    %get3A_1170 = arith.constant 116 : index
    %get3A_1171 = arith.constant 0 : index
    %get3A_1172 = vector.load %arg3[%get3A_1169, %get3A_1170, %get3A_1171] : memref<16x256x128xf32, #tpu.memory_space<vmem>>, vector<16x1x128xf32>
    %get3A_1173 = vector.shape_cast %get3A_1172 : vector<16x1x128xf32> to vector<16x128xf32>
    %add3A_1174 = arith.addf %slice3A_1168, %get3A_1173 : vector<16x128xf32>
    %swap3A_1175 = arith.constant 0 : index
    %swap3A_1176 = arith.constant 14848 : index
    %swap3A_1177 = vector.load %arg5[%swap3A_1175, %swap3A_1176] : memref<16x32768xf32, #tpu.memory_space<vmem>>, vector<16x128xf32>
    tpu.vector_store %arg5[%swap3A_1175, %swap3A_1176], %add3A_1174 {strides = array<i32>} : memref<16x32768xf32, #tpu.memory_space<vmem>>, vector<16x128xf32>,
    %slice3A_1178 = vector.extract_strided_slice %add3A_9 {offsets = [0, 14976], sizes = [16, 128], strides = [1, 1]} : vector<16x32768xf32> to vector<16x128xf32>
    %get3A_1179 = arith.constant 0 : index
    %get3A_1180 = arith.constant 117 : index
    %get3A_1181 = arith.constant 0 : index
    %get3A_1182 = vector.load %arg3[%get3A_1179, %get3A_1180, %get3A_1181] : memref<16x256x128xf32, #tpu.memory_space<vmem>>, vector<16x1x128xf32>
    %get3A_1183 = vector.shape_cast %get3A_1182 : vector<16x1x128xf32> to vector<16x128xf32>
    %add3A_1184 = arith.addf %slice3A_1178, %get3A_1183 : vector<16x128xf32>
    %swap3A_1185 = arith.constant 0 : index
    %swap3A_1186 = arith.constant 14976 : index
    %swap3A_1187 = vector.load %arg5[%swap3A_1185, %swap3A_1186] : memref<16x32768xf32, #tpu.memory_space<vmem>>, vector<16x128xf32>
    tpu.vector_store %arg5[%swap3A_1185, %swap3A_1186], %add3A_1184 {strides = array<i32>} : memref<16x32768xf32, #tpu.memory_space<vmem>>, vector<16x128xf32>,
    %slice3A_1188 = vector.extract_strided_slice %add3A_9 {offsets = [0, 15104], sizes = [16, 128], strides = [1, 1]} : vector<16x32768xf32> to vector<16x128xf32>
    %get3A_1189 = arith.constant 0 : index
    %get3A_1190 = arith.constant 118 : index
    %get3A_1191 = arith.constant 0 : index
    %get3A_1192 = vector.load %arg3[%get3A_1189, %get3A_1190, %get3A_1191] : memref<16x256x128xf32, #tpu.memory_space<vmem>>, vector<16x1x128xf32>
    %get3A_1193 = vector.shape_cast %get3A_1192 : vector<16x1x128xf32> to vector<16x128xf32>
    %add3A_1194 = arith.addf %slice3A_1188, %get3A_1193 : vector<16x128xf32>
    %swap3A_1195 = arith.constant 0 : index
    %swap3A_1196 = arith.constant 15104 : index
    %swap3A_1197 = vector.load %arg5[%swap3A_1195, %swap3A_1196] : memref<16x32768xf32, #tpu.memory_space<vmem>>, vector<16x128xf32>
    tpu.vector_store %arg5[%swap3A_1195, %swap3A_1196], %add3A_1194 {strides = array<i32>} : memref<16x32768xf32, #tpu.memory_space<vmem>>, vector<16x128xf32>,
    %slice3A_1198 = vector.extract_strided_slice %add3A_9 {offsets = [0, 15232], sizes = [16, 128], strides = [1, 1]} : vector<16x32768xf32> to vector<16x128xf32>
    %get3A_1199 = arith.constant 0 : index
    %get3A_1200 = arith.constant 119 : index
    %get3A_1201 = arith.constant 0 : index
    %get3A_1202 = vector.load %arg3[%get3A_1199, %get3A_1200, %get3A_1201] : memref<16x256x128xf32, #tpu.memory_space<vmem>>, vector<16x1x128xf32>
    %get3A_1203 = vector.shape_cast %get3A_1202 : vector<16x1x128xf32> to vector<16x128xf32>
    %add3A_1204 = arith.addf %slice3A_1198, %get3A_1203 : vector<16x128xf32>
    %swap3A_1205 = arith.constant 0 : index
    %swap3A_1206 = arith.constant 15232 : index
    %swap3A_1207 = vector.load %arg5[%swap3A_1205, %swap3A_1206] : memref<16x32768xf32, #tpu.memory_space<vmem>>, vector<16x128xf32>
    tpu.vector_store %arg5[%swap3A_1205, %swap3A_1206], %add3A_1204 {strides = array<i32>} : memref<16x32768xf32, #tpu.memory_space<vmem>>, vector<16x128xf32>,
    %slice3A_1208 = vector.extract_strided_slice %add3A_9 {offsets = [0, 15360], sizes = [16, 128], strides = [1, 1]} : vector<16x32768xf32> to vector<16x128xf32>
    %get3A_1209 = arith.constant 0 : index
    %get3A_1210 = arith.constant 120 : index
    %get3A_1211 = arith.constant 0 : index
    %get3A_1212 = vector.load %arg3[%get3A_1209, %get3A_1210, %get3A_1211] : memref<16x256x128xf32, #tpu.memory_space<vmem>>, vector<16x1x128xf32>
    %get3A_1213 = vector.shape_cast %get3A_1212 : vector<16x1x128xf32> to vector<16x128xf32>
    %add3A_1214 = arith.addf %slice3A_1208, %get3A_1213 : vector<16x128xf32>
    %swap3A_1215 = arith.constant 0 : index
    %swap3A_1216 = arith.constant 15360 : index
    %swap3A_1217 = vector.load %arg5[%swap3A_1215, %swap3A_1216] : memref<16x32768xf32, #tpu.memory_space<vmem>>, vector<16x128xf32>
    tpu.vector_store %arg5[%swap3A_1215, %swap3A_1216], %add3A_1214 {strides = array<i32>} : memref<16x32768xf32, #tpu.memory_space<vmem>>, vector<16x128xf32>,
    %slice3A_1218 = vector.extract_strided_slice %add3A_9 {offsets = [0, 15488], sizes = [16, 128], strides = [1, 1]} : vector<16x32768xf32> to vector<16x128xf32>
    %get3A_1219 = arith.constant 0 : index
    %get3A_1220 = arith.constant 121 : index
    %get3A_1221 = arith.constant 0 : index
    %get3A_1222 = vector.load %arg3[%get3A_1219, %get3A_1220, %get3A_1221] : memref<16x256x128xf32, #tpu.memory_space<vmem>>, vector<16x1x128xf32>
    %get3A_1223 = vector.shape_cast %get3A_1222 : vector<16x1x128xf32> to vector<16x128xf32>
    %add3A_1224 = arith.addf %slice3A_1218, %get3A_1223 : vector<16x128xf32>
    %swap3A_1225 = arith.constant 0 : index
    %swap3A_1226 = arith.constant 15488 : index
    %swap3A_1227 = vector.load %arg5[%swap3A_1225, %swap3A_1226] : memref<16x32768xf32, #tpu.memory_space<vmem>>, vector<16x128xf32>
    tpu.vector_store %arg5[%swap3A_1225, %swap3A_1226], %add3A_1224 {strides = array<i32>} : memref<16x32768xf32, #tpu.memory_space<vmem>>, vector<16x128xf32>,
    %slice3A_1228 = vector.extract_strided_slice %add3A_9 {offsets = [0, 15616], sizes = [16, 128], strides = [1, 1]} : vector<16x32768xf32> to vector<16x128xf32>
    %get3A_1229 = arith.constant 0 : index
    %get3A_1230 = arith.constant 122 : index
    %get3A_1231 = arith.constant 0 : index
    %get3A_1232 = vector.load %arg3[%get3A_1229, %get3A_1230, %get3A_1231] : memref<16x256x128xf32, #tpu.memory_space<vmem>>, vector<16x1x128xf32>
    %get3A_1233 = vector.shape_cast %get3A_1232 : vector<16x1x128xf32> to vector<16x128xf32>
    %add3A_1234 = arith.addf %slice3A_1228, %get3A_1233 : vector<16x128xf32>
    %swap3A_1235 = arith.constant 0 : index
    %swap3A_1236 = arith.constant 15616 : index
    %swap3A_1237 = vector.load %arg5[%swap3A_1235, %swap3A_1236] : memref<16x32768xf32, #tpu.memory_space<vmem>>, vector<16x128xf32>
    tpu.vector_store %arg5[%swap3A_1235, %swap3A_1236], %add3A_1234 {strides = array<i32>} : memref<16x32768xf32, #tpu.memory_space<vmem>>, vector<16x128xf32>,
    %slice3A_1238 = vector.extract_strided_slice %add3A_9 {offsets = [0, 15744], sizes = [16, 128], strides = [1, 1]} : vector<16x32768xf32> to vector<16x128xf32>
    %get3A_1239 = arith.constant 0 : index
    %get3A_1240 = arith.constant 123 : index
    %get3A_1241 = arith.constant 0 : index
    %get3A_1242 = vector.load %arg3[%get3A_1239, %get3A_1240, %get3A_1241] : memref<16x256x128xf32, #tpu.memory_space<vmem>>, vector<16x1x128xf32>
    %get3A_1243 = vector.shape_cast %get3A_1242 : vector<16x1x128xf32> to vector<16x128xf32>
    %add3A_1244 = arith.addf %slice3A_1238, %get3A_1243 : vector<16x128xf32>
    %swap3A_1245 = arith.constant 0 : index
    %swap3A_1246 = arith.constant 15744 : index
    %swap3A_1247 = vector.load %arg5[%swap3A_1245, %swap3A_1246] : memref<16x32768xf32, #tpu.memory_space<vmem>>, vector<16x128xf32>
    tpu.vector_store %arg5[%swap3A_1245, %swap3A_1246], %add3A_1244 {strides = array<i32>} : memref<16x32768xf32, #tpu.memory_space<vmem>>, vector<16x128xf32>,
    %slice3A_1248 = vector.extract_strided_slice %add3A_9 {offsets = [0, 15872], sizes = [16, 128], strides = [1, 1]} : vector<16x32768xf32> to vector<16x128xf32>
    %get3A_1249 = arith.constant 0 : index
    %get3A_1250 = arith.constant 124 : index
    %get3A_1251 = arith.constant 0 : index
    %get3A_1252 = vector.load %arg3[%get3A_1249, %get3A_1250, %get3A_1251] : memref<16x256x128xf32, #tpu.memory_space<vmem>>, vector<16x1x128xf32>
    %get3A_1253 = vector.shape_cast %get3A_1252 : vector<16x1x128xf32> to vector<16x128xf32>
    %add3A_1254 = arith.addf %slice3A_1248, %get3A_1253 : vector<16x128xf32>
    %swap3A_1255 = arith.constant 0 : index
    %swap3A_1256 = arith.constant 15872 : index
    %swap3A_1257 = vector.load %arg5[%swap3A_1255, %swap3A_1256] : memref<16x32768xf32, #tpu.memory_space<vmem>>, vector<16x128xf32>
    tpu.vector_store %arg5[%swap3A_1255, %swap3A_1256], %add3A_1254 {strides = array<i32>} : memref<16x32768xf32, #tpu.memory_space<vmem>>, vector<16x128xf32>,
    %slice3A_1258 = vector.extract_strided_slice %add3A_9 {offsets = [0, 16000], sizes = [16, 128], strides = [1, 1]} : vector<16x32768xf32> to vector<16x128xf32>
    %get3A_1259 = arith.constant 0 : index
    %get3A_1260 = arith.constant 125 : index
    %get3A_1261 = arith.constant 0 : index
    %get3A_1262 = vector.load %arg3[%get3A_1259, %get3A_1260, %get3A_1261] : memref<16x256x128xf32, #tpu.memory_space<vmem>>, vector<16x1x128xf32>
    %get3A_1263 = vector.shape_cast %get3A_1262 : vector<16x1x128xf32> to vector<16x128xf32>
    %add3A_1264 = arith.addf %slice3A_1258, %get3A_1263 : vector<16x128xf32>
    %swap3A_1265 = arith.constant 0 : index
    %swap3A_1266 = arith.constant 16000 : index
    %swap3A_1267 = vector.load %arg5[%swap3A_1265, %swap3A_1266] : memref<16x32768xf32, #tpu.memory_space<vmem>>, vector<16x128xf32>
    tpu.vector_store %arg5[%swap3A_1265, %swap3A_1266], %add3A_1264 {strides = array<i32>} : memref<16x32768xf32, #tpu.memory_space<vmem>>, vector<16x128xf32>,
    %slice3A_1268 = vector.extract_strided_slice %add3A_9 {offsets = [0, 16128], sizes = [16, 128], strides = [1, 1]} : vector<16x32768xf32> to vector<16x128xf32>
    %get3A_1269 = arith.constant 0 : index
    %get3A_1270 = arith.constant 126 : index
    %get3A_1271 = arith.constant 0 : index
    %get3A_1272 = vector.load %arg3[%get3A_1269, %get3A_1270, %get3A_1271] : memref<16x256x128xf32, #tpu.memory_space<vmem>>, vector<16x1x128xf32>
    %get3A_1273 = vector.shape_cast %get3A_1272 : vector<16x1x128xf32> to vector<16x128xf32>
    %add3A_1274 = arith.addf %slice3A_1268, %get3A_1273 : vector<16x128xf32>
    %swap3A_1275 = arith.constant 0 : index
    %swap3A_1276 = arith.constant 16128 : index
    %swap3A_1277 = vector.load %arg5[%swap3A_1275, %swap3A_1276] : memref<16x32768xf32, #tpu.memory_space<vmem>>, vector<16x128xf32>
    tpu.vector_store %arg5[%swap3A_1275, %swap3A_1276], %add3A_1274 {strides = array<i32>} : memref<16x32768xf32, #tpu.memory_space<vmem>>, vector<16x128xf32>,
    %slice3A_1278 = vector.extract_strided_slice %add3A_9 {offsets = [0, 16256], sizes = [16, 128], strides = [1, 1]} : vector<16x32768xf32> to vector<16x128xf32>
    %get3A_1279 = arith.constant 0 : index
    %get3A_1280 = arith.constant 127 : index
    %get3A_1281 = arith.constant 0 : index
    %get3A_1282 = vector.load %arg3[%get3A_1279, %get3A_1280, %get3A_1281] : memref<16x256x128xf32, #tpu.memory_space<vmem>>, vector<16x1x128xf32>
    %get3A_1283 = vector.shape_cast %get3A_1282 : vector<16x1x128xf32> to vector<16x128xf32>
    %add3A_1284 = arith.addf %slice3A_1278, %get3A_1283 : vector<16x128xf32>
    %swap3A_1285 = arith.constant 0 : index
    %swap3A_1286 = arith.constant 16256 : index
    %swap3A_1287 = vector.load %arg5[%swap3A_1285, %swap3A_1286] : memref<16x32768xf32, #tpu.memory_space<vmem>>, vector<16x128xf32>
    tpu.vector_store %arg5[%swap3A_1285, %swap3A_1286], %add3A_1284 {strides = array<i32>} : memref<16x32768xf32, #tpu.memory_space<vmem>>, vector<16x128xf32>,
    %slice3A_1288 = vector.extract_strided_slice %add3A_9 {offsets = [0, 16384], sizes = [16, 128], strides = [1, 1]} : vector<16x32768xf32> to vector<16x128xf32>
    %get3A_1289 = arith.constant 0 : index
    %get3A_1290 = arith.constant 128 : index
    %get3A_1291 = arith.constant 0 : index
    %get3A_1292 = vector.load %arg3[%get3A_1289, %get3A_1290, %get3A_1291] : memref<16x256x128xf32, #tpu.memory_space<vmem>>, vector<16x1x128xf32>
    %get3A_1293 = vector.shape_cast %get3A_1292 : vector<16x1x128xf32> to vector<16x128xf32>
    %add3A_1294 = arith.addf %slice3A_1288, %get3A_1293 : vector<16x128xf32>
    %swap3A_1295 = arith.constant 0 : index
    %swap3A_1296 = arith.constant 16384 : index
    %swap3A_1297 = vector.load %arg5[%swap3A_1295, %swap3A_1296] : memref<16x32768xf32, #tpu.memory_space<vmem>>, vector<16x128xf32>
    tpu.vector_store %arg5[%swap3A_1295, %swap3A_1296], %add3A_1294 {strides = array<i32>} : memref<16x32768xf32, #tpu.memory_space<vmem>>, vector<16x128xf32>,
    %slice3A_1298 = vector.extract_strided_slice %add3A_9 {offsets = [0, 16512], sizes = [16, 128], strides = [1, 1]} : vector<16x32768xf32> to vector<16x128xf32>
    %get3A_1299 = arith.constant 0 : index
    %get3A_1300 = arith.constant 129 : index
    %get3A_1301 = arith.constant 0 : index
    %get3A_1302 = vector.load %arg3[%get3A_1299, %get3A_1300, %get3A_1301] : memref<16x256x128xf32, #tpu.memory_space<vmem>>, vector<16x1x128xf32>
    %get3A_1303 = vector.shape_cast %get3A_1302 : vector<16x1x128xf32> to vector<16x128xf32>
    %add3A_1304 = arith.addf %slice3A_1298, %get3A_1303 : vector<16x128xf32>
    %swap3A_1305 = arith.constant 0 : index
    %swap3A_1306 = arith.constant 16512 : index
    %swap3A_1307 = vector.load %arg5[%swap3A_1305, %swap3A_1306] : memref<16x32768xf32, #tpu.memory_space<vmem>>, vector<16x128xf32>
    tpu.vector_store %arg5[%swap3A_1305, %swap3A_1306], %add3A_1304 {strides = array<i32>} : memref<16x32768xf32, #tpu.memory_space<vmem>>, vector<16x128xf32>,
    %slice3A_1308 = vector.extract_strided_slice %add3A_9 {offsets = [0, 16640], sizes = [16, 128], strides = [1, 1]} : vector<16x32768xf32> to vector<16x128xf32>
    %get3A_1309 = arith.constant 0 : index
    %get3A_1310 = arith.constant 130 : index
    %get3A_1311 = arith.constant 0 : index
    %get3A_1312 = vector.load %arg3[%get3A_1309, %get3A_1310, %get3A_1311] : memref<16x256x128xf32, #tpu.memory_space<vmem>>, vector<16x1x128xf32>
    %get3A_1313 = vector.shape_cast %get3A_1312 : vector<16x1x128xf32> to vector<16x128xf32>
    %add3A_1314 = arith.addf %slice3A_1308, %get3A_1313 : vector<16x128xf32>
    %swap3A_1315 = arith.constant 0 : index
    %swap3A_1316 = arith.constant 16640 : index
    %swap3A_1317 = vector.load %arg5[%swap3A_1315, %swap3A_1316] : memref<16x32768xf32, #tpu.memory_space<vmem>>, vector<16x128xf32>
    tpu.vector_store %arg5[%swap3A_1315, %swap3A_1316], %add3A_1314 {strides = array<i32>} : memref<16x32768xf32, #tpu.memory_space<vmem>>, vector<16x128xf32>,
    %slice3A_1318 = vector.extract_strided_slice %add3A_9 {offsets = [0, 16768], sizes = [16, 128], strides = [1, 1]} : vector<16x32768xf32> to vector<16x128xf32>
    %get3A_1319 = arith.constant 0 : index
    %get3A_1320 = arith.constant 131 : index
    %get3A_1321 = arith.constant 0 : index
    %get3A_1322 = vector.load %arg3[%get3A_1319, %get3A_1320, %get3A_1321] : memref<16x256x128xf32, #tpu.memory_space<vmem>>, vector<16x1x128xf32>
    %get3A_1323 = vector.shape_cast %get3A_1322 : vector<16x1x128xf32> to vector<16x128xf32>
    %add3A_1324 = arith.addf %slice3A_1318, %get3A_1323 : vector<16x128xf32>
    %swap3A_1325 = arith.constant 0 : index
    %swap3A_1326 = arith.constant 16768 : index
    %swap3A_1327 = vector.load %arg5[%swap3A_1325, %swap3A_1326] : memref<16x32768xf32, #tpu.memory_space<vmem>>, vector<16x128xf32>
    tpu.vector_store %arg5[%swap3A_1325, %swap3A_1326], %add3A_1324 {strides = array<i32>} : memref<16x32768xf32, #tpu.memory_space<vmem>>, vector<16x128xf32>,
    %slice3A_1328 = vector.extract_strided_slice %add3A_9 {offsets = [0, 16896], sizes = [16, 128], strides = [1, 1]} : vector<16x32768xf32> to vector<16x128xf32>
    %get3A_1329 = arith.constant 0 : index
    %get3A_1330 = arith.constant 132 : index
    %get3A_1331 = arith.constant 0 : index
    %get3A_1332 = vector.load %arg3[%get3A_1329, %get3A_1330, %get3A_1331] : memref<16x256x128xf32, #tpu.memory_space<vmem>>, vector<16x1x128xf32>
    %get3A_1333 = vector.shape_cast %get3A_1332 : vector<16x1x128xf32> to vector<16x128xf32>
    %add3A_1334 = arith.addf %slice3A_1328, %get3A_1333 : vector<16x128xf32>
    %swap3A_1335 = arith.constant 0 : index
    %swap3A_1336 = arith.constant 16896 : index
    %swap3A_1337 = vector.load %arg5[%swap3A_1335, %swap3A_1336] : memref<16x32768xf32, #tpu.memory_space<vmem>>, vector<16x128xf32>
    tpu.vector_store %arg5[%swap3A_1335, %swap3A_1336], %add3A_1334 {strides = array<i32>} : memref<16x32768xf32, #tpu.memory_space<vmem>>, vector<16x128xf32>,
    %slice3A_1338 = vector.extract_strided_slice %add3A_9 {offsets = [0, 17024], sizes = [16, 128], strides = [1, 1]} : vector<16x32768xf32> to vector<16x128xf32>
    %get3A_1339 = arith.constant 0 : index
    %get3A_1340 = arith.constant 133 : index
    %get3A_1341 = arith.constant 0 : index
    %get3A_1342 = vector.load %arg3[%get3A_1339, %get3A_1340, %get3A_1341] : memref<16x256x128xf32, #tpu.memory_space<vmem>>, vector<16x1x128xf32>
    %get3A_1343 = vector.shape_cast %get3A_1342 : vector<16x1x128xf32> to vector<16x128xf32>
    %add3A_1344 = arith.addf %slice3A_1338, %get3A_1343 : vector<16x128xf32>
    %swap3A_1345 = arith.constant 0 : index
    %swap3A_1346 = arith.constant 17024 : index
    %swap3A_1347 = vector.load %arg5[%swap3A_1345, %swap3A_1346] : memref<16x32768xf32, #tpu.memory_space<vmem>>, vector<16x128xf32>
    tpu.vector_store %arg5[%swap3A_1345, %swap3A_1346], %add3A_1344 {strides = array<i32>} : memref<16x32768xf32, #tpu.memory_space<vmem>>, vector<16x128xf32>,
    %slice3A_1348 = vector.extract_strided_slice %add3A_9 {offsets = [0, 17152], sizes = [16, 128], strides = [1, 1]} : vector<16x32768xf32> to vector<16x128xf32>
    %get3A_1349 = arith.constant 0 : index
    %get3A_1350 = arith.constant 134 : index
    %get3A_1351 = arith.constant 0 : index
    %get3A_1352 = vector.load %arg3[%get3A_1349, %get3A_1350, %get3A_1351] : memref<16x256x128xf32, #tpu.memory_space<vmem>>, vector<16x1x128xf32>
    %get3A_1353 = vector.shape_cast %get3A_1352 : vector<16x1x128xf32> to vector<16x128xf32>
    %add3A_1354 = arith.addf %slice3A_1348, %get3A_1353 : vector<16x128xf32>
    %swap3A_1355 = arith.constant 0 : index
    %swap3A_1356 = arith.constant 17152 : index
    %swap3A_1357 = vector.load %arg5[%swap3A_1355, %swap3A_1356] : memref<16x32768xf32, #tpu.memory_space<vmem>>, vector<16x128xf32>
    tpu.vector_store %arg5[%swap3A_1355, %swap3A_1356], %add3A_1354 {strides = array<i32>} : memref<16x32768xf32, #tpu.memory_space<vmem>>, vector<16x128xf32>,
    %slice3A_1358 = vector.extract_strided_slice %add3A_9 {offsets = [0, 17280], sizes = [16, 128], strides = [1, 1]} : vector<16x32768xf32> to vector<16x128xf32>
    %get3A_1359 = arith.constant 0 : index
    %get3A_1360 = arith.constant 135 : index
    %get3A_1361 = arith.constant 0 : index
    %get3A_1362 = vector.load %arg3[%get3A_1359, %get3A_1360, %get3A_1361] : memref<16x256x128xf32, #tpu.memory_space<vmem>>, vector<16x1x128xf32>
    %get3A_1363 = vector.shape_cast %get3A_1362 : vector<16x1x128xf32> to vector<16x128xf32>
    %add3A_1364 = arith.addf %slice3A_1358, %get3A_1363 : vector<16x128xf32>
    %swap3A_1365 = arith.constant 0 : index
    %swap3A_1366 = arith.constant 17280 : index
    %swap3A_1367 = vector.load %arg5[%swap3A_1365, %swap3A_1366] : memref<16x32768xf32, #tpu.memory_space<vmem>>, vector<16x128xf32>
    tpu.vector_store %arg5[%swap3A_1365, %swap3A_1366], %add3A_1364 {strides = array<i32>} : memref<16x32768xf32, #tpu.memory_space<vmem>>, vector<16x128xf32>,
    %slice3A_1368 = vector.extract_strided_slice %add3A_9 {offsets = [0, 17408], sizes = [16, 128], strides = [1, 1]} : vector<16x32768xf32> to vector<16x128xf32>
    %get3A_1369 = arith.constant 0 : index
    %get3A_1370 = arith.constant 136 : index
    %get3A_1371 = arith.constant 0 : index
    %get3A_1372 = vector.load %arg3[%get3A_1369, %get3A_1370, %get3A_1371] : memref<16x256x128xf32, #tpu.memory_space<vmem>>, vector<16x1x128xf32>
    %get3A_1373 = vector.shape_cast %get3A_1372 : vector<16x1x128xf32> to vector<16x128xf32>
    %add3A_1374 = arith.addf %slice3A_1368, %get3A_1373 : vector<16x128xf32>
    %swap3A_1375 = arith.constant 0 : index
    %swap3A_1376 = arith.constant 17408 : index
    %swap3A_1377 = vector.load %arg5[%swap3A_1375, %swap3A_1376] : memref<16x32768xf32, #tpu.memory_space<vmem>>, vector<16x128xf32>
    tpu.vector_store %arg5[%swap3A_1375, %swap3A_1376], %add3A_1374 {strides = array<i32>} : memref<16x32768xf32, #tpu.memory_space<vmem>>, vector<16x128xf32>,
    %slice3A_1378 = vector.extract_strided_slice %add3A_9 {offsets = [0, 17536], sizes = [16, 128], strides = [1, 1]} : vector<16x32768xf32> to vector<16x128xf32>
    %get3A_1379 = arith.constant 0 : index
    %get3A_1380 = arith.constant 137 : index
    %get3A_1381 = arith.constant 0 : index
    %get3A_1382 = vector.load %arg3[%get3A_1379, %get3A_1380, %get3A_1381] : memref<16x256x128xf32, #tpu.memory_space<vmem>>, vector<16x1x128xf32>
    %get3A_1383 = vector.shape_cast %get3A_1382 : vector<16x1x128xf32> to vector<16x128xf32>
    %add3A_1384 = arith.addf %slice3A_1378, %get3A_1383 : vector<16x128xf32>
    %swap3A_1385 = arith.constant 0 : index
    %swap3A_1386 = arith.constant 17536 : index
    %swap3A_1387 = vector.load %arg5[%swap3A_1385, %swap3A_1386] : memref<16x32768xf32, #tpu.memory_space<vmem>>, vector<16x128xf32>
    tpu.vector_store %arg5[%swap3A_1385, %swap3A_1386], %add3A_1384 {strides = array<i32>} : memref<16x32768xf32, #tpu.memory_space<vmem>>, vector<16x128xf32>,
    %slice3A_1388 = vector.extract_strided_slice %add3A_9 {offsets = [0, 17664], sizes = [16, 128], strides = [1, 1]} : vector<16x32768xf32> to vector<16x128xf32>
    %get3A_1389 = arith.constant 0 : index
    %get3A_1390 = arith.constant 138 : index
    %get3A_1391 = arith.constant 0 : index
    %get3A_1392 = vector.load %arg3[%get3A_1389, %get3A_1390, %get3A_1391] : memref<16x256x128xf32, #tpu.memory_space<vmem>>, vector<16x1x128xf32>
    %get3A_1393 = vector.shape_cast %get3A_1392 : vector<16x1x128xf32> to vector<16x128xf32>
    %add3A_1394 = arith.addf %slice3A_1388, %get3A_1393 : vector<16x128xf32>
    %swap3A_1395 = arith.constant 0 : index
    %swap3A_1396 = arith.constant 17664 : index
    %swap3A_1397 = vector.load %arg5[%swap3A_1395, %swap3A_1396] : memref<16x32768xf32, #tpu.memory_space<vmem>>, vector<16x128xf32>
    tpu.vector_store %arg5[%swap3A_1395, %swap3A_1396], %add3A_1394 {strides = array<i32>} : memref<16x32768xf32, #tpu.memory_space<vmem>>, vector<16x128xf32>,
    %slice3A_1398 = vector.extract_strided_slice %add3A_9 {offsets = [0, 17792], sizes = [16, 128], strides = [1, 1]} : vector<16x32768xf32> to vector<16x128xf32>
    %get3A_1399 = arith.constant 0 : index
    %get3A_1400 = arith.constant 139 : index
    %get3A_1401 = arith.constant 0 : index
    %get3A_1402 = vector.load %arg3[%get3A_1399, %get3A_1400, %get3A_1401] : memref<16x256x128xf32, #tpu.memory_space<vmem>>, vector<16x1x128xf32>
    %get3A_1403 = vector.shape_cast %get3A_1402 : vector<16x1x128xf32> to vector<16x128xf32>
    %add3A_1404 = arith.addf %slice3A_1398, %get3A_1403 : vector<16x128xf32>
    %swap3A_1405 = arith.constant 0 : index
    %swap3A_1406 = arith.constant 17792 : index
    %swap3A_1407 = vector.load %arg5[%swap3A_1405, %swap3A_1406] : memref<16x32768xf32, #tpu.memory_space<vmem>>, vector<16x128xf32>
    tpu.vector_store %arg5[%swap3A_1405, %swap3A_1406], %add3A_1404 {strides = array<i32>} : memref<16x32768xf32, #tpu.memory_space<vmem>>, vector<16x128xf32>,
    %slice3A_1408 = vector.extract_strided_slice %add3A_9 {offsets = [0, 17920], sizes = [16, 128], strides = [1, 1]} : vector<16x32768xf32> to vector<16x128xf32>
    %get3A_1409 = arith.constant 0 : index
    %get3A_1410 = arith.constant 140 : index
    %get3A_1411 = arith.constant 0 : index
    %get3A_1412 = vector.load %arg3[%get3A_1409, %get3A_1410, %get3A_1411] : memref<16x256x128xf32, #tpu.memory_space<vmem>>, vector<16x1x128xf32>
    %get3A_1413 = vector.shape_cast %get3A_1412 : vector<16x1x128xf32> to vector<16x128xf32>
    %add3A_1414 = arith.addf %slice3A_1408, %get3A_1413 : vector<16x128xf32>
    %swap3A_1415 = arith.constant 0 : index
    %swap3A_1416 = arith.constant 17920 : index
    %swap3A_1417 = vector.load %arg5[%swap3A_1415, %swap3A_1416] : memref<16x32768xf32, #tpu.memory_space<vmem>>, vector<16x128xf32>
    tpu.vector_store %arg5[%swap3A_1415, %swap3A_1416], %add3A_1414 {strides = array<i32>} : memref<16x32768xf32, #tpu.memory_space<vmem>>, vector<16x128xf32>,
    %slice3A_1418 = vector.extract_strided_slice %add3A_9 {offsets = [0, 18048], sizes = [16, 128], strides = [1, 1]} : vector<16x32768xf32> to vector<16x128xf32>
    %get3A_1419 = arith.constant 0 : index
    %get3A_1420 = arith.constant 141 : index
    %get3A_1421 = arith.constant 0 : index
    %get3A_1422 = vector.load %arg3[%get3A_1419, %get3A_1420, %get3A_1421] : memref<16x256x128xf32, #tpu.memory_space<vmem>>, vector<16x1x128xf32>
    %get3A_1423 = vector.shape_cast %get3A_1422 : vector<16x1x128xf32> to vector<16x128xf32>
    %add3A_1424 = arith.addf %slice3A_1418, %get3A_1423 : vector<16x128xf32>
    %swap3A_1425 = arith.constant 0 : index
    %swap3A_1426 = arith.constant 18048 : index
    %swap3A_1427 = vector.load %arg5[%swap3A_1425, %swap3A_1426] : memref<16x32768xf32, #tpu.memory_space<vmem>>, vector<16x128xf32>
    tpu.vector_store %arg5[%swap3A_1425, %swap3A_1426], %add3A_1424 {strides = array<i32>} : memref<16x32768xf32, #tpu.memory_space<vmem>>, vector<16x128xf32>,
    %slice3A_1428 = vector.extract_strided_slice %add3A_9 {offsets = [0, 18176], sizes = [16, 128], strides = [1, 1]} : vector<16x32768xf32> to vector<16x128xf32>
    %get3A_1429 = arith.constant 0 : index
    %get3A_1430 = arith.constant 142 : index
    %get3A_1431 = arith.constant 0 : index
    %get3A_1432 = vector.load %arg3[%get3A_1429, %get3A_1430, %get3A_1431] : memref<16x256x128xf32, #tpu.memory_space<vmem>>, vector<16x1x128xf32>
    %get3A_1433 = vector.shape_cast %get3A_1432 : vector<16x1x128xf32> to vector<16x128xf32>
    %add3A_1434 = arith.addf %slice3A_1428, %get3A_1433 : vector<16x128xf32>
    %swap3A_1435 = arith.constant 0 : index
    %swap3A_1436 = arith.constant 18176 : index
    %swap3A_1437 = vector.load %arg5[%swap3A_1435, %swap3A_1436] : memref<16x32768xf32, #tpu.memory_space<vmem>>, vector<16x128xf32>
    tpu.vector_store %arg5[%swap3A_1435, %swap3A_1436], %add3A_1434 {strides = array<i32>} : memref<16x32768xf32, #tpu.memory_space<vmem>>, vector<16x128xf32>,
    %slice3A_1438 = vector.extract_strided_slice %add3A_9 {offsets = [0, 18304], sizes = [16, 128], strides = [1, 1]} : vector<16x32768xf32> to vector<16x128xf32>
    %get3A_1439 = arith.constant 0 : index
    %get3A_1440 = arith.constant 143 : index
    %get3A_1441 = arith.constant 0 : index
    %get3A_1442 = vector.load %arg3[%get3A_1439, %get3A_1440, %get3A_1441] : memref<16x256x128xf32, #tpu.memory_space<vmem>>, vector<16x1x128xf32>
    %get3A_1443 = vector.shape_cast %get3A_1442 : vector<16x1x128xf32> to vector<16x128xf32>
    %add3A_1444 = arith.addf %slice3A_1438, %get3A_1443 : vector<16x128xf32>
    %swap3A_1445 = arith.constant 0 : index
    %swap3A_1446 = arith.constant 18304 : index
    %swap3A_1447 = vector.load %arg5[%swap3A_1445, %swap3A_1446] : memref<16x32768xf32, #tpu.memory_space<vmem>>, vector<16x128xf32>
    tpu.vector_store %arg5[%swap3A_1445, %swap3A_1446], %add3A_1444 {strides = array<i32>} : memref<16x32768xf32, #tpu.memory_space<vmem>>, vector<16x128xf32>,
    %slice3A_1448 = vector.extract_strided_slice %add3A_9 {offsets = [0, 18432], sizes = [16, 128], strides = [1, 1]} : vector<16x32768xf32> to vector<16x128xf32>
    %get3A_1449 = arith.constant 0 : index
    %get3A_1450 = arith.constant 144 : index
    %get3A_1451 = arith.constant 0 : index
    %get3A_1452 = vector.load %arg3[%get3A_1449, %get3A_1450, %get3A_1451] : memref<16x256x128xf32, #tpu.memory_space<vmem>>, vector<16x1x128xf32>
    %get3A_1453 = vector.shape_cast %get3A_1452 : vector<16x1x128xf32> to vector<16x128xf32>
    %add3A_1454 = arith.addf %slice3A_1448, %get3A_1453 : vector<16x128xf32>
    %swap3A_1455 = arith.constant 0 : index
    %swap3A_1456 = arith.constant 18432 : index
    %swap3A_1457 = vector.load %arg5[%swap3A_1455, %swap3A_1456] : memref<16x32768xf32, #tpu.memory_space<vmem>>, vector<16x128xf32>
    tpu.vector_store %arg5[%swap3A_1455, %swap3A_1456], %add3A_1454 {strides = array<i32>} : memref<16x32768xf32, #tpu.memory_space<vmem>>, vector<16x128xf32>,
    %slice3A_1458 = vector.extract_strided_slice %add3A_9 {offsets = [0, 18560], sizes = [16, 128], strides = [1, 1]} : vector<16x32768xf32> to vector<16x128xf32>
    %get3A_1459 = arith.constant 0 : index
    %get3A_1460 = arith.constant 145 : index
    %get3A_1461 = arith.constant 0 : index
    %get3A_1462 = vector.load %arg3[%get3A_1459, %get3A_1460, %get3A_1461] : memref<16x256x128xf32, #tpu.memory_space<vmem>>, vector<16x1x128xf32>
    %get3A_1463 = vector.shape_cast %get3A_1462 : vector<16x1x128xf32> to vector<16x128xf32>
    %add3A_1464 = arith.addf %slice3A_1458, %get3A_1463 : vector<16x128xf32>
    %swap3A_1465 = arith.constant 0 : index
    %swap3A_1466 = arith.constant 18560 : index
    %swap3A_1467 = vector.load %arg5[%swap3A_1465, %swap3A_1466] : memref<16x32768xf32, #tpu.memory_space<vmem>>, vector<16x128xf32>
    tpu.vector_store %arg5[%swap3A_1465, %swap3A_1466], %add3A_1464 {strides = array<i32>} : memref<16x32768xf32, #tpu.memory_space<vmem>>, vector<16x128xf32>,
    %slice3A_1468 = vector.extract_strided_slice %add3A_9 {offsets = [0, 18688], sizes = [16, 128], strides = [1, 1]} : vector<16x32768xf32> to vector<16x128xf32>
    %get3A_1469 = arith.constant 0 : index
    %get3A_1470 = arith.constant 146 : index
    %get3A_1471 = arith.constant 0 : index
    %get3A_1472 = vector.load %arg3[%get3A_1469, %get3A_1470, %get3A_1471] : memref<16x256x128xf32, #tpu.memory_space<vmem>>, vector<16x1x128xf32>
    %get3A_1473 = vector.shape_cast %get3A_1472 : vector<16x1x128xf32> to vector<16x128xf32>
    %add3A_1474 = arith.addf %slice3A_1468, %get3A_1473 : vector<16x128xf32>
    %swap3A_1475 = arith.constant 0 : index
    %swap3A_1476 = arith.constant 18688 : index
    %swap3A_1477 = vector.load %arg5[%swap3A_1475, %swap3A_1476] : memref<16x32768xf32, #tpu.memory_space<vmem>>, vector<16x128xf32>
    tpu.vector_store %arg5[%swap3A_1475, %swap3A_1476], %add3A_1474 {strides = array<i32>} : memref<16x32768xf32, #tpu.memory_space<vmem>>, vector<16x128xf32>,
    %slice3A_1478 = vector.extract_strided_slice %add3A_9 {offsets = [0, 18816], sizes = [16, 128], strides = [1, 1]} : vector<16x32768xf32> to vector<16x128xf32>
    %get3A_1479 = arith.constant 0 : index
    %get3A_1480 = arith.constant 147 : index
    %get3A_1481 = arith.constant 0 : index
    %get3A_1482 = vector.load %arg3[%get3A_1479, %get3A_1480, %get3A_1481] : memref<16x256x128xf32, #tpu.memory_space<vmem>>, vector<16x1x128xf32>
    %get3A_1483 = vector.shape_cast %get3A_1482 : vector<16x1x128xf32> to vector<16x128xf32>
    %add3A_1484 = arith.addf %slice3A_1478, %get3A_1483 : vector<16x128xf32>
    %swap3A_1485 = arith.constant 0 : index
    %swap3A_1486 = arith.constant 18816 : index
    %swap3A_1487 = vector.load %arg5[%swap3A_1485, %swap3A_1486] : memref<16x32768xf32, #tpu.memory_space<vmem>>, vector<16x128xf32>
    tpu.vector_store %arg5[%swap3A_1485, %swap3A_1486], %add3A_1484 {strides = array<i32>} : memref<16x32768xf32, #tpu.memory_space<vmem>>, vector<16x128xf32>,
    %slice3A_1488 = vector.extract_strided_slice %add3A_9 {offsets = [0, 18944], sizes = [16, 128], strides = [1, 1]} : vector<16x32768xf32> to vector<16x128xf32>
    %get3A_1489 = arith.constant 0 : index
    %get3A_1490 = arith.constant 148 : index
    %get3A_1491 = arith.constant 0 : index
    %get3A_1492 = vector.load %arg3[%get3A_1489, %get3A_1490, %get3A_1491] : memref<16x256x128xf32, #tpu.memory_space<vmem>>, vector<16x1x128xf32>
    %get3A_1493 = vector.shape_cast %get3A_1492 : vector<16x1x128xf32> to vector<16x128xf32>
    %add3A_1494 = arith.addf %slice3A_1488, %get3A_1493 : vector<16x128xf32>
    %swap3A_1495 = arith.constant 0 : index
    %swap3A_1496 = arith.constant 18944 : index
    %swap3A_1497 = vector.load %arg5[%swap3A_1495, %swap3A_1496] : memref<16x32768xf32, #tpu.memory_space<vmem>>, vector<16x128xf32>
    tpu.vector_store %arg5[%swap3A_1495, %swap3A_1496], %add3A_1494 {strides = array<i32>} : memref<16x32768xf32, #tpu.memory_space<vmem>>, vector<16x128xf32>,
    %slice3A_1498 = vector.extract_strided_slice %add3A_9 {offsets = [0, 19072], sizes = [16, 128], strides = [1, 1]} : vector<16x32768xf32> to vector<16x128xf32>
    %get3A_1499 = arith.constant 0 : index
    %get3A_1500 = arith.constant 149 : index
    %get3A_1501 = arith.constant 0 : index
    %get3A_1502 = vector.load %arg3[%get3A_1499, %get3A_1500, %get3A_1501] : memref<16x256x128xf32, #tpu.memory_space<vmem>>, vector<16x1x128xf32>
    %get3A_1503 = vector.shape_cast %get3A_1502 : vector<16x1x128xf32> to vector<16x128xf32>
    %add3A_1504 = arith.addf %slice3A_1498, %get3A_1503 : vector<16x128xf32>
    %swap3A_1505 = arith.constant 0 : index
    %swap3A_1506 = arith.constant 19072 : index
    %swap3A_1507 = vector.load %arg5[%swap3A_1505, %swap3A_1506] : memref<16x32768xf32, #tpu.memory_space<vmem>>, vector<16x128xf32>
    tpu.vector_store %arg5[%swap3A_1505, %swap3A_1506], %add3A_1504 {strides = array<i32>} : memref<16x32768xf32, #tpu.memory_space<vmem>>, vector<16x128xf32>,
    %slice3A_1508 = vector.extract_strided_slice %add3A_9 {offsets = [0, 19200], sizes = [16, 128], strides = [1, 1]} : vector<16x32768xf32> to vector<16x128xf32>
    %get3A_1509 = arith.constant 0 : index
    %get3A_1510 = arith.constant 150 : index
    %get3A_1511 = arith.constant 0 : index
    %get3A_1512 = vector.load %arg3[%get3A_1509, %get3A_1510, %get3A_1511] : memref<16x256x128xf32, #tpu.memory_space<vmem>>, vector<16x1x128xf32>
    %get3A_1513 = vector.shape_cast %get3A_1512 : vector<16x1x128xf32> to vector<16x128xf32>
    %add3A_1514 = arith.addf %slice3A_1508, %get3A_1513 : vector<16x128xf32>
    %swap3A_1515 = arith.constant 0 : index
    %swap3A_1516 = arith.constant 19200 : index
    %swap3A_1517 = vector.load %arg5[%swap3A_1515, %swap3A_1516] : memref<16x32768xf32, #tpu.memory_space<vmem>>, vector<16x128xf32>
    tpu.vector_store %arg5[%swap3A_1515, %swap3A_1516], %add3A_1514 {strides = array<i32>} : memref<16x32768xf32, #tpu.memory_space<vmem>>, vector<16x128xf32>,
    %slice3A_1518 = vector.extract_strided_slice %add3A_9 {offsets = [0, 19328], sizes = [16, 128], strides = [1, 1]} : vector<16x32768xf32> to vector<16x128xf32>
    %get3A_1519 = arith.constant 0 : index
    %get3A_1520 = arith.constant 151 : index
    %get3A_1521 = arith.constant 0 : index
    %get3A_1522 = vector.load %arg3[%get3A_1519, %get3A_1520, %get3A_1521] : memref<16x256x128xf32, #tpu.memory_space<vmem>>, vector<16x1x128xf32>
    %get3A_1523 = vector.shape_cast %get3A_1522 : vector<16x1x128xf32> to vector<16x128xf32>
    %add3A_1524 = arith.addf %slice3A_1518, %get3A_1523 : vector<16x128xf32>
    %swap3A_1525 = arith.constant 0 : index
    %swap3A_1526 = arith.constant 19328 : index
    %swap3A_1527 = vector.load %arg5[%swap3A_1525, %swap3A_1526] : memref<16x32768xf32, #tpu.memory_space<vmem>>, vector<16x128xf32>
    tpu.vector_store %arg5[%swap3A_1525, %swap3A_1526], %add3A_1524 {strides = array<i32>} : memref<16x32768xf32, #tpu.memory_space<vmem>>, vector<16x128xf32>,
    %slice3A_1528 = vector.extract_strided_slice %add3A_9 {offsets = [0, 19456], sizes = [16, 128], strides = [1, 1]} : vector<16x32768xf32> to vector<16x128xf32>
    %get3A_1529 = arith.constant 0 : index
    %get3A_1530 = arith.constant 152 : index
    %get3A_1531 = arith.constant 0 : index
    %get3A_1532 = vector.load %arg3[%get3A_1529, %get3A_1530, %get3A_1531] : memref<16x256x128xf32, #tpu.memory_space<vmem>>, vector<16x1x128xf32>
    %get3A_1533 = vector.shape_cast %get3A_1532 : vector<16x1x128xf32> to vector<16x128xf32>
    %add3A_1534 = arith.addf %slice3A_1528, %get3A_1533 : vector<16x128xf32>
    %swap3A_1535 = arith.constant 0 : index
    %swap3A_1536 = arith.constant 19456 : index
    %swap3A_1537 = vector.load %arg5[%swap3A_1535, %swap3A_1536] : memref<16x32768xf32, #tpu.memory_space<vmem>>, vector<16x128xf32>
    tpu.vector_store %arg5[%swap3A_1535, %swap3A_1536], %add3A_1534 {strides = array<i32>} : memref<16x32768xf32, #tpu.memory_space<vmem>>, vector<16x128xf32>,
    %slice3A_1538 = vector.extract_strided_slice %add3A_9 {offsets = [0, 19584], sizes = [16, 128], strides = [1, 1]} : vector<16x32768xf32> to vector<16x128xf32>
    %get3A_1539 = arith.constant 0 : index
    %get3A_1540 = arith.constant 153 : index
    %get3A_1541 = arith.constant 0 : index
    %get3A_1542 = vector.load %arg3[%get3A_1539, %get3A_1540, %get3A_1541] : memref<16x256x128xf32, #tpu.memory_space<vmem>>, vector<16x1x128xf32>
    %get3A_1543 = vector.shape_cast %get3A_1542 : vector<16x1x128xf32> to vector<16x128xf32>
    %add3A_1544 = arith.addf %slice3A_1538, %get3A_1543 : vector<16x128xf32>
    %swap3A_1545 = arith.constant 0 : index
    %swap3A_1546 = arith.constant 19584 : index
    %swap3A_1547 = vector.load %arg5[%swap3A_1545, %swap3A_1546] : memref<16x32768xf32, #tpu.memory_space<vmem>>, vector<16x128xf32>
    tpu.vector_store %arg5[%swap3A_1545, %swap3A_1546], %add3A_1544 {strides = array<i32>} : memref<16x32768xf32, #tpu.memory_space<vmem>>, vector<16x128xf32>,
    %slice3A_1548 = vector.extract_strided_slice %add3A_9 {offsets = [0, 19712], sizes = [16, 128], strides = [1, 1]} : vector<16x32768xf32> to vector<16x128xf32>
    %get3A_1549 = arith.constant 0 : index
    %get3A_1550 = arith.constant 154 : index
    %get3A_1551 = arith.constant 0 : index
    %get3A_1552 = vector.load %arg3[%get3A_1549, %get3A_1550, %get3A_1551] : memref<16x256x128xf32, #tpu.memory_space<vmem>>, vector<16x1x128xf32>
    %get3A_1553 = vector.shape_cast %get3A_1552 : vector<16x1x128xf32> to vector<16x128xf32>
    %add3A_1554 = arith.addf %slice3A_1548, %get3A_1553 : vector<16x128xf32>
    %swap3A_1555 = arith.constant 0 : index
    %swap3A_1556 = arith.constant 19712 : index
    %swap3A_1557 = vector.load %arg5[%swap3A_1555, %swap3A_1556] : memref<16x32768xf32, #tpu.memory_space<vmem>>, vector<16x128xf32>
    tpu.vector_store %arg5[%swap3A_1555, %swap3A_1556], %add3A_1554 {strides = array<i32>} : memref<16x32768xf32, #tpu.memory_space<vmem>>, vector<16x128xf32>,
    %slice3A_1558 = vector.extract_strided_slice %add3A_9 {offsets = [0, 19840], sizes = [16, 128], strides = [1, 1]} : vector<16x32768xf32> to vector<16x128xf32>
    %get3A_1559 = arith.constant 0 : index
    %get3A_1560 = arith.constant 155 : index
    %get3A_1561 = arith.constant 0 : index
    %get3A_1562 = vector.load %arg3[%get3A_1559, %get3A_1560, %get3A_1561] : memref<16x256x128xf32, #tpu.memory_space<vmem>>, vector<16x1x128xf32>
    %get3A_1563 = vector.shape_cast %get3A_1562 : vector<16x1x128xf32> to vector<16x128xf32>
    %add3A_1564 = arith.addf %slice3A_1558, %get3A_1563 : vector<16x128xf32>
    %swap3A_1565 = arith.constant 0 : index
    %swap3A_1566 = arith.constant 19840 : index
    %swap3A_1567 = vector.load %arg5[%swap3A_1565, %swap3A_1566] : memref<16x32768xf32, #tpu.memory_space<vmem>>, vector<16x128xf32>
    tpu.vector_store %arg5[%swap3A_1565, %swap3A_1566], %add3A_1564 {strides = array<i32>} : memref<16x32768xf32, #tpu.memory_space<vmem>>, vector<16x128xf32>,
    %slice3A_1568 = vector.extract_strided_slice %add3A_9 {offsets = [0, 19968], sizes = [16, 128], strides = [1, 1]} : vector<16x32768xf32> to vector<16x128xf32>
    %get3A_1569 = arith.constant 0 : index
    %get3A_1570 = arith.constant 156 : index
    %get3A_1571 = arith.constant 0 : index
    %get3A_1572 = vector.load %arg3[%get3A_1569, %get3A_1570, %get3A_1571] : memref<16x256x128xf32, #tpu.memory_space<vmem>>, vector<16x1x128xf32>
    %get3A_1573 = vector.shape_cast %get3A_1572 : vector<16x1x128xf32> to vector<16x128xf32>
    %add3A_1574 = arith.addf %slice3A_1568, %get3A_1573 : vector<16x128xf32>
    %swap3A_1575 = arith.constant 0 : index
    %swap3A_1576 = arith.constant 19968 : index
    %swap3A_1577 = vector.load %arg5[%swap3A_1575, %swap3A_1576] : memref<16x32768xf32, #tpu.memory_space<vmem>>, vector<16x128xf32>
    tpu.vector_store %arg5[%swap3A_1575, %swap3A_1576], %add3A_1574 {strides = array<i32>} : memref<16x32768xf32, #tpu.memory_space<vmem>>, vector<16x128xf32>,
    %slice3A_1578 = vector.extract_strided_slice %add3A_9 {offsets = [0, 20096], sizes = [16, 128], strides = [1, 1]} : vector<16x32768xf32> to vector<16x128xf32>
    %get3A_1579 = arith.constant 0 : index
    %get3A_1580 = arith.constant 157 : index
    %get3A_1581 = arith.constant 0 : index
    %get3A_1582 = vector.load %arg3[%get3A_1579, %get3A_1580, %get3A_1581] : memref<16x256x128xf32, #tpu.memory_space<vmem>>, vector<16x1x128xf32>
    %get3A_1583 = vector.shape_cast %get3A_1582 : vector<16x1x128xf32> to vector<16x128xf32>
    %add3A_1584 = arith.addf %slice3A_1578, %get3A_1583 : vector<16x128xf32>
    %swap3A_1585 = arith.constant 0 : index
    %swap3A_1586 = arith.constant 20096 : index
    %swap3A_1587 = vector.load %arg5[%swap3A_1585, %swap3A_1586] : memref<16x32768xf32, #tpu.memory_space<vmem>>, vector<16x128xf32>
    tpu.vector_store %arg5[%swap3A_1585, %swap3A_1586], %add3A_1584 {strides = array<i32>} : memref<16x32768xf32, #tpu.memory_space<vmem>>, vector<16x128xf32>,
    %slice3A_1588 = vector.extract_strided_slice %add3A_9 {offsets = [0, 20224], sizes = [16, 128], strides = [1, 1]} : vector<16x32768xf32> to vector<16x128xf32>
    %get3A_1589 = arith.constant 0 : index
    %get3A_1590 = arith.constant 158 : index
    %get3A_1591 = arith.constant 0 : index
    %get3A_1592 = vector.load %arg3[%get3A_1589, %get3A_1590, %get3A_1591] : memref<16x256x128xf32, #tpu.memory_space<vmem>>, vector<16x1x128xf32>
    %get3A_1593 = vector.shape_cast %get3A_1592 : vector<16x1x128xf32> to vector<16x128xf32>
    %add3A_1594 = arith.addf %slice3A_1588, %get3A_1593 : vector<16x128xf32>
    %swap3A_1595 = arith.constant 0 : index
    %swap3A_1596 = arith.constant 20224 : index
    %swap3A_1597 = vector.load %arg5[%swap3A_1595, %swap3A_1596] : memref<16x32768xf32, #tpu.memory_space<vmem>>, vector<16x128xf32>
    tpu.vector_store %arg5[%swap3A_1595, %swap3A_1596], %add3A_1594 {strides = array<i32>} : memref<16x32768xf32, #tpu.memory_space<vmem>>, vector<16x128xf32>,
    %slice3A_1598 = vector.extract_strided_slice %add3A_9 {offsets = [0, 20352], sizes = [16, 128], strides = [1, 1]} : vector<16x32768xf32> to vector<16x128xf32>
    %get3A_1599 = arith.constant 0 : index
    %get3A_1600 = arith.constant 159 : index
    %get3A_1601 = arith.constant 0 : index
    %get3A_1602 = vector.load %arg3[%get3A_1599, %get3A_1600, %get3A_1601] : memref<16x256x128xf32, #tpu.memory_space<vmem>>, vector<16x1x128xf32>
    %get3A_1603 = vector.shape_cast %get3A_1602 : vector<16x1x128xf32> to vector<16x128xf32>
    %add3A_1604 = arith.addf %slice3A_1598, %get3A_1603 : vector<16x128xf32>
    %swap3A_1605 = arith.constant 0 : index
    %swap3A_1606 = arith.constant 20352 : index
    %swap3A_1607 = vector.load %arg5[%swap3A_1605, %swap3A_1606] : memref<16x32768xf32, #tpu.memory_space<vmem>>, vector<16x128xf32>
    tpu.vector_store %arg5[%swap3A_1605, %swap3A_1606], %add3A_1604 {strides = array<i32>} : memref<16x32768xf32, #tpu.memory_space<vmem>>, vector<16x128xf32>,
    %slice3A_1608 = vector.extract_strided_slice %add3A_9 {offsets = [0, 20480], sizes = [16, 128], strides = [1, 1]} : vector<16x32768xf32> to vector<16x128xf32>
    %get3A_1609 = arith.constant 0 : index
    %get3A_1610 = arith.constant 160 : index
    %get3A_1611 = arith.constant 0 : index
    %get3A_1612 = vector.load %arg3[%get3A_1609, %get3A_1610, %get3A_1611] : memref<16x256x128xf32, #tpu.memory_space<vmem>>, vector<16x1x128xf32>
    %get3A_1613 = vector.shape_cast %get3A_1612 : vector<16x1x128xf32> to vector<16x128xf32>
    %add3A_1614 = arith.addf %slice3A_1608, %get3A_1613 : vector<16x128xf32>
    %swap3A_1615 = arith.constant 0 : index
    %swap3A_1616 = arith.constant 20480 : index
    %swap3A_1617 = vector.load %arg5[%swap3A_1615, %swap3A_1616] : memref<16x32768xf32, #tpu.memory_space<vmem>>, vector<16x128xf32>
    tpu.vector_store %arg5[%swap3A_1615, %swap3A_1616], %add3A_1614 {strides = array<i32>} : memref<16x32768xf32, #tpu.memory_space<vmem>>, vector<16x128xf32>,
    %slice3A_1618 = vector.extract_strided_slice %add3A_9 {offsets = [0, 20608], sizes = [16, 128], strides = [1, 1]} : vector<16x32768xf32> to vector<16x128xf32>
    %get3A_1619 = arith.constant 0 : index
    %get3A_1620 = arith.constant 161 : index
    %get3A_1621 = arith.constant 0 : index
    %get3A_1622 = vector.load %arg3[%get3A_1619, %get3A_1620, %get3A_1621] : memref<16x256x128xf32, #tpu.memory_space<vmem>>, vector<16x1x128xf32>
    %get3A_1623 = vector.shape_cast %get3A_1622 : vector<16x1x128xf32> to vector<16x128xf32>
    %add3A_1624 = arith.addf %slice3A_1618, %get3A_1623 : vector<16x128xf32>
    %swap3A_1625 = arith.constant 0 : index
    %swap3A_1626 = arith.constant 20608 : index
    %swap3A_1627 = vector.load %arg5[%swap3A_1625, %swap3A_1626] : memref<16x32768xf32, #tpu.memory_space<vmem>>, vector<16x128xf32>
    tpu.vector_store %arg5[%swap3A_1625, %swap3A_1626], %add3A_1624 {strides = array<i32>} : memref<16x32768xf32, #tpu.memory_space<vmem>>, vector<16x128xf32>,
    %slice3A_1628 = vector.extract_strided_slice %add3A_9 {offsets = [0, 20736], sizes = [16, 128], strides = [1, 1]} : vector<16x32768xf32> to vector<16x128xf32>
    %get3A_1629 = arith.constant 0 : index
    %get3A_1630 = arith.constant 162 : index
    %get3A_1631 = arith.constant 0 : index
    %get3A_1632 = vector.load %arg3[%get3A_1629, %get3A_1630, %get3A_1631] : memref<16x256x128xf32, #tpu.memory_space<vmem>>, vector<16x1x128xf32>
    %get3A_1633 = vector.shape_cast %get3A_1632 : vector<16x1x128xf32> to vector<16x128xf32>
    %add3A_1634 = arith.addf %slice3A_1628, %get3A_1633 : vector<16x128xf32>
    %swap3A_1635 = arith.constant 0 : index
    %swap3A_1636 = arith.constant 20736 : index
    %swap3A_1637 = vector.load %arg5[%swap3A_1635, %swap3A_1636] : memref<16x32768xf32, #tpu.memory_space<vmem>>, vector<16x128xf32>
    tpu.vector_store %arg5[%swap3A_1635, %swap3A_1636], %add3A_1634 {strides = array<i32>} : memref<16x32768xf32, #tpu.memory_space<vmem>>, vector<16x128xf32>,
    %slice3A_1638 = vector.extract_strided_slice %add3A_9 {offsets = [0, 20864], sizes = [16, 128], strides = [1, 1]} : vector<16x32768xf32> to vector<16x128xf32>
    %get3A_1639 = arith.constant 0 : index
    %get3A_1640 = arith.constant 163 : index
    %get3A_1641 = arith.constant 0 : index
    %get3A_1642 = vector.load %arg3[%get3A_1639, %get3A_1640, %get3A_1641] : memref<16x256x128xf32, #tpu.memory_space<vmem>>, vector<16x1x128xf32>
    %get3A_1643 = vector.shape_cast %get3A_1642 : vector<16x1x128xf32> to vector<16x128xf32>
    %add3A_1644 = arith.addf %slice3A_1638, %get3A_1643 : vector<16x128xf32>
    %swap3A_1645 = arith.constant 0 : index
    %swap3A_1646 = arith.constant 20864 : index
    %swap3A_1647 = vector.load %arg5[%swap3A_1645, %swap3A_1646] : memref<16x32768xf32, #tpu.memory_space<vmem>>, vector<16x128xf32>
    tpu.vector_store %arg5[%swap3A_1645, %swap3A_1646], %add3A_1644 {strides = array<i32>} : memref<16x32768xf32, #tpu.memory_space<vmem>>, vector<16x128xf32>,
    %slice3A_1648 = vector.extract_strided_slice %add3A_9 {offsets = [0, 20992], sizes = [16, 128], strides = [1, 1]} : vector<16x32768xf32> to vector<16x128xf32>
    %get3A_1649 = arith.constant 0 : index
    %get3A_1650 = arith.constant 164 : index
    %get3A_1651 = arith.constant 0 : index
    %get3A_1652 = vector.load %arg3[%get3A_1649, %get3A_1650, %get3A_1651] : memref<16x256x128xf32, #tpu.memory_space<vmem>>, vector<16x1x128xf32>
    %get3A_1653 = vector.shape_cast %get3A_1652 : vector<16x1x128xf32> to vector<16x128xf32>
    %add3A_1654 = arith.addf %slice3A_1648, %get3A_1653 : vector<16x128xf32>
    %swap3A_1655 = arith.constant 0 : index
    %swap3A_1656 = arith.constant 20992 : index
    %swap3A_1657 = vector.load %arg5[%swap3A_1655, %swap3A_1656] : memref<16x32768xf32, #tpu.memory_space<vmem>>, vector<16x128xf32>
    tpu.vector_store %arg5[%swap3A_1655, %swap3A_1656], %add3A_1654 {strides = array<i32>} : memref<16x32768xf32, #tpu.memory_space<vmem>>, vector<16x128xf32>,
    %slice3A_1658 = vector.extract_strided_slice %add3A_9 {offsets = [0, 21120], sizes = [16, 128], strides = [1, 1]} : vector<16x32768xf32> to vector<16x128xf32>
    %get3A_1659 = arith.constant 0 : index
    %get3A_1660 = arith.constant 165 : index
    %get3A_1661 = arith.constant 0 : index
    %get3A_1662 = vector.load %arg3[%get3A_1659, %get3A_1660, %get3A_1661] : memref<16x256x128xf32, #tpu.memory_space<vmem>>, vector<16x1x128xf32>
    %get3A_1663 = vector.shape_cast %get3A_1662 : vector<16x1x128xf32> to vector<16x128xf32>
    %add3A_1664 = arith.addf %slice3A_1658, %get3A_1663 : vector<16x128xf32>
    %swap3A_1665 = arith.constant 0 : index
    %swap3A_1666 = arith.constant 21120 : index
    %swap3A_1667 = vector.load %arg5[%swap3A_1665, %swap3A_1666] : memref<16x32768xf32, #tpu.memory_space<vmem>>, vector<16x128xf32>
    tpu.vector_store %arg5[%swap3A_1665, %swap3A_1666], %add3A_1664 {strides = array<i32>} : memref<16x32768xf32, #tpu.memory_space<vmem>>, vector<16x128xf32>,
    %slice3A_1668 = vector.extract_strided_slice %add3A_9 {offsets = [0, 21248], sizes = [16, 128], strides = [1, 1]} : vector<16x32768xf32> to vector<16x128xf32>
    %get3A_1669 = arith.constant 0 : index
    %get3A_1670 = arith.constant 166 : index
    %get3A_1671 = arith.constant 0 : index
    %get3A_1672 = vector.load %arg3[%get3A_1669, %get3A_1670, %get3A_1671] : memref<16x256x128xf32, #tpu.memory_space<vmem>>, vector<16x1x128xf32>
    %get3A_1673 = vector.shape_cast %get3A_1672 : vector<16x1x128xf32> to vector<16x128xf32>
    %add3A_1674 = arith.addf %slice3A_1668, %get3A_1673 : vector<16x128xf32>
    %swap3A_1675 = arith.constant 0 : index
    %swap3A_1676 = arith.constant 21248 : index
    %swap3A_1677 = vector.load %arg5[%swap3A_1675, %swap3A_1676] : memref<16x32768xf32, #tpu.memory_space<vmem>>, vector<16x128xf32>
    tpu.vector_store %arg5[%swap3A_1675, %swap3A_1676], %add3A_1674 {strides = array<i32>} : memref<16x32768xf32, #tpu.memory_space<vmem>>, vector<16x128xf32>,
    %slice3A_1678 = vector.extract_strided_slice %add3A_9 {offsets = [0, 21376], sizes = [16, 128], strides = [1, 1]} : vector<16x32768xf32> to vector<16x128xf32>
    %get3A_1679 = arith.constant 0 : index
    %get3A_1680 = arith.constant 167 : index
    %get3A_1681 = arith.constant 0 : index
    %get3A_1682 = vector.load %arg3[%get3A_1679, %get3A_1680, %get3A_1681] : memref<16x256x128xf32, #tpu.memory_space<vmem>>, vector<16x1x128xf32>
    %get3A_1683 = vector.shape_cast %get3A_1682 : vector<16x1x128xf32> to vector<16x128xf32>
    %add3A_1684 = arith.addf %slice3A_1678, %get3A_1683 : vector<16x128xf32>
    %swap3A_1685 = arith.constant 0 : index
    %swap3A_1686 = arith.constant 21376 : index
    %swap3A_1687 = vector.load %arg5[%swap3A_1685, %swap3A_1686] : memref<16x32768xf32, #tpu.memory_space<vmem>>, vector<16x128xf32>
    tpu.vector_store %arg5[%swap3A_1685, %swap3A_1686], %add3A_1684 {strides = array<i32>} : memref<16x32768xf32, #tpu.memory_space<vmem>>, vector<16x128xf32>,
    %slice3A_1688 = vector.extract_strided_slice %add3A_9 {offsets = [0, 21504], sizes = [16, 128], strides = [1, 1]} : vector<16x32768xf32> to vector<16x128xf32>
    %get3A_1689 = arith.constant 0 : index
    %get3A_1690 = arith.constant 168 : index
    %get3A_1691 = arith.constant 0 : index
    %get3A_1692 = vector.load %arg3[%get3A_1689, %get3A_1690, %get3A_1691] : memref<16x256x128xf32, #tpu.memory_space<vmem>>, vector<16x1x128xf32>
    %get3A_1693 = vector.shape_cast %get3A_1692 : vector<16x1x128xf32> to vector<16x128xf32>
    %add3A_1694 = arith.addf %slice3A_1688, %get3A_1693 : vector<16x128xf32>
    %swap3A_1695 = arith.constant 0 : index
    %swap3A_1696 = arith.constant 21504 : index
    %swap3A_1697 = vector.load %arg5[%swap3A_1695, %swap3A_1696] : memref<16x32768xf32, #tpu.memory_space<vmem>>, vector<16x128xf32>
    tpu.vector_store %arg5[%swap3A_1695, %swap3A_1696], %add3A_1694 {strides = array<i32>} : memref<16x32768xf32, #tpu.memory_space<vmem>>, vector<16x128xf32>,
    %slice3A_1698 = vector.extract_strided_slice %add3A_9 {offsets = [0, 21632], sizes = [16, 128], strides = [1, 1]} : vector<16x32768xf32> to vector<16x128xf32>
    %get3A_1699 = arith.constant 0 : index
    %get3A_1700 = arith.constant 169 : index
    %get3A_1701 = arith.constant 0 : index
    %get3A_1702 = vector.load %arg3[%get3A_1699, %get3A_1700, %get3A_1701] : memref<16x256x128xf32, #tpu.memory_space<vmem>>, vector<16x1x128xf32>
    %get3A_1703 = vector.shape_cast %get3A_1702 : vector<16x1x128xf32> to vector<16x128xf32>
    %add3A_1704 = arith.addf %slice3A_1698, %get3A_1703 : vector<16x128xf32>
    %swap3A_1705 = arith.constant 0 : index
    %swap3A_1706 = arith.constant 21632 : index
    %swap3A_1707 = vector.load %arg5[%swap3A_1705, %swap3A_1706] : memref<16x32768xf32, #tpu.memory_space<vmem>>, vector<16x128xf32>
    tpu.vector_store %arg5[%swap3A_1705, %swap3A_1706], %add3A_1704 {strides = array<i32>} : memref<16x32768xf32, #tpu.memory_space<vmem>>, vector<16x128xf32>,
    %slice3A_1708 = vector.extract_strided_slice %add3A_9 {offsets = [0, 21760], sizes = [16, 128], strides = [1, 1]} : vector<16x32768xf32> to vector<16x128xf32>
    %get3A_1709 = arith.constant 0 : index
    %get3A_1710 = arith.constant 170 : index
    %get3A_1711 = arith.constant 0 : index
    %get3A_1712 = vector.load %arg3[%get3A_1709, %get3A_1710, %get3A_1711] : memref<16x256x128xf32, #tpu.memory_space<vmem>>, vector<16x1x128xf32>
    %get3A_1713 = vector.shape_cast %get3A_1712 : vector<16x1x128xf32> to vector<16x128xf32>
    %add3A_1714 = arith.addf %slice3A_1708, %get3A_1713 : vector<16x128xf32>
    %swap3A_1715 = arith.constant 0 : index
    %swap3A_1716 = arith.constant 21760 : index
    %swap3A_1717 = vector.load %arg5[%swap3A_1715, %swap3A_1716] : memref<16x32768xf32, #tpu.memory_space<vmem>>, vector<16x128xf32>
    tpu.vector_store %arg5[%swap3A_1715, %swap3A_1716], %add3A_1714 {strides = array<i32>} : memref<16x32768xf32, #tpu.memory_space<vmem>>, vector<16x128xf32>,
    %slice3A_1718 = vector.extract_strided_slice %add3A_9 {offsets = [0, 21888], sizes = [16, 128], strides = [1, 1]} : vector<16x32768xf32> to vector<16x128xf32>
    %get3A_1719 = arith.constant 0 : index
    %get3A_1720 = arith.constant 171 : index
    %get3A_1721 = arith.constant 0 : index
    %get3A_1722 = vector.load %arg3[%get3A_1719, %get3A_1720, %get3A_1721] : memref<16x256x128xf32, #tpu.memory_space<vmem>>, vector<16x1x128xf32>
    %get3A_1723 = vector.shape_cast %get3A_1722 : vector<16x1x128xf32> to vector<16x128xf32>
    %add3A_1724 = arith.addf %slice3A_1718, %get3A_1723 : vector<16x128xf32>
    %swap3A_1725 = arith.constant 0 : index
    %swap3A_1726 = arith.constant 21888 : index
    %swap3A_1727 = vector.load %arg5[%swap3A_1725, %swap3A_1726] : memref<16x32768xf32, #tpu.memory_space<vmem>>, vector<16x128xf32>
    tpu.vector_store %arg5[%swap3A_1725, %swap3A_1726], %add3A_1724 {strides = array<i32>} : memref<16x32768xf32, #tpu.memory_space<vmem>>, vector<16x128xf32>,
    %slice3A_1728 = vector.extract_strided_slice %add3A_9 {offsets = [0, 22016], sizes = [16, 128], strides = [1, 1]} : vector<16x32768xf32> to vector<16x128xf32>
    %get3A_1729 = arith.constant 0 : index
    %get3A_1730 = arith.constant 172 : index
    %get3A_1731 = arith.constant 0 : index
    %get3A_1732 = vector.load %arg3[%get3A_1729, %get3A_1730, %get3A_1731] : memref<16x256x128xf32, #tpu.memory_space<vmem>>, vector<16x1x128xf32>
    %get3A_1733 = vector.shape_cast %get3A_1732 : vector<16x1x128xf32> to vector<16x128xf32>
    %add3A_1734 = arith.addf %slice3A_1728, %get3A_1733 : vector<16x128xf32>
    %swap3A_1735 = arith.constant 0 : index
    %swap3A_1736 = arith.constant 22016 : index
    %swap3A_1737 = vector.load %arg5[%swap3A_1735, %swap3A_1736] : memref<16x32768xf32, #tpu.memory_space<vmem>>, vector<16x128xf32>
    tpu.vector_store %arg5[%swap3A_1735, %swap3A_1736], %add3A_1734 {strides = array<i32>} : memref<16x32768xf32, #tpu.memory_space<vmem>>, vector<16x128xf32>,
    %slice3A_1738 = vector.extract_strided_slice %add3A_9 {offsets = [0, 22144], sizes = [16, 128], strides = [1, 1]} : vector<16x32768xf32> to vector<16x128xf32>
    %get3A_1739 = arith.constant 0 : index
    %get3A_1740 = arith.constant 173 : index
    %get3A_1741 = arith.constant 0 : index
    %get3A_1742 = vector.load %arg3[%get3A_1739, %get3A_1740, %get3A_1741] : memref<16x256x128xf32, #tpu.memory_space<vmem>>, vector<16x1x128xf32>
    %get3A_1743 = vector.shape_cast %get3A_1742 : vector<16x1x128xf32> to vector<16x128xf32>
    %add3A_1744 = arith.addf %slice3A_1738, %get3A_1743 : vector<16x128xf32>
    %swap3A_1745 = arith.constant 0 : index
    %swap3A_1746 = arith.constant 22144 : index
    %swap3A_1747 = vector.load %arg5[%swap3A_1745, %swap3A_1746] : memref<16x32768xf32, #tpu.memory_space<vmem>>, vector<16x128xf32>
    tpu.vector_store %arg5[%swap3A_1745, %swap3A_1746], %add3A_1744 {strides = array<i32>} : memref<16x32768xf32, #tpu.memory_space<vmem>>, vector<16x128xf32>,
    %slice3A_1748 = vector.extract_strided_slice %add3A_9 {offsets = [0, 22272], sizes = [16, 128], strides = [1, 1]} : vector<16x32768xf32> to vector<16x128xf32>
    %get3A_1749 = arith.constant 0 : index
    %get3A_1750 = arith.constant 174 : index
    %get3A_1751 = arith.constant 0 : index
    %get3A_1752 = vector.load %arg3[%get3A_1749, %get3A_1750, %get3A_1751] : memref<16x256x128xf32, #tpu.memory_space<vmem>>, vector<16x1x128xf32>
    %get3A_1753 = vector.shape_cast %get3A_1752 : vector<16x1x128xf32> to vector<16x128xf32>
    %add3A_1754 = arith.addf %slice3A_1748, %get3A_1753 : vector<16x128xf32>
    %swap3A_1755 = arith.constant 0 : index
    %swap3A_1756 = arith.constant 22272 : index
    %swap3A_1757 = vector.load %arg5[%swap3A_1755, %swap3A_1756] : memref<16x32768xf32, #tpu.memory_space<vmem>>, vector<16x128xf32>
    tpu.vector_store %arg5[%swap3A_1755, %swap3A_1756], %add3A_1754 {strides = array<i32>} : memref<16x32768xf32, #tpu.memory_space<vmem>>, vector<16x128xf32>,
    %slice3A_1758 = vector.extract_strided_slice %add3A_9 {offsets = [0, 22400], sizes = [16, 128], strides = [1, 1]} : vector<16x32768xf32> to vector<16x128xf32>
    %get3A_1759 = arith.constant 0 : index
    %get3A_1760 = arith.constant 175 : index
    %get3A_1761 = arith.constant 0 : index
    %get3A_1762 = vector.load %arg3[%get3A_1759, %get3A_1760, %get3A_1761] : memref<16x256x128xf32, #tpu.memory_space<vmem>>, vector<16x1x128xf32>
    %get3A_1763 = vector.shape_cast %get3A_1762 : vector<16x1x128xf32> to vector<16x128xf32>
    %add3A_1764 = arith.addf %slice3A_1758, %get3A_1763 : vector<16x128xf32>
    %swap3A_1765 = arith.constant 0 : index
    %swap3A_1766 = arith.constant 22400 : index
    %swap3A_1767 = vector.load %arg5[%swap3A_1765, %swap3A_1766] : memref<16x32768xf32, #tpu.memory_space<vmem>>, vector<16x128xf32>
    tpu.vector_store %arg5[%swap3A_1765, %swap3A_1766], %add3A_1764 {strides = array<i32>} : memref<16x32768xf32, #tpu.memory_space<vmem>>, vector<16x128xf32>,
    %slice3A_1768 = vector.extract_strided_slice %add3A_9 {offsets = [0, 22528], sizes = [16, 128], strides = [1, 1]} : vector<16x32768xf32> to vector<16x128xf32>
    %get3A_1769 = arith.constant 0 : index
    %get3A_1770 = arith.constant 176 : index
    %get3A_1771 = arith.constant 0 : index
    %get3A_1772 = vector.load %arg3[%get3A_1769, %get3A_1770, %get3A_1771] : memref<16x256x128xf32, #tpu.memory_space<vmem>>, vector<16x1x128xf32>
    %get3A_1773 = vector.shape_cast %get3A_1772 : vector<16x1x128xf32> to vector<16x128xf32>
    %add3A_1774 = arith.addf %slice3A_1768, %get3A_1773 : vector<16x128xf32>
    %swap3A_1775 = arith.constant 0 : index
    %swap3A_1776 = arith.constant 22528 : index
    %swap3A_1777 = vector.load %arg5[%swap3A_1775, %swap3A_1776] : memref<16x32768xf32, #tpu.memory_space<vmem>>, vector<16x128xf32>
    tpu.vector_store %arg5[%swap3A_1775, %swap3A_1776], %add3A_1774 {strides = array<i32>} : memref<16x32768xf32, #tpu.memory_space<vmem>>, vector<16x128xf32>,
    %slice3A_1778 = vector.extract_strided_slice %add3A_9 {offsets = [0, 22656], sizes = [16, 128], strides = [1, 1]} : vector<16x32768xf32> to vector<16x128xf32>
    %get3A_1779 = arith.constant 0 : index
    %get3A_1780 = arith.constant 177 : index
    %get3A_1781 = arith.constant 0 : index
    %get3A_1782 = vector.load %arg3[%get3A_1779, %get3A_1780, %get3A_1781] : memref<16x256x128xf32, #tpu.memory_space<vmem>>, vector<16x1x128xf32>
    %get3A_1783 = vector.shape_cast %get3A_1782 : vector<16x1x128xf32> to vector<16x128xf32>
    %add3A_1784 = arith.addf %slice3A_1778, %get3A_1783 : vector<16x128xf32>
    %swap3A_1785 = arith.constant 0 : index
    %swap3A_1786 = arith.constant 22656 : index
    %swap3A_1787 = vector.load %arg5[%swap3A_1785, %swap3A_1786] : memref<16x32768xf32, #tpu.memory_space<vmem>>, vector<16x128xf32>
    tpu.vector_store %arg5[%swap3A_1785, %swap3A_1786], %add3A_1784 {strides = array<i32>} : memref<16x32768xf32, #tpu.memory_space<vmem>>, vector<16x128xf32>,
    %slice3A_1788 = vector.extract_strided_slice %add3A_9 {offsets = [0, 22784], sizes = [16, 128], strides = [1, 1]} : vector<16x32768xf32> to vector<16x128xf32>
    %get3A_1789 = arith.constant 0 : index
    %get3A_1790 = arith.constant 178 : index
    %get3A_1791 = arith.constant 0 : index
    %get3A_1792 = vector.load %arg3[%get3A_1789, %get3A_1790, %get3A_1791] : memref<16x256x128xf32, #tpu.memory_space<vmem>>, vector<16x1x128xf32>
    %get3A_1793 = vector.shape_cast %get3A_1792 : vector<16x1x128xf32> to vector<16x128xf32>
    %add3A_1794 = arith.addf %slice3A_1788, %get3A_1793 : vector<16x128xf32>
    %swap3A_1795 = arith.constant 0 : index
    %swap3A_1796 = arith.constant 22784 : index
    %swap3A_1797 = vector.load %arg5[%swap3A_1795, %swap3A_1796] : memref<16x32768xf32, #tpu.memory_space<vmem>>, vector<16x128xf32>
    tpu.vector_store %arg5[%swap3A_1795, %swap3A_1796], %add3A_1794 {strides = array<i32>} : memref<16x32768xf32, #tpu.memory_space<vmem>>, vector<16x128xf32>,
    %slice3A_1798 = vector.extract_strided_slice %add3A_9 {offsets = [0, 22912], sizes = [16, 128], strides = [1, 1]} : vector<16x32768xf32> to vector<16x128xf32>
    %get3A_1799 = arith.constant 0 : index
    %get3A_1800 = arith.constant 179 : index
    %get3A_1801 = arith.constant 0 : index
    %get3A_1802 = vector.load %arg3[%get3A_1799, %get3A_1800, %get3A_1801] : memref<16x256x128xf32, #tpu.memory_space<vmem>>, vector<16x1x128xf32>
    %get3A_1803 = vector.shape_cast %get3A_1802 : vector<16x1x128xf32> to vector<16x128xf32>
    %add3A_1804 = arith.addf %slice3A_1798, %get3A_1803 : vector<16x128xf32>
    %swap3A_1805 = arith.constant 0 : index
    %swap3A_1806 = arith.constant 22912 : index
    %swap3A_1807 = vector.load %arg5[%swap3A_1805, %swap3A_1806] : memref<16x32768xf32, #tpu.memory_space<vmem>>, vector<16x128xf32>
    tpu.vector_store %arg5[%swap3A_1805, %swap3A_1806], %add3A_1804 {strides = array<i32>} : memref<16x32768xf32, #tpu.memory_space<vmem>>, vector<16x128xf32>,
    %slice3A_1808 = vector.extract_strided_slice %add3A_9 {offsets = [0, 23040], sizes = [16, 128], strides = [1, 1]} : vector<16x32768xf32> to vector<16x128xf32>
    %get3A_1809 = arith.constant 0 : index
    %get3A_1810 = arith.constant 180 : index
    %get3A_1811 = arith.constant 0 : index
    %get3A_1812 = vector.load %arg3[%get3A_1809, %get3A_1810, %get3A_1811] : memref<16x256x128xf32, #tpu.memory_space<vmem>>, vector<16x1x128xf32>
    %get3A_1813 = vector.shape_cast %get3A_1812 : vector<16x1x128xf32> to vector<16x128xf32>
    %add3A_1814 = arith.addf %slice3A_1808, %get3A_1813 : vector<16x128xf32>
    %swap3A_1815 = arith.constant 0 : index
    %swap3A_1816 = arith.constant 23040 : index
    %swap3A_1817 = vector.load %arg5[%swap3A_1815, %swap3A_1816] : memref<16x32768xf32, #tpu.memory_space<vmem>>, vector<16x128xf32>
    tpu.vector_store %arg5[%swap3A_1815, %swap3A_1816], %add3A_1814 {strides = array<i32>} : memref<16x32768xf32, #tpu.memory_space<vmem>>, vector<16x128xf32>,
    %slice3A_1818 = vector.extract_strided_slice %add3A_9 {offsets = [0, 23168], sizes = [16, 128], strides = [1, 1]} : vector<16x32768xf32> to vector<16x128xf32>
    %get3A_1819 = arith.constant 0 : index
    %get3A_1820 = arith.constant 181 : index
    %get3A_1821 = arith.constant 0 : index
    %get3A_1822 = vector.load %arg3[%get3A_1819, %get3A_1820, %get3A_1821] : memref<16x256x128xf32, #tpu.memory_space<vmem>>, vector<16x1x128xf32>
    %get3A_1823 = vector.shape_cast %get3A_1822 : vector<16x1x128xf32> to vector<16x128xf32>
    %add3A_1824 = arith.addf %slice3A_1818, %get3A_1823 : vector<16x128xf32>
    %swap3A_1825 = arith.constant 0 : index
    %swap3A_1826 = arith.constant 23168 : index
    %swap3A_1827 = vector.load %arg5[%swap3A_1825, %swap3A_1826] : memref<16x32768xf32, #tpu.memory_space<vmem>>, vector<16x128xf32>
    tpu.vector_store %arg5[%swap3A_1825, %swap3A_1826], %add3A_1824 {strides = array<i32>} : memref<16x32768xf32, #tpu.memory_space<vmem>>, vector<16x128xf32>,
    %slice3A_1828 = vector.extract_strided_slice %add3A_9 {offsets = [0, 23296], sizes = [16, 128], strides = [1, 1]} : vector<16x32768xf32> to vector<16x128xf32>
    %get3A_1829 = arith.constant 0 : index
    %get3A_1830 = arith.constant 182 : index
    %get3A_1831 = arith.constant 0 : index
    %get3A_1832 = vector.load %arg3[%get3A_1829, %get3A_1830, %get3A_1831] : memref<16x256x128xf32, #tpu.memory_space<vmem>>, vector<16x1x128xf32>
    %get3A_1833 = vector.shape_cast %get3A_1832 : vector<16x1x128xf32> to vector<16x128xf32>
    %add3A_1834 = arith.addf %slice3A_1828, %get3A_1833 : vector<16x128xf32>
    %swap3A_1835 = arith.constant 0 : index
    %swap3A_1836 = arith.constant 23296 : index
    %swap3A_1837 = vector.load %arg5[%swap3A_1835, %swap3A_1836] : memref<16x32768xf32, #tpu.memory_space<vmem>>, vector<16x128xf32>
    tpu.vector_store %arg5[%swap3A_1835, %swap3A_1836], %add3A_1834 {strides = array<i32>} : memref<16x32768xf32, #tpu.memory_space<vmem>>, vector<16x128xf32>,
    %slice3A_1838 = vector.extract_strided_slice %add3A_9 {offsets = [0, 23424], sizes = [16, 128], strides = [1, 1]} : vector<16x32768xf32> to vector<16x128xf32>
    %get3A_1839 = arith.constant 0 : index
    %get3A_1840 = arith.constant 183 : index
    %get3A_1841 = arith.constant 0 : index
    %get3A_1842 = vector.load %arg3[%get3A_1839, %get3A_1840, %get3A_1841] : memref<16x256x128xf32, #tpu.memory_space<vmem>>, vector<16x1x128xf32>
    %get3A_1843 = vector.shape_cast %get3A_1842 : vector<16x1x128xf32> to vector<16x128xf32>
    %add3A_1844 = arith.addf %slice3A_1838, %get3A_1843 : vector<16x128xf32>
    %swap3A_1845 = arith.constant 0 : index
    %swap3A_1846 = arith.constant 23424 : index
    %swap3A_1847 = vector.load %arg5[%swap3A_1845, %swap3A_1846] : memref<16x32768xf32, #tpu.memory_space<vmem>>, vector<16x128xf32>
    tpu.vector_store %arg5[%swap3A_1845, %swap3A_1846], %add3A_1844 {strides = array<i32>} : memref<16x32768xf32, #tpu.memory_space<vmem>>, vector<16x128xf32>,
    %slice3A_1848 = vector.extract_strided_slice %add3A_9 {offsets = [0, 23552], sizes = [16, 128], strides = [1, 1]} : vector<16x32768xf32> to vector<16x128xf32>
    %get3A_1849 = arith.constant 0 : index
    %get3A_1850 = arith.constant 184 : index
    %get3A_1851 = arith.constant 0 : index
    %get3A_1852 = vector.load %arg3[%get3A_1849, %get3A_1850, %get3A_1851] : memref<16x256x128xf32, #tpu.memory_space<vmem>>, vector<16x1x128xf32>
    %get3A_1853 = vector.shape_cast %get3A_1852 : vector<16x1x128xf32> to vector<16x128xf32>
    %add3A_1854 = arith.addf %slice3A_1848, %get3A_1853 : vector<16x128xf32>
    %swap3A_1855 = arith.constant 0 : index
    %swap3A_1856 = arith.constant 23552 : index
    %swap3A_1857 = vector.load %arg5[%swap3A_1855, %swap3A_1856] : memref<16x32768xf32, #tpu.memory_space<vmem>>, vector<16x128xf32>
    tpu.vector_store %arg5[%swap3A_1855, %swap3A_1856], %add3A_1854 {strides = array<i32>} : memref<16x32768xf32, #tpu.memory_space<vmem>>, vector<16x128xf32>,
    %slice3A_1858 = vector.extract_strided_slice %add3A_9 {offsets = [0, 23680], sizes = [16, 128], strides = [1, 1]} : vector<16x32768xf32> to vector<16x128xf32>
    %get3A_1859 = arith.constant 0 : index
    %get3A_1860 = arith.constant 185 : index
    %get3A_1861 = arith.constant 0 : index
    %get3A_1862 = vector.load %arg3[%get3A_1859, %get3A_1860, %get3A_1861] : memref<16x256x128xf32, #tpu.memory_space<vmem>>, vector<16x1x128xf32>
    %get3A_1863 = vector.shape_cast %get3A_1862 : vector<16x1x128xf32> to vector<16x128xf32>
    %add3A_1864 = arith.addf %slice3A_1858, %get3A_1863 : vector<16x128xf32>
    %swap3A_1865 = arith.constant 0 : index
    %swap3A_1866 = arith.constant 23680 : index
    %swap3A_1867 = vector.load %arg5[%swap3A_1865, %swap3A_1866] : memref<16x32768xf32, #tpu.memory_space<vmem>>, vector<16x128xf32>
    tpu.vector_store %arg5[%swap3A_1865, %swap3A_1866], %add3A_1864 {strides = array<i32>} : memref<16x32768xf32, #tpu.memory_space<vmem>>, vector<16x128xf32>,
    %slice3A_1868 = vector.extract_strided_slice %add3A_9 {offsets = [0, 23808], sizes = [16, 128], strides = [1, 1]} : vector<16x32768xf32> to vector<16x128xf32>
    %get3A_1869 = arith.constant 0 : index
    %get3A_1870 = arith.constant 186 : index
    %get3A_1871 = arith.constant 0 : index
    %get3A_1872 = vector.load %arg3[%get3A_1869, %get3A_1870, %get3A_1871] : memref<16x256x128xf32, #tpu.memory_space<vmem>>, vector<16x1x128xf32>
    %get3A_1873 = vector.shape_cast %get3A_1872 : vector<16x1x128xf32> to vector<16x128xf32>
    %add3A_1874 = arith.addf %slice3A_1868, %get3A_1873 : vector<16x128xf32>
    %swap3A_1875 = arith.constant 0 : index
    %swap3A_1876 = arith.constant 23808 : index
    %swap3A_1877 = vector.load %arg5[%swap3A_1875, %swap3A_1876] : memref<16x32768xf32, #tpu.memory_space<vmem>>, vector<16x128xf32>
    tpu.vector_store %arg5[%swap3A_1875, %swap3A_1876], %add3A_1874 {strides = array<i32>} : memref<16x32768xf32, #tpu.memory_space<vmem>>, vector<16x128xf32>,
    %slice3A_1878 = vector.extract_strided_slice %add3A_9 {offsets = [0, 23936], sizes = [16, 128], strides = [1, 1]} : vector<16x32768xf32> to vector<16x128xf32>
    %get3A_1879 = arith.constant 0 : index
    %get3A_1880 = arith.constant 187 : index
    %get3A_1881 = arith.constant 0 : index
    %get3A_1882 = vector.load %arg3[%get3A_1879, %get3A_1880, %get3A_1881] : memref<16x256x128xf32, #tpu.memory_space<vmem>>, vector<16x1x128xf32>
    %get3A_1883 = vector.shape_cast %get3A_1882 : vector<16x1x128xf32> to vector<16x128xf32>
    %add3A_1884 = arith.addf %slice3A_1878, %get3A_1883 : vector<16x128xf32>
    %swap3A_1885 = arith.constant 0 : index
    %swap3A_1886 = arith.constant 23936 : index
    %swap3A_1887 = vector.load %arg5[%swap3A_1885, %swap3A_1886] : memref<16x32768xf32, #tpu.memory_space<vmem>>, vector<16x128xf32>
    tpu.vector_store %arg5[%swap3A_1885, %swap3A_1886], %add3A_1884 {strides = array<i32>} : memref<16x32768xf32, #tpu.memory_space<vmem>>, vector<16x128xf32>,
    %slice3A_1888 = vector.extract_strided_slice %add3A_9 {offsets = [0, 24064], sizes = [16, 128], strides = [1, 1]} : vector<16x32768xf32> to vector<16x128xf32>
    %get3A_1889 = arith.constant 0 : index
    %get3A_1890 = arith.constant 188 : index
    %get3A_1891 = arith.constant 0 : index
    %get3A_1892 = vector.load %arg3[%get3A_1889, %get3A_1890, %get3A_1891] : memref<16x256x128xf32, #tpu.memory_space<vmem>>, vector<16x1x128xf32>
    %get3A_1893 = vector.shape_cast %get3A_1892 : vector<16x1x128xf32> to vector<16x128xf32>
    %add3A_1894 = arith.addf %slice3A_1888, %get3A_1893 : vector<16x128xf32>
    %swap3A_1895 = arith.constant 0 : index
    %swap3A_1896 = arith.constant 24064 : index
    %swap3A_1897 = vector.load %arg5[%swap3A_1895, %swap3A_1896] : memref<16x32768xf32, #tpu.memory_space<vmem>>, vector<16x128xf32>
    tpu.vector_store %arg5[%swap3A_1895, %swap3A_1896], %add3A_1894 {strides = array<i32>} : memref<16x32768xf32, #tpu.memory_space<vmem>>, vector<16x128xf32>,
    %slice3A_1898 = vector.extract_strided_slice %add3A_9 {offsets = [0, 24192], sizes = [16, 128], strides = [1, 1]} : vector<16x32768xf32> to vector<16x128xf32>
    %get3A_1899 = arith.constant 0 : index
    %get3A_1900 = arith.constant 189 : index
    %get3A_1901 = arith.constant 0 : index
    %get3A_1902 = vector.load %arg3[%get3A_1899, %get3A_1900, %get3A_1901] : memref<16x256x128xf32, #tpu.memory_space<vmem>>, vector<16x1x128xf32>
    %get3A_1903 = vector.shape_cast %get3A_1902 : vector<16x1x128xf32> to vector<16x128xf32>
    %add3A_1904 = arith.addf %slice3A_1898, %get3A_1903 : vector<16x128xf32>
    %swap3A_1905 = arith.constant 0 : index
    %swap3A_1906 = arith.constant 24192 : index
    %swap3A_1907 = vector.load %arg5[%swap3A_1905, %swap3A_1906] : memref<16x32768xf32, #tpu.memory_space<vmem>>, vector<16x128xf32>
    tpu.vector_store %arg5[%swap3A_1905, %swap3A_1906], %add3A_1904 {strides = array<i32>} : memref<16x32768xf32, #tpu.memory_space<vmem>>, vector<16x128xf32>,
    %slice3A_1908 = vector.extract_strided_slice %add3A_9 {offsets = [0, 24320], sizes = [16, 128], strides = [1, 1]} : vector<16x32768xf32> to vector<16x128xf32>
    %get3A_1909 = arith.constant 0 : index
    %get3A_1910 = arith.constant 190 : index
    %get3A_1911 = arith.constant 0 : index
    %get3A_1912 = vector.load %arg3[%get3A_1909, %get3A_1910, %get3A_1911] : memref<16x256x128xf32, #tpu.memory_space<vmem>>, vector<16x1x128xf32>
    %get3A_1913 = vector.shape_cast %get3A_1912 : vector<16x1x128xf32> to vector<16x128xf32>
    %add3A_1914 = arith.addf %slice3A_1908, %get3A_1913 : vector<16x128xf32>
    %swap3A_1915 = arith.constant 0 : index
    %swap3A_1916 = arith.constant 24320 : index
    %swap3A_1917 = vector.load %arg5[%swap3A_1915, %swap3A_1916] : memref<16x32768xf32, #tpu.memory_space<vmem>>, vector<16x128xf32>
    tpu.vector_store %arg5[%swap3A_1915, %swap3A_1916], %add3A_1914 {strides = array<i32>} : memref<16x32768xf32, #tpu.memory_space<vmem>>, vector<16x128xf32>,
    %slice3A_1918 = vector.extract_strided_slice %add3A_9 {offsets = [0, 24448], sizes = [16, 128], strides = [1, 1]} : vector<16x32768xf32> to vector<16x128xf32>
    %get3A_1919 = arith.constant 0 : index
    %get3A_1920 = arith.constant 191 : index
    %get3A_1921 = arith.constant 0 : index
    %get3A_1922 = vector.load %arg3[%get3A_1919, %get3A_1920, %get3A_1921] : memref<16x256x128xf32, #tpu.memory_space<vmem>>, vector<16x1x128xf32>
    %get3A_1923 = vector.shape_cast %get3A_1922 : vector<16x1x128xf32> to vector<16x128xf32>
    %add3A_1924 = arith.addf %slice3A_1918, %get3A_1923 : vector<16x128xf32>
    %swap3A_1925 = arith.constant 0 : index
    %swap3A_1926 = arith.constant 24448 : index
    %swap3A_1927 = vector.load %arg5[%swap3A_1925, %swap3A_1926] : memref<16x32768xf32, #tpu.memory_space<vmem>>, vector<16x128xf32>
    tpu.vector_store %arg5[%swap3A_1925, %swap3A_1926], %add3A_1924 {strides = array<i32>} : memref<16x32768xf32, #tpu.memory_space<vmem>>, vector<16x128xf32>,
    %slice3A_1928 = vector.extract_strided_slice %add3A_9 {offsets = [0, 24576], sizes = [16, 128], strides = [1, 1]} : vector<16x32768xf32> to vector<16x128xf32>
    %get3A_1929 = arith.constant 0 : index
    %get3A_1930 = arith.constant 192 : index
    %get3A_1931 = arith.constant 0 : index
    %get3A_1932 = vector.load %arg3[%get3A_1929, %get3A_1930, %get3A_1931] : memref<16x256x128xf32, #tpu.memory_space<vmem>>, vector<16x1x128xf32>
    %get3A_1933 = vector.shape_cast %get3A_1932 : vector<16x1x128xf32> to vector<16x128xf32>
    %add3A_1934 = arith.addf %slice3A_1928, %get3A_1933 : vector<16x128xf32>
    %swap3A_1935 = arith.constant 0 : index
    %swap3A_1936 = arith.constant 24576 : index
    %swap3A_1937 = vector.load %arg5[%swap3A_1935, %swap3A_1936] : memref<16x32768xf32, #tpu.memory_space<vmem>>, vector<16x128xf32>
    tpu.vector_store %arg5[%swap3A_1935, %swap3A_1936], %add3A_1934 {strides = array<i32>} : memref<16x32768xf32, #tpu.memory_space<vmem>>, vector<16x128xf32>,
    %slice3A_1938 = vector.extract_strided_slice %add3A_9 {offsets = [0, 24704], sizes = [16, 128], strides = [1, 1]} : vector<16x32768xf32> to vector<16x128xf32>
    %get3A_1939 = arith.constant 0 : index
    %get3A_1940 = arith.constant 193 : index
    %get3A_1941 = arith.constant 0 : index
    %get3A_1942 = vector.load %arg3[%get3A_1939, %get3A_1940, %get3A_1941] : memref<16x256x128xf32, #tpu.memory_space<vmem>>, vector<16x1x128xf32>
    %get3A_1943 = vector.shape_cast %get3A_1942 : vector<16x1x128xf32> to vector<16x128xf32>
    %add3A_1944 = arith.addf %slice3A_1938, %get3A_1943 : vector<16x128xf32>
    %swap3A_1945 = arith.constant 0 : index
    %swap3A_1946 = arith.constant 24704 : index
    %swap3A_1947 = vector.load %arg5[%swap3A_1945, %swap3A_1946] : memref<16x32768xf32, #tpu.memory_space<vmem>>, vector<16x128xf32>
    tpu.vector_store %arg5[%swap3A_1945, %swap3A_1946], %add3A_1944 {strides = array<i32>} : memref<16x32768xf32, #tpu.memory_space<vmem>>, vector<16x128xf32>,
    %slice3A_1948 = vector.extract_strided_slice %add3A_9 {offsets = [0, 24832], sizes = [16, 128], strides = [1, 1]} : vector<16x32768xf32> to vector<16x128xf32>
    %get3A_1949 = arith.constant 0 : index
    %get3A_1950 = arith.constant 194 : index
    %get3A_1951 = arith.constant 0 : index
    %get3A_1952 = vector.load %arg3[%get3A_1949, %get3A_1950, %get3A_1951] : memref<16x256x128xf32, #tpu.memory_space<vmem>>, vector<16x1x128xf32>
    %get3A_1953 = vector.shape_cast %get3A_1952 : vector<16x1x128xf32> to vector<16x128xf32>
    %add3A_1954 = arith.addf %slice3A_1948, %get3A_1953 : vector<16x128xf32>
    %swap3A_1955 = arith.constant 0 : index
    %swap3A_1956 = arith.constant 24832 : index
    %swap3A_1957 = vector.load %arg5[%swap3A_1955, %swap3A_1956] : memref<16x32768xf32, #tpu.memory_space<vmem>>, vector<16x128xf32>
    tpu.vector_store %arg5[%swap3A_1955, %swap3A_1956], %add3A_1954 {strides = array<i32>} : memref<16x32768xf32, #tpu.memory_space<vmem>>, vector<16x128xf32>,
    %slice3A_1958 = vector.extract_strided_slice %add3A_9 {offsets = [0, 24960], sizes = [16, 128], strides = [1, 1]} : vector<16x32768xf32> to vector<16x128xf32>
    %get3A_1959 = arith.constant 0 : index
    %get3A_1960 = arith.constant 195 : index
    %get3A_1961 = arith.constant 0 : index
    %get3A_1962 = vector.load %arg3[%get3A_1959, %get3A_1960, %get3A_1961] : memref<16x256x128xf32, #tpu.memory_space<vmem>>, vector<16x1x128xf32>
    %get3A_1963 = vector.shape_cast %get3A_1962 : vector<16x1x128xf32> to vector<16x128xf32>
    %add3A_1964 = arith.addf %slice3A_1958, %get3A_1963 : vector<16x128xf32>
    %swap3A_1965 = arith.constant 0 : index
    %swap3A_1966 = arith.constant 24960 : index
    %swap3A_1967 = vector.load %arg5[%swap3A_1965, %swap3A_1966] : memref<16x32768xf32, #tpu.memory_space<vmem>>, vector<16x128xf32>
    tpu.vector_store %arg5[%swap3A_1965, %swap3A_1966], %add3A_1964 {strides = array<i32>} : memref<16x32768xf32, #tpu.memory_space<vmem>>, vector<16x128xf32>,
    %slice3A_1968 = vector.extract_strided_slice %add3A_9 {offsets = [0, 25088], sizes = [16, 128], strides = [1, 1]} : vector<16x32768xf32> to vector<16x128xf32>
    %get3A_1969 = arith.constant 0 : index
    %get3A_1970 = arith.constant 196 : index
    %get3A_1971 = arith.constant 0 : index
    %get3A_1972 = vector.load %arg3[%get3A_1969, %get3A_1970, %get3A_1971] : memref<16x256x128xf32, #tpu.memory_space<vmem>>, vector<16x1x128xf32>
    %get3A_1973 = vector.shape_cast %get3A_1972 : vector<16x1x128xf32> to vector<16x128xf32>
    %add3A_1974 = arith.addf %slice3A_1968, %get3A_1973 : vector<16x128xf32>
    %swap3A_1975 = arith.constant 0 : index
    %swap3A_1976 = arith.constant 25088 : index
    %swap3A_1977 = vector.load %arg5[%swap3A_1975, %swap3A_1976] : memref<16x32768xf32, #tpu.memory_space<vmem>>, vector<16x128xf32>
    tpu.vector_store %arg5[%swap3A_1975, %swap3A_1976], %add3A_1974 {strides = array<i32>} : memref<16x32768xf32, #tpu.memory_space<vmem>>, vector<16x128xf32>,
    %slice3A_1978 = vector.extract_strided_slice %add3A_9 {offsets = [0, 25216], sizes = [16, 128], strides = [1, 1]} : vector<16x32768xf32> to vector<16x128xf32>
    %get3A_1979 = arith.constant 0 : index
    %get3A_1980 = arith.constant 197 : index
    %get3A_1981 = arith.constant 0 : index
    %get3A_1982 = vector.load %arg3[%get3A_1979, %get3A_1980, %get3A_1981] : memref<16x256x128xf32, #tpu.memory_space<vmem>>, vector<16x1x128xf32>
    %get3A_1983 = vector.shape_cast %get3A_1982 : vector<16x1x128xf32> to vector<16x128xf32>
    %add3A_1984 = arith.addf %slice3A_1978, %get3A_1983 : vector<16x128xf32>
    %swap3A_1985 = arith.constant 0 : index
    %swap3A_1986 = arith.constant 25216 : index
    %swap3A_1987 = vector.load %arg5[%swap3A_1985, %swap3A_1986] : memref<16x32768xf32, #tpu.memory_space<vmem>>, vector<16x128xf32>
    tpu.vector_store %arg5[%swap3A_1985, %swap3A_1986], %add3A_1984 {strides = array<i32>} : memref<16x32768xf32, #tpu.memory_space<vmem>>, vector<16x128xf32>,
    %slice3A_1988 = vector.extract_strided_slice %add3A_9 {offsets = [0, 25344], sizes = [16, 128], strides = [1, 1]} : vector<16x32768xf32> to vector<16x128xf32>
    %get3A_1989 = arith.constant 0 : index
    %get3A_1990 = arith.constant 198 : index
    %get3A_1991 = arith.constant 0 : index
    %get3A_1992 = vector.load %arg3[%get3A_1989, %get3A_1990, %get3A_1991] : memref<16x256x128xf32, #tpu.memory_space<vmem>>, vector<16x1x128xf32>
    %get3A_1993 = vector.shape_cast %get3A_1992 : vector<16x1x128xf32> to vector<16x128xf32>
    %add3A_1994 = arith.addf %slice3A_1988, %get3A_1993 : vector<16x128xf32>
    %swap3A_1995 = arith.constant 0 : index
    %swap3A_1996 = arith.constant 25344 : index
    %swap3A_1997 = vector.load %arg5[%swap3A_1995, %swap3A_1996] : memref<16x32768xf32, #tpu.memory_space<vmem>>, vector<16x128xf32>
    tpu.vector_store %arg5[%swap3A_1995, %swap3A_1996], %add3A_1994 {strides = array<i32>} : memref<16x32768xf32, #tpu.memory_space<vmem>>, vector<16x128xf32>,
    %slice3A_1998 = vector.extract_strided_slice %add3A_9 {offsets = [0, 25472], sizes = [16, 128], strides = [1, 1]} : vector<16x32768xf32> to vector<16x128xf32>
    %get3A_1999 = arith.constant 0 : index
    %get3A_2000 = arith.constant 199 : index
    %get3A_2001 = arith.constant 0 : index
    %get3A_2002 = vector.load %arg3[%get3A_1999, %get3A_2000, %get3A_2001] : memref<16x256x128xf32, #tpu.memory_space<vmem>>, vector<16x1x128xf32>
    %get3A_2003 = vector.shape_cast %get3A_2002 : vector<16x1x128xf32> to vector<16x128xf32>
    %add3A_2004 = arith.addf %slice3A_1998, %get3A_2003 : vector<16x128xf32>
    %swap3A_2005 = arith.constant 0 : index
    %swap3A_2006 = arith.constant 25472 : index
    %swap3A_2007 = vector.load %arg5[%swap3A_2005, %swap3A_2006] : memref<16x32768xf32, #tpu.memory_space<vmem>>, vector<16x128xf32>
    tpu.vector_store %arg5[%swap3A_2005, %swap3A_2006], %add3A_2004 {strides = array<i32>} : memref<16x32768xf32, #tpu.memory_space<vmem>>, vector<16x128xf32>,
    %slice3A_2008 = vector.extract_strided_slice %add3A_9 {offsets = [0, 25600], sizes = [16, 128], strides = [1, 1]} : vector<16x32768xf32> to vector<16x128xf32>
    %get3A_2009 = arith.constant 0 : index
    %get3A_2010 = arith.constant 200 : index
    %get3A_2011 = arith.constant 0 : index
    %get3A_2012 = vector.load %arg3[%get3A_2009, %get3A_2010, %get3A_2011] : memref<16x256x128xf32, #tpu.memory_space<vmem>>, vector<16x1x128xf32>
    %get3A_2013 = vector.shape_cast %get3A_2012 : vector<16x1x128xf32> to vector<16x128xf32>
    %add3A_2014 = arith.addf %slice3A_2008, %get3A_2013 : vector<16x128xf32>
    %swap3A_2015 = arith.constant 0 : index
    %swap3A_2016 = arith.constant 25600 : index
    %swap3A_2017 = vector.load %arg5[%swap3A_2015, %swap3A_2016] : memref<16x32768xf32, #tpu.memory_space<vmem>>, vector<16x128xf32>
    tpu.vector_store %arg5[%swap3A_2015, %swap3A_2016], %add3A_2014 {strides = array<i32>} : memref<16x32768xf32, #tpu.memory_space<vmem>>, vector<16x128xf32>,
    %slice3A_2018 = vector.extract_strided_slice %add3A_9 {offsets = [0, 25728], sizes = [16, 128], strides = [1, 1]} : vector<16x32768xf32> to vector<16x128xf32>
    %get3A_2019 = arith.constant 0 : index
    %get3A_2020 = arith.constant 201 : index
    %get3A_2021 = arith.constant 0 : index
    %get3A_2022 = vector.load %arg3[%get3A_2019, %get3A_2020, %get3A_2021] : memref<16x256x128xf32, #tpu.memory_space<vmem>>, vector<16x1x128xf32>
    %get3A_2023 = vector.shape_cast %get3A_2022 : vector<16x1x128xf32> to vector<16x128xf32>
    %add3A_2024 = arith.addf %slice3A_2018, %get3A_2023 : vector<16x128xf32>
    %swap3A_2025 = arith.constant 0 : index
    %swap3A_2026 = arith.constant 25728 : index
    %swap3A_2027 = vector.load %arg5[%swap3A_2025, %swap3A_2026] : memref<16x32768xf32, #tpu.memory_space<vmem>>, vector<16x128xf32>
    tpu.vector_store %arg5[%swap3A_2025, %swap3A_2026], %add3A_2024 {strides = array<i32>} : memref<16x32768xf32, #tpu.memory_space<vmem>>, vector<16x128xf32>,
    %slice3A_2028 = vector.extract_strided_slice %add3A_9 {offsets = [0, 25856], sizes = [16, 128], strides = [1, 1]} : vector<16x32768xf32> to vector<16x128xf32>
    %get3A_2029 = arith.constant 0 : index
    %get3A_2030 = arith.constant 202 : index
    %get3A_2031 = arith.constant 0 : index
    %get3A_2032 = vector.load %arg3[%get3A_2029, %get3A_2030, %get3A_2031] : memref<16x256x128xf32, #tpu.memory_space<vmem>>, vector<16x1x128xf32>
    %get3A_2033 = vector.shape_cast %get3A_2032 : vector<16x1x128xf32> to vector<16x128xf32>
    %add3A_2034 = arith.addf %slice3A_2028, %get3A_2033 : vector<16x128xf32>
    %swap3A_2035 = arith.constant 0 : index
    %swap3A_2036 = arith.constant 25856 : index
    %swap3A_2037 = vector.load %arg5[%swap3A_2035, %swap3A_2036] : memref<16x32768xf32, #tpu.memory_space<vmem>>, vector<16x128xf32>
    tpu.vector_store %arg5[%swap3A_2035, %swap3A_2036], %add3A_2034 {strides = array<i32>} : memref<16x32768xf32, #tpu.memory_space<vmem>>, vector<16x128xf32>,
    %slice3A_2038 = vector.extract_strided_slice %add3A_9 {offsets = [0, 25984], sizes = [16, 128], strides = [1, 1]} : vector<16x32768xf32> to vector<16x128xf32>
    %get3A_2039 = arith.constant 0 : index
    %get3A_2040 = arith.constant 203 : index
    %get3A_2041 = arith.constant 0 : index
    %get3A_2042 = vector.load %arg3[%get3A_2039, %get3A_2040, %get3A_2041] : memref<16x256x128xf32, #tpu.memory_space<vmem>>, vector<16x1x128xf32>
    %get3A_2043 = vector.shape_cast %get3A_2042 : vector<16x1x128xf32> to vector<16x128xf32>
    %add3A_2044 = arith.addf %slice3A_2038, %get3A_2043 : vector<16x128xf32>
    %swap3A_2045 = arith.constant 0 : index
    %swap3A_2046 = arith.constant 25984 : index
    %swap3A_2047 = vector.load %arg5[%swap3A_2045, %swap3A_2046] : memref<16x32768xf32, #tpu.memory_space<vmem>>, vector<16x128xf32>
    tpu.vector_store %arg5[%swap3A_2045, %swap3A_2046], %add3A_2044 {strides = array<i32>} : memref<16x32768xf32, #tpu.memory_space<vmem>>, vector<16x128xf32>,
    %slice3A_2048 = vector.extract_strided_slice %add3A_9 {offsets = [0, 26112], sizes = [16, 128], strides = [1, 1]} : vector<16x32768xf32> to vector<16x128xf32>
    %get3A_2049 = arith.constant 0 : index
    %get3A_2050 = arith.constant 204 : index
    %get3A_2051 = arith.constant 0 : index
    %get3A_2052 = vector.load %arg3[%get3A_2049, %get3A_2050, %get3A_2051] : memref<16x256x128xf32, #tpu.memory_space<vmem>>, vector<16x1x128xf32>
    %get3A_2053 = vector.shape_cast %get3A_2052 : vector<16x1x128xf32> to vector<16x128xf32>
    %add3A_2054 = arith.addf %slice3A_2048, %get3A_2053 : vector<16x128xf32>
    %swap3A_2055 = arith.constant 0 : index
    %swap3A_2056 = arith.constant 26112 : index
    %swap3A_2057 = vector.load %arg5[%swap3A_2055, %swap3A_2056] : memref<16x32768xf32, #tpu.memory_space<vmem>>, vector<16x128xf32>
    tpu.vector_store %arg5[%swap3A_2055, %swap3A_2056], %add3A_2054 {strides = array<i32>} : memref<16x32768xf32, #tpu.memory_space<vmem>>, vector<16x128xf32>,
    %slice3A_2058 = vector.extract_strided_slice %add3A_9 {offsets = [0, 26240], sizes = [16, 128], strides = [1, 1]} : vector<16x32768xf32> to vector<16x128xf32>
    %get3A_2059 = arith.constant 0 : index
    %get3A_2060 = arith.constant 205 : index
    %get3A_2061 = arith.constant 0 : index
    %get3A_2062 = vector.load %arg3[%get3A_2059, %get3A_2060, %get3A_2061] : memref<16x256x128xf32, #tpu.memory_space<vmem>>, vector<16x1x128xf32>
    %get3A_2063 = vector.shape_cast %get3A_2062 : vector<16x1x128xf32> to vector<16x128xf32>
    %add3A_2064 = arith.addf %slice3A_2058, %get3A_2063 : vector<16x128xf32>
    %swap3A_2065 = arith.constant 0 : index
    %swap3A_2066 = arith.constant 26240 : index
    %swap3A_2067 = vector.load %arg5[%swap3A_2065, %swap3A_2066] : memref<16x32768xf32, #tpu.memory_space<vmem>>, vector<16x128xf32>
    tpu.vector_store %arg5[%swap3A_2065, %swap3A_2066], %add3A_2064 {strides = array<i32>} : memref<16x32768xf32, #tpu.memory_space<vmem>>, vector<16x128xf32>,
    %slice3A_2068 = vector.extract_strided_slice %add3A_9 {offsets = [0, 26368], sizes = [16, 128], strides = [1, 1]} : vector<16x32768xf32> to vector<16x128xf32>
    %get3A_2069 = arith.constant 0 : index
    %get3A_2070 = arith.constant 206 : index
    %get3A_2071 = arith.constant 0 : index
    %get3A_2072 = vector.load %arg3[%get3A_2069, %get3A_2070, %get3A_2071] : memref<16x256x128xf32, #tpu.memory_space<vmem>>, vector<16x1x128xf32>
    %get3A_2073 = vector.shape_cast %get3A_2072 : vector<16x1x128xf32> to vector<16x128xf32>
    %add3A_2074 = arith.addf %slice3A_2068, %get3A_2073 : vector<16x128xf32>
    %swap3A_2075 = arith.constant 0 : index
    %swap3A_2076 = arith.constant 26368 : index
    %swap3A_2077 = vector.load %arg5[%swap3A_2075, %swap3A_2076] : memref<16x32768xf32, #tpu.memory_space<vmem>>, vector<16x128xf32>
    tpu.vector_store %arg5[%swap3A_2075, %swap3A_2076], %add3A_2074 {strides = array<i32>} : memref<16x32768xf32, #tpu.memory_space<vmem>>, vector<16x128xf32>,
    %slice3A_2078 = vector.extract_strided_slice %add3A_9 {offsets = [0, 26496], sizes = [16, 128], strides = [1, 1]} : vector<16x32768xf32> to vector<16x128xf32>
    %get3A_2079 = arith.constant 0 : index
    %get3A_2080 = arith.constant 207 : index
    %get3A_2081 = arith.constant 0 : index
    %get3A_2082 = vector.load %arg3[%get3A_2079, %get3A_2080, %get3A_2081] : memref<16x256x128xf32, #tpu.memory_space<vmem>>, vector<16x1x128xf32>
    %get3A_2083 = vector.shape_cast %get3A_2082 : vector<16x1x128xf32> to vector<16x128xf32>
    %add3A_2084 = arith.addf %slice3A_2078, %get3A_2083 : vector<16x128xf32>
    %swap3A_2085 = arith.constant 0 : index
    %swap3A_2086 = arith.constant 26496 : index
    %swap3A_2087 = vector.load %arg5[%swap3A_2085, %swap3A_2086] : memref<16x32768xf32, #tpu.memory_space<vmem>>, vector<16x128xf32>
    tpu.vector_store %arg5[%swap3A_2085, %swap3A_2086], %add3A_2084 {strides = array<i32>} : memref<16x32768xf32, #tpu.memory_space<vmem>>, vector<16x128xf32>,
    %slice3A_2088 = vector.extract_strided_slice %add3A_9 {offsets = [0, 26624], sizes = [16, 128], strides = [1, 1]} : vector<16x32768xf32> to vector<16x128xf32>
    %get3A_2089 = arith.constant 0 : index
    %get3A_2090 = arith.constant 208 : index
    %get3A_2091 = arith.constant 0 : index
    %get3A_2092 = vector.load %arg3[%get3A_2089, %get3A_2090, %get3A_2091] : memref<16x256x128xf32, #tpu.memory_space<vmem>>, vector<16x1x128xf32>
    %get3A_2093 = vector.shape_cast %get3A_2092 : vector<16x1x128xf32> to vector<16x128xf32>
    %add3A_2094 = arith.addf %slice3A_2088, %get3A_2093 : vector<16x128xf32>
    %swap3A_2095 = arith.constant 0 : index
    %swap3A_2096 = arith.constant 26624 : index
    %swap3A_2097 = vector.load %arg5[%swap3A_2095, %swap3A_2096] : memref<16x32768xf32, #tpu.memory_space<vmem>>, vector<16x128xf32>
    tpu.vector_store %arg5[%swap3A_2095, %swap3A_2096], %add3A_2094 {strides = array<i32>} : memref<16x32768xf32, #tpu.memory_space<vmem>>, vector<16x128xf32>,
    %slice3A_2098 = vector.extract_strided_slice %add3A_9 {offsets = [0, 26752], sizes = [16, 128], strides = [1, 1]} : vector<16x32768xf32> to vector<16x128xf32>
    %get3A_2099 = arith.constant 0 : index
    %get3A_2100 = arith.constant 209 : index
    %get3A_2101 = arith.constant 0 : index
    %get3A_2102 = vector.load %arg3[%get3A_2099, %get3A_2100, %get3A_2101] : memref<16x256x128xf32, #tpu.memory_space<vmem>>, vector<16x1x128xf32>
    %get3A_2103 = vector.shape_cast %get3A_2102 : vector<16x1x128xf32> to vector<16x128xf32>
    %add3A_2104 = arith.addf %slice3A_2098, %get3A_2103 : vector<16x128xf32>
    %swap3A_2105 = arith.constant 0 : index
    %swap3A_2106 = arith.constant 26752 : index
    %swap3A_2107 = vector.load %arg5[%swap3A_2105, %swap3A_2106] : memref<16x32768xf32, #tpu.memory_space<vmem>>, vector<16x128xf32>
    tpu.vector_store %arg5[%swap3A_2105, %swap3A_2106], %add3A_2104 {strides = array<i32>} : memref<16x32768xf32, #tpu.memory_space<vmem>>, vector<16x128xf32>,
    %slice3A_2108 = vector.extract_strided_slice %add3A_9 {offsets = [0, 26880], sizes = [16, 128], strides = [1, 1]} : vector<16x32768xf32> to vector<16x128xf32>
    %get3A_2109 = arith.constant 0 : index
    %get3A_2110 = arith.constant 210 : index
    %get3A_2111 = arith.constant 0 : index
    %get3A_2112 = vector.load %arg3[%get3A_2109, %get3A_2110, %get3A_2111] : memref<16x256x128xf32, #tpu.memory_space<vmem>>, vector<16x1x128xf32>
    %get3A_2113 = vector.shape_cast %get3A_2112 : vector<16x1x128xf32> to vector<16x128xf32>
    %add3A_2114 = arith.addf %slice3A_2108, %get3A_2113 : vector<16x128xf32>
    %swap3A_2115 = arith.constant 0 : index
    %swap3A_2116 = arith.constant 26880 : index
    %swap3A_2117 = vector.load %arg5[%swap3A_2115, %swap3A_2116] : memref<16x32768xf32, #tpu.memory_space<vmem>>, vector<16x128xf32>
    tpu.vector_store %arg5[%swap3A_2115, %swap3A_2116], %add3A_2114 {strides = array<i32>} : memref<16x32768xf32, #tpu.memory_space<vmem>>, vector<16x128xf32>,
    %slice3A_2118 = vector.extract_strided_slice %add3A_9 {offsets = [0, 27008], sizes = [16, 128], strides = [1, 1]} : vector<16x32768xf32> to vector<16x128xf32>
    %get3A_2119 = arith.constant 0 : index
    %get3A_2120 = arith.constant 211 : index
    %get3A_2121 = arith.constant 0 : index
    %get3A_2122 = vector.load %arg3[%get3A_2119, %get3A_2120, %get3A_2121] : memref<16x256x128xf32, #tpu.memory_space<vmem>>, vector<16x1x128xf32>
    %get3A_2123 = vector.shape_cast %get3A_2122 : vector<16x1x128xf32> to vector<16x128xf32>
    %add3A_2124 = arith.addf %slice3A_2118, %get3A_2123 : vector<16x128xf32>
    %swap3A_2125 = arith.constant 0 : index
    %swap3A_2126 = arith.constant 27008 : index
    %swap3A_2127 = vector.load %arg5[%swap3A_2125, %swap3A_2126] : memref<16x32768xf32, #tpu.memory_space<vmem>>, vector<16x128xf32>
    tpu.vector_store %arg5[%swap3A_2125, %swap3A_2126], %add3A_2124 {strides = array<i32>} : memref<16x32768xf32, #tpu.memory_space<vmem>>, vector<16x128xf32>,
    %slice3A_2128 = vector.extract_strided_slice %add3A_9 {offsets = [0, 27136], sizes = [16, 128], strides = [1, 1]} : vector<16x32768xf32> to vector<16x128xf32>
    %get3A_2129 = arith.constant 0 : index
    %get3A_2130 = arith.constant 212 : index
    %get3A_2131 = arith.constant 0 : index
    %get3A_2132 = vector.load %arg3[%get3A_2129, %get3A_2130, %get3A_2131] : memref<16x256x128xf32, #tpu.memory_space<vmem>>, vector<16x1x128xf32>
    %get3A_2133 = vector.shape_cast %get3A_2132 : vector<16x1x128xf32> to vector<16x128xf32>
    %add3A_2134 = arith.addf %slice3A_2128, %get3A_2133 : vector<16x128xf32>
    %swap3A_2135 = arith.constant 0 : index
    %swap3A_2136 = arith.constant 27136 : index
    %swap3A_2137 = vector.load %arg5[%swap3A_2135, %swap3A_2136] : memref<16x32768xf32, #tpu.memory_space<vmem>>, vector<16x128xf32>
    tpu.vector_store %arg5[%swap3A_2135, %swap3A_2136], %add3A_2134 {strides = array<i32>} : memref<16x32768xf32, #tpu.memory_space<vmem>>, vector<16x128xf32>,
    %slice3A_2138 = vector.extract_strided_slice %add3A_9 {offsets = [0, 27264], sizes = [16, 128], strides = [1, 1]} : vector<16x32768xf32> to vector<16x128xf32>
    %get3A_2139 = arith.constant 0 : index
    %get3A_2140 = arith.constant 213 : index
    %get3A_2141 = arith.constant 0 : index
    %get3A_2142 = vector.load %arg3[%get3A_2139, %get3A_2140, %get3A_2141] : memref<16x256x128xf32, #tpu.memory_space<vmem>>, vector<16x1x128xf32>
    %get3A_2143 = vector.shape_cast %get3A_2142 : vector<16x1x128xf32> to vector<16x128xf32>
    %add3A_2144 = arith.addf %slice3A_2138, %get3A_2143 : vector<16x128xf32>
    %swap3A_2145 = arith.constant 0 : index
    %swap3A_2146 = arith.constant 27264 : index
    %swap3A_2147 = vector.load %arg5[%swap3A_2145, %swap3A_2146] : memref<16x32768xf32, #tpu.memory_space<vmem>>, vector<16x128xf32>
    tpu.vector_store %arg5[%swap3A_2145, %swap3A_2146], %add3A_2144 {strides = array<i32>} : memref<16x32768xf32, #tpu.memory_space<vmem>>, vector<16x128xf32>,
    %slice3A_2148 = vector.extract_strided_slice %add3A_9 {offsets = [0, 27392], sizes = [16, 128], strides = [1, 1]} : vector<16x32768xf32> to vector<16x128xf32>
    %get3A_2149 = arith.constant 0 : index
    %get3A_2150 = arith.constant 214 : index
    %get3A_2151 = arith.constant 0 : index
    %get3A_2152 = vector.load %arg3[%get3A_2149, %get3A_2150, %get3A_2151] : memref<16x256x128xf32, #tpu.memory_space<vmem>>, vector<16x1x128xf32>
    %get3A_2153 = vector.shape_cast %get3A_2152 : vector<16x1x128xf32> to vector<16x128xf32>
    %add3A_2154 = arith.addf %slice3A_2148, %get3A_2153 : vector<16x128xf32>
    %swap3A_2155 = arith.constant 0 : index
    %swap3A_2156 = arith.constant 27392 : index
    %swap3A_2157 = vector.load %arg5[%swap3A_2155, %swap3A_2156] : memref<16x32768xf32, #tpu.memory_space<vmem>>, vector<16x128xf32>
    tpu.vector_store %arg5[%swap3A_2155, %swap3A_2156], %add3A_2154 {strides = array<i32>} : memref<16x32768xf32, #tpu.memory_space<vmem>>, vector<16x128xf32>,
    %slice3A_2158 = vector.extract_strided_slice %add3A_9 {offsets = [0, 27520], sizes = [16, 128], strides = [1, 1]} : vector<16x32768xf32> to vector<16x128xf32>
    %get3A_2159 = arith.constant 0 : index
    %get3A_2160 = arith.constant 215 : index
    %get3A_2161 = arith.constant 0 : index
    %get3A_2162 = vector.load %arg3[%get3A_2159, %get3A_2160, %get3A_2161] : memref<16x256x128xf32, #tpu.memory_space<vmem>>, vector<16x1x128xf32>
    %get3A_2163 = vector.shape_cast %get3A_2162 : vector<16x1x128xf32> to vector<16x128xf32>
    %add3A_2164 = arith.addf %slice3A_2158, %get3A_2163 : vector<16x128xf32>
    %swap3A_2165 = arith.constant 0 : index
    %swap3A_2166 = arith.constant 27520 : index
    %swap3A_2167 = vector.load %arg5[%swap3A_2165, %swap3A_2166] : memref<16x32768xf32, #tpu.memory_space<vmem>>, vector<16x128xf32>
    tpu.vector_store %arg5[%swap3A_2165, %swap3A_2166], %add3A_2164 {strides = array<i32>} : memref<16x32768xf32, #tpu.memory_space<vmem>>, vector<16x128xf32>,
    %slice3A_2168 = vector.extract_strided_slice %add3A_9 {offsets = [0, 27648], sizes = [16, 128], strides = [1, 1]} : vector<16x32768xf32> to vector<16x128xf32>
    %get3A_2169 = arith.constant 0 : index
    %get3A_2170 = arith.constant 216 : index
    %get3A_2171 = arith.constant 0 : index
    %get3A_2172 = vector.load %arg3[%get3A_2169, %get3A_2170, %get3A_2171] : memref<16x256x128xf32, #tpu.memory_space<vmem>>, vector<16x1x128xf32>
    %get3A_2173 = vector.shape_cast %get3A_2172 : vector<16x1x128xf32> to vector<16x128xf32>
    %add3A_2174 = arith.addf %slice3A_2168, %get3A_2173 : vector<16x128xf32>
    %swap3A_2175 = arith.constant 0 : index
    %swap3A_2176 = arith.constant 27648 : index
    %swap3A_2177 = vector.load %arg5[%swap3A_2175, %swap3A_2176] : memref<16x32768xf32, #tpu.memory_space<vmem>>, vector<16x128xf32>
    tpu.vector_store %arg5[%swap3A_2175, %swap3A_2176], %add3A_2174 {strides = array<i32>} : memref<16x32768xf32, #tpu.memory_space<vmem>>, vector<16x128xf32>,
    %slice3A_2178 = vector.extract_strided_slice %add3A_9 {offsets = [0, 27776], sizes = [16, 128], strides = [1, 1]} : vector<16x32768xf32> to vector<16x128xf32>
    %get3A_2179 = arith.constant 0 : index
    %get3A_2180 = arith.constant 217 : index
    %get3A_2181 = arith.constant 0 : index
    %get3A_2182 = vector.load %arg3[%get3A_2179, %get3A_2180, %get3A_2181] : memref<16x256x128xf32, #tpu.memory_space<vmem>>, vector<16x1x128xf32>
    %get3A_2183 = vector.shape_cast %get3A_2182 : vector<16x1x128xf32> to vector<16x128xf32>
    %add3A_2184 = arith.addf %slice3A_2178, %get3A_2183 : vector<16x128xf32>
    %swap3A_2185 = arith.constant 0 : index
    %swap3A_2186 = arith.constant 27776 : index
    %swap3A_2187 = vector.load %arg5[%swap3A_2185, %swap3A_2186] : memref<16x32768xf32, #tpu.memory_space<vmem>>, vector<16x128xf32>
    tpu.vector_store %arg5[%swap3A_2185, %swap3A_2186], %add3A_2184 {strides = array<i32>} : memref<16x32768xf32, #tpu.memory_space<vmem>>, vector<16x128xf32>,
    %slice3A_2188 = vector.extract_strided_slice %add3A_9 {offsets = [0, 27904], sizes = [16, 128], strides = [1, 1]} : vector<16x32768xf32> to vector<16x128xf32>
    %get3A_2189 = arith.constant 0 : index
    %get3A_2190 = arith.constant 218 : index
    %get3A_2191 = arith.constant 0 : index
    %get3A_2192 = vector.load %arg3[%get3A_2189, %get3A_2190, %get3A_2191] : memref<16x256x128xf32, #tpu.memory_space<vmem>>, vector<16x1x128xf32>
    %get3A_2193 = vector.shape_cast %get3A_2192 : vector<16x1x128xf32> to vector<16x128xf32>
    %add3A_2194 = arith.addf %slice3A_2188, %get3A_2193 : vector<16x128xf32>
    %swap3A_2195 = arith.constant 0 : index
    %swap3A_2196 = arith.constant 27904 : index
    %swap3A_2197 = vector.load %arg5[%swap3A_2195, %swap3A_2196] : memref<16x32768xf32, #tpu.memory_space<vmem>>, vector<16x128xf32>
    tpu.vector_store %arg5[%swap3A_2195, %swap3A_2196], %add3A_2194 {strides = array<i32>} : memref<16x32768xf32, #tpu.memory_space<vmem>>, vector<16x128xf32>,
    %slice3A_2198 = vector.extract_strided_slice %add3A_9 {offsets = [0, 28032], sizes = [16, 128], strides = [1, 1]} : vector<16x32768xf32> to vector<16x128xf32>
    %get3A_2199 = arith.constant 0 : index
    %get3A_2200 = arith.constant 219 : index
    %get3A_2201 = arith.constant 0 : index
    %get3A_2202 = vector.load %arg3[%get3A_2199, %get3A_2200, %get3A_2201] : memref<16x256x128xf32, #tpu.memory_space<vmem>>, vector<16x1x128xf32>
    %get3A_2203 = vector.shape_cast %get3A_2202 : vector<16x1x128xf32> to vector<16x128xf32>
    %add3A_2204 = arith.addf %slice3A_2198, %get3A_2203 : vector<16x128xf32>
    %swap3A_2205 = arith.constant 0 : index
    %swap3A_2206 = arith.constant 28032 : index
    %swap3A_2207 = vector.load %arg5[%swap3A_2205, %swap3A_2206] : memref<16x32768xf32, #tpu.memory_space<vmem>>, vector<16x128xf32>
    tpu.vector_store %arg5[%swap3A_2205, %swap3A_2206], %add3A_2204 {strides = array<i32>} : memref<16x32768xf32, #tpu.memory_space<vmem>>, vector<16x128xf32>,
    %slice3A_2208 = vector.extract_strided_slice %add3A_9 {offsets = [0, 28160], sizes = [16, 128], strides = [1, 1]} : vector<16x32768xf32> to vector<16x128xf32>
    %get3A_2209 = arith.constant 0 : index
    %get3A_2210 = arith.constant 220 : index
    %get3A_2211 = arith.constant 0 : index
    %get3A_2212 = vector.load %arg3[%get3A_2209, %get3A_2210, %get3A_2211] : memref<16x256x128xf32, #tpu.memory_space<vmem>>, vector<16x1x128xf32>
    %get3A_2213 = vector.shape_cast %get3A_2212 : vector<16x1x128xf32> to vector<16x128xf32>
    %add3A_2214 = arith.addf %slice3A_2208, %get3A_2213 : vector<16x128xf32>
    %swap3A_2215 = arith.constant 0 : index
    %swap3A_2216 = arith.constant 28160 : index
    %swap3A_2217 = vector.load %arg5[%swap3A_2215, %swap3A_2216] : memref<16x32768xf32, #tpu.memory_space<vmem>>, vector<16x128xf32>
    tpu.vector_store %arg5[%swap3A_2215, %swap3A_2216], %add3A_2214 {strides = array<i32>} : memref<16x32768xf32, #tpu.memory_space<vmem>>, vector<16x128xf32>,
    %slice3A_2218 = vector.extract_strided_slice %add3A_9 {offsets = [0, 28288], sizes = [16, 128], strides = [1, 1]} : vector<16x32768xf32> to vector<16x128xf32>
    %get3A_2219 = arith.constant 0 : index
    %get3A_2220 = arith.constant 221 : index
    %get3A_2221 = arith.constant 0 : index
    %get3A_2222 = vector.load %arg3[%get3A_2219, %get3A_2220, %get3A_2221] : memref<16x256x128xf32, #tpu.memory_space<vmem>>, vector<16x1x128xf32>
    %get3A_2223 = vector.shape_cast %get3A_2222 : vector<16x1x128xf32> to vector<16x128xf32>
    %add3A_2224 = arith.addf %slice3A_2218, %get3A_2223 : vector<16x128xf32>
    %swap3A_2225 = arith.constant 0 : index
    %swap3A_2226 = arith.constant 28288 : index
    %swap3A_2227 = vector.load %arg5[%swap3A_2225, %swap3A_2226] : memref<16x32768xf32, #tpu.memory_space<vmem>>, vector<16x128xf32>
    tpu.vector_store %arg5[%swap3A_2225, %swap3A_2226], %add3A_2224 {strides = array<i32>} : memref<16x32768xf32, #tpu.memory_space<vmem>>, vector<16x128xf32>,
    %slice3A_2228 = vector.extract_strided_slice %add3A_9 {offsets = [0, 28416], sizes = [16, 128], strides = [1, 1]} : vector<16x32768xf32> to vector<16x128xf32>
    %get3A_2229 = arith.constant 0 : index
    %get3A_2230 = arith.constant 222 : index
    %get3A_2231 = arith.constant 0 : index
    %get3A_2232 = vector.load %arg3[%get3A_2229, %get3A_2230, %get3A_2231] : memref<16x256x128xf32, #tpu.memory_space<vmem>>, vector<16x1x128xf32>
    %get3A_2233 = vector.shape_cast %get3A_2232 : vector<16x1x128xf32> to vector<16x128xf32>
    %add3A_2234 = arith.addf %slice3A_2228, %get3A_2233 : vector<16x128xf32>
    %swap3A_2235 = arith.constant 0 : index
    %swap3A_2236 = arith.constant 28416 : index
    %swap3A_2237 = vector.load %arg5[%swap3A_2235, %swap3A_2236] : memref<16x32768xf32, #tpu.memory_space<vmem>>, vector<16x128xf32>
    tpu.vector_store %arg5[%swap3A_2235, %swap3A_2236], %add3A_2234 {strides = array<i32>} : memref<16x32768xf32, #tpu.memory_space<vmem>>, vector<16x128xf32>,
    %slice3A_2238 = vector.extract_strided_slice %add3A_9 {offsets = [0, 28544], sizes = [16, 128], strides = [1, 1]} : vector<16x32768xf32> to vector<16x128xf32>
    %get3A_2239 = arith.constant 0 : index
    %get3A_2240 = arith.constant 223 : index
    %get3A_2241 = arith.constant 0 : index
    %get3A_2242 = vector.load %arg3[%get3A_2239, %get3A_2240, %get3A_2241] : memref<16x256x128xf32, #tpu.memory_space<vmem>>, vector<16x1x128xf32>
    %get3A_2243 = vector.shape_cast %get3A_2242 : vector<16x1x128xf32> to vector<16x128xf32>
    %add3A_2244 = arith.addf %slice3A_2238, %get3A_2243 : vector<16x128xf32>
    %swap3A_2245 = arith.constant 0 : index
    %swap3A_2246 = arith.constant 28544 : index
    %swap3A_2247 = vector.load %arg5[%swap3A_2245, %swap3A_2246] : memref<16x32768xf32, #tpu.memory_space<vmem>>, vector<16x128xf32>
    tpu.vector_store %arg5[%swap3A_2245, %swap3A_2246], %add3A_2244 {strides = array<i32>} : memref<16x32768xf32, #tpu.memory_space<vmem>>, vector<16x128xf32>,
    %slice3A_2248 = vector.extract_strided_slice %add3A_9 {offsets = [0, 28672], sizes = [16, 128], strides = [1, 1]} : vector<16x32768xf32> to vector<16x128xf32>
    %get3A_2249 = arith.constant 0 : index
    %get3A_2250 = arith.constant 224 : index
    %get3A_2251 = arith.constant 0 : index
    %get3A_2252 = vector.load %arg3[%get3A_2249, %get3A_2250, %get3A_2251] : memref<16x256x128xf32, #tpu.memory_space<vmem>>, vector<16x1x128xf32>
    %get3A_2253 = vector.shape_cast %get3A_2252 : vector<16x1x128xf32> to vector<16x128xf32>
    %add3A_2254 = arith.addf %slice3A_2248, %get3A_2253 : vector<16x128xf32>
    %swap3A_2255 = arith.constant 0 : index
    %swap3A_2256 = arith.constant 28672 : index
    %swap3A_2257 = vector.load %arg5[%swap3A_2255, %swap3A_2256] : memref<16x32768xf32, #tpu.memory_space<vmem>>, vector<16x128xf32>
    tpu.vector_store %arg5[%swap3A_2255, %swap3A_2256], %add3A_2254 {strides = array<i32>} : memref<16x32768xf32, #tpu.memory_space<vmem>>, vector<16x128xf32>,
    %slice3A_2258 = vector.extract_strided_slice %add3A_9 {offsets = [0, 28800], sizes = [16, 128], strides = [1, 1]} : vector<16x32768xf32> to vector<16x128xf32>
    %get3A_2259 = arith.constant 0 : index
    %get3A_2260 = arith.constant 225 : index
    %get3A_2261 = arith.constant 0 : index
    %get3A_2262 = vector.load %arg3[%get3A_2259, %get3A_2260, %get3A_2261] : memref<16x256x128xf32, #tpu.memory_space<vmem>>, vector<16x1x128xf32>
    %get3A_2263 = vector.shape_cast %get3A_2262 : vector<16x1x128xf32> to vector<16x128xf32>
    %add3A_2264 = arith.addf %slice3A_2258, %get3A_2263 : vector<16x128xf32>
    %swap3A_2265 = arith.constant 0 : index
    %swap3A_2266 = arith.constant 28800 : index
    %swap3A_2267 = vector.load %arg5[%swap3A_2265, %swap3A_2266] : memref<16x32768xf32, #tpu.memory_space<vmem>>, vector<16x128xf32>
    tpu.vector_store %arg5[%swap3A_2265, %swap3A_2266], %add3A_2264 {strides = array<i32>} : memref<16x32768xf32, #tpu.memory_space<vmem>>, vector<16x128xf32>,
    %slice3A_2268 = vector.extract_strided_slice %add3A_9 {offsets = [0, 28928], sizes = [16, 128], strides = [1, 1]} : vector<16x32768xf32> to vector<16x128xf32>
    %get3A_2269 = arith.constant 0 : index
    %get3A_2270 = arith.constant 226 : index
    %get3A_2271 = arith.constant 0 : index
    %get3A_2272 = vector.load %arg3[%get3A_2269, %get3A_2270, %get3A_2271] : memref<16x256x128xf32, #tpu.memory_space<vmem>>, vector<16x1x128xf32>
    %get3A_2273 = vector.shape_cast %get3A_2272 : vector<16x1x128xf32> to vector<16x128xf32>
    %add3A_2274 = arith.addf %slice3A_2268, %get3A_2273 : vector<16x128xf32>
    %swap3A_2275 = arith.constant 0 : index
    %swap3A_2276 = arith.constant 28928 : index
    %swap3A_2277 = vector.load %arg5[%swap3A_2275, %swap3A_2276] : memref<16x32768xf32, #tpu.memory_space<vmem>>, vector<16x128xf32>
    tpu.vector_store %arg5[%swap3A_2275, %swap3A_2276], %add3A_2274 {strides = array<i32>} : memref<16x32768xf32, #tpu.memory_space<vmem>>, vector<16x128xf32>,
    %slice3A_2278 = vector.extract_strided_slice %add3A_9 {offsets = [0, 29056], sizes = [16, 128], strides = [1, 1]} : vector<16x32768xf32> to vector<16x128xf32>
    %get3A_2279 = arith.constant 0 : index
    %get3A_2280 = arith.constant 227 : index
    %get3A_2281 = arith.constant 0 : index
    %get3A_2282 = vector.load %arg3[%get3A_2279, %get3A_2280, %get3A_2281] : memref<16x256x128xf32, #tpu.memory_space<vmem>>, vector<16x1x128xf32>
    %get3A_2283 = vector.shape_cast %get3A_2282 : vector<16x1x128xf32> to vector<16x128xf32>
    %add3A_2284 = arith.addf %slice3A_2278, %get3A_2283 : vector<16x128xf32>
    %swap3A_2285 = arith.constant 0 : index
    %swap3A_2286 = arith.constant 29056 : index
    %swap3A_2287 = vector.load %arg5[%swap3A_2285, %swap3A_2286] : memref<16x32768xf32, #tpu.memory_space<vmem>>, vector<16x128xf32>
    tpu.vector_store %arg5[%swap3A_2285, %swap3A_2286], %add3A_2284 {strides = array<i32>} : memref<16x32768xf32, #tpu.memory_space<vmem>>, vector<16x128xf32>,
    %slice3A_2288 = vector.extract_strided_slice %add3A_9 {offsets = [0, 29184], sizes = [16, 128], strides = [1, 1]} : vector<16x32768xf32> to vector<16x128xf32>
    %get3A_2289 = arith.constant 0 : index
    %get3A_2290 = arith.constant 228 : index
    %get3A_2291 = arith.constant 0 : index
    %get3A_2292 = vector.load %arg3[%get3A_2289, %get3A_2290, %get3A_2291] : memref<16x256x128xf32, #tpu.memory_space<vmem>>, vector<16x1x128xf32>
    %get3A_2293 = vector.shape_cast %get3A_2292 : vector<16x1x128xf32> to vector<16x128xf32>
    %add3A_2294 = arith.addf %slice3A_2288, %get3A_2293 : vector<16x128xf32>
    %swap3A_2295 = arith.constant 0 : index
    %swap3A_2296 = arith.constant 29184 : index
    %swap3A_2297 = vector.load %arg5[%swap3A_2295, %swap3A_2296] : memref<16x32768xf32, #tpu.memory_space<vmem>>, vector<16x128xf32>
    tpu.vector_store %arg5[%swap3A_2295, %swap3A_2296], %add3A_2294 {strides = array<i32>} : memref<16x32768xf32, #tpu.memory_space<vmem>>, vector<16x128xf32>,
    %slice3A_2298 = vector.extract_strided_slice %add3A_9 {offsets = [0, 29312], sizes = [16, 128], strides = [1, 1]} : vector<16x32768xf32> to vector<16x128xf32>
    %get3A_2299 = arith.constant 0 : index
    %get3A_2300 = arith.constant 229 : index
    %get3A_2301 = arith.constant 0 : index
    %get3A_2302 = vector.load %arg3[%get3A_2299, %get3A_2300, %get3A_2301] : memref<16x256x128xf32, #tpu.memory_space<vmem>>, vector<16x1x128xf32>
    %get3A_2303 = vector.shape_cast %get3A_2302 : vector<16x1x128xf32> to vector<16x128xf32>
    %add3A_2304 = arith.addf %slice3A_2298, %get3A_2303 : vector<16x128xf32>
    %swap3A_2305 = arith.constant 0 : index
    %swap3A_2306 = arith.constant 29312 : index
    %swap3A_2307 = vector.load %arg5[%swap3A_2305, %swap3A_2306] : memref<16x32768xf32, #tpu.memory_space<vmem>>, vector<16x128xf32>
    tpu.vector_store %arg5[%swap3A_2305, %swap3A_2306], %add3A_2304 {strides = array<i32>} : memref<16x32768xf32, #tpu.memory_space<vmem>>, vector<16x128xf32>,
    %slice3A_2308 = vector.extract_strided_slice %add3A_9 {offsets = [0, 29440], sizes = [16, 128], strides = [1, 1]} : vector<16x32768xf32> to vector<16x128xf32>
    %get3A_2309 = arith.constant 0 : index
    %get3A_2310 = arith.constant 230 : index
    %get3A_2311 = arith.constant 0 : index
    %get3A_2312 = vector.load %arg3[%get3A_2309, %get3A_2310, %get3A_2311] : memref<16x256x128xf32, #tpu.memory_space<vmem>>, vector<16x1x128xf32>
    %get3A_2313 = vector.shape_cast %get3A_2312 : vector<16x1x128xf32> to vector<16x128xf32>
    %add3A_2314 = arith.addf %slice3A_2308, %get3A_2313 : vector<16x128xf32>
    %swap3A_2315 = arith.constant 0 : index
    %swap3A_2316 = arith.constant 29440 : index
    %swap3A_2317 = vector.load %arg5[%swap3A_2315, %swap3A_2316] : memref<16x32768xf32, #tpu.memory_space<vmem>>, vector<16x128xf32>
    tpu.vector_store %arg5[%swap3A_2315, %swap3A_2316], %add3A_2314 {strides = array<i32>} : memref<16x32768xf32, #tpu.memory_space<vmem>>, vector<16x128xf32>,
    %slice3A_2318 = vector.extract_strided_slice %add3A_9 {offsets = [0, 29568], sizes = [16, 128], strides = [1, 1]} : vector<16x32768xf32> to vector<16x128xf32>
    %get3A_2319 = arith.constant 0 : index
    %get3A_2320 = arith.constant 231 : index
    %get3A_2321 = arith.constant 0 : index
    %get3A_2322 = vector.load %arg3[%get3A_2319, %get3A_2320, %get3A_2321] : memref<16x256x128xf32, #tpu.memory_space<vmem>>, vector<16x1x128xf32>
    %get3A_2323 = vector.shape_cast %get3A_2322 : vector<16x1x128xf32> to vector<16x128xf32>
    %add3A_2324 = arith.addf %slice3A_2318, %get3A_2323 : vector<16x128xf32>
    %swap3A_2325 = arith.constant 0 : index
    %swap3A_2326 = arith.constant 29568 : index
    %swap3A_2327 = vector.load %arg5[%swap3A_2325, %swap3A_2326] : memref<16x32768xf32, #tpu.memory_space<vmem>>, vector<16x128xf32>
    tpu.vector_store %arg5[%swap3A_2325, %swap3A_2326], %add3A_2324 {strides = array<i32>} : memref<16x32768xf32, #tpu.memory_space<vmem>>, vector<16x128xf32>,
    %slice3A_2328 = vector.extract_strided_slice %add3A_9 {offsets = [0, 29696], sizes = [16, 128], strides = [1, 1]} : vector<16x32768xf32> to vector<16x128xf32>
    %get3A_2329 = arith.constant 0 : index
    %get3A_2330 = arith.constant 232 : index
    %get3A_2331 = arith.constant 0 : index
    %get3A_2332 = vector.load %arg3[%get3A_2329, %get3A_2330, %get3A_2331] : memref<16x256x128xf32, #tpu.memory_space<vmem>>, vector<16x1x128xf32>
    %get3A_2333 = vector.shape_cast %get3A_2332 : vector<16x1x128xf32> to vector<16x128xf32>
    %add3A_2334 = arith.addf %slice3A_2328, %get3A_2333 : vector<16x128xf32>
    %swap3A_2335 = arith.constant 0 : index
    %swap3A_2336 = arith.constant 29696 : index
    %swap3A_2337 = vector.load %arg5[%swap3A_2335, %swap3A_2336] : memref<16x32768xf32, #tpu.memory_space<vmem>>, vector<16x128xf32>
    tpu.vector_store %arg5[%swap3A_2335, %swap3A_2336], %add3A_2334 {strides = array<i32>} : memref<16x32768xf32, #tpu.memory_space<vmem>>, vector<16x128xf32>,
    %slice3A_2338 = vector.extract_strided_slice %add3A_9 {offsets = [0, 29824], sizes = [16, 128], strides = [1, 1]} : vector<16x32768xf32> to vector<16x128xf32>
    %get3A_2339 = arith.constant 0 : index
    %get3A_2340 = arith.constant 233 : index
    %get3A_2341 = arith.constant 0 : index
    %get3A_2342 = vector.load %arg3[%get3A_2339, %get3A_2340, %get3A_2341] : memref<16x256x128xf32, #tpu.memory_space<vmem>>, vector<16x1x128xf32>
    %get3A_2343 = vector.shape_cast %get3A_2342 : vector<16x1x128xf32> to vector<16x128xf32>
    %add3A_2344 = arith.addf %slice3A_2338, %get3A_2343 : vector<16x128xf32>
    %swap3A_2345 = arith.constant 0 : index
    %swap3A_2346 = arith.constant 29824 : index
    %swap3A_2347 = vector.load %arg5[%swap3A_2345, %swap3A_2346] : memref<16x32768xf32, #tpu.memory_space<vmem>>, vector<16x128xf32>
    tpu.vector_store %arg5[%swap3A_2345, %swap3A_2346], %add3A_2344 {strides = array<i32>} : memref<16x32768xf32, #tpu.memory_space<vmem>>, vector<16x128xf32>,
    %slice3A_2348 = vector.extract_strided_slice %add3A_9 {offsets = [0, 29952], sizes = [16, 128], strides = [1, 1]} : vector<16x32768xf32> to vector<16x128xf32>
    %get3A_2349 = arith.constant 0 : index
    %get3A_2350 = arith.constant 234 : index
    %get3A_2351 = arith.constant 0 : index
    %get3A_2352 = vector.load %arg3[%get3A_2349, %get3A_2350, %get3A_2351] : memref<16x256x128xf32, #tpu.memory_space<vmem>>, vector<16x1x128xf32>
    %get3A_2353 = vector.shape_cast %get3A_2352 : vector<16x1x128xf32> to vector<16x128xf32>
    %add3A_2354 = arith.addf %slice3A_2348, %get3A_2353 : vector<16x128xf32>
    %swap3A_2355 = arith.constant 0 : index
    %swap3A_2356 = arith.constant 29952 : index
    %swap3A_2357 = vector.load %arg5[%swap3A_2355, %swap3A_2356] : memref<16x32768xf32, #tpu.memory_space<vmem>>, vector<16x128xf32>
    tpu.vector_store %arg5[%swap3A_2355, %swap3A_2356], %add3A_2354 {strides = array<i32>} : memref<16x32768xf32, #tpu.memory_space<vmem>>, vector<16x128xf32>,
    %slice3A_2358 = vector.extract_strided_slice %add3A_9 {offsets = [0, 30080], sizes = [16, 128], strides = [1, 1]} : vector<16x32768xf32> to vector<16x128xf32>
    %get3A_2359 = arith.constant 0 : index
    %get3A_2360 = arith.constant 235 : index
    %get3A_2361 = arith.constant 0 : index
    %get3A_2362 = vector.load %arg3[%get3A_2359, %get3A_2360, %get3A_2361] : memref<16x256x128xf32, #tpu.memory_space<vmem>>, vector<16x1x128xf32>
    %get3A_2363 = vector.shape_cast %get3A_2362 : vector<16x1x128xf32> to vector<16x128xf32>
    %add3A_2364 = arith.addf %slice3A_2358, %get3A_2363 : vector<16x128xf32>
    %swap3A_2365 = arith.constant 0 : index
    %swap3A_2366 = arith.constant 30080 : index
    %swap3A_2367 = vector.load %arg5[%swap3A_2365, %swap3A_2366] : memref<16x32768xf32, #tpu.memory_space<vmem>>, vector<16x128xf32>
    tpu.vector_store %arg5[%swap3A_2365, %swap3A_2366], %add3A_2364 {strides = array<i32>} : memref<16x32768xf32, #tpu.memory_space<vmem>>, vector<16x128xf32>,
    %slice3A_2368 = vector.extract_strided_slice %add3A_9 {offsets = [0, 30208], sizes = [16, 128], strides = [1, 1]} : vector<16x32768xf32> to vector<16x128xf32>
    %get3A_2369 = arith.constant 0 : index
    %get3A_2370 = arith.constant 236 : index
    %get3A_2371 = arith.constant 0 : index
    %get3A_2372 = vector.load %arg3[%get3A_2369, %get3A_2370, %get3A_2371] : memref<16x256x128xf32, #tpu.memory_space<vmem>>, vector<16x1x128xf32>
    %get3A_2373 = vector.shape_cast %get3A_2372 : vector<16x1x128xf32> to vector<16x128xf32>
    %add3A_2374 = arith.addf %slice3A_2368, %get3A_2373 : vector<16x128xf32>
    %swap3A_2375 = arith.constant 0 : index
    %swap3A_2376 = arith.constant 30208 : index
    %swap3A_2377 = vector.load %arg5[%swap3A_2375, %swap3A_2376] : memref<16x32768xf32, #tpu.memory_space<vmem>>, vector<16x128xf32>
    tpu.vector_store %arg5[%swap3A_2375, %swap3A_2376], %add3A_2374 {strides = array<i32>} : memref<16x32768xf32, #tpu.memory_space<vmem>>, vector<16x128xf32>,
    %slice3A_2378 = vector.extract_strided_slice %add3A_9 {offsets = [0, 30336], sizes = [16, 128], strides = [1, 1]} : vector<16x32768xf32> to vector<16x128xf32>
    %get3A_2379 = arith.constant 0 : index
    %get3A_2380 = arith.constant 237 : index
    %get3A_2381 = arith.constant 0 : index
    %get3A_2382 = vector.load %arg3[%get3A_2379, %get3A_2380, %get3A_2381] : memref<16x256x128xf32, #tpu.memory_space<vmem>>, vector<16x1x128xf32>
    %get3A_2383 = vector.shape_cast %get3A_2382 : vector<16x1x128xf32> to vector<16x128xf32>
    %add3A_2384 = arith.addf %slice3A_2378, %get3A_2383 : vector<16x128xf32>
    %swap3A_2385 = arith.constant 0 : index
    %swap3A_2386 = arith.constant 30336 : index
    %swap3A_2387 = vector.load %arg5[%swap3A_2385, %swap3A_2386] : memref<16x32768xf32, #tpu.memory_space<vmem>>, vector<16x128xf32>
    tpu.vector_store %arg5[%swap3A_2385, %swap3A_2386], %add3A_2384 {strides = array<i32>} : memref<16x32768xf32, #tpu.memory_space<vmem>>, vector<16x128xf32>,
    %slice3A_2388 = vector.extract_strided_slice %add3A_9 {offsets = [0, 30464], sizes = [16, 128], strides = [1, 1]} : vector<16x32768xf32> to vector<16x128xf32>
    %get3A_2389 = arith.constant 0 : index
    %get3A_2390 = arith.constant 238 : index
    %get3A_2391 = arith.constant 0 : index
    %get3A_2392 = vector.load %arg3[%get3A_2389, %get3A_2390, %get3A_2391] : memref<16x256x128xf32, #tpu.memory_space<vmem>>, vector<16x1x128xf32>
    %get3A_2393 = vector.shape_cast %get3A_2392 : vector<16x1x128xf32> to vector<16x128xf32>
    %add3A_2394 = arith.addf %slice3A_2388, %get3A_2393 : vector<16x128xf32>
    %swap3A_2395 = arith.constant 0 : index
    %swap3A_2396 = arith.constant 30464 : index
    %swap3A_2397 = vector.load %arg5[%swap3A_2395, %swap3A_2396] : memref<16x32768xf32, #tpu.memory_space<vmem>>, vector<16x128xf32>
    tpu.vector_store %arg5[%swap3A_2395, %swap3A_2396], %add3A_2394 {strides = array<i32>} : memref<16x32768xf32, #tpu.memory_space<vmem>>, vector<16x128xf32>,
    %slice3A_2398 = vector.extract_strided_slice %add3A_9 {offsets = [0, 30592], sizes = [16, 128], strides = [1, 1]} : vector<16x32768xf32> to vector<16x128xf32>
    %get3A_2399 = arith.constant 0 : index
    %get3A_2400 = arith.constant 239 : index
    %get3A_2401 = arith.constant 0 : index
    %get3A_2402 = vector.load %arg3[%get3A_2399, %get3A_2400, %get3A_2401] : memref<16x256x128xf32, #tpu.memory_space<vmem>>, vector<16x1x128xf32>
    %get3A_2403 = vector.shape_cast %get3A_2402 : vector<16x1x128xf32> to vector<16x128xf32>
    %add3A_2404 = arith.addf %slice3A_2398, %get3A_2403 : vector<16x128xf32>
    %swap3A_2405 = arith.constant 0 : index
    %swap3A_2406 = arith.constant 30592 : index
    %swap3A_2407 = vector.load %arg5[%swap3A_2405, %swap3A_2406] : memref<16x32768xf32, #tpu.memory_space<vmem>>, vector<16x128xf32>
    tpu.vector_store %arg5[%swap3A_2405, %swap3A_2406], %add3A_2404 {strides = array<i32>} : memref<16x32768xf32, #tpu.memory_space<vmem>>, vector<16x128xf32>,
    %slice3A_2408 = vector.extract_strided_slice %add3A_9 {offsets = [0, 30720], sizes = [16, 128], strides = [1, 1]} : vector<16x32768xf32> to vector<16x128xf32>
    %get3A_2409 = arith.constant 0 : index
    %get3A_2410 = arith.constant 240 : index
    %get3A_2411 = arith.constant 0 : index
    %get3A_2412 = vector.load %arg3[%get3A_2409, %get3A_2410, %get3A_2411] : memref<16x256x128xf32, #tpu.memory_space<vmem>>, vector<16x1x128xf32>
    %get3A_2413 = vector.shape_cast %get3A_2412 : vector<16x1x128xf32> to vector<16x128xf32>
    %add3A_2414 = arith.addf %slice3A_2408, %get3A_2413 : vector<16x128xf32>
    %swap3A_2415 = arith.constant 0 : index
    %swap3A_2416 = arith.constant 30720 : index
    %swap3A_2417 = vector.load %arg5[%swap3A_2415, %swap3A_2416] : memref<16x32768xf32, #tpu.memory_space<vmem>>, vector<16x128xf32>
    tpu.vector_store %arg5[%swap3A_2415, %swap3A_2416], %add3A_2414 {strides = array<i32>} : memref<16x32768xf32, #tpu.memory_space<vmem>>, vector<16x128xf32>,
    %slice3A_2418 = vector.extract_strided_slice %add3A_9 {offsets = [0, 30848], sizes = [16, 128], strides = [1, 1]} : vector<16x32768xf32> to vector<16x128xf32>
    %get3A_2419 = arith.constant 0 : index
    %get3A_2420 = arith.constant 241 : index
    %get3A_2421 = arith.constant 0 : index
    %get3A_2422 = vector.load %arg3[%get3A_2419, %get3A_2420, %get3A_2421] : memref<16x256x128xf32, #tpu.memory_space<vmem>>, vector<16x1x128xf32>
    %get3A_2423 = vector.shape_cast %get3A_2422 : vector<16x1x128xf32> to vector<16x128xf32>
    %add3A_2424 = arith.addf %slice3A_2418, %get3A_2423 : vector<16x128xf32>
    %swap3A_2425 = arith.constant 0 : index
    %swap3A_2426 = arith.constant 30848 : index
    %swap3A_2427 = vector.load %arg5[%swap3A_2425, %swap3A_2426] : memref<16x32768xf32, #tpu.memory_space<vmem>>, vector<16x128xf32>
    tpu.vector_store %arg5[%swap3A_2425, %swap3A_2426], %add3A_2424 {strides = array<i32>} : memref<16x32768xf32, #tpu.memory_space<vmem>>, vector<16x128xf32>,
    %slice3A_2428 = vector.extract_strided_slice %add3A_9 {offsets = [0, 30976], sizes = [16, 128], strides = [1, 1]} : vector<16x32768xf32> to vector<16x128xf32>
    %get3A_2429 = arith.constant 0 : index
    %get3A_2430 = arith.constant 242 : index
    %get3A_2431 = arith.constant 0 : index
    %get3A_2432 = vector.load %arg3[%get3A_2429, %get3A_2430, %get3A_2431] : memref<16x256x128xf32, #tpu.memory_space<vmem>>, vector<16x1x128xf32>
    %get3A_2433 = vector.shape_cast %get3A_2432 : vector<16x1x128xf32> to vector<16x128xf32>
    %add3A_2434 = arith.addf %slice3A_2428, %get3A_2433 : vector<16x128xf32>
    %swap3A_2435 = arith.constant 0 : index
    %swap3A_2436 = arith.constant 30976 : index
    %swap3A_2437 = vector.load %arg5[%swap3A_2435, %swap3A_2436] : memref<16x32768xf32, #tpu.memory_space<vmem>>, vector<16x128xf32>
    tpu.vector_store %arg5[%swap3A_2435, %swap3A_2436], %add3A_2434 {strides = array<i32>} : memref<16x32768xf32, #tpu.memory_space<vmem>>, vector<16x128xf32>,
    %slice3A_2438 = vector.extract_strided_slice %add3A_9 {offsets = [0, 31104], sizes = [16, 128], strides = [1, 1]} : vector<16x32768xf32> to vector<16x128xf32>
    %get3A_2439 = arith.constant 0 : index
    %get3A_2440 = arith.constant 243 : index
    %get3A_2441 = arith.constant 0 : index
    %get3A_2442 = vector.load %arg3[%get3A_2439, %get3A_2440, %get3A_2441] : memref<16x256x128xf32, #tpu.memory_space<vmem>>, vector<16x1x128xf32>
    %get3A_2443 = vector.shape_cast %get3A_2442 : vector<16x1x128xf32> to vector<16x128xf32>
    %add3A_2444 = arith.addf %slice3A_2438, %get3A_2443 : vector<16x128xf32>
    %swap3A_2445 = arith.constant 0 : index
    %swap3A_2446 = arith.constant 31104 : index
    %swap3A_2447 = vector.load %arg5[%swap3A_2445, %swap3A_2446] : memref<16x32768xf32, #tpu.memory_space<vmem>>, vector<16x128xf32>
    tpu.vector_store %arg5[%swap3A_2445, %swap3A_2446], %add3A_2444 {strides = array<i32>} : memref<16x32768xf32, #tpu.memory_space<vmem>>, vector<16x128xf32>,
    %slice3A_2448 = vector.extract_strided_slice %add3A_9 {offsets = [0, 31232], sizes = [16, 128], strides = [1, 1]} : vector<16x32768xf32> to vector<16x128xf32>
    %get3A_2449 = arith.constant 0 : index
    %get3A_2450 = arith.constant 244 : index
    %get3A_2451 = arith.constant 0 : index
    %get3A_2452 = vector.load %arg3[%get3A_2449, %get3A_2450, %get3A_2451] : memref<16x256x128xf32, #tpu.memory_space<vmem>>, vector<16x1x128xf32>
    %get3A_2453 = vector.shape_cast %get3A_2452 : vector<16x1x128xf32> to vector<16x128xf32>
    %add3A_2454 = arith.addf %slice3A_2448, %get3A_2453 : vector<16x128xf32>
    %swap3A_2455 = arith.constant 0 : index
    %swap3A_2456 = arith.constant 31232 : index
    %swap3A_2457 = vector.load %arg5[%swap3A_2455, %swap3A_2456] : memref<16x32768xf32, #tpu.memory_space<vmem>>, vector<16x128xf32>
    tpu.vector_store %arg5[%swap3A_2455, %swap3A_2456], %add3A_2454 {strides = array<i32>} : memref<16x32768xf32, #tpu.memory_space<vmem>>, vector<16x128xf32>,
    %slice3A_2458 = vector.extract_strided_slice %add3A_9 {offsets = [0, 31360], sizes = [16, 128], strides = [1, 1]} : vector<16x32768xf32> to vector<16x128xf32>
    %get3A_2459 = arith.constant 0 : index
    %get3A_2460 = arith.constant 245 : index
    %get3A_2461 = arith.constant 0 : index
    %get3A_2462 = vector.load %arg3[%get3A_2459, %get3A_2460, %get3A_2461] : memref<16x256x128xf32, #tpu.memory_space<vmem>>, vector<16x1x128xf32>
    %get3A_2463 = vector.shape_cast %get3A_2462 : vector<16x1x128xf32> to vector<16x128xf32>
    %add3A_2464 = arith.addf %slice3A_2458, %get3A_2463 : vector<16x128xf32>
    %swap3A_2465 = arith.constant 0 : index
    %swap3A_2466 = arith.constant 31360 : index
    %swap3A_2467 = vector.load %arg5[%swap3A_2465, %swap3A_2466] : memref<16x32768xf32, #tpu.memory_space<vmem>>, vector<16x128xf32>
    tpu.vector_store %arg5[%swap3A_2465, %swap3A_2466], %add3A_2464 {strides = array<i32>} : memref<16x32768xf32, #tpu.memory_space<vmem>>, vector<16x128xf32>,
    %slice3A_2468 = vector.extract_strided_slice %add3A_9 {offsets = [0, 31488], sizes = [16, 128], strides = [1, 1]} : vector<16x32768xf32> to vector<16x128xf32>
    %get3A_2469 = arith.constant 0 : index
    %get3A_2470 = arith.constant 246 : index
    %get3A_2471 = arith.constant 0 : index
    %get3A_2472 = vector.load %arg3[%get3A_2469, %get3A_2470, %get3A_2471] : memref<16x256x128xf32, #tpu.memory_space<vmem>>, vector<16x1x128xf32>
    %get3A_2473 = vector.shape_cast %get3A_2472 : vector<16x1x128xf32> to vector<16x128xf32>
    %add3A_2474 = arith.addf %slice3A_2468, %get3A_2473 : vector<16x128xf32>
    %swap3A_2475 = arith.constant 0 : index
    %swap3A_2476 = arith.constant 31488 : index
    %swap3A_2477 = vector.load %arg5[%swap3A_2475, %swap3A_2476] : memref<16x32768xf32, #tpu.memory_space<vmem>>, vector<16x128xf32>
    tpu.vector_store %arg5[%swap3A_2475, %swap3A_2476], %add3A_2474 {strides = array<i32>} : memref<16x32768xf32, #tpu.memory_space<vmem>>, vector<16x128xf32>,
    %slice3A_2478 = vector.extract_strided_slice %add3A_9 {offsets = [0, 31616], sizes = [16, 128], strides = [1, 1]} : vector<16x32768xf32> to vector<16x128xf32>
    %get3A_2479 = arith.constant 0 : index
    %get3A_2480 = arith.constant 247 : index
    %get3A_2481 = arith.constant 0 : index
    %get3A_2482 = vector.load %arg3[%get3A_2479, %get3A_2480, %get3A_2481] : memref<16x256x128xf32, #tpu.memory_space<vmem>>, vector<16x1x128xf32>
    %get3A_2483 = vector.shape_cast %get3A_2482 : vector<16x1x128xf32> to vector<16x128xf32>
    %add3A_2484 = arith.addf %slice3A_2478, %get3A_2483 : vector<16x128xf32>
    %swap3A_2485 = arith.constant 0 : index
    %swap3A_2486 = arith.constant 31616 : index
    %swap3A_2487 = vector.load %arg5[%swap3A_2485, %swap3A_2486] : memref<16x32768xf32, #tpu.memory_space<vmem>>, vector<16x128xf32>
    tpu.vector_store %arg5[%swap3A_2485, %swap3A_2486], %add3A_2484 {strides = array<i32>} : memref<16x32768xf32, #tpu.memory_space<vmem>>, vector<16x128xf32>,
    %slice3A_2488 = vector.extract_strided_slice %add3A_9 {offsets = [0, 31744], sizes = [16, 128], strides = [1, 1]} : vector<16x32768xf32> to vector<16x128xf32>
    %get3A_2489 = arith.constant 0 : index
    %get3A_2490 = arith.constant 248 : index
    %get3A_2491 = arith.constant 0 : index
    %get3A_2492 = vector.load %arg3[%get3A_2489, %get3A_2490, %get3A_2491] : memref<16x256x128xf32, #tpu.memory_space<vmem>>, vector<16x1x128xf32>
    %get3A_2493 = vector.shape_cast %get3A_2492 : vector<16x1x128xf32> to vector<16x128xf32>
    %add3A_2494 = arith.addf %slice3A_2488, %get3A_2493 : vector<16x128xf32>
    %swap3A_2495 = arith.constant 0 : index
    %swap3A_2496 = arith.constant 31744 : index
    %swap3A_2497 = vector.load %arg5[%swap3A_2495, %swap3A_2496] : memref<16x32768xf32, #tpu.memory_space<vmem>>, vector<16x128xf32>
    tpu.vector_store %arg5[%swap3A_2495, %swap3A_2496], %add3A_2494 {strides = array<i32>} : memref<16x32768xf32, #tpu.memory_space<vmem>>, vector<16x128xf32>,
    %slice3A_2498 = vector.extract_strided_slice %add3A_9 {offsets = [0, 31872], sizes = [16, 128], strides = [1, 1]} : vector<16x32768xf32> to vector<16x128xf32>
    %get3A_2499 = arith.constant 0 : index
    %get3A_2500 = arith.constant 249 : index
    %get3A_2501 = arith.constant 0 : index
    %get3A_2502 = vector.load %arg3[%get3A_2499, %get3A_2500, %get3A_2501] : memref<16x256x128xf32, #tpu.memory_space<vmem>>, vector<16x1x128xf32>
    %get3A_2503 = vector.shape_cast %get3A_2502 : vector<16x1x128xf32> to vector<16x128xf32>
    %add3A_2504 = arith.addf %slice3A_2498, %get3A_2503 : vector<16x128xf32>
    %swap3A_2505 = arith.constant 0 : index
    %swap3A_2506 = arith.constant 31872 : index
    %swap3A_2507 = vector.load %arg5[%swap3A_2505, %swap3A_2506] : memref<16x32768xf32, #tpu.memory_space<vmem>>, vector<16x128xf32>
    tpu.vector_store %arg5[%swap3A_2505, %swap3A_2506], %add3A_2504 {strides = array<i32>} : memref<16x32768xf32, #tpu.memory_space<vmem>>, vector<16x128xf32>,
    %slice3A_2508 = vector.extract_strided_slice %add3A_9 {offsets = [0, 32000], sizes = [16, 128], strides = [1, 1]} : vector<16x32768xf32> to vector<16x128xf32>
    %get3A_2509 = arith.constant 0 : index
    %get3A_2510 = arith.constant 250 : index
    %get3A_2511 = arith.constant 0 : index
    %get3A_2512 = vector.load %arg3[%get3A_2509, %get3A_2510, %get3A_2511] : memref<16x256x128xf32, #tpu.memory_space<vmem>>, vector<16x1x128xf32>
    %get3A_2513 = vector.shape_cast %get3A_2512 : vector<16x1x128xf32> to vector<16x128xf32>
    %add3A_2514 = arith.addf %slice3A_2508, %get3A_2513 : vector<16x128xf32>
    %swap3A_2515 = arith.constant 0 : index
    %swap3A_2516 = arith.constant 32000 : index
    %swap3A_2517 = vector.load %arg5[%swap3A_2515, %swap3A_2516] : memref<16x32768xf32, #tpu.memory_space<vmem>>, vector<16x128xf32>
    tpu.vector_store %arg5[%swap3A_2515, %swap3A_2516], %add3A_2514 {strides = array<i32>} : memref<16x32768xf32, #tpu.memory_space<vmem>>, vector<16x128xf32>,
    %slice3A_2518 = vector.extract_strided_slice %add3A_9 {offsets = [0, 32128], sizes = [16, 128], strides = [1, 1]} : vector<16x32768xf32> to vector<16x128xf32>
    %get3A_2519 = arith.constant 0 : index
    %get3A_2520 = arith.constant 251 : index
    %get3A_2521 = arith.constant 0 : index
    %get3A_2522 = vector.load %arg3[%get3A_2519, %get3A_2520, %get3A_2521] : memref<16x256x128xf32, #tpu.memory_space<vmem>>, vector<16x1x128xf32>
    %get3A_2523 = vector.shape_cast %get3A_2522 : vector<16x1x128xf32> to vector<16x128xf32>
    %add3A_2524 = arith.addf %slice3A_2518, %get3A_2523 : vector<16x128xf32>
    %swap3A_2525 = arith.constant 0 : index
    %swap3A_2526 = arith.constant 32128 : index
    %swap3A_2527 = vector.load %arg5[%swap3A_2525, %swap3A_2526] : memref<16x32768xf32, #tpu.memory_space<vmem>>, vector<16x128xf32>
    tpu.vector_store %arg5[%swap3A_2525, %swap3A_2526], %add3A_2524 {strides = array<i32>} : memref<16x32768xf32, #tpu.memory_space<vmem>>, vector<16x128xf32>,
    %slice3A_2528 = vector.extract_strided_slice %add3A_9 {offsets = [0, 32256], sizes = [16, 128], strides = [1, 1]} : vector<16x32768xf32> to vector<16x128xf32>
    %get3A_2529 = arith.constant 0 : index
    %get3A_2530 = arith.constant 252 : index
    %get3A_2531 = arith.constant 0 : index
    %get3A_2532 = vector.load %arg3[%get3A_2529, %get3A_2530, %get3A_2531] : memref<16x256x128xf32, #tpu.memory_space<vmem>>, vector<16x1x128xf32>
    %get3A_2533 = vector.shape_cast %get3A_2532 : vector<16x1x128xf32> to vector<16x128xf32>
    %add3A_2534 = arith.addf %slice3A_2528, %get3A_2533 : vector<16x128xf32>
    %swap3A_2535 = arith.constant 0 : index
    %swap3A_2536 = arith.constant 32256 : index
    %swap3A_2537 = vector.load %arg5[%swap3A_2535, %swap3A_2536] : memref<16x32768xf32, #tpu.memory_space<vmem>>, vector<16x128xf32>
    tpu.vector_store %arg5[%swap3A_2535, %swap3A_2536], %add3A_2534 {strides = array<i32>} : memref<16x32768xf32, #tpu.memory_space<vmem>>, vector<16x128xf32>,
    %slice3A_2538 = vector.extract_strided_slice %add3A_9 {offsets = [0, 32384], sizes = [16, 128], strides = [1, 1]} : vector<16x32768xf32> to vector<16x128xf32>
    %get3A_2539 = arith.constant 0 : index
    %get3A_2540 = arith.constant 253 : index
    %get3A_2541 = arith.constant 0 : index
    %get3A_2542 = vector.load %arg3[%get3A_2539, %get3A_2540, %get3A_2541] : memref<16x256x128xf32, #tpu.memory_space<vmem>>, vector<16x1x128xf32>
    %get3A_2543 = vector.shape_cast %get3A_2542 : vector<16x1x128xf32> to vector<16x128xf32>
    %add3A_2544 = arith.addf %slice3A_2538, %get3A_2543 : vector<16x128xf32>
    %swap3A_2545 = arith.constant 0 : index
    %swap3A_2546 = arith.constant 32384 : index
    %swap3A_2547 = vector.load %arg5[%swap3A_2545, %swap3A_2546] : memref<16x32768xf32, #tpu.memory_space<vmem>>, vector<16x128xf32>
    tpu.vector_store %arg5[%swap3A_2545, %swap3A_2546], %add3A_2544 {strides = array<i32>} : memref<16x32768xf32, #tpu.memory_space<vmem>>, vector<16x128xf32>,
    %slice3A_2548 = vector.extract_strided_slice %add3A_9 {offsets = [0, 32512], sizes = [16, 128], strides = [1, 1]} : vector<16x32768xf32> to vector<16x128xf32>
    %get3A_2549 = arith.constant 0 : index
    %get3A_2550 = arith.constant 254 : index
    %get3A_2551 = arith.constant 0 : index
    %get3A_2552 = vector.load %arg3[%get3A_2549, %get3A_2550, %get3A_2551] : memref<16x256x128xf32, #tpu.memory_space<vmem>>, vector<16x1x128xf32>
    %get3A_2553 = vector.shape_cast %get3A_2552 : vector<16x1x128xf32> to vector<16x128xf32>
    %add3A_2554 = arith.addf %slice3A_2548, %get3A_2553 : vector<16x128xf32>
    %swap3A_2555 = arith.constant 0 : index
    %swap3A_2556 = arith.constant 32512 : index
    %swap3A_2557 = vector.load %arg5[%swap3A_2555, %swap3A_2556] : memref<16x32768xf32, #tpu.memory_space<vmem>>, vector<16x128xf32>
    tpu.vector_store %arg5[%swap3A_2555, %swap3A_2556], %add3A_2554 {strides = array<i32>} : memref<16x32768xf32, #tpu.memory_space<vmem>>, vector<16x128xf32>,
    %slice3A_2558 = vector.extract_strided_slice %add3A_9 {offsets = [0, 32640], sizes = [16, 128], strides = [1, 1]} : vector<16x32768xf32> to vector<16x128xf32>
    %get3A_2559 = arith.constant 0 : index
    %get3A_2560 = arith.constant 255 : index
    %get3A_2561 = arith.constant 0 : index
    %get3A_2562 = vector.load %arg3[%get3A_2559, %get3A_2560, %get3A_2561] : memref<16x256x128xf32, #tpu.memory_space<vmem>>, vector<16x1x128xf32>
    %get3A_2563 = vector.shape_cast %get3A_2562 : vector<16x1x128xf32> to vector<16x128xf32>
    %add3A_2564 = arith.addf %slice3A_2558, %get3A_2563 : vector<16x128xf32>
    %swap3A_2565 = arith.constant 0 : index
    %swap3A_2566 = arith.constant 32640 : index
    %swap3A_2567 = vector.load %arg5[%swap3A_2565, %swap3A_2566] : memref<16x32768xf32, #tpu.memory_space<vmem>>, vector<16x128xf32>
    tpu.vector_store %arg5[%swap3A_2565, %swap3A_2566], %add3A_2564 {strides = array<i32>} : memref<16x32768xf32, #tpu.memory_space<vmem>>, vector<16x128xf32>,
    return
  }
  func.func @transform_0(%arg0: i32) -> (i32, i32) {
    %c0_i32 = arith.constant 0 : i32
    %c0_i32_0 = arith.constant 0 : i32
    %c0_i32_1 = arith.constant 0 : i32
    return %c0_i32, %c0_i32_0 : i32, i32
  }
  func.func @transform_1(%arg0: i32) -> (i32, i32) {
    %c0_i32 = arith.constant 0 : i32
    %c0_i32_0 = arith.constant 0 : i32
    return %c0_i32, %arg0 : i32, i32
  }
  func.func @transform_2(%arg0: i32) -> (i32, i32, i32) {
    %c0_i32 = arith.constant 0 : i32
    %c0_i32_0 = arith.constant 0 : i32
    %c0_i32_1 = arith.constant 0 : i32
    return %c0_i32, %arg0, %c0_i32_0 : i32, i32, i32
  }
  func.func @transform_3(%arg0: i32) -> (i32, i32) {
    %c0_i32 = arith.constant 0 : i32
    %c0_i32_0 = arith.constant 0 : i32
    %c0_i32_1 = arith.constant 0 : i32
    return %c0_i32, %c0_i32_0 : i32, i32
  }
  func.func @transform_4(%arg0: i32) -> (i32, i32) {
    %c0_i32 = arith.constant 0 : i32
    %c0_i32_0 = arith.constant 0 : i32
    return %c0_i32, %arg0 : i32, i32
  }
}

</mosaic_0001>

<sc_bundles>
// kernel: kernel.5.cloned.1.call-start
scs
__scs_entry_jumppad:
0x0: {  	(pc) =	sbr.rel $0x88, $3  }
0x1: {  	(tag) =	ssettag $0x0;
	lr =	simm.s32 $0x1  }
0x2: {  	[smem:$0x3F9C] =	sst lr;
	_ =	strace $0xD0000000  }
0x3: {  	_ = 	snop  }
0x4: {  	_ = 	snop  }
0x5: {  	_ = 	snop  }
0x6: {  	_ = 	snop  }
0x7: {  	_ = 	snop  }
__scs_overlays_trampoline_lowered:
0x8: {  	[smem:$0x3FAB] =	sst s0  }
0x9: {  	[smem:$0x3FAC] =	sst s1  }
0xa: {  	[smem:$0x3FAD] =	sst s2  }
0xb: {  	[smem:$0x3FAE] =	sst s3  }
0xc: {  	[smem:$0x3FAF] =	sst s4  }
0xd: {  	[smem:$0x3FB0] =	sst s5  }
0xe: {  	[smem:$0x3FB1] =	sst s6  }
0xf: {  	[smem:$0x3FB2] =	sst s7  }
0x10: {  	[smem:$0x3FB3] =	sst s8  }
0x11: {  	[smem:$0x3FB4] =	sst s9;
	s0 =	simm.s32 @!p0 $0x0  }
0x12: {  	s1 =	sld [smem:$0x3F9A];
	s0 =	simm.s32 @p0 $0x1  }
0x13: {  	[smem:$0x3FB5] =	sst s0;
	s0 =	simm.s32 @!p1 $0x0  }
0x14: {  	s2 =	sld [smem:$0x3F99];
	s0 =	simm.s32 @p1 $0x1  }
0x15: {  	[smem:$0x3FB6] =	sst s0;
	s0 =	simm.s32 @!p2 $0x0  }
0x16: {  	s3 =	sld [smem:$0x3FDB];
	s0 =	simm.s32 @p2 $0x1  }
0x17: {  	s4 =	simm.s32 $0x1BF5;
	[smem:$0x3FB8] =	sst s0  }
0x18: {  	s0 =	sld [smem:$0x3F9B];
	_ =	swait.ge [sflag:s4], $0x0  }
0x19: {  	s7 =	sld [smem:$0x3F9C]  }
0x1a: {  	s8 =	sadd.s32 $0xFFFFE003, lr  }
0x1b: {  	s9 =	sadd.s32 $0xFFFFFEF7, lr;
	s5 =	simm.s32 $0xFFFFFFFF;
	p2 =	slt.u32 s8, $0xFFFFF086  }
0x1c: {  	p1 =	slt.u32 s9, $0xF7A;
	s5 =	simm.s32 @!p2 $0x0  }
0x1d: {  	s5 =	simm.s32 @p1 $0x1;
	p0 =	seq.s32 s7, s2  }
0x1e: {  	s7 =	smul.u32 @!p0 $0xF7A, s2;
	p2 =	seq.s32 @!p0 s5, $0x0  }
0x1f: {  	s9 =	smul.u32 $0xF7A, s1;
	s8 =	simm.s32 @!p0 $0x1BF5;
	p2 =	por !p2, p0  }
0x20: {  	[sflag:s8] =	ssyncset.s32 @!p0 $0xFFFFF086;
	s6 =	sadd.s32 @!p0 s3, s7;
	s7 =	simm.s32 @!p0 $0x108  }
0x21: {  	s3 =	sadd.s32 s3, s9;
	s6 =	sadd.s32 @!p0 $0x88, s6;
	s7 =	simm.s32 @p2 $0x1082  }
0x22: {  	[simem:s7], [sflag:s8] =	dma.local @!p0 [hbm:s6], $0xF7A  }
0x23: {  	s9 =	sor.u32 $0xD0000000, s2;
	s6 =	simm.s32 $0x108;
	_ =	swait.ge @!p0 [sflag:s8], $0x0  }
0x24: {  	s3 =	sadd.s32 $0x88, s3;
	s6 =	simm.s32 @!p1 $0x1082;
	[sflag:s4] =	ssyncset.s32 $0xFFFFF086  }
0x25: {  	[simem:s6], [sflag:s4] =	dma.local [hbm:s3], $0xF7A  }
0x26: {  	[smem:$0x3F9C] =	sst s1;
	(tag) =	ssettag s2;
	_ =	strace s9  }
0x27: {  	s1 =	sld [smem:$0x3FAC]  }
0x28: {  	s2 =	sld [smem:$0x3FAD]  }
0x29: {  	s4 =	sld [smem:$0x3FAF]  }
0x2a: {  	p0 =	seq.s32 s5, $0x0;
	s5 =	sld [smem:$0x3FB0]  }
0x2b: {  	s6 =	sld [smem:$0x3FB1]  }
0x2c: {  	s7 =	sld [smem:$0x3FB2]  }
0x2d: {  	s3 =	simm.s32 $0x108;
	s8 =	sld [smem:$0x3FB3]  }
0x2e: {  	s3 =	simm.s32 @!p0 $0x1082;
	s9 =	sld [smem:$0x3FB4]  }
0x2f: {  	lr =	sadd.s32 s0, s3;
	s0 =	sld [smem:$0x3FAB]  }
0x30: {  	s3 =	sld [smem:$0x3FAE]  }
0x31: {  	[smem:$0x3FB7] =	sst s10  }
0x32: {  	s10 =	sld [smem:$0x3FB5];
	_ =	sdelay $0x3  }
0x33: {  	p0 =	seq.s32 s10, $0x1;
	s10 =	sld [smem:$0x3FB7];
	_ =	sdelay $0x3  }
0x34: {  	[smem:$0x3FB7] =	sst s10  }
0x35: {  	s10 =	sld [smem:$0x3FB6];
	_ =	sdelay $0x3  }
0x36: {  	p1 =	seq.s32 s10, $0x1;
	s10 =	sld [smem:$0x3FB7];
	_ =	sdelay $0x3  }
0x37: {  	[smem:$0x3FB7] =	sst s10  }
0x38: {  	s10 =	sld [smem:$0x3FB8]  }
0x39: {  	_ = 	snop;
	(pc) =	sbr.ind lr, $3  }
0x3a: {  	_ = 	snop  }
0x3b: {  	_ = 	snop  }
0x3c: {  	p2 =	seq.s32 s10, $0x1;
	s10 =	sld [smem:$0x3FB7]  }
0x3d: {  	_ =	shalt  }
0x3e: {  	_ =	shalt  }
0x3f: {  	_ =	shalt  }
0x40: {  	_ =	shalt  }
0x41: {  	_ =	shalt  }
0x42: {  	_ =	shalt  }
0x43: {  	_ =	shalt  }
0x44: {  	_ =	shalt  }
0x45: {  	_ =	shalt  }
0x46: {  	_ =	shalt  }
0x47: {  	_ =	shalt  }
0x48: {  	_ =	shalt  }
0x49: {  	_ =	shalt  }
0x4a: {  	_ =	shalt  }
0x4b: {  	_ =	shalt  }
0x4c: {  	_ =	shalt  }
0x4d: {  	_ =	shalt  }
0x4e: {  	_ =	shalt  }
0x4f: {  	_ =	shalt  }
0x50: {  	_ =	shalt  }
0x51: {  	_ =	shalt  }
0x52: {  	_ =	shalt  }
0x53: {  	_ =	shalt  }
0x54: {  	_ =	shalt  }
0x55: {  	_ =	shalt  }
0x56: {  	_ =	shalt  }
0x57: {  	_ =	shalt  }
0x58: {  	_ =	shalt  }
0x59: {  	_ =	shalt  }
0x5a: {  	_ =	shalt  }
0x5b: {  	_ =	shalt  }
0x5c: {  	_ =	shalt  }
0x5d: {  	_ =	shalt  }
0x5e: {  	_ =	shalt  }
0x5f: {  	_ =	shalt  }
0x60: {  	_ =	shalt  }
0x61: {  	_ =	shalt  }
0x62: {  	_ =	shalt  }
0x63: {  	_ =	shalt  }
0x64: {  	_ =	shalt  }
0x65: {  	_ =	shalt  }
0x66: {  	_ =	shalt  }
0x67: {  	_ =	shalt  }
0x68: {  	_ =	shalt  }
0x69: {  	_ =	shalt  }
0x6a: {  	_ =	shalt  }
0x6b: {  	_ =	shalt  }
0x6c: {  	_ =	shalt  }
0x6d: {  	_ =	shalt  }
0x6e: {  	_ =	shalt  }
0x6f: {  	_ =	shalt  }
0x70: {  	_ =	shalt  }
0x71: {  	_ =	shalt  }
0x72: {  	_ =	shalt  }
0x73: {  	_ =	shalt  }
0x74: {  	_ =	shalt  }
0x75: {  	_ =	shalt  }
0x76: {  	_ =	shalt  }
0x77: {  	_ =	shalt  }
0x78: {  	_ =	shalt  }
0x79: {  	_ =	shalt  }
0x7a: {  	_ =	shalt  }
0x7b: {  	_ =	shalt  }
0x7c: {  	_ =	shalt  }
0x7d: {  	_ =	shalt  }
0x7e: {  	_ =	shalt  }
0x7f: {  	_ =	shalt  }
0x80: {  	_ =	shalt  }
0x81: {  	_ =	shalt  }
0x82: {  	_ =	shalt  }
0x83: {  	_ =	shalt  }
0x84: {  	_ =	shalt  }
0x85: {  	_ =	shalt  }
0x86: {  	_ =	shalt  }
0x87: {  	_ =	shalt  }
.Lfunc_end0:
.L_simem_size_0:
called_computation_lowered:
.L_overlay_start_0:
0x88: {  	s2 =	sld [smem:$0x3FD9]  }
0x89: {  	s3 =	sld [smem:$0x3FFE];
	_ =	sdelay $0x1  }
0x8a: {  	s1 =	srdreg.scid  }
0x8b: {  	s0 =	sand.u32 $0x1, s1  }
0x8c: {  	s17 =	sshll.u32 s0, $0xA;
	s2 =	sadd.s32 s3, s2  }
0x8d: {  	s2 =	sadd.s32 s2, s17  }
0x8e: {  	[smem:$0x3FC3] =	sst s2  }
0x8f: {  	_ = 	snop  }
0x90: {  	s2 =	sld [smem:$0x3FD0];
	(tm) =	ssettm $0x1  }
0x91: {  	s18 =	sld [smem:$0x3FFB];
	_ =	sdelay $0x3  }
0x92: {  	_ =	strace s18  }
0x93: {  	s3 =	sld [smem:$0x3FFC];
	_ =	sdelay $0x3  }
0x94: {  	_ =	strace s3  }
0x95: {  	s3 =	sld [smem:$0x3FFD];
	_ =	sdelay $0x3  }
0x96: {  	_ =	strace s3  }
0x97: {  	_ =	strace $0x8FFFFFFF  }
0x98: {  	s19 =	sld [smem:$0x3FDB];
	_ =	sdelay $0x1  }
0x99: {  	s4 =	simm.s32 $_scs_section_size  }
0x9a: {  	s5 =	simm.s32 $_size__tile_overlayer_lowered;
	s6 =	simm.s32 $_tile_overlayer_lowered  }
0x9b: {  	s22 =	simm.s32 $0x1BFF;
	s21 =	sshll.u32 s6, $0x1;
	s3 =	sadd.s32 s4, s19  }
0x9c: {  	s7 =	simm.s32 $0x0;
	s20 =	sshll.u32 s5, $0x1;
	s5 =	sadd.s32 s21, s3  }
0x9d: {  	[timem:s7], [sflag:s22] =	dma.local [hbm:s5], s20  }
0x9e: {  	_ =	swait.ge [sflag:s22], s20  }
0x9f: {  	s4 =	ssub.s32 $0x0, s20;
	[sflag:s22] =	ssyncset.done $0x0  }
0xa0: {  	[sflag:s22] =	ssyncadd.s32 s4;
	_ =	sdelay $0x1  }
0xa1: {  	s23 =	simm.s32 $0x1B8B  }
0xa2: {  	_ =	swait.ge [sflag:s23], $0x1  }
0xa3: {  	[sflag:s23] =	ssyncset.done $0x0  }
0xa4: {  	s25 =	simm.s32 $0x1B8E;
	s24 =	sld [smem:$0x3FFE];
	[sflag:s23] =	ssyncadd.s32 $0xFFFFFFFF  }
0xa5: {  	s26 =	simm.s32 $execute0_lowered;
	[smem:$0x3FD2] =	sst s25  }
0xa6: {  	s5 =	sshll.u32 s26, $0x1;
	_ =	strace $0x80000046;
	[dreg:$0x1] =	wrdreg $0xFFFFFFFF  }
0xa7: {  	s28 =	simm.s32 $_size_execute0_lowered;
	s3 =	sadd.s32 s3, s5;
	[dreg:$0x0] =	wrdreg $0x0  }
0xa8: {  	s5 =	sshll.u32 s28, $0x1;
	[dreg:$0x2] =	wrdreg s3  }
0xa9: {  	[dreg:$0x3] =	wrdreg s5  }
0xaa: {  	[dreg:$0x4] =	wrdreg $0xC0  }
0xab: {  	_ =	task [dreg:s7], $0x5FFFF  }
0xac: {  	[dreg:$0x1] =	wrdreg $0xFFFFFFFF  }
0xad: {  	[dreg:$0x0] =	wrdreg $0x60  }
0xae: {  	[dreg:$0x2] =	wrdreg s24  }
0xaf: {  	[dreg:$0x3] =	wrdreg s2  }
0xb0: {  	[dreg:$0x4] =	wrdreg $0x9  }
0xb1: {  	_ =	task.clear_ibuf [dreg:s7], $0x5FFFF;
	_ =	strace $0x90000046  }
0xb2: {  	s29 =	simm.s32 $0x9;
	_ =	strace $0x80000048  }
0xb3: {  	_ =	swait.ge [sflag:s29], $0x1  }
0xb4: {  	[sflag:s29] =	ssyncadd.s32 $0xFFFFFFFF  }
0xb5: {  	_ =	strace $0x90000048  }
0xb6: {  	_ =	sfence  }
0xb7: {  	s30 =	sld [smem:$0x0];
	_ =	sdelay $0x2  }
0xb8: {  	s31 =	sshll.u32 s1, $0xD;
	s1 =	sshrl.u32 s1, $0x2  }
0xb9: {  	s3 =	sand.u32 $0x4000, s31;
	s1 =	sadd.s32 s1, s30  }
0xba: {  	s0 =	sor.u32 s3, s0;
	s1 =	sshll.u32 s1, $0x11  }
0xbb: {  	s0 =	sor.u32 s1, s0  }
0xbc: {  	s0 =	sadd.s32 $0x8F2B, s0  }
0xbd: {  	[sflag:s0] =	ssyncadd.remote.s32 $0x1  }
0xbe: {  	_ =	sfence.sel $0xFFFF  }
0xbf: {  	[dreg:$0x0] =	wrdreg $0xFFFFFFFF;
	(pc) =	sbr.abs _section_cstart, $3  }
0xc0: {  	[dreg:$0x1] =	wrdreg $0xFFFFFFFF  }
0xc1: {  	_ =	task.clear_ibuf [dreg:s7], $0x2FFFF;
	_ =	strace $0x9FFFFFFF  }
0xc2: {  	(tm) =	ssettm $0x7FFFFFFF  }
0xc3: {  	_ =	shalt  }
tec
execute0_lowered:
.L_overlay_start_1:
0x0: {  	(tag) =	ssettag $0x1  }
0x1: {  	s0 =	srdreg.scid;
	s1 =	stileid.u32  }
0x2: {  	s0 =	sand.u32 $0x1, s0;
	s1 =	sshll.u32 s1, $0x1  }
0x3: {  	s3 =	rddreg [dreg:$0x0];
	s2 =	sor.u32 s0, s1  }
0x4: {  	s4 =	rddreg [dreg:$0x1];
	s2 =	smul.u32 $0x2710, s2  }
0x5: {  	s5 =	sadd.s32 $0x1800, s3;
	s6 =	sadd.s32 $0x15600, s3;
	s0 =	ssub.s32 $0x2, s0  }
0x6: {  	s1 =	simm.s32 $0x0;
	s7 =	sshrl.u32 s0, $0x1;
	s8 =	sadd.s32 $0x3E8, s2  }
0x7: {  	[smem:$0x7FF] =	sst s1;
	s7 =	ssub.s32 s0, s7;
	s8 =	sshrl.u32 s8, $0x3  }
0x8: {  	s0 =	sshrl.u32 s2, $0x3;
	s10 =	sadd.s32 $0xBB8, s2;
	s9 =	sadd.s32 s5, s8  }
0x9: {  	s20 =	sadd.s32 $0xFA, s0;
	s11 =	sadd.s32 s4, s8;
	[dreg:$0x3] =	wrdreg s9  }
0xa: {  	s26 =	sadd.s32 $0x1388, s2;
	s21 =	sadd.s32 s5, s20;
	[dreg:$0x4] =	wrdreg s11  }
0xb: {  	s17 =	sadd.s32 $0x1B58, s2;
	s22 =	sadd.s32 s4, s20;
	[dreg:$0x5] =	wrdreg s21  }
0xc: {  	s10 =	sshrl.u32 s10, $0x3;
	s8 =	sadd.s32 s6, s8;
	[dreg:$0x6] =	wrdreg s22  }
0xd: {  	s2 =	sadd.s32 $0x2328, s2;
	s23 =	sadd.s32 s5, s10;
	[dreg:$0x7] =	wrdreg s8  }
0xe: {  	s25 =	sadd.s32 $0x1F4, s0;
	s24 =	sadd.s32 s4, s10;
	[dreg:$0x8] =	wrdreg s23  }
0xf: {  	s13 =	sshrl.u32 s26, $0x3;
	s12 =	sadd.s32 s5, s25;
	[dreg:$0x9] =	wrdreg s24  }
0x10: {  	s18 =	sadd.s32 $0x2EE, s0;
	s14 =	sadd.s32 s4, s25;
	[dreg:$0xb] =	wrdreg s12  }
0x11: {  	s2 =	sshrl.u32 s2, $0x3;
	s10 =	sadd.s32 s6, s10;
	[dreg:$0xc] =	wrdreg s14  }
0x12: {  	s15 =	sadd.s32 s5, s13;
	s16 =	sadd.s32 s4, s13;
	[dreg:$0xd] =	wrdreg s10  }
0x13: {  	s19 =	sadd.s32 s5, s18;
	s29 =	sadd.s32 s5, s2;
	[dreg:$0xe] =	wrdreg s15  }
0x14: {  	s31 =	sadd.s32 s4, s2;
	s9 =	sadd.s32 s6, s20;
	[dreg:$0xf] =	wrdreg s16  }
0x15: {  	s8 =	sadd.s32 s6, s25;
	[dreg:$0x12] =	wrdreg s19;
	s20 =	sadd.s32 s4, s18  }
0x16: {  	s21 =	sadd.s32 s6, s18;
	s22 =	sadd.s32 s5, s0;
	s23 =	sadd.s32 s4, s0  }
0x17: {  	s24 =	sadd.s32 s6, s0;
	s0 =	sadd.s32 $0x3E8, s0;
	[dreg:$0xa] =	wrdreg s9  }
0x18: {  	s10 =	simm.s32 $0xBB8;
	s11 =	simm.s32 $0x5;
	[dreg:$0x10] =	wrdreg s8  }
0x19: {  	s12 =	simm.s32 $0x2;
	s14 =	simm.s32 $0xCB20;
	[dreg:$0x13] =	wrdreg s20  }
0x1a: {  	s15 =	simm.s32 $0x109A0;
	s16 =	simm.s32 $0x50000;
	[dreg:$0x14] =	wrdreg s21  }
0x1b: {  	s18 =	simm.s32 $0x4;
	s19 =	simm.s32 $0x6;
	[dreg:$0x15] =	wrdreg s22  }
0x1c: {  	s9 =	sadd.s32 s6, s13;
	s8 =	sshrl.u32 s17, $0x3;
	[dreg:$0x16] =	wrdreg s23  }
0x1d: {  	[dreg:$0x17] =	wrdreg s24;
	s28 =	sadd.s32 s5, s0;
	s30 =	sadd.s32 s4, s0  }
0x1e: {  	s13 =	simm.s32 $0x4E20;
	s17 =	simm.s32 $0x7;
	s20 =	simm.s32 $0x0  }
0x1f: {  	[dreg:$0x11] =	wrdreg s9;
	s25 =	sadd.s32 s5, s8;
	s26 =	sadd.s32 s4, s8  }
0x20: {  	s8 =	sadd.s32 s6, s8;
	s4 =	smax.u32 s7, $0x1;
	[dreg:$0x18] =	wrdreg s25  }
0x21: {  	s5 =	simm.s32 $0x7D0;
	s7 =	simm.s32 $0x3E8;
	[dreg:$0x19] =	wrdreg s26  }
0x22: {  	s9 =	simm.s32 $0x8CA0;
	[dreg:$0x1a] =	wrdreg s8;
	s26 =	sadd.s32 s6, s0  }
0x23: {  	v0 =	vlaneseq.u32;
	s0 =	sadd.s32 s6, s2;
	s2 =	sadd.s32 $0xB600, s3;
	s3 =	sadd.s32 $0x10600, s3  }
0x24: {  	v0 =	vmul.u32 $0x3E8, v0;
	s6 =	simm.s32 $0x1;
	s8 =	simm.s32 $0xFA0;
	_ =	strace $0x80000047  }
.LBB2_1:
0x25: {  	s21 =	rddreg [dreg:$0x15]  }
0x26: {  	[tilespmem:s1], [sflag:$0x1] =	stream.linear.gather [hbm4b:s21+s1], $0x3E8, $0x38;
	[tilespmem:$0x14820] =	vst v63  }
0x27: {  	s22 =	rddreg [dreg:$0x16]  }
0x28: {  	[tilespmem:s5], [sflag:$0x1] =	stream.linear.gather [hbm4b:s22+s1], $0x3E8, $0x38;
	[tilespmem:$0x14820] =	vst v63  }
0x29: {  	_ =	swait.ge [sflag:s6], $0x3E8  }
0x2a: {  	[sflag:s6] =	ssyncset.done $0x0  }
0x2b: {  	[sflag:s6] =	ssyncadd.s32 $0xFFFFFC18  }
0x2c: {  	_ =	swait.ge [sflag:s6], $0x3E8  }
0x2d: {  	[sflag:s6] =	ssyncset.done $0x0  }
0x2e: {  	[sflag:s6] =	ssyncadd.s32 $0xFFFFFC18  }
0x2f: {  	[tilespmem:s8], [sflag:$0x3] =	stream.indirect.gather [hbm4b:s2+s7], $0x10, s1, s7, $0xb8;
	[tilespmem:$0x14820] =	vst v63  }
0x30: {  	_ = 	snop  }
0x31: {  	[tilespmem:s9], [sflag:$0x5] =	stream.indirect.gather [hbm4b:s3+s7], $0x10, s5, s7, $0xb8;
	[tilespmem:$0x14820] =	vst v63  }
0x32: {  	s23 =	rddreg [dreg:$0x3]  }
0x33: {  	[tilespmem:s7], [sflag:$0x2] =	stream.linear.gather [hbm4b:s23+s1], $0x3E8, $0x38;
	[tilespmem:$0x14820] =	vst v63  }
0x34: {  	s24 =	rddreg [dreg:$0x4];
	s23 =	simm.s32 $0x3  }
0x35: {  	[tilespmem:s10], [sflag:$0x2] =	stream.linear.gather [hbm4b:s24+s1], $0x3E8, $0x38;
	[tilespmem:$0x14820] =	vst v63  }
0x36: {  	_ =	swait.ge [sflag:s23], $0x3E80  }
0x37: {  	[sflag:s23] =	ssyncset.done $0x0  }
0x38: {  	[sflag:s23] =	ssyncadd.s32 $0xFFFFC180  }
0x39: {  	_ =	swait.ge [sflag:s11], $0x3E80  }
0x3a: {  	[sflag:s11] =	ssyncset.done $0x0  }
0x3b: {  	[sflag:s11] =	ssyncadd.s32 $0xFFFFC180  }
0x3c: {  	_ =	swait.ge [sflag:s12], $0x3E8  }
0x3d: {  	[sflag:s12] =	ssyncset.done $0x0  }
0x3e: {  	[sflag:s12] =	ssyncadd.s32 $0xFFFFFC18  }
0x3f: {  	_ =	swait.ge [sflag:s12], $0x3E8  }
0x40: {  	[sflag:s12] =	ssyncset.done $0x0  }
0x41: {  	[sflag:s12] =	ssyncadd.s32 $0xFFFFFC18  }
0x42: {  	[tilespmem:s13], [sflag:$0x4] =	stream.indirect.gather [hbm4b:s2+s7], $0x10, s7, s7, $0xb8;
	[tilespmem:$0x14820] =	vst v63  }
0x43: {  	s21 =	simm.s32 $0x8CC0  }
0x44: {  	[tilespmem:s14], [sflag:$0x6] =	stream.indirect.gather [hbm4b:s3+s7], $0x10, s10, s7, $0xb8;
	[tilespmem:$0x14820] =	vst v63  }
0x45: {  	s22 =	simm.s32 $0xFC0;
	s24 =	simm.s32 $0x0;
	v1 =	vld [tilespmem:s21+$0xFFFFFFE0]  }
0x46: {  	v3 =	vmov s24;
	v2 =	vld [tilespmem:s22+$0xFFFFFFE0]  }
0x47: {  	v3 =	vand.u32 $0x3FC, v3  }
0x48: {  	v3 =	vadd.s32 v0, v3;
	_ =	sdelay $0x2  }
0x49: {  	v1 =	vadd.f32 v1, v2;
	_ =	sdelay $0x1  }
0x4a: {  	[tilespmem:v3+s15+$0x0] =	vst.idx.msk $0xffff, v1  }
0x4b: {  	s25 =	simm.s32 $0x1;
	v1 =	vld [tilespmem:s22+$0xFFFFFFF0]  }
0x4c: {  	v2 =	vmov s25;
	v3 =	vld [tilespmem:s21+$0xFFFFFFF0]  }
0x4d: {  	v2 =	vand.u32 $0x3FD, v2  }
0x4e: {  	v2 =	vadd.s32 v0, v2;
	_ =	sdelay $0x2  }
0x4f: {  	v1 =	vadd.f32 v3, v1;
	_ =	sdelay $0x1  }
0x50: {  	[tilespmem:v2+s15+$0x0] =	vst.idx.msk $0xffff, v1  }
0x51: {  	s25 =	simm.s32 $0x2;
	v1 =	vld [tilespmem:s22+$0x0]  }
0x52: {  	v2 =	vmov s25;
	v3 =	vld [tilespmem:s21+$0x0]  }
0x53: {  	v2 =	vand.u32 $0x3FE, v2  }
0x54: {  	v2 =	vadd.s32 v0, v2;
	_ =	sdelay $0x2  }
0x55: {  	v1 =	vadd.f32 v3, v1;
	_ =	sdelay $0x1  }
0x56: {  	v3 =	vmov s23;
	[tilespmem:v2+s15+$0x0] =	vst.idx.msk $0xffff, v1  }
0x57: {  	v1 =	vand.u32 $0x3FF, v3;
	v2 =	vld [tilespmem:s22+$0x10]  }
0x58: {  	s23 =	simm.s32 $0x7;
	v1 =	vadd.s32 v0, v1;
	v3 =	vld [tilespmem:s21+$0x10]  }
.LBB2_2:
0x59: {  	_ =	sdelay $0x2  }
0x5a: {  	p0 =	sne.s32 s23, $0x3E7;
	s21 =	sadd.s32 $0x40, s21;
	s22 =	sadd.s32 $0x40, s22  }
0x5b: {  	s24 =	smov.u32 s23;
	s23 =	sadd.s32 $0x4, s23;
	v2 =	vadd.f32 v3, v2;
	_ =	sdelay $0x1  }
0x5c: {  	[tilespmem:v1+s15+$0x0] =	vst.idx.msk $0xffff, v2  }
0x5d: {  	s25 =	sadd.s32 $0xFFFFFFFD, s24;
	v1 =	vld [tilespmem:s21+$0xFFFFFFE0]  }
0x5e: {  	v3 =	vmov s25;
	v2 =	vld [tilespmem:s22+$0xFFFFFFE0]  }
0x5f: {  	v3 =	vand.u32 $0x3FC, v3  }
0x60: {  	v3 =	vadd.s32 v0, v3;
	_ =	sdelay $0x2  }
0x61: {  	v1 =	vadd.f32 v1, v2;
	_ =	sdelay $0x1  }
0x62: {  	s25 =	sadd.s32 $0xFFFFFFFE, s24;
	[tilespmem:v3+s15+$0x0] =	vst.idx.msk $0xffff, v1  }
0x63: {  	v2 =	vmov s25;
	v1 =	vld [tilespmem:s22+$0xFFFFFFF0]  }
0x64: {  	v2 =	vand.u32 $0x3FD, v2;
	v3 =	vld [tilespmem:s21+$0xFFFFFFF0]  }
0x65: {  	v2 =	vadd.s32 v0, v2;
	_ =	sdelay $0x3  }
0x66: {  	v1 =	vadd.f32 v3, v1  }
0x67: {  	s25 =	sadd.s32 $0xFFFFFFFF, s24  }
0x68: {  	[tilespmem:v2+s15+$0x0] =	vst.idx.msk $0xffff, v1;
	v1 =	vmov s25  }
0x69: {  	v2 =	vld [tilespmem:s22+$0x0];
	v1 =	vand.u32 $0x3FE, v1  }
0x6a: {  	v3 =	vld [tilespmem:s21+$0x0];
	v1 =	vadd.s32 v0, v1;
	_ =	sdelay $0x4  }
.Ltmp0:
0x6b: {  	v2 =	vadd.f32 v3, v2;
	(pc) =	sbr.rel @p0 .LBB2_2-.Ltmp0, $4  }
0x6c: {  	v3 =	vmov s24  }
0x6d: {  	[tilespmem:v1+s15+$0x0] =	vst.idx.msk $0xffff, v2;
	v1 =	vand.u32 $0x3FF, v3  }
0x6e: {  	v2 =	vld [tilespmem:s22+$0x10];
	v1 =	vadd.s32 v0, v1  }
0x6f: {  	v3 =	vld [tilespmem:s21+$0x10]  }
0x70: {  	_ =	sdelay $0x3  }
0x71: {  	v2 =	vadd.f32 v3, v2;
	_ =	sdelay $0x1  }
0x72: {  	s21 =	rddreg [dreg:$0x17];
	[tilespmem:v1+s15+$0x0] =	vst.idx.msk $0xffff, v2  }
0x73: {  	[hbm4b:s21+s7] =	stream.strided.scatter [tilespmem:s15], [sflag:$0x7], $0x3E80, s16, s7, $0x38;
	[tilespmem:$0x14820] =	vst v63  }
0x74: {  	_ =	swait.ge [sflag:s17], $0x3E80  }
0x75: {  	[sflag:s17] =	ssyncset.done $0x0  }
0x76: {  	s23 =	rddreg [dreg:$0x5];
	[sflag:s17] =	ssyncadd.s32 $0xFFFFC180  }
0x77: {  	[tilespmem:s1], [sflag:$0x1] =	stream.linear.gather [hbm4b:s23+s1], $0x3E8, $0x38;
	[tilespmem:$0x14820] =	vst v63  }
0x78: {  	s24 =	rddreg [dreg:$0x6]  }
0x79: {  	[tilespmem:s5], [sflag:$0x1] =	stream.linear.gather [hbm4b:s24+s1], $0x3E8, $0x38;
	[tilespmem:$0x14820] =	vst v63  }
0x7a: {  	_ =	swait.ge [sflag:s18], $0x3E80  }
0x7b: {  	[sflag:s18] =	ssyncset.done $0x0  }
0x7c: {  	[sflag:s18] =	ssyncadd.s32 $0xFFFFC180  }
0x7d: {  	_ =	swait.ge [sflag:s19], $0x3E80  }
0x7e: {  	[sflag:s19] =	ssyncset.done $0x0  }
0x7f: {  	[sflag:s19] =	ssyncadd.s32 $0xFFFFC180  }
0x80: {  	_ =	swait.ge [sflag:s6], $0x3E8  }
0x81: {  	[sflag:s6] =	ssyncset.done $0x0  }
0x82: {  	[sflag:s6] =	ssyncadd.s32 $0xFFFFFC18  }
0x83: {  	_ =	swait.ge [sflag:s6], $0x3E8  }
0x84: {  	[sflag:s6] =	ssyncset.done $0x0  }
0x85: {  	[sflag:s6] =	ssyncadd.s32 $0xFFFFFC18  }
0x86: {  	[tilespmem:s8], [sflag:$0x3] =	stream.indirect.gather [hbm4b:s2+s7], $0x10, s1, s7, $0xb8;
	[tilespmem:$0x14820] =	vst v63  }
0x87: {  	s21 =	simm.s32 $0xCB40  }
0x88: {  	[tilespmem:s9], [sflag:$0x5] =	stream.indirect.gather [hbm4b:s3+s7], $0x10, s5, s7, $0xb8;
	[tilespmem:$0x14820] =	vst v63  }
0x89: {  	s22 =	simm.s32 $0x4E40;
	s23 =	simm.s32 $0x0;
	v1 =	vld [tilespmem:s21+$0xFFFFFFE0]  }
0x8a: {  	v3 =	vmov s23;
	v2 =	vld [tilespmem:s22+$0xFFFFFFE0]  }
0x8b: {  	v3 =	vand.u32 $0x3FC, v3  }
0x8c: {  	v3 =	vadd.s32 v0, v3;
	_ =	sdelay $0x2  }
0x8d: {  	v1 =	vadd.f32 v1, v2;
	_ =	sdelay $0x1  }
0x8e: {  	[tilespmem:v3+s15+$0x0] =	vst.idx.msk $0xffff, v1  }
0x8f: {  	s25 =	simm.s32 $0x1;
	v1 =	vld [tilespmem:s22+$0xFFFFFFF0]  }
0x90: {  	v2 =	vmov s25;
	v3 =	vld [tilespmem:s21+$0xFFFFFFF0]  }
0x91: {  	v2 =	vand.u32 $0x3FD, v2  }
0x92: {  	v2 =	vadd.s32 v0, v2;
	_ =	sdelay $0x2  }
0x93: {  	v1 =	vadd.f32 v3, v1;
	_ =	sdelay $0x1  }
0x94: {  	[tilespmem:v2+s15+$0x0] =	vst.idx.msk $0xffff, v1  }
0x95: {  	s24 =	simm.s32 $0x2;
	v1 =	vld [tilespmem:s22+$0x0]  }
0x96: {  	v2 =	vmov s24;
	v3 =	vld [tilespmem:s21+$0x0]  }
0x97: {  	v2 =	vand.u32 $0x3FE, v2  }
0x98: {  	v2 =	vadd.s32 v0, v2;
	_ =	sdelay $0x2  }
0x99: {  	v1 =	vadd.f32 v3, v1  }
0x9a: {  	s25 =	simm.s32 $0x3  }
0x9b: {  	v3 =	vmov s25;
	[tilespmem:v2+s15+$0x0] =	vst.idx.msk $0xffff, v1  }
0x9c: {  	v1 =	vand.u32 $0x3FF, v3;
	v2 =	vld [tilespmem:s22+$0x10]  }
0x9d: {  	s23 =	simm.s32 $0x7;
	v1 =	vadd.s32 v0, v1;
	v3 =	vld [tilespmem:s21+$0x10]  }
.LBB2_4:
0x9e: {  	_ =	sdelay $0x2  }
0x9f: {  	p0 =	sne.s32 s23, $0x3E7;
	s21 =	sadd.s32 $0x40, s21;
	s22 =	sadd.s32 $0x40, s22  }
0xa0: {  	s24 =	smov.u32 s23;
	s23 =	sadd.s32 $0x4, s23;
	v2 =	vadd.f32 v3, v2;
	_ =	sdelay $0x1  }
0xa1: {  	[tilespmem:v1+s15+$0x0] =	vst.idx.msk $0xffff, v2  }
0xa2: {  	s25 =	sadd.s32 $0xFFFFFFFD, s24;
	v1 =	vld [tilespmem:s21+$0xFFFFFFE0]  }
0xa3: {  	v3 =	vmov s25;
	v2 =	vld [tilespmem:s22+$0xFFFFFFE0]  }
0xa4: {  	v3 =	vand.u32 $0x3FC, v3  }
0xa5: {  	v3 =	vadd.s32 v0, v3;
	_ =	sdelay $0x2  }
0xa6: {  	v1 =	vadd.f32 v1, v2;
	_ =	sdelay $0x1  }
0xa7: {  	s25 =	sadd.s32 $0xFFFFFFFE, s24;
	[tilespmem:v3+s15+$0x0] =	vst.idx.msk $0xffff, v1  }
0xa8: {  	v2 =	vmov s25;
	v1 =	vld [tilespmem:s22+$0xFFFFFFF0]  }
0xa9: {  	v2 =	vand.u32 $0x3FD, v2;
	v3 =	vld [tilespmem:s21+$0xFFFFFFF0]  }
0xaa: {  	v2 =	vadd.s32 v0, v2;
	_ =	sdelay $0x3  }
0xab: {  	v1 =	vadd.f32 v3, v1  }
0xac: {  	s25 =	sadd.s32 $0xFFFFFFFF, s24  }
0xad: {  	[tilespmem:v2+s15+$0x0] =	vst.idx.msk $0xffff, v1;
	v1 =	vmov s25  }
0xae: {  	v2 =	vld [tilespmem:s22+$0x0];
	v1 =	vand.u32 $0x3FE, v1  }
0xaf: {  	v3 =	vld [tilespmem:s21+$0x0];
	v1 =	vadd.s32 v0, v1;
	_ =	sdelay $0x4  }
.Ltmp1:
0xb0: {  	v2 =	vadd.f32 v3, v2;
	(pc) =	sbr.rel @p0 .LBB2_4-.Ltmp1, $4  }
0xb1: {  	v3 =	vmov s24  }
0xb2: {  	[tilespmem:v1+s15+$0x0] =	vst.idx.msk $0xffff, v2;
	v1 =	vand.u32 $0x3FF, v3  }
0xb3: {  	v2 =	vld [tilespmem:s22+$0x10];
	v1 =	vadd.s32 v0, v1  }
0xb4: {  	v3 =	vld [tilespmem:s21+$0x10]  }
0xb5: {  	_ =	sdelay $0x3  }
0xb6: {  	v2 =	vadd.f32 v3, v2;
	_ =	sdelay $0x1  }
0xb7: {  	s21 =	rddreg [dreg:$0x7];
	[tilespmem:v1+s15+$0x0] =	vst.idx.msk $0xffff, v2  }
0xb8: {  	[hbm4b:s21+s7] =	stream.strided.scatter [tilespmem:s15], [sflag:$0x7], $0x3E80, s16, s7, $0x38;
	[tilespmem:$0x14820] =	vst v63  }
0xb9: {  	_ =	swait.ge [sflag:s17], $0x3E80  }
0xba: {  	[sflag:s17] =	ssyncset.done $0x0  }
0xbb: {  	s23 =	rddreg [dreg:$0x8];
	[sflag:s17] =	ssyncadd.s32 $0xFFFFC180  }
0xbc: {  	[tilespmem:s7], [sflag:$0x2] =	stream.linear.gather [hbm4b:s23+s1], $0x3E8, $0x38;
	[tilespmem:$0x14820] =	vst v63  }
0xbd: {  	s24 =	rddreg [dreg:$0x9];
	s23 =	simm.s32 $0x3  }
0xbe: {  	[tilespmem:s10], [sflag:$0x2] =	stream.linear.gather [hbm4b:s24+s1], $0x3E8, $0x38;
	[tilespmem:$0x14820] =	vst v63  }
0xbf: {  	_ =	swait.ge [sflag:s23], $0x3E80  }
0xc0: {  	[sflag:s23] =	ssyncset.done $0x0  }
0xc1: {  	[sflag:s23] =	ssyncadd.s32 $0xFFFFC180  }
0xc2: {  	_ =	swait.ge [sflag:s11], $0x3E80  }
0xc3: {  	[sflag:s11] =	ssyncset.done $0x0  }
0xc4: {  	[sflag:s11] =	ssyncadd.s32 $0xFFFFC180  }
0xc5: {  	_ =	swait.ge [sflag:s12], $0x3E8  }
0xc6: {  	[sflag:s12] =	ssyncset.done $0x0  }
0xc7: {  	[sflag:s12] =	ssyncadd.s32 $0xFFFFFC18  }
0xc8: {  	_ =	swait.ge [sflag:s12], $0x3E8  }
0xc9: {  	[sflag:s12] =	ssyncset.done $0x0  }
0xca: {  	[sflag:s12] =	ssyncadd.s32 $0xFFFFFC18  }
0xcb: {  	[tilespmem:s13], [sflag:$0x4] =	stream.indirect.gather [hbm4b:s2+s7], $0x10, s7, s7, $0xb8;
	[tilespmem:$0x14820] =	vst v63  }
0xcc: {  	s21 =	simm.s32 $0x8CC0  }
0xcd: {  	[tilespmem:s14], [sflag:$0x6] =	stream.indirect.gather [hbm4b:s3+s7], $0x10, s10, s7, $0xb8;
	[tilespmem:$0x14820] =	vst v63  }
0xce: {  	s22 =	simm.s32 $0xFC0;
	s24 =	simm.s32 $0x0;
	v1 =	vld [tilespmem:s21+$0xFFFFFFE0]  }
0xcf: {  	v3 =	vmov s24;
	v2 =	vld [tilespmem:s22+$0xFFFFFFE0]  }
0xd0: {  	v3 =	vand.u32 $0x3FC, v3  }
0xd1: {  	v3 =	vadd.s32 v0, v3;
	_ =	sdelay $0x2  }
0xd2: {  	v1 =	vadd.f32 v1, v2;
	_ =	sdelay $0x1  }
0xd3: {  	[tilespmem:v3+s15+$0x0] =	vst.idx.msk $0xffff, v1  }
0xd4: {  	s25 =	simm.s32 $0x1;
	v1 =	vld [tilespmem:s22+$0xFFFFFFF0]  }
0xd5: {  	v2 =	vmov s25;
	v3 =	vld [tilespmem:s21+$0xFFFFFFF0]  }
0xd6: {  	v2 =	vand.u32 $0x3FD, v2  }
0xd7: {  	v2 =	vadd.s32 v0, v2;
	_ =	sdelay $0x2  }
0xd8: {  	v1 =	vadd.f32 v3, v1;
	_ =	sdelay $0x1  }
0xd9: {  	[tilespmem:v2+s15+$0x0] =	vst.idx.msk $0xffff, v1  }
0xda: {  	s25 =	simm.s32 $0x2;
	v1 =	vld [tilespmem:s22+$0x0]  }
0xdb: {  	v2 =	vmov s25;
	v3 =	vld [tilespmem:s21+$0x0]  }
0xdc: {  	v2 =	vand.u32 $0x3FE, v2  }
0xdd: {  	v2 =	vadd.s32 v0, v2;
	_ =	sdelay $0x2  }
0xde: {  	v1 =	vadd.f32 v3, v1;
	_ =	sdelay $0x1  }
0xdf: {  	v3 =	vmov s23;
	[tilespmem:v2+s15+$0x0] =	vst.idx.msk $0xffff, v1  }
0xe0: {  	v1 =	vand.u32 $0x3FF, v3;
	v2 =	vld [tilespmem:s22+$0x10]  }
0xe1: {  	s23 =	simm.s32 $0x7;
	v1 =	vadd.s32 v0, v1;
	v3 =	vld [tilespmem:s21+$0x10]  }
.LBB2_6:
0xe2: {  	_ =	sdelay $0x2  }
0xe3: {  	p0 =	sne.s32 s23, $0x3E7;
	s21 =	sadd.s32 $0x40, s21;
	s22 =	sadd.s32 $0x40, s22  }
0xe4: {  	s24 =	smov.u32 s23;
	s23 =	sadd.s32 $0x4, s23;
	v2 =	vadd.f32 v3, v2;
	_ =	sdelay $0x1  }
0xe5: {  	[tilespmem:v1+s15+$0x0] =	vst.idx.msk $0xffff, v2  }
0xe6: {  	s25 =	sadd.s32 $0xFFFFFFFD, s24;
	v1 =	vld [tilespmem:s21+$0xFFFFFFE0]  }
0xe7: {  	v3 =	vmov s25;
	v2 =	vld [tilespmem:s22+$0xFFFFFFE0]  }
0xe8: {  	v3 =	vand.u32 $0x3FC, v3  }
0xe9: {  	v3 =	vadd.s32 v0, v3;
	_ =	sdelay $0x2  }
0xea: {  	v1 =	vadd.f32 v1, v2;
	_ =	sdelay $0x1  }
0xeb: {  	s25 =	sadd.s32 $0xFFFFFFFE, s24;
	[tilespmem:v3+s15+$0x0] =	vst.idx.msk $0xffff, v1  }
0xec: {  	v2 =	vmov s25;
	v1 =	vld [tilespmem:s22+$0xFFFFFFF0]  }
0xed: {  	v2 =	vand.u32 $0x3FD, v2;
	v3 =	vld [tilespmem:s21+$0xFFFFFFF0]  }
0xee: {  	v2 =	vadd.s32 v0, v2;
	_ =	sdelay $0x3  }
0xef: {  	v1 =	vadd.f32 v3, v1  }
0xf0: {  	s25 =	sadd.s32 $0xFFFFFFFF, s24  }
0xf1: {  	[tilespmem:v2+s15+$0x0] =	vst.idx.msk $0xffff, v1;
	v1 =	vmov s25  }
0xf2: {  	v2 =	vld [tilespmem:s22+$0x0];
	v1 =	vand.u32 $0x3FE, v1  }
0xf3: {  	v3 =	vld [tilespmem:s21+$0x0];
	v1 =	vadd.s32 v0, v1;
	_ =	sdelay $0x4  }
.Ltmp2:
0xf4: {  	v2 =	vadd.f32 v3, v2;
	(pc) =	sbr.rel @p0 .LBB2_6-.Ltmp2, $4  }
0xf5: {  	v3 =	vmov s24  }
0xf6: {  	[tilespmem:v1+s15+$0x0] =	vst.idx.msk $0xffff, v2;
	v1 =	vand.u32 $0x3FF, v3  }
0xf7: {  	v2 =	vld [tilespmem:s22+$0x10];
	v1 =	vadd.s32 v0, v1  }
0xf8: {  	v3 =	vld [tilespmem:s21+$0x10]  }
0xf9: {  	_ =	sdelay $0x3  }
0xfa: {  	v2 =	vadd.f32 v3, v2;
	_ =	sdelay $0x1  }
0xfb: {  	s21 =	rddreg [dreg:$0xa];
	[tilespmem:v1+s15+$0x0] =	vst.idx.msk $0xffff, v2  }
0xfc: {  	[hbm4b:s21+s7] =	stream.strided.scatter [tilespmem:s15], [sflag:$0x7], $0x3E80, s16, s7, $0x38;
	[tilespmem:$0x14820] =	vst v63  }
0xfd: {  	_ =	swait.ge [sflag:s17], $0x3E80  }
0xfe: {  	[sflag:s17] =	ssyncset.done $0x0  }
0xff: {  	s23 =	rddreg [dreg:$0xb];
	[sflag:s17] =	ssyncadd.s32 $0xFFFFC180  }
0x100: {  	[tilespmem:s1], [sflag:$0x1] =	stream.linear.gather [hbm4b:s23+s1], $0x3E8, $0x38;
	[tilespmem:$0x14820] =	vst v63  }
0x101: {  	s24 =	rddreg [dreg:$0xc]  }
0x102: {  	[tilespmem:s5], [sflag:$0x1] =	stream.linear.gather [hbm4b:s24+s1], $0x3E8, $0x38;
	[tilespmem:$0x14820] =	vst v63  }
0x103: {  	_ =	swait.ge [sflag:s18], $0x3E80  }
0x104: {  	[sflag:s18] =	ssyncset.done $0x0  }
0x105: {  	[sflag:s18] =	ssyncadd.s32 $0xFFFFC180  }
0x106: {  	_ =	swait.ge [sflag:s19], $0x3E80  }
0x107: {  	[sflag:s19] =	ssyncset.done $0x0  }
0x108: {  	[sflag:s19] =	ssyncadd.s32 $0xFFFFC180  }
0x109: {  	_ =	swait.ge [sflag:s6], $0x3E8  }
0x10a: {  	[sflag:s6] =	ssyncset.done $0x0  }
0x10b: {  	[sflag:s6] =	ssyncadd.s32 $0xFFFFFC18  }
0x10c: {  	_ =	swait.ge [sflag:s6], $0x3E8  }
0x10d: {  	[sflag:s6] =	ssyncset.done $0x0  }
0x10e: {  	[sflag:s6] =	ssyncadd.s32 $0xFFFFFC18  }
0x10f: {  	[tilespmem:s8], [sflag:$0x3] =	stream.indirect.gather [hbm4b:s2+s7], $0x10, s1, s7, $0xb8;
	[tilespmem:$0x14820] =	vst v63  }
0x110: {  	s21 =	simm.s32 $0xCB40  }
0x111: {  	[tilespmem:s9], [sflag:$0x5] =	stream.indirect.gather [hbm4b:s3+s7], $0x10, s5, s7, $0xb8;
	[tilespmem:$0x14820] =	vst v63  }
0x112: {  	s22 =	simm.s32 $0x4E40;
	s23 =	simm.s32 $0x0;
	v1 =	vld [tilespmem:s21+$0xFFFFFFE0]  }
0x113: {  	v3 =	vmov s23;
	v2 =	vld [tilespmem:s22+$0xFFFFFFE0]  }
0x114: {  	v3 =	vand.u32 $0x3FC, v3  }
0x115: {  	v3 =	vadd.s32 v0, v3;
	_ =	sdelay $0x2  }
0x116: {  	v1 =	vadd.f32 v1, v2;
	_ =	sdelay $0x1  }
0x117: {  	[tilespmem:v3+s15+$0x0] =	vst.idx.msk $0xffff, v1  }
0x118: {  	s25 =	simm.s32 $0x1;
	v1 =	vld [tilespmem:s22+$0xFFFFFFF0]  }
0x119: {  	v2 =	vmov s25;
	v3 =	vld [tilespmem:s21+$0xFFFFFFF0]  }
0x11a: {  	v2 =	vand.u32 $0x3FD, v2  }
0x11b: {  	v2 =	vadd.s32 v0, v2;
	_ =	sdelay $0x2  }
0x11c: {  	v1 =	vadd.f32 v3, v1;
	_ =	sdelay $0x1  }
0x11d: {  	[tilespmem:v2+s15+$0x0] =	vst.idx.msk $0xffff, v1  }
0x11e: {  	s24 =	simm.s32 $0x2;
	v1 =	vld [tilespmem:s22+$0x0]  }
0x11f: {  	v2 =	vmov s24;
	v3 =	vld [tilespmem:s21+$0x0]  }
0x120: {  	v2 =	vand.u32 $0x3FE, v2  }
0x121: {  	v2 =	vadd.s32 v0, v2;
	_ =	sdelay $0x2  }
0x122: {  	v1 =	vadd.f32 v3, v1  }
0x123: {  	s25 =	simm.s32 $0x3  }
0x124: {  	v3 =	vmov s25;
	[tilespmem:v2+s15+$0x0] =	vst.idx.msk $0xffff, v1  }
0x125: {  	v1 =	vand.u32 $0x3FF, v3;
	v2 =	vld [tilespmem:s22+$0x10]  }
0x126: {  	s23 =	simm.s32 $0x7;
	v1 =	vadd.s32 v0, v1;
	v3 =	vld [tilespmem:s21+$0x10]  }
.LBB2_8:
0x127: {  	_ =	sdelay $0x2  }
0x128: {  	p0 =	sne.s32 s23, $0x3E7;
	s21 =	sadd.s32 $0x40, s21;
	s22 =	sadd.s32 $0x40, s22  }
0x129: {  	s24 =	smov.u32 s23;
	s23 =	sadd.s32 $0x4, s23;
	v2 =	vadd.f32 v3, v2;
	_ =	sdelay $0x1  }
0x12a: {  	[tilespmem:v1+s15+$0x0] =	vst.idx.msk $0xffff, v2  }
0x12b: {  	s25 =	sadd.s32 $0xFFFFFFFD, s24;
	v1 =	vld [tilespmem:s21+$0xFFFFFFE0]  }
0x12c: {  	v3 =	vmov s25;
	v2 =	vld [tilespmem:s22+$0xFFFFFFE0]  }
0x12d: {  	v3 =	vand.u32 $0x3FC, v3  }
0x12e: {  	v3 =	vadd.s32 v0, v3;
	_ =	sdelay $0x2  }
0x12f: {  	v1 =	vadd.f32 v1, v2;
	_ =	sdelay $0x1  }
0x130: {  	s25 =	sadd.s32 $0xFFFFFFFE, s24;
	[tilespmem:v3+s15+$0x0] =	vst.idx.msk $0xffff, v1  }
0x131: {  	v2 =	vmov s25;
	v1 =	vld [tilespmem:s22+$0xFFFFFFF0]  }
0x132: {  	v2 =	vand.u32 $0x3FD, v2;
	v3 =	vld [tilespmem:s21+$0xFFFFFFF0]  }
0x133: {  	v2 =	vadd.s32 v0, v2;
	_ =	sdelay $0x3  }
0x134: {  	v1 =	vadd.f32 v3, v1  }
0x135: {  	s25 =	sadd.s32 $0xFFFFFFFF, s24  }
0x136: {  	[tilespmem:v2+s15+$0x0] =	vst.idx.msk $0xffff, v1;
	v1 =	vmov s25  }
0x137: {  	v2 =	vld [tilespmem:s22+$0x0];
	v1 =	vand.u32 $0x3FE, v1  }
0x138: {  	v3 =	vld [tilespmem:s21+$0x0];
	v1 =	vadd.s32 v0, v1;
	_ =	sdelay $0x4  }
.Ltmp3:
0x139: {  	v2 =	vadd.f32 v3, v2;
	(pc) =	sbr.rel @p0 .LBB2_8-.Ltmp3, $4  }
0x13a: {  	v3 =	vmov s24  }
0x13b: {  	[tilespmem:v1+s15+$0x0] =	vst.idx.msk $0xffff, v2;
	v1 =	vand.u32 $0x3FF, v3  }
0x13c: {  	v2 =	vld [tilespmem:s22+$0x10];
	v1 =	vadd.s32 v0, v1  }
0x13d: {  	v3 =	vld [tilespmem:s21+$0x10]  }
0x13e: {  	_ =	sdelay $0x3  }
0x13f: {  	v2 =	vadd.f32 v3, v2;
	_ =	sdelay $0x1  }
0x140: {  	s21 =	rddreg [dreg:$0xd];
	[tilespmem:v1+s15+$0x0] =	vst.idx.msk $0xffff, v2  }
0x141: {  	[hbm4b:s21+s7] =	stream.strided.scatter [tilespmem:s15], [sflag:$0x7], $0x3E80, s16, s7, $0x38;
	[tilespmem:$0x14820] =	vst v63  }
0x142: {  	_ =	swait.ge [sflag:s17], $0x3E80  }
0x143: {  	[sflag:s17] =	ssyncset.done $0x0  }
0x144: {  	s23 =	rddreg [dreg:$0xe];
	[sflag:s17] =	ssyncadd.s32 $0xFFFFC180  }
0x145: {  	[tilespmem:s7], [sflag:$0x2] =	stream.linear.gather [hbm4b:s23+s1], $0x3E8, $0x38;
	[tilespmem:$0x14820] =	vst v63  }
0x146: {  	s24 =	rddreg [dreg:$0xf];
	s23 =	simm.s32 $0x3  }
0x147: {  	[tilespmem:s10], [sflag:$0x2] =	stream.linear.gather [hbm4b:s24+s1], $0x3E8, $0x38;
	[tilespmem:$0x14820] =	vst v63  }
0x148: {  	_ =	swait.ge [sflag:s23], $0x3E80  }
0x149: {  	[sflag:s23] =	ssyncset.done $0x0  }
0x14a: {  	[sflag:s23] =	ssyncadd.s32 $0xFFFFC180  }
0x14b: {  	_ =	swait.ge [sflag:s11], $0x3E80  }
0x14c: {  	[sflag:s11] =	ssyncset.done $0x0  }
0x14d: {  	[sflag:s11] =	ssyncadd.s32 $0xFFFFC180  }
0x14e: {  	_ =	swait.ge [sflag:s12], $0x3E8  }
0x14f: {  	[sflag:s12] =	ssyncset.done $0x0  }
0x150: {  	[sflag:s12] =	ssyncadd.s32 $0xFFFFFC18  }
0x151: {  	_ =	swait.ge [sflag:s12], $0x3E8  }
0x152: {  	[sflag:s12] =	ssyncset.done $0x0  }
0x153: {  	[sflag:s12] =	ssyncadd.s32 $0xFFFFFC18  }
0x154: {  	[tilespmem:s13], [sflag:$0x4] =	stream.indirect.gather [hbm4b:s2+s7], $0x10, s7, s7, $0xb8;
	[tilespmem:$0x14820] =	vst v63  }
0x155: {  	s21 =	simm.s32 $0x8CC0  }
0x156: {  	[tilespmem:s14], [sflag:$0x6] =	stream.indirect.gather [hbm4b:s3+s7], $0x10, s10, s7, $0xb8;
	[tilespmem:$0x14820] =	vst v63  }
0x157: {  	s22 =	simm.s32 $0xFC0;
	s24 =	simm.s32 $0x0;
	v1 =	vld [tilespmem:s21+$0xFFFFFFE0]  }
0x158: {  	v3 =	vmov s24;
	v2 =	vld [tilespmem:s22+$0xFFFFFFE0]  }
0x159: {  	v3 =	vand.u32 $0x3FC, v3  }
0x15a: {  	v3 =	vadd.s32 v0, v3;
	_ =	sdelay $0x2  }
0x15b: {  	v1 =	vadd.f32 v1, v2;
	_ =	sdelay $0x1  }
0x15c: {  	[tilespmem:v3+s15+$0x0] =	vst.idx.msk $0xffff, v1  }
0x15d: {  	s25 =	simm.s32 $0x1;
	v1 =	vld [tilespmem:s22+$0xFFFFFFF0]  }
0x15e: {  	v2 =	vmov s25;
	v3 =	vld [tilespmem:s21+$0xFFFFFFF0]  }
0x15f: {  	v2 =	vand.u32 $0x3FD, v2  }
0x160: {  	v2 =	vadd.s32 v0, v2;
	_ =	sdelay $0x2  }
0x161: {  	v1 =	vadd.f32 v3, v1;
	_ =	sdelay $0x1  }
0x162: {  	[tilespmem:v2+s15+$0x0] =	vst.idx.msk $0xffff, v1  }
0x163: {  	s25 =	simm.s32 $0x2;
	v1 =	vld [tilespmem:s22+$0x0]  }
0x164: {  	v2 =	vmov s25;
	v3 =	vld [tilespmem:s21+$0x0]  }
0x165: {  	v2 =	vand.u32 $0x3FE, v2  }
0x166: {  	v2 =	vadd.s32 v0, v2;
	_ =	sdelay $0x2  }
0x167: {  	v1 =	vadd.f32 v3, v1;
	_ =	sdelay $0x1  }
0x168: {  	v3 =	vmov s23;
	[tilespmem:v2+s15+$0x0] =	vst.idx.msk $0xffff, v1  }
0x169: {  	v1 =	vand.u32 $0x3FF, v3;
	v2 =	vld [tilespmem:s22+$0x10]  }
0x16a: {  	s23 =	simm.s32 $0x7;
	v1 =	vadd.s32 v0, v1;
	v3 =	vld [tilespmem:s21+$0x10]  }
.LBB2_10:
0x16b: {  	_ =	sdelay $0x2  }
0x16c: {  	p0 =	sne.s32 s23, $0x3E7;
	s21 =	sadd.s32 $0x40, s21;
	s22 =	sadd.s32 $0x40, s22  }
0x16d: {  	s24 =	smov.u32 s23;
	s23 =	sadd.s32 $0x4, s23;
	v2 =	vadd.f32 v3, v2;
	_ =	sdelay $0x1  }
0x16e: {  	[tilespmem:v1+s15+$0x0] =	vst.idx.msk $0xffff, v2  }
0x16f: {  	s25 =	sadd.s32 $0xFFFFFFFD, s24;
	v1 =	vld [tilespmem:s21+$0xFFFFFFE0]  }
0x170: {  	v3 =	vmov s25;
	v2 =	vld [tilespmem:s22+$0xFFFFFFE0]  }
0x171: {  	v3 =	vand.u32 $0x3FC, v3  }
0x172: {  	v3 =	vadd.s32 v0, v3;
	_ =	sdelay $0x2  }
0x173: {  	v1 =	vadd.f32 v1, v2;
	_ =	sdelay $0x1  }
0x174: {  	s25 =	sadd.s32 $0xFFFFFFFE, s24;
	[tilespmem:v3+s15+$0x0] =	vst.idx.msk $0xffff, v1  }
0x175: {  	v2 =	vmov s25;
	v1 =	vld [tilespmem:s22+$0xFFFFFFF0]  }
0x176: {  	v2 =	vand.u32 $0x3FD, v2;
	v3 =	vld [tilespmem:s21+$0xFFFFFFF0]  }
0x177: {  	v2 =	vadd.s32 v0, v2;
	_ =	sdelay $0x3  }
0x178: {  	v1 =	vadd.f32 v3, v1  }
0x179: {  	s25 =	sadd.s32 $0xFFFFFFFF, s24  }
0x17a: {  	[tilespmem:v2+s15+$0x0] =	vst.idx.msk $0xffff, v1;
	v1 =	vmov s25  }
0x17b: {  	v2 =	vld [tilespmem:s22+$0x0];
	v1 =	vand.u32 $0x3FE, v1  }
0x17c: {  	v3 =	vld [tilespmem:s21+$0x0];
	v1 =	vadd.s32 v0, v1;
	_ =	sdelay $0x4  }
.Ltmp4:
0x17d: {  	v2 =	vadd.f32 v3, v2;
	(pc) =	sbr.rel @p0 .LBB2_10-.Ltmp4, $4  }
0x17e: {  	v3 =	vmov s24  }
0x17f: {  	[tilespmem:v1+s15+$0x0] =	vst.idx.msk $0xffff, v2;
	v1 =	vand.u32 $0x3FF, v3  }
0x180: {  	v2 =	vld [tilespmem:s22+$0x10];
	v1 =	vadd.s32 v0, v1  }
0x181: {  	v3 =	vld [tilespmem:s21+$0x10]  }
0x182: {  	_ =	sdelay $0x3  }
0x183: {  	v2 =	vadd.f32 v3, v2;
	_ =	sdelay $0x1  }
0x184: {  	s21 =	rddreg [dreg:$0x10];
	[tilespmem:v1+s15+$0x0] =	vst.idx.msk $0xffff, v2  }
0x185: {  	[hbm4b:s21+s7] =	stream.strided.scatter [tilespmem:s15], [sflag:$0x7], $0x3E80, s16, s7, $0x38;
	[tilespmem:$0x14820] =	vst v63  }
0x186: {  	_ =	swait.ge [sflag:s17], $0x3E80  }
0x187: {  	[sflag:s17] =	ssyncset.done $0x0  }
0x188: {  	s23 =	rddreg [dreg:$0x12];
	[sflag:s17] =	ssyncadd.s32 $0xFFFFC180  }
0x189: {  	[tilespmem:s1], [sflag:$0x1] =	stream.linear.gather [hbm4b:s23+s1], $0x3E8, $0x38;
	[tilespmem:$0x14820] =	vst v63  }
0x18a: {  	s24 =	rddreg [dreg:$0x13]  }
0x18b: {  	[tilespmem:s5], [sflag:$0x1] =	stream.linear.gather [hbm4b:s24+s1], $0x3E8, $0x38;
	[tilespmem:$0x14820] =	vst v63  }
0x18c: {  	_ =	swait.ge [sflag:s18], $0x3E80  }
0x18d: {  	[sflag:s18] =	ssyncset.done $0x0  }
0x18e: {  	[sflag:s18] =	ssyncadd.s32 $0xFFFFC180  }
0x18f: {  	_ =	swait.ge [sflag:s19], $0x3E80  }
0x190: {  	[sflag:s19] =	ssyncset.done $0x0  }
0x191: {  	[sflag:s19] =	ssyncadd.s32 $0xFFFFC180  }
0x192: {  	_ =	swait.ge [sflag:s6], $0x3E8  }
0x193: {  	[sflag:s6] =	ssyncset.done $0x0  }
0x194: {  	[sflag:s6] =	ssyncadd.s32 $0xFFFFFC18  }
0x195: {  	_ =	swait.ge [sflag:s6], $0x3E8  }
0x196: {  	[sflag:s6] =	ssyncset.done $0x0  }
0x197: {  	[sflag:s6] =	ssyncadd.s32 $0xFFFFFC18  }
0x198: {  	[tilespmem:s8], [sflag:$0x3] =	stream.indirect.gather [hbm4b:s2+s7], $0x10, s1, s7, $0xb8;
	[tilespmem:$0x14820] =	vst v63  }
0x199: {  	s21 =	simm.s32 $0xCB40  }
0x19a: {  	[tilespmem:s9], [sflag:$0x5] =	stream.indirect.gather [hbm4b:s3+s7], $0x10, s5, s7, $0xb8;
	[tilespmem:$0x14820] =	vst v63  }
0x19b: {  	s22 =	simm.s32 $0x4E40;
	s23 =	simm.s32 $0x0;
	v1 =	vld [tilespmem:s21+$0xFFFFFFE0]  }
0x19c: {  	v3 =	vmov s23;
	v2 =	vld [tilespmem:s22+$0xFFFFFFE0]  }
0x19d: {  	v3 =	vand.u32 $0x3FC, v3  }
0x19e: {  	v3 =	vadd.s32 v0, v3;
	_ =	sdelay $0x2  }
0x19f: {  	v1 =	vadd.f32 v1, v2;
	_ =	sdelay $0x1  }
0x1a0: {  	[tilespmem:v3+s15+$0x0] =	vst.idx.msk $0xffff, v1  }
0x1a1: {  	s25 =	simm.s32 $0x1;
	v1 =	vld [tilespmem:s22+$0xFFFFFFF0]  }
0x1a2: {  	v2 =	vmov s25;
	v3 =	vld [tilespmem:s21+$0xFFFFFFF0]  }
0x1a3: {  	v2 =	vand.u32 $0x3FD, v2  }
0x1a4: {  	v2 =	vadd.s32 v0, v2;
	_ =	sdelay $0x2  }
0x1a5: {  	v1 =	vadd.f32 v3, v1;
	_ =	sdelay $0x1  }
0x1a6: {  	[tilespmem:v2+s15+$0x0] =	vst.idx.msk $0xffff, v1  }
0x1a7: {  	s24 =	simm.s32 $0x2;
	v1 =	vld [tilespmem:s22+$0x0]  }
0x1a8: {  	v2 =	vmov s24;
	v3 =	vld [tilespmem:s21+$0x0]  }
0x1a9: {  	v2 =	vand.u32 $0x3FE, v2  }
0x1aa: {  	v2 =	vadd.s32 v0, v2;
	_ =	sdelay $0x2  }
0x1ab: {  	v1 =	vadd.f32 v3, v1  }
0x1ac: {  	s25 =	simm.s32 $0x3  }
0x1ad: {  	v3 =	vmov s25;
	[tilespmem:v2+s15+$0x0] =	vst.idx.msk $0xffff, v1  }
0x1ae: {  	v1 =	vand.u32 $0x3FF, v3;
	v2 =	vld [tilespmem:s22+$0x10]  }
0x1af: {  	s23 =	simm.s32 $0x7;
	v1 =	vadd.s32 v0, v1;
	v3 =	vld [tilespmem:s21+$0x10]  }
.LBB2_12:
0x1b0: {  	_ =	sdelay $0x2  }
0x1b1: {  	p0 =	sne.s32 s23, $0x3E7;
	s21 =	sadd.s32 $0x40, s21;
	s22 =	sadd.s32 $0x40, s22  }
0x1b2: {  	s24 =	smov.u32 s23;
	s23 =	sadd.s32 $0x4, s23;
	v2 =	vadd.f32 v3, v2;
	_ =	sdelay $0x1  }
0x1b3: {  	[tilespmem:v1+s15+$0x0] =	vst.idx.msk $0xffff, v2  }
0x1b4: {  	s25 =	sadd.s32 $0xFFFFFFFD, s24;
	v1 =	vld [tilespmem:s21+$0xFFFFFFE0]  }
0x1b5: {  	v3 =	vmov s25;
	v2 =	vld [tilespmem:s22+$0xFFFFFFE0]  }
0x1b6: {  	v3 =	vand.u32 $0x3FC, v3  }
0x1b7: {  	v3 =	vadd.s32 v0, v3;
	_ =	sdelay $0x2  }
0x1b8: {  	v1 =	vadd.f32 v1, v2;
	_ =	sdelay $0x1  }
0x1b9: {  	s25 =	sadd.s32 $0xFFFFFFFE, s24;
	[tilespmem:v3+s15+$0x0] =	vst.idx.msk $0xffff, v1  }
0x1ba: {  	v2 =	vmov s25;
	v1 =	vld [tilespmem:s22+$0xFFFFFFF0]  }
0x1bb: {  	v2 =	vand.u32 $0x3FD, v2;
	v3 =	vld [tilespmem:s21+$0xFFFFFFF0]  }
0x1bc: {  	v2 =	vadd.s32 v0, v2;
	_ =	sdelay $0x3  }
0x1bd: {  	v1 =	vadd.f32 v3, v1  }
0x1be: {  	s25 =	sadd.s32 $0xFFFFFFFF, s24  }
0x1bf: {  	[tilespmem:v2+s15+$0x0] =	vst.idx.msk $0xffff, v1;
	v1 =	vmov s25  }
0x1c0: {  	v2 =	vld [tilespmem:s22+$0x0];
	v1 =	vand.u32 $0x3FE, v1  }
0x1c1: {  	v3 =	vld [tilespmem:s21+$0x0];
	v1 =	vadd.s32 v0, v1;
	_ =	sdelay $0x4  }
.Ltmp5:
0x1c2: {  	v2 =	vadd.f32 v3, v2;
	(pc) =	sbr.rel @p0 .LBB2_12-.Ltmp5, $4  }
0x1c3: {  	v3 =	vmov s24  }
0x1c4: {  	[tilespmem:v1+s15+$0x0] =	vst.idx.msk $0xffff, v2;
	v1 =	vand.u32 $0x3FF, v3  }
0x1c5: {  	v2 =	vld [tilespmem:s22+$0x10];
	v1 =	vadd.s32 v0, v1  }
0x1c6: {  	v3 =	vld [tilespmem:s21+$0x10]  }
0x1c7: {  	_ =	sdelay $0x3  }
0x1c8: {  	v2 =	vadd.f32 v3, v2;
	_ =	sdelay $0x1  }
0x1c9: {  	s21 =	rddreg [dreg:$0x11];
	[tilespmem:v1+s15+$0x0] =	vst.idx.msk $0xffff, v2  }
0x1ca: {  	[hbm4b:s21+s7] =	stream.strided.scatter [tilespmem:s15], [sflag:$0x7], $0x3E80, s16, s7, $0x38;
	[tilespmem:$0x14820] =	vst v63  }
0x1cb: {  	_ =	swait.ge [sflag:s17], $0x3E80  }
0x1cc: {  	[sflag:s17] =	ssyncset.done $0x0  }
0x1cd: {  	s23 =	rddreg [dreg:$0x18];
	[sflag:s17] =	ssyncadd.s32 $0xFFFFC180  }
0x1ce: {  	[tilespmem:s7], [sflag:$0x2] =	stream.linear.gather [hbm4b:s23+s1], $0x3E8, $0x38;
	[tilespmem:$0x14820] =	vst v63  }
0x1cf: {  	s24 =	rddreg [dreg:$0x19];
	s23 =	simm.s32 $0x3  }
0x1d0: {  	[tilespmem:s10], [sflag:$0x2] =	stream.linear.gather [hbm4b:s24+s1], $0x3E8, $0x38;
	[tilespmem:$0x14820] =	vst v63  }
0x1d1: {  	_ =	swait.ge [sflag:s23], $0x3E80  }
0x1d2: {  	[sflag:s23] =	ssyncset.done $0x0  }
0x1d3: {  	[sflag:s23] =	ssyncadd.s32 $0xFFFFC180  }
0x1d4: {  	_ =	swait.ge [sflag:s11], $0x3E80  }
0x1d5: {  	[sflag:s11] =	ssyncset.done $0x0  }
0x1d6: {  	[sflag:s11] =	ssyncadd.s32 $0xFFFFC180  }
0x1d7: {  	_ =	swait.ge [sflag:s12], $0x3E8  }
0x1d8: {  	[sflag:s12] =	ssyncset.done $0x0  }
0x1d9: {  	[sflag:s12] =	ssyncadd.s32 $0xFFFFFC18  }
0x1da: {  	_ =	swait.ge [sflag:s12], $0x3E8  }
0x1db: {  	[sflag:s12] =	ssyncset.done $0x0  }
0x1dc: {  	[sflag:s12] =	ssyncadd.s32 $0xFFFFFC18  }
0x1dd: {  	[tilespmem:s13], [sflag:$0x4] =	stream.indirect.gather [hbm4b:s2+s7], $0x10, s7, s7, $0xb8;
	[tilespmem:$0x14820] =	vst v63  }
0x1de: {  	s21 =	simm.s32 $0x8CC0  }
0x1df: {  	[tilespmem:s14], [sflag:$0x6] =	stream.indirect.gather [hbm4b:s3+s7], $0x10, s10, s7, $0xb8;
	[tilespmem:$0x14820] =	vst v63  }
0x1e0: {  	s22 =	simm.s32 $0xFC0;
	s24 =	simm.s32 $0x0;
	v1 =	vld [tilespmem:s21+$0xFFFFFFE0]  }
0x1e1: {  	v3 =	vmov s24;
	v2 =	vld [tilespmem:s22+$0xFFFFFFE0]  }
0x1e2: {  	v3 =	vand.u32 $0x3FC, v3  }
0x1e3: {  	v3 =	vadd.s32 v0, v3;
	_ =	sdelay $0x2  }
0x1e4: {  	v1 =	vadd.f32 v1, v2;
	_ =	sdelay $0x1  }
0x1e5: {  	[tilespmem:v3+s15+$0x0] =	vst.idx.msk $0xffff, v1  }
0x1e6: {  	s25 =	simm.s32 $0x1;
	v1 =	vld [tilespmem:s22+$0xFFFFFFF0]  }
0x1e7: {  	v2 =	vmov s25;
	v3 =	vld [tilespmem:s21+$0xFFFFFFF0]  }
0x1e8: {  	v2 =	vand.u32 $0x3FD, v2  }
0x1e9: {  	v2 =	vadd.s32 v0, v2;
	_ =	sdelay $0x2  }
0x1ea: {  	v1 =	vadd.f32 v3, v1;
	_ =	sdelay $0x1  }
0x1eb: {  	[tilespmem:v2+s15+$0x0] =	vst.idx.msk $0xffff, v1  }
0x1ec: {  	s25 =	simm.s32 $0x2;
	v1 =	vld [tilespmem:s22+$0x0]  }
0x1ed: {  	v2 =	vmov s25;
	v3 =	vld [tilespmem:s21+$0x0]  }
0x1ee: {  	v2 =	vand.u32 $0x3FE, v2  }
0x1ef: {  	v2 =	vadd.s32 v0, v2;
	_ =	sdelay $0x2  }
0x1f0: {  	v1 =	vadd.f32 v3, v1;
	_ =	sdelay $0x1  }
0x1f1: {  	v3 =	vmov s23;
	[tilespmem:v2+s15+$0x0] =	vst.idx.msk $0xffff, v1  }
0x1f2: {  	v1 =	vand.u32 $0x3FF, v3;
	v2 =	vld [tilespmem:s22+$0x10]  }
0x1f3: {  	s23 =	simm.s32 $0x7;
	v1 =	vadd.s32 v0, v1;
	v3 =	vld [tilespmem:s21+$0x10]  }
.LBB2_14:
0x1f4: {  	_ =	sdelay $0x2  }
0x1f5: {  	p0 =	sne.s32 s23, $0x3E7;
	s21 =	sadd.s32 $0x40, s21;
	s22 =	sadd.s32 $0x40, s22  }
0x1f6: {  	s24 =	smov.u32 s23;
	s23 =	sadd.s32 $0x4, s23;
	v2 =	vadd.f32 v3, v2;
	_ =	sdelay $0x1  }
0x1f7: {  	[tilespmem:v1+s15+$0x0] =	vst.idx.msk $0xffff, v2  }
0x1f8: {  	s25 =	sadd.s32 $0xFFFFFFFD, s24;
	v1 =	vld [tilespmem:s21+$0xFFFFFFE0]  }
0x1f9: {  	v3 =	vmov s25;
	v2 =	vld [tilespmem:s22+$0xFFFFFFE0]  }
0x1fa: {  	v3 =	vand.u32 $0x3FC, v3  }
0x1fb: {  	v3 =	vadd.s32 v0, v3;
	_ =	sdelay $0x2  }
0x1fc: {  	v1 =	vadd.f32 v1, v2;
	_ =	sdelay $0x1  }
0x1fd: {  	s25 =	sadd.s32 $0xFFFFFFFE, s24;
	[tilespmem:v3+s15+$0x0] =	vst.idx.msk $0xffff, v1  }
0x1fe: {  	v2 =	vmov s25;
	v1 =	vld [tilespmem:s22+$0xFFFFFFF0]  }
0x1ff: {  	v2 =	vand.u32 $0x3FD, v2;
	v3 =	vld [tilespmem:s21+$0xFFFFFFF0]  }
0x200: {  	v2 =	vadd.s32 v0, v2;
	_ =	sdelay $0x3  }
0x201: {  	v1 =	vadd.f32 v3, v1  }
0x202: {  	s25 =	sadd.s32 $0xFFFFFFFF, s24  }
0x203: {  	[tilespmem:v2+s15+$0x0] =	vst.idx.msk $0xffff, v1;
	v1 =	vmov s25  }
0x204: {  	v2 =	vld [tilespmem:s22+$0x0];
	v1 =	vand.u32 $0x3FE, v1  }
0x205: {  	v3 =	vld [tilespmem:s21+$0x0];
	v1 =	vadd.s32 v0, v1;
	_ =	sdelay $0x4  }
.Ltmp6:
0x206: {  	v2 =	vadd.f32 v3, v2;
	(pc) =	sbr.rel @p0 .LBB2_14-.Ltmp6, $4  }
0x207: {  	v3 =	vmov s24  }
0x208: {  	[tilespmem:v1+s15+$0x0] =	vst.idx.msk $0xffff, v2;
	v1 =	vand.u32 $0x3FF, v3  }
0x209: {  	v2 =	vld [tilespmem:s22+$0x10];
	v1 =	vadd.s32 v0, v1  }
0x20a: {  	v3 =	vld [tilespmem:s21+$0x10]  }
0x20b: {  	_ =	sdelay $0x3  }
0x20c: {  	v2 =	vadd.f32 v3, v2;
	_ =	sdelay $0x1  }
0x20d: {  	s21 =	rddreg [dreg:$0x14];
	[tilespmem:v1+s15+$0x0] =	vst.idx.msk $0xffff, v2  }
0x20e: {  	[hbm4b:s21+s7] =	stream.strided.scatter [tilespmem:s15], [sflag:$0x7], $0x3E80, s16, s7, $0x38;
	[tilespmem:$0x14820] =	vst v63  }
0x20f: {  	_ =	swait.ge [sflag:s17], $0x3E80  }
0x210: {  	[sflag:s17] =	ssyncset.done $0x0  }
0x211: {  	[sflag:s17] =	ssyncadd.s32 $0xFFFFC180  }
0x212: {  	[tilespmem:s1], [sflag:$0x1] =	stream.linear.gather [hbm4b:s28+s1], $0x3E8, $0x38;
	[tilespmem:$0x14820] =	vst v63  }
0x213: {  	_ = 	snop  }
0x214: {  	[tilespmem:s5], [sflag:$0x1] =	stream.linear.gather [hbm4b:s30+s1], $0x3E8, $0x38;
	[tilespmem:$0x14820] =	vst v63  }
0x215: {  	_ =	swait.ge [sflag:s18], $0x3E80  }
0x216: {  	[sflag:s18] =	ssyncset.done $0x0  }
0x217: {  	[sflag:s18] =	ssyncadd.s32 $0xFFFFC180  }
0x218: {  	_ =	swait.ge [sflag:s19], $0x3E80  }
0x219: {  	[sflag:s19] =	ssyncset.done $0x0  }
0x21a: {  	[sflag:s19] =	ssyncadd.s32 $0xFFFFC180  }
0x21b: {  	_ =	swait.ge [sflag:s6], $0x3E8  }
0x21c: {  	[sflag:s6] =	ssyncset.done $0x0  }
0x21d: {  	[sflag:s6] =	ssyncadd.s32 $0xFFFFFC18  }
0x21e: {  	_ =	swait.ge [sflag:s6], $0x3E8  }
0x21f: {  	[sflag:s6] =	ssyncset.done $0x0  }
0x220: {  	[sflag:s6] =	ssyncadd.s32 $0xFFFFFC18  }
0x221: {  	[tilespmem:s8], [sflag:$0x3] =	stream.indirect.gather [hbm4b:s2+s7], $0x10, s1, s7, $0xb8;
	[tilespmem:$0x14820] =	vst v63  }
0x222: {  	s21 =	simm.s32 $0xCB40  }
0x223: {  	[tilespmem:s9], [sflag:$0x5] =	stream.indirect.gather [hbm4b:s3+s7], $0x10, s5, s7, $0xb8;
	[tilespmem:$0x14820] =	vst v63  }
0x224: {  	s22 =	simm.s32 $0x4E40;
	s23 =	simm.s32 $0x0;
	v1 =	vld [tilespmem:s21+$0xFFFFFFE0]  }
0x225: {  	v3 =	vmov s23;
	v2 =	vld [tilespmem:s22+$0xFFFFFFE0]  }
0x226: {  	v3 =	vand.u32 $0x3FC, v3  }
0x227: {  	v3 =	vadd.s32 v0, v3;
	_ =	sdelay $0x2  }
0x228: {  	v1 =	vadd.f32 v1, v2;
	_ =	sdelay $0x1  }
0x229: {  	[tilespmem:v3+s15+$0x0] =	vst.idx.msk $0xffff, v1  }
0x22a: {  	s25 =	simm.s32 $0x1;
	v1 =	vld [tilespmem:s22+$0xFFFFFFF0]  }
0x22b: {  	v2 =	vmov s25;
	v3 =	vld [tilespmem:s21+$0xFFFFFFF0]  }
0x22c: {  	v2 =	vand.u32 $0x3FD, v2  }
0x22d: {  	v2 =	vadd.s32 v0, v2;
	_ =	sdelay $0x2  }
0x22e: {  	v1 =	vadd.f32 v3, v1;
	_ =	sdelay $0x1  }
0x22f: {  	[tilespmem:v2+s15+$0x0] =	vst.idx.msk $0xffff, v1  }
0x230: {  	s24 =	simm.s32 $0x2;
	v1 =	vld [tilespmem:s22+$0x0]  }
0x231: {  	v2 =	vmov s24;
	v3 =	vld [tilespmem:s21+$0x0]  }
0x232: {  	v2 =	vand.u32 $0x3FE, v2  }
0x233: {  	v2 =	vadd.s32 v0, v2;
	_ =	sdelay $0x2  }
0x234: {  	v1 =	vadd.f32 v3, v1  }
0x235: {  	s25 =	simm.s32 $0x3  }
0x236: {  	v3 =	vmov s25;
	[tilespmem:v2+s15+$0x0] =	vst.idx.msk $0xffff, v1  }
0x237: {  	v1 =	vand.u32 $0x3FF, v3;
	v2 =	vld [tilespmem:s22+$0x10]  }
0x238: {  	s23 =	simm.s32 $0x7;
	v1 =	vadd.s32 v0, v1;
	v3 =	vld [tilespmem:s21+$0x10]  }
.LBB2_16:
0x239: {  	_ =	sdelay $0x2  }
0x23a: {  	p0 =	sne.s32 s23, $0x3E7;
	s21 =	sadd.s32 $0x40, s21;
	s22 =	sadd.s32 $0x40, s22  }
0x23b: {  	s24 =	smov.u32 s23;
	s23 =	sadd.s32 $0x4, s23;
	v2 =	vadd.f32 v3, v2;
	_ =	sdelay $0x1  }
0x23c: {  	[tilespmem:v1+s15+$0x0] =	vst.idx.msk $0xffff, v2  }
0x23d: {  	s25 =	sadd.s32 $0xFFFFFFFD, s24;
	v1 =	vld [tilespmem:s21+$0xFFFFFFE0]  }
0x23e: {  	v3 =	vmov s25;
	v2 =	vld [tilespmem:s22+$0xFFFFFFE0]  }
0x23f: {  	v3 =	vand.u32 $0x3FC, v3  }
0x240: {  	v3 =	vadd.s32 v0, v3;
	_ =	sdelay $0x2  }
0x241: {  	v1 =	vadd.f32 v1, v2;
	_ =	sdelay $0x1  }
0x242: {  	s25 =	sadd.s32 $0xFFFFFFFE, s24;
	[tilespmem:v3+s15+$0x0] =	vst.idx.msk $0xffff, v1  }
0x243: {  	v2 =	vmov s25;
	v1 =	vld [tilespmem:s22+$0xFFFFFFF0]  }
0x244: {  	v2 =	vand.u32 $0x3FD, v2;
	v3 =	vld [tilespmem:s21+$0xFFFFFFF0]  }
0x245: {  	v2 =	vadd.s32 v0, v2;
	_ =	sdelay $0x3  }
0x246: {  	v1 =	vadd.f32 v3, v1  }
0x247: {  	s25 =	sadd.s32 $0xFFFFFFFF, s24  }
0x248: {  	[tilespmem:v2+s15+$0x0] =	vst.idx.msk $0xffff, v1;
	v1 =	vmov s25  }
0x249: {  	v2 =	vld [tilespmem:s22+$0x0];
	v1 =	vand.u32 $0x3FE, v1  }
0x24a: {  	v3 =	vld [tilespmem:s21+$0x0];
	v1 =	vadd.s32 v0, v1;
	_ =	sdelay $0x4  }
.Ltmp7:
0x24b: {  	v2 =	vadd.f32 v3, v2;
	(pc) =	sbr.rel @p0 .LBB2_16-.Ltmp7, $4  }
0x24c: {  	v3 =	vmov s24  }
0x24d: {  	[tilespmem:v1+s15+$0x0] =	vst.idx.msk $0xffff, v2;
	v1 =	vand.u32 $0x3FF, v3  }
0x24e: {  	v2 =	vld [tilespmem:s22+$0x10];
	v1 =	vadd.s32 v0, v1  }
0x24f: {  	v3 =	vld [tilespmem:s21+$0x10]  }
0x250: {  	_ =	sdelay $0x3  }
0x251: {  	v2 =	vadd.f32 v3, v2;
	_ =	sdelay $0x1  }
0x252: {  	s21 =	rddreg [dreg:$0x1a];
	[tilespmem:v1+s15+$0x0] =	vst.idx.msk $0xffff, v2  }
0x253: {  	[hbm4b:s21+s7] =	stream.strided.scatter [tilespmem:s15], [sflag:$0x7], $0x3E80, s16, s7, $0x38;
	[tilespmem:$0x14820] =	vst v63  }
0x254: {  	_ =	swait.ge [sflag:s17], $0x3E80  }
0x255: {  	[sflag:s17] =	ssyncset.done $0x0  }
0x256: {  	[sflag:s17] =	ssyncadd.s32 $0xFFFFC180  }
0x257: {  	[tilespmem:s7], [sflag:$0x2] =	stream.linear.gather [hbm4b:s29+s1], $0x3E8, $0x38;
	[tilespmem:$0x14820] =	vst v63  }
0x258: {  	s23 =	simm.s32 $0x3  }
0x259: {  	[tilespmem:s10], [sflag:$0x2] =	stream.linear.gather [hbm4b:s31+s1], $0x3E8, $0x38;
	[tilespmem:$0x14820] =	vst v63  }
0x25a: {  	_ =	swait.ge [sflag:s23], $0x3E80  }
0x25b: {  	[sflag:s23] =	ssyncset.done $0x0  }
0x25c: {  	[sflag:s23] =	ssyncadd.s32 $0xFFFFC180  }
0x25d: {  	_ =	swait.ge [sflag:s11], $0x3E80  }
0x25e: {  	[sflag:s11] =	ssyncset.done $0x0  }
0x25f: {  	[sflag:s11] =	ssyncadd.s32 $0xFFFFC180  }
0x260: {  	_ =	swait.ge [sflag:s12], $0x3E8  }
0x261: {  	[sflag:s12] =	ssyncset.done $0x0  }
0x262: {  	[sflag:s12] =	ssyncadd.s32 $0xFFFFFC18  }
0x263: {  	_ =	swait.ge [sflag:s12], $0x3E8  }
0x264: {  	[sflag:s12] =	ssyncset.done $0x0  }
0x265: {  	[sflag:s12] =	ssyncadd.s32 $0xFFFFFC18  }
0x266: {  	[tilespmem:s13], [sflag:$0x4] =	stream.indirect.gather [hbm4b:s2+s7], $0x10, s7, s7, $0xb8;
	[tilespmem:$0x14820] =	vst v63  }
0x267: {  	s21 =	simm.s32 $0x8CC0  }
0x268: {  	[tilespmem:s14], [sflag:$0x6] =	stream.indirect.gather [hbm4b:s3+s7], $0x10, s10, s7, $0xb8;
	[tilespmem:$0x14820] =	vst v63  }
0x269: {  	s22 =	simm.s32 $0xFC0;
	s24 =	simm.s32 $0x0;
	v1 =	vld [tilespmem:s21+$0xFFFFFFE0]  }
0x26a: {  	v3 =	vmov s24;
	v2 =	vld [tilespmem:s22+$0xFFFFFFE0]  }
0x26b: {  	v3 =	vand.u32 $0x3FC, v3  }
0x26c: {  	v3 =	vadd.s32 v0, v3;
	_ =	sdelay $0x2  }
0x26d: {  	v1 =	vadd.f32 v1, v2;
	_ =	sdelay $0x1  }
0x26e: {  	[tilespmem:v3+s15+$0x0] =	vst.idx.msk $0xffff, v1  }
0x26f: {  	s25 =	simm.s32 $0x1;
	v1 =	vld [tilespmem:s22+$0xFFFFFFF0]  }
0x270: {  	v2 =	vmov s25;
	v3 =	vld [tilespmem:s21+$0xFFFFFFF0]  }
0x271: {  	v2 =	vand.u32 $0x3FD, v2  }
0x272: {  	v2 =	vadd.s32 v0, v2;
	_ =	sdelay $0x2  }
0x273: {  	v1 =	vadd.f32 v3, v1;
	_ =	sdelay $0x1  }
0x274: {  	[tilespmem:v2+s15+$0x0] =	vst.idx.msk $0xffff, v1  }
0x275: {  	s25 =	simm.s32 $0x2;
	v1 =	vld [tilespmem:s22+$0x0]  }
0x276: {  	v2 =	vmov s25;
	v3 =	vld [tilespmem:s21+$0x0]  }
0x277: {  	v2 =	vand.u32 $0x3FE, v2  }
0x278: {  	v2 =	vadd.s32 v0, v2;
	_ =	sdelay $0x2  }
0x279: {  	v1 =	vadd.f32 v3, v1;
	_ =	sdelay $0x1  }
0x27a: {  	v3 =	vmov s23;
	[tilespmem:v2+s15+$0x0] =	vst.idx.msk $0xffff, v1  }
0x27b: {  	v1 =	vand.u32 $0x3FF, v3;
	v2 =	vld [tilespmem:s22+$0x10]  }
0x27c: {  	s23 =	simm.s32 $0x7;
	v1 =	vadd.s32 v0, v1;
	v3 =	vld [tilespmem:s21+$0x10]  }
.LBB2_18:
0x27d: {  	_ =	sdelay $0x2  }
0x27e: {  	p0 =	sne.s32 s23, $0x3E7;
	s21 =	sadd.s32 $0x40, s21;
	s22 =	sadd.s32 $0x40, s22  }
0x27f: {  	s24 =	smov.u32 s23;
	s23 =	sadd.s32 $0x4, s23;
	v2 =	vadd.f32 v3, v2;
	_ =	sdelay $0x1  }
0x280: {  	[tilespmem:v1+s15+$0x0] =	vst.idx.msk $0xffff, v2  }
0x281: {  	s25 =	sadd.s32 $0xFFFFFFFD, s24;
	v1 =	vld [tilespmem:s21+$0xFFFFFFE0]  }
0x282: {  	v3 =	vmov s25;
	v2 =	vld [tilespmem:s22+$0xFFFFFFE0]  }
0x283: {  	v3 =	vand.u32 $0x3FC, v3  }
0x284: {  	v3 =	vadd.s32 v0, v3;
	_ =	sdelay $0x2  }
0x285: {  	v1 =	vadd.f32 v1, v2;
	_ =	sdelay $0x1  }
0x286: {  	s25 =	sadd.s32 $0xFFFFFFFE, s24;
	[tilespmem:v3+s15+$0x0] =	vst.idx.msk $0xffff, v1  }
0x287: {  	v2 =	vmov s25;
	v1 =	vld [tilespmem:s22+$0xFFFFFFF0]  }
0x288: {  	v2 =	vand.u32 $0x3FD, v2;
	v3 =	vld [tilespmem:s21+$0xFFFFFFF0]  }
0x289: {  	v2 =	vadd.s32 v0, v2;
	_ =	sdelay $0x3  }
0x28a: {  	v1 =	vadd.f32 v3, v1  }
0x28b: {  	s25 =	sadd.s32 $0xFFFFFFFF, s24  }
0x28c: {  	[tilespmem:v2+s15+$0x0] =	vst.idx.msk $0xffff, v1;
	v1 =	vmov s25  }
0x28d: {  	v2 =	vld [tilespmem:s22+$0x0];
	v1 =	vand.u32 $0x3FE, v1  }
0x28e: {  	v3 =	vld [tilespmem:s21+$0x0];
	v1 =	vadd.s32 v0, v1;
	_ =	sdelay $0x4  }
.Ltmp8:
0x28f: {  	v2 =	vadd.f32 v3, v2;
	(pc) =	sbr.rel @p0 .LBB2_18-.Ltmp8, $4  }
0x290: {  	v3 =	vmov s24  }
0x291: {  	[tilespmem:v1+s15+$0x0] =	vst.idx.msk $0xffff, v2;
	v1 =	vand.u32 $0x3FF, v3  }
0x292: {  	v2 =	vld [tilespmem:s22+$0x10];
	v1 =	vadd.s32 v0, v1  }
0x293: {  	v3 =	vld [tilespmem:s21+$0x10]  }
0x294: {  	_ =	sdelay $0x3  }
0x295: {  	v2 =	vadd.f32 v3, v2;
	_ =	sdelay $0x1  }
0x296: {  	[tilespmem:v1+s15+$0x0] =	vst.idx.msk $0xffff, v2  }
0x297: {  	[hbm4b:s26+s7] =	stream.strided.scatter [tilespmem:s15], [sflag:$0x7], $0x3E80, s16, s7, $0x38;
	[tilespmem:$0x14820] =	vst v63  }
0x298: {  	_ =	swait.ge [sflag:s17], $0x3E80  }
0x299: {  	[sflag:s17] =	ssyncset.done $0x0  }
0x29a: {  	[sflag:s17] =	ssyncadd.s32 $0xFFFFC180  }
0x29b: {  	_ =	swait.ge [sflag:s18], $0x3E80  }
0x29c: {  	[sflag:s18] =	ssyncset.done $0x0  }
0x29d: {  	[sflag:s18] =	ssyncadd.s32 $0xFFFFC180  }
0x29e: {  	_ =	swait.ge [sflag:s19], $0x3E80  }
0x29f: {  	[sflag:s19] =	ssyncset.done $0x0  }
0x2a0: {  	s21 =	simm.s32 $0xCB40;
	[sflag:s19] =	ssyncadd.s32 $0xFFFFC180  }
0x2a1: {  	s22 =	simm.s32 $0x4E40;
	s23 =	simm.s32 $0x0;
	v1 =	vld [tilespmem:s21+$0xFFFFFFE0]  }
0x2a2: {  	v3 =	vmov s23;
	v2 =	vld [tilespmem:s22+$0xFFFFFFE0]  }
0x2a3: {  	v3 =	vand.u32 $0x3FC, v3  }
0x2a4: {  	v3 =	vadd.s32 v0, v3;
	_ =	sdelay $0x2  }
0x2a5: {  	v1 =	vadd.f32 v1, v2;
	_ =	sdelay $0x1  }
0x2a6: {  	[tilespmem:v3+s15+$0x0] =	vst.idx.msk $0xffff, v1  }
0x2a7: {  	s25 =	simm.s32 $0x1;
	v1 =	vld [tilespmem:s22+$0xFFFFFFF0]  }
0x2a8: {  	v2 =	vmov s25;
	v3 =	vld [tilespmem:s21+$0xFFFFFFF0]  }
0x2a9: {  	v2 =	vand.u32 $0x3FD, v2  }
0x2aa: {  	v2 =	vadd.s32 v0, v2;
	_ =	sdelay $0x2  }
0x2ab: {  	v1 =	vadd.f32 v3, v1;
	_ =	sdelay $0x1  }
0x2ac: {  	[tilespmem:v2+s15+$0x0] =	vst.idx.msk $0xffff, v1  }
0x2ad: {  	s24 =	simm.s32 $0x2;
	v1 =	vld [tilespmem:s22+$0x0]  }
0x2ae: {  	v2 =	vmov s24;
	v3 =	vld [tilespmem:s21+$0x0]  }
0x2af: {  	v2 =	vand.u32 $0x3FE, v2  }
0x2b0: {  	v2 =	vadd.s32 v0, v2;
	_ =	sdelay $0x2  }
0x2b1: {  	v1 =	vadd.f32 v3, v1  }
0x2b2: {  	s25 =	simm.s32 $0x3  }
0x2b3: {  	v3 =	vmov s25;
	[tilespmem:v2+s15+$0x0] =	vst.idx.msk $0xffff, v1  }
0x2b4: {  	v1 =	vand.u32 $0x3FF, v3;
	v2 =	vld [tilespmem:s22+$0x10]  }
0x2b5: {  	s23 =	simm.s32 $0x7;
	v1 =	vadd.s32 v0, v1;
	v3 =	vld [tilespmem:s21+$0x10]  }
.LBB2_20:
0x2b6: {  	_ =	sdelay $0x2  }
0x2b7: {  	p0 =	sne.s32 s23, $0x3E7;
	s21 =	sadd.s32 $0x40, s21;
	s22 =	sadd.s32 $0x40, s22  }
0x2b8: {  	s24 =	smov.u32 s23;
	s23 =	sadd.s32 $0x4, s23;
	v2 =	vadd.f32 v3, v2;
	_ =	sdelay $0x1  }
0x2b9: {  	[tilespmem:v1+s15+$0x0] =	vst.idx.msk $0xffff, v2  }
0x2ba: {  	s25 =	sadd.s32 $0xFFFFFFFD, s24;
	v1 =	vld [tilespmem:s21+$0xFFFFFFE0]  }
0x2bb: {  	v3 =	vmov s25;
	v2 =	vld [tilespmem:s22+$0xFFFFFFE0]  }
0x2bc: {  	v3 =	vand.u32 $0x3FC, v3  }
0x2bd: {  	v3 =	vadd.s32 v0, v3;
	_ =	sdelay $0x2  }
0x2be: {  	v1 =	vadd.f32 v1, v2;
	_ =	sdelay $0x1  }
0x2bf: {  	s25 =	sadd.s32 $0xFFFFFFFE, s24;
	[tilespmem:v3+s15+$0x0] =	vst.idx.msk $0xffff, v1  }
0x2c0: {  	v2 =	vmov s25;
	v1 =	vld [tilespmem:s22+$0xFFFFFFF0]  }
0x2c1: {  	v2 =	vand.u32 $0x3FD, v2;
	v3 =	vld [tilespmem:s21+$0xFFFFFFF0]  }
0x2c2: {  	v2 =	vadd.s32 v0, v2;
	_ =	sdelay $0x3  }
0x2c3: {  	v1 =	vadd.f32 v3, v1  }
0x2c4: {  	s25 =	sadd.s32 $0xFFFFFFFF, s24  }
0x2c5: {  	[tilespmem:v2+s15+$0x0] =	vst.idx.msk $0xffff, v1;
	v1 =	vmov s25  }
0x2c6: {  	v2 =	vld [tilespmem:s22+$0x0];
	v1 =	vand.u32 $0x3FE, v1  }
0x2c7: {  	v3 =	vld [tilespmem:s21+$0x0];
	v1 =	vadd.s32 v0, v1;
	_ =	sdelay $0x4  }
.Ltmp9:
0x2c8: {  	v2 =	vadd.f32 v3, v2;
	(pc) =	sbr.rel @p0 .LBB2_20-.Ltmp9, $4  }
0x2c9: {  	v3 =	vmov s24  }
0x2ca: {  	[tilespmem:v1+s15+$0x0] =	vst.idx.msk $0xffff, v2;
	v1 =	vand.u32 $0x3FF, v3  }
0x2cb: {  	v2 =	vld [tilespmem:s22+$0x10];
	v1 =	vadd.s32 v0, v1  }
0x2cc: {  	v3 =	vld [tilespmem:s21+$0x10]  }
0x2cd: {  	_ =	sdelay $0x3  }
0x2ce: {  	s20 =	sadd.s32 $0x1, s20;
	v2 =	vadd.f32 v3, v2  }
0x2cf: {  	p0 =	sne.s32 s20, s4  }
.Ltmp10:
0x2d0: {  	[tilespmem:v1+s15+$0x0] =	vst.idx.msk $0xffff, v2;
	(pc) =	sbr.rel @p0 .LBB2_1-.Ltmp10, $4  }
0x2d1: {  	[hbm4b:s0+s7] =	stream.strided.scatter [tilespmem:s15], [sflag:$0x7], $0x3E80, s16, s7, $0x38;
	[tilespmem:$0x14820] =	vst v63  }
0x2d2: {  	_ =	swait.ge [sflag:s17], $0x3E80  }
0x2d3: {  	[sflag:s17] =	ssyncset.done $0x0  }
0x2d4: {  	[sflag:s17] =	ssyncadd.s32 $0xFFFFC180  }
0x2d5: {  	_ =	sfence.sel $0x180000  }
0x2d6: {  	[bflag:$0x0] =	sbarrier.arrive $0xFFFF  }
0x2d7: {  	_ =	strace $0x90000047  }
0x2d8: {  	s0 =	stileid.u32;
	[bflag:$0x2] =	sbarrier.arrive $0xFFFF  }
0x2d9: {  	p0 =	sne.s32 s0, $0x0;
	s0 =	rddreg [dreg:$0x2]  }
0x2da: {  	s0 =	sadd.s32 @!p0 $0x100000, s0  }
0x2db: {  	[sflag:s0] =	ssyncadd.tile.s32 @!p0 $0x1;
	_ =	shalt  }
.Lfunc_end2:
_tile_overlayer_lowered:
.L_overlay_start_2:
0x2dc: {  	(tag) =	ssettag $0x2  }
0x2dd: {  	s0 =	rddreg [dreg:$0x0];
	s2 =	stileid.u32  }
0x2de: {  	s1 =	rddreg [dreg:$0x1];
	p0 =	sne.s32 s2, $0x0  }
0x2df: {  	s3 =	rddreg [dreg:$0x2];
	[bflag:$0x3] =	sbarrier.arrive $0xFFFF;
	s2 =	simm.s32 @!p0 $0x1C07  }
0x2e0: {  	[timem:s3], [sflag:s2] =	dma.local @!p0 [hbm:s0], s1  }
0x2e1: {  	s0 =	simm.s32 @!p0 $0x7  }
0x2e2: {  	_ =	swait.ge @!p0 [sflag:s0], s1  }
0x2e3: {  	s1 =	ssub.s32 @!p0 $0x0, s1;
	[sflag:s0] =	ssyncset.done @!p0 $0x0  }
0x2e4: {  	[sflag:s0] =	ssyncadd.s32 @!p0 s1  }
0x2e5: {  	[bflag:$0x3] =	sbarrier.arrive $0xFFFF  }
0x2e6: {  	_ =	shalt  }

</sc_bundles>
